<compile_context>
chip_gen: v7x
topology: tpu7x:2x2x1
jax: 0.10.2.dev20260603
libtpu: 0.0.44.dev20260713+nightly
codegen_flags: <defaults>
</compile_context>

<pallas_src>
import functools

import jax
import jax.numpy as jnp
from jax import lax
from jax.experimental import pallas as pl
from jax.experimental.pallas import tpu as pltpu
from jax.experimental.pallas import tpu_sc as plsc


def kernel(x, pos_emb_table):
    B, L, D = x.shape
    NC, NS = 2, 16
    NW = NC * NS
    rows_w = L // NW
    R = 8
    n_steps = rows_w // R
    NB = 3
    mesh = plsc.VectorSubcoreMesh(core_axis_name="c", subcore_axis_name="s")

    @functools.partial(
        pl.kernel,
        mesh=mesh,
        out_type=jax.ShapeDtypeStruct((B, L, D), jnp.float32),
        scratch_types=[
            pltpu.VMEM((B, R, D), jnp.float32),
            pltpu.VMEM((B, R, D), jnp.float32),
            pltpu.VMEM((B, R, D), jnp.float32),
            pltpu.VMEM((R, D), jnp.float32),
            pltpu.VMEM((R, D), jnp.float32),
            pltpu.SemaphoreType.DMA,
            pltpu.SemaphoreType.DMA,
            pltpu.SemaphoreType.DMA,
            pltpu.SemaphoreType.DMA,
            pltpu.SemaphoreType.DMA,
            pltpu.SemaphoreType.DMA,
            pltpu.SemaphoreType.DMA,
            pltpu.SemaphoreType.DMA,
        ],
    )
    def sc_add(x_hbm, t_hbm, out_hbm, xv0, xv1, xv2, tv0, tv1,
               lds0, lds1, lds2, sts0, sts1, sts2, tls0, tls1):
        wid = lax.axis_index("c") * NS + lax.axis_index("s")
        row0 = wid * rows_w
        xv = (xv0, xv1, xv2)
        lds = (lds0, lds1, lds2)
        sts = (sts0, sts1, sts2)
        tv = (tv0, tv1)
        tls = (tls0, tls1)

        def start_xload(c):
            return pltpu.async_copy(
                x_hbm.at[:, pl.ds(row0 + c * R, R), :], xv[c % NB],
                lds[c % NB])

        def start_tload(c):
            return pltpu.async_copy(
                t_hbm.at[pl.ds(row0 + c * R, R), :], tv[c % 2], tls[c % 2])

        pend_st = [None] * NB
        pend_t = start_tload(0)
        pend_ld = [None] * NB
        pend_ld[0] = start_xload(0)
        pend_ld[1] = start_xload(1)

        for c in range(n_steps):
            p = c % NB
            pend_t.wait()
            if c + 1 < n_steps:
                pend_t = start_tload(c + 1)
            pend_ld[p].wait()
            t_buf = tv[c % 2]
            x_buf = xv[p]

            def add_body(i, _):
                b = i >> 6
                r = (i >> 3) & 7
                cb = (i & 7) * 128
                sls = [pl.ds(cb + j * 16, 16) for j in range(8)]
                vals = [t_buf[r, sl] for sl in sls]
                for sl, v in zip(sls, vals):
                    plsc.addupdate(x_buf.at[b, r, sl], v)
                return 0

            lax.fori_loop(0, B * R * (D // 128), add_body, 0)
            pend_st[p] = pltpu.async_copy(
                x_buf, out_hbm.at[:, pl.ds(row0 + c * R, R), :], sts[p])
            if c + 2 < n_steps:
                q = (c + 2) % NB
                if pend_st[q] is not None:
                    pend_st[q].wait()
                    pend_st[q] = None
                pend_ld[q] = start_xload(c + 2)

        for p in range(NB):
            if pend_st[p] is not None:
                pend_st[p].wait()

    return sc_add(x, pos_emb_table)

# --- scband reference (transcript-rebuilt; emitter-appended) ---
"""Pipeline reference for scband-embedding-17738214933153 (READ-ONLY COPY).

The authoritative reference and input builder live on the scoring server;
editing this copy changes nothing except your own understanding.
"""

import jax, jax.numpy as jnp
import numpy as np


def setup_inputs(seed: int = 0) -> dict:
    key = jax.random.key(seed)
    k1, k2 = jax.random.split(key)
    x = jax.random.normal(k1, (4, 4096, 1024), dtype=jnp.float32)
    # learned positional embedding table sized per init_kwargs (max_len=8192, d_model=1024)
    pos_emb_table = jax.random.normal(k2, (8192, 1024), dtype=jnp.float32) * 0.02
    return {"x": x, "pos_emb_table": pos_emb_table}


def reference(x, pos_emb_table):
    # Faithful translation of Embedding.forward (dropout in eval mode = identity):
    #   pos_emb = pos_emb_table(arange(L))  broadcast over batch
    #   x = x + pos_emb
    B, L, D = x.shape
    pos = jnp.arange(L)
    pos_emb = jnp.take(pos_emb_table, pos, axis=0)  # [L, D] gather (embedding lookup)
    pos_emb = jnp.broadcast_to(pos_emb[None, :, :], (B, L, D))
    out = x + pos_emb
    return out

if __name__ == "__main__":
    import jax
    _d = setup_inputs()
    print(jax.jit(kernel)(*tuple(_d.values())))

</pallas_src>

<mosaic_0001>
#map = affine_map<(d0, d1) -> (0, 0, 0)>
#map1 = affine_map<(d0, d1) -> (0, 0)>
module attributes {stable_mosaic.version = 14 : i64} {
  func.func @sc_add(%arg0: i32, %arg1: i32, %arg2: memref<4x4096x1024xf32, #tpu.memory_space<hbm>>, %arg3: memref<8192x1024xf32, #tpu.memory_space<hbm>>, %arg4: memref<4x4096x1024xf32, #tpu.memory_space<hbm>>, %arg5: memref<4x8x1024xf32, #tpu.memory_space<vmem>>, %arg6: memref<4x8x1024xf32, #tpu.memory_space<vmem>>, %arg7: memref<4x8x1024xf32, #tpu.memory_space<vmem>>, %arg8: memref<8x1024xf32, #tpu.memory_space<vmem>>, %arg9: memref<8x1024xf32, #tpu.memory_space<vmem>>, %arg10: memref<!tpu.dma_semaphore, #tpu.memory_space<semaphore_mem>>, %arg11: memref<!tpu.dma_semaphore, #tpu.memory_space<semaphore_mem>>, %arg12: memref<!tpu.dma_semaphore, #tpu.memory_space<semaphore_mem>>, %arg13: memref<!tpu.dma_semaphore, #tpu.memory_space<semaphore_mem>>, %arg14: memref<!tpu.dma_semaphore, #tpu.memory_space<semaphore_mem>>, %arg15: memref<!tpu.dma_semaphore, #tpu.memory_space<semaphore_mem>>, %arg16: memref<!tpu.dma_semaphore, #tpu.memory_space<semaphore_mem>>, %arg17: memref<!tpu.dma_semaphore, #tpu.memory_space<semaphore_mem>>) attributes {dimension_semantics = [#tpu.dimension_semantics<core_parallel>, #tpu.dimension_semantics<subcore_parallel>], iteration_bounds = array<i64: 2, 16>, scalar_prefetch = 0 : i64, scratch_operands = 13 : i64, tpu.core_type = #tpu.core_type<sc_vector_subcore>, window_params = [{transform_indices = #map}, {transform_indices = #map1}, {transform_indices = #map}]} {
    %mul3A = arith.constant 16 : i32
    %mul3A_0 = arith.muli %arg0, %mul3A : i32
    %add3A = arith.addi %mul3A_0, %arg1 : i32
    %mul3A_1 = arith.constant 128 : i32
    %mul3A_2 = arith.muli %add3A, %mul3A_1 : i32
    %add3A_3 = arith.constant 0 : i32
    %add3A_4 = arith.addi %mul3A_2, %add3A_3 : i32
    %dma_start3A = arith.constant 0 : i32
    %dma_start3A_5 = tpu.memref_slice %arg3[%add3A_4, %dma_start3A] : memref<8192x1024xf32, #tpu.memory_space<hbm>> -> memref<8x1024xf32, #tpu.memory_space<hbm>>
    %dma_start3A_6 = arith.constant 0 : i32
    %dma_start3A_7 = tpu.memref_slice %arg3[%add3A_4, %dma_start3A_6] : memref<8192x1024xf32, #tpu.memory_space<hbm>> -> memref<8x1024xf32, #tpu.memory_space<hbm>>
    tpu.enqueue_dma source(%dma_start3A_7 : memref<8x1024xf32, #tpu.memory_space<hbm>>) target(%arg8 : memref<8x1024xf32, #tpu.memory_space<vmem>>) target_semaphore(%arg16 : memref<!tpu.dma_semaphore, #tpu.memory_space<semaphore_mem>>)
    %add3A_8 = arith.constant 0 : i32
    %add3A_9 = arith.addi %mul3A_2, %add3A_8 : i32
    %dma_start3A_10 = arith.constant 0 : i32
    %dma_start3A_11 = arith.constant 0 : i32
    %dma_start3A_12 = tpu.memref_slice %arg2[%dma_start3A_10, %add3A_9, %dma_start3A_11] : memref<4x4096x1024xf32, #tpu.memory_space<hbm>> -> memref<4x8x1024xf32, #tpu.memory_space<hbm>>
    %dma_start3A_13 = arith.constant 0 : i32
    %dma_start3A_14 = arith.constant 0 : i32
    %dma_start3A_15 = tpu.memref_slice %arg2[%dma_start3A_13, %add3A_9, %dma_start3A_14] : memref<4x4096x1024xf32, #tpu.memory_space<hbm>> -> memref<4x8x1024xf32, #tpu.memory_space<hbm>>
    tpu.enqueue_dma source(%dma_start3A_15 : memref<4x8x1024xf32, #tpu.memory_space<hbm>>) target(%arg5 : memref<4x8x1024xf32, #tpu.memory_space<vmem>>) target_semaphore(%arg10 : memref<!tpu.dma_semaphore, #tpu.memory_space<semaphore_mem>>)
    %add3A_16 = arith.constant 8 : i32
    %add3A_17 = arith.addi %mul3A_2, %add3A_16 : i32
    %dma_start3A_18 = arith.constant 0 : i32
    %dma_start3A_19 = arith.constant 0 : i32
    %dma_start3A_20 = tpu.memref_slice %arg2[%dma_start3A_18, %add3A_17, %dma_start3A_19] : memref<4x4096x1024xf32, #tpu.memory_space<hbm>> -> memref<4x8x1024xf32, #tpu.memory_space<hbm>>
    %dma_start3A_21 = arith.constant 0 : i32
    %dma_start3A_22 = arith.constant 0 : i32
    %dma_start3A_23 = tpu.memref_slice %arg2[%dma_start3A_21, %add3A_17, %dma_start3A_22] : memref<4x4096x1024xf32, #tpu.memory_space<hbm>> -> memref<4x8x1024xf32, #tpu.memory_space<hbm>>
    tpu.enqueue_dma source(%dma_start3A_23 : memref<4x8x1024xf32, #tpu.memory_space<hbm>>) target(%arg6 : memref<4x8x1024xf32, #tpu.memory_space<vmem>>) target_semaphore(%arg11 : memref<!tpu.dma_semaphore, #tpu.memory_space<semaphore_mem>>)
    %dma_wait3A = arith.constant 0 : i32
    %dma_wait3A_24 = tpu.memref_slice %arg3[%add3A_4, %dma_wait3A] : memref<8192x1024xf32, #tpu.memory_space<hbm>> -> memref<8x1024xf32, #tpu.memory_space<hbm>>
    %dma_wait3A_25 = arith.constant 0 : i32
    %dma_wait3A_26 = tpu.memref_slice %arg3[%add3A_4, %dma_wait3A_25] : memref<8192x1024xf32, #tpu.memory_space<hbm>> -> memref<8x1024xf32, #tpu.memory_space<hbm>>
    tpu.wait_dma2 semaphore(%arg16 : memref<!tpu.dma_semaphore, #tpu.memory_space<semaphore_mem>>) src(%dma_wait3A_26 : memref<8x1024xf32, #tpu.memory_space<hbm>>) dst(%arg8 : memref<8x1024xf32, #tpu.memory_space<vmem>>)
    %add3A_27 = arith.constant 8 : i32
    %add3A_28 = arith.addi %mul3A_2, %add3A_27 : i32
    %dma_start3A_29 = arith.constant 0 : i32
    %dma_start3A_30 = tpu.memref_slice %arg3[%add3A_28, %dma_start3A_29] : memref<8192x1024xf32, #tpu.memory_space<hbm>> -> memref<8x1024xf32, #tpu.memory_space<hbm>>
    %dma_start3A_31 = arith.constant 0 : i32
    %dma_start3A_32 = tpu.memref_slice %arg3[%add3A_28, %dma_start3A_31] : memref<8192x1024xf32, #tpu.memory_space<hbm>> -> memref<8x1024xf32, #tpu.memory_space<hbm>>
    tpu.enqueue_dma source(%dma_start3A_32 : memref<8x1024xf32, #tpu.memory_space<hbm>>) target(%arg9 : memref<8x1024xf32, #tpu.memory_space<vmem>>) target_semaphore(%arg17 : memref<!tpu.dma_semaphore, #tpu.memory_space<semaphore_mem>>)
    %dma_wait3A_33 = arith.constant 0 : i32
    %dma_wait3A_34 = arith.constant 0 : i32
    %dma_wait3A_35 = tpu.memref_slice %arg2[%dma_wait3A_33, %add3A_9, %dma_wait3A_34] : memref<4x4096x1024xf32, #tpu.memory_space<hbm>> -> memref<4x8x1024xf32, #tpu.memory_space<hbm>>
    %dma_wait3A_36 = arith.constant 0 : i32
    %dma_wait3A_37 = arith.constant 0 : i32
    %dma_wait3A_38 = tpu.memref_slice %arg2[%dma_wait3A_36, %add3A_9, %dma_wait3A_37] : memref<4x4096x1024xf32, #tpu.memory_space<hbm>> -> memref<4x8x1024xf32, #tpu.memory_space<hbm>>
    tpu.wait_dma2 semaphore(%arg10 : memref<!tpu.dma_semaphore, #tpu.memory_space<semaphore_mem>>) src(%dma_wait3A_38 : memref<4x8x1024xf32, #tpu.memory_space<hbm>>) dst(%arg5 : memref<4x8x1024xf32, #tpu.memory_space<vmem>>)
    %scan3A = arith.constant 0 : i32
    %scan3A_39 = arith.constant 0 : i32
    %scan3A_40 = arith.constant 256 : i32
    %scan3A_41 = arith.addi %scan3A_39, %scan3A_40 : i32
    %scan3A_42 = arith.constant 1 : i32
    %scan3A_43 = scf.for %scan3A_720 = %scan3A_39 to %scan3A_41 step %scan3A_42 iter_args(%scan3A_721 = %scan3A) -> (i32)  : i32 {
      %shift_right_arithmetic3A = arith.constant 6 : i32
      %shift_right_arithmetic3A_722 = arith.shrsi %scan3A_720, %shift_right_arithmetic3A : i32
      %shift_right_arithmetic3A_723 = arith.constant 3 : i32
      %shift_right_arithmetic3A_724 = arith.shrsi %scan3A_720, %shift_right_arithmetic3A_723 : i32
      %and3A = arith.constant 7 : i32
      %and3A_725 = arith.andi %shift_right_arithmetic3A_724, %and3A : i32
      %and3A_726 = arith.constant 7 : i32
      %and3A_727 = arith.andi %scan3A_720, %and3A_726 : i32
      %mul3A_728 = arith.constant 128 : i32
      %mul3A_729 = arith.muli %and3A_727, %mul3A_728 : i32
      %add3A_730 = arith.constant 0 : i32
      %add3A_731 = arith.addi %mul3A_729, %add3A_730 : i32
      %add3A_732 = arith.constant 16 : i32
      %add3A_733 = arith.addi %mul3A_729, %add3A_732 : i32
      %add3A_734 = arith.constant 32 : i32
      %add3A_735 = arith.addi %mul3A_729, %add3A_734 : i32
      %add3A_736 = arith.constant 48 : i32
      %add3A_737 = arith.addi %mul3A_729, %add3A_736 : i32
      %add3A_738 = arith.constant 64 : i32
      %add3A_739 = arith.addi %mul3A_729, %add3A_738 : i32
      %add3A_740 = arith.constant 80 : i32
      %add3A_741 = arith.addi %mul3A_729, %add3A_740 : i32
      %add3A_742 = arith.constant 96 : i32
      %add3A_743 = arith.addi %mul3A_729, %add3A_742 : i32
      %add3A_744 = arith.constant 112 : i32
      %add3A_745 = arith.addi %mul3A_729, %add3A_744 : i32
      %get3A = arith.index_cast %and3A_725 : i32 to index
      %get3A_746 = arith.index_cast %add3A_731 : i32 to index
      %get3A_747 = tpu.vector_load %arg8[%get3A, %get3A_746] {strides = array<i32>} : memref<8x1024xf32, #tpu.memory_space<vmem>>, vector<1x16xf32>,
      %get3A_748 = vector.shape_cast %get3A_747 : vector<1x16xf32> to vector<16xf32>
      %get3A_749 = arith.index_cast %and3A_725 : i32 to index
      %get3A_750 = arith.index_cast %add3A_733 : i32 to index
      %get3A_751 = tpu.vector_load %arg8[%get3A_749, %get3A_750] {strides = array<i32>} : memref<8x1024xf32, #tpu.memory_space<vmem>>, vector<1x16xf32>,
      %get3A_752 = vector.shape_cast %get3A_751 : vector<1x16xf32> to vector<16xf32>
      %get3A_753 = arith.index_cast %and3A_725 : i32 to index
      %get3A_754 = arith.index_cast %add3A_735 : i32 to index
      %get3A_755 = tpu.vector_load %arg8[%get3A_753, %get3A_754] {strides = array<i32>} : memref<8x1024xf32, #tpu.memory_space<vmem>>, vector<1x16xf32>,
      %get3A_756 = vector.shape_cast %get3A_755 : vector<1x16xf32> to vector<16xf32>
      %get3A_757 = arith.index_cast %and3A_725 : i32 to index
      %get3A_758 = arith.index_cast %add3A_737 : i32 to index
      %get3A_759 = tpu.vector_load %arg8[%get3A_757, %get3A_758] {strides = array<i32>} : memref<8x1024xf32, #tpu.memory_space<vmem>>, vector<1x16xf32>,
      %get3A_760 = vector.shape_cast %get3A_759 : vector<1x16xf32> to vector<16xf32>
      %get3A_761 = arith.index_cast %and3A_725 : i32 to index
      %get3A_762 = arith.index_cast %add3A_739 : i32 to index
      %get3A_763 = tpu.vector_load %arg8[%get3A_761, %get3A_762] {strides = array<i32>} : memref<8x1024xf32, #tpu.memory_space<vmem>>, vector<1x16xf32>,
      %get3A_764 = vector.shape_cast %get3A_763 : vector<1x16xf32> to vector<16xf32>
      %get3A_765 = arith.index_cast %and3A_725 : i32 to index
      %get3A_766 = arith.index_cast %add3A_741 : i32 to index
      %get3A_767 = tpu.vector_load %arg8[%get3A_765, %get3A_766] {strides = array<i32>} : memref<8x1024xf32, #tpu.memory_space<vmem>>, vector<1x16xf32>,
      %get3A_768 = vector.shape_cast %get3A_767 : vector<1x16xf32> to vector<16xf32>
      %get3A_769 = arith.index_cast %and3A_725 : i32 to index
      %get3A_770 = arith.index_cast %add3A_743 : i32 to index
      %get3A_771 = tpu.vector_load %arg8[%get3A_769, %get3A_770] {strides = array<i32>} : memref<8x1024xf32, #tpu.memory_space<vmem>>, vector<1x16xf32>,
      %get3A_772 = vector.shape_cast %get3A_771 : vector<1x16xf32> to vector<16xf32>
      %get3A_773 = arith.index_cast %and3A_725 : i32 to index
      %get3A_774 = arith.index_cast %add3A_745 : i32 to index
      %get3A_775 = tpu.vector_load %arg8[%get3A_773, %get3A_774] {strides = array<i32>} : memref<8x1024xf32, #tpu.memory_space<vmem>>, vector<1x16xf32>,
      %get3A_776 = vector.shape_cast %get3A_775 : vector<1x16xf32> to vector<16xf32>
      %swap3A = arith.index_cast %shift_right_arithmetic3A_722 : i32 to index
      %swap3A_777 = arith.index_cast %and3A_725 : i32 to index
      %swap3A_778 = arith.index_cast %add3A_731 : i32 to index
      %swap3A_779 = tpu.vector_load %arg5[%swap3A, %swap3A_777, %swap3A_778] {strides = array<i32>} : memref<4x8x1024xf32, #tpu.memory_space<vmem>>, vector<1x1x16xf32>,
      %swap3A_780 = vector.shape_cast %swap3A_779 : vector<1x1x16xf32> to vector<16xf32>
      %swap3A_781 = vector.shape_cast %get3A_748 : vector<16xf32> to vector<1x1x16xf32>
      tpu.vector_store %arg5[%swap3A, %swap3A_777, %swap3A_778], %swap3A_781 {add = true, strides = array<i32>} : memref<4x8x1024xf32, #tpu.memory_space<vmem>>, vector<1x1x16xf32>,
      %swap3A_782 = arith.index_cast %shift_right_arithmetic3A_722 : i32 to index
      %swap3A_783 = arith.index_cast %and3A_725 : i32 to index
      %swap3A_784 = arith.index_cast %add3A_733 : i32 to index
      %swap3A_785 = tpu.vector_load %arg5[%swap3A_782, %swap3A_783, %swap3A_784] {strides = array<i32>} : memref<4x8x1024xf32, #tpu.memory_space<vmem>>, vector<1x1x16xf32>,
      %swap3A_786 = vector.shape_cast %swap3A_785 : vector<1x1x16xf32> to vector<16xf32>
      %swap3A_787 = vector.shape_cast %get3A_752 : vector<16xf32> to vector<1x1x16xf32>
      tpu.vector_store %arg5[%swap3A_782, %swap3A_783, %swap3A_784], %swap3A_787 {add = true, strides = array<i32>} : memref<4x8x1024xf32, #tpu.memory_space<vmem>>, vector<1x1x16xf32>,
      %swap3A_788 = arith.index_cast %shift_right_arithmetic3A_722 : i32 to index
      %swap3A_789 = arith.index_cast %and3A_725 : i32 to index
      %swap3A_790 = arith.index_cast %add3A_735 : i32 to index
      %swap3A_791 = tpu.vector_load %arg5[%swap3A_788, %swap3A_789, %swap3A_790] {strides = array<i32>} : memref<4x8x1024xf32, #tpu.memory_space<vmem>>, vector<1x1x16xf32>,
      %swap3A_792 = vector.shape_cast %swap3A_791 : vector<1x1x16xf32> to vector<16xf32>
      %swap3A_793 = vector.shape_cast %get3A_756 : vector<16xf32> to vector<1x1x16xf32>
      tpu.vector_store %arg5[%swap3A_788, %swap3A_789, %swap3A_790], %swap3A_793 {add = true, strides = array<i32>} : memref<4x8x1024xf32, #tpu.memory_space<vmem>>, vector<1x1x16xf32>,
      %swap3A_794 = arith.index_cast %shift_right_arithmetic3A_722 : i32 to index
      %swap3A_795 = arith.index_cast %and3A_725 : i32 to index
      %swap3A_796 = arith.index_cast %add3A_737 : i32 to index
      %swap3A_797 = tpu.vector_load %arg5[%swap3A_794, %swap3A_795, %swap3A_796] {strides = array<i32>} : memref<4x8x1024xf32, #tpu.memory_space<vmem>>, vector<1x1x16xf32>,
      %swap3A_798 = vector.shape_cast %swap3A_797 : vector<1x1x16xf32> to vector<16xf32>
      %swap3A_799 = vector.shape_cast %get3A_760 : vector<16xf32> to vector<1x1x16xf32>
      tpu.vector_store %arg5[%swap3A_794, %swap3A_795, %swap3A_796], %swap3A_799 {add = true, strides = array<i32>} : memref<4x8x1024xf32, #tpu.memory_space<vmem>>, vector<1x1x16xf32>,
      %swap3A_800 = arith.index_cast %shift_right_arithmetic3A_722 : i32 to index
      %swap3A_801 = arith.index_cast %and3A_725 : i32 to index
      %swap3A_802 = arith.index_cast %add3A_739 : i32 to index
      %swap3A_803 = tpu.vector_load %arg5[%swap3A_800, %swap3A_801, %swap3A_802] {strides = array<i32>} : memref<4x8x1024xf32, #tpu.memory_space<vmem>>, vector<1x1x16xf32>,
      %swap3A_804 = vector.shape_cast %swap3A_803 : vector<1x1x16xf32> to vector<16xf32>
      %swap3A_805 = vector.shape_cast %get3A_764 : vector<16xf32> to vector<1x1x16xf32>
      tpu.vector_store %arg5[%swap3A_800, %swap3A_801, %swap3A_802], %swap3A_805 {add = true, strides = array<i32>} : memref<4x8x1024xf32, #tpu.memory_space<vmem>>, vector<1x1x16xf32>,
      %swap3A_806 = arith.index_cast %shift_right_arithmetic3A_722 : i32 to index
      %swap3A_807 = arith.index_cast %and3A_725 : i32 to index
      %swap3A_808 = arith.index_cast %add3A_741 : i32 to index
      %swap3A_809 = tpu.vector_load %arg5[%swap3A_806, %swap3A_807, %swap3A_808] {strides = array<i32>} : memref<4x8x1024xf32, #tpu.memory_space<vmem>>, vector<1x1x16xf32>,
      %swap3A_810 = vector.shape_cast %swap3A_809 : vector<1x1x16xf32> to vector<16xf32>
      %swap3A_811 = vector.shape_cast %get3A_768 : vector<16xf32> to vector<1x1x16xf32>
      tpu.vector_store %arg5[%swap3A_806, %swap3A_807, %swap3A_808], %swap3A_811 {add = true, strides = array<i32>} : memref<4x8x1024xf32, #tpu.memory_space<vmem>>, vector<1x1x16xf32>,
      %swap3A_812 = arith.index_cast %shift_right_arithmetic3A_722 : i32 to index
      %swap3A_813 = arith.index_cast %and3A_725 : i32 to index
      %swap3A_814 = arith.index_cast %add3A_743 : i32 to index
      %swap3A_815 = tpu.vector_load %arg5[%swap3A_812, %swap3A_813, %swap3A_814] {strides = array<i32>} : memref<4x8x1024xf32, #tpu.memory_space<vmem>>, vector<1x1x16xf32>,
      %swap3A_816 = vector.shape_cast %swap3A_815 : vector<1x1x16xf32> to vector<16xf32>
      %swap3A_817 = vector.shape_cast %get3A_772 : vector<16xf32> to vector<1x1x16xf32>
      tpu.vector_store %arg5[%swap3A_812, %swap3A_813, %swap3A_814], %swap3A_817 {add = true, strides = array<i32>} : memref<4x8x1024xf32, #tpu.memory_space<vmem>>, vector<1x1x16xf32>,
      %swap3A_818 = arith.index_cast %shift_right_arithmetic3A_722 : i32 to index
      %swap3A_819 = arith.index_cast %and3A_725 : i32 to index
      %swap3A_820 = arith.index_cast %add3A_745 : i32 to index
      %swap3A_821 = tpu.vector_load %arg5[%swap3A_818, %swap3A_819, %swap3A_820] {strides = array<i32>} : memref<4x8x1024xf32, #tpu.memory_space<vmem>>, vector<1x1x16xf32>,
      %swap3A_822 = vector.shape_cast %swap3A_821 : vector<1x1x16xf32> to vector<16xf32>
      %swap3A_823 = vector.shape_cast %get3A_776 : vector<16xf32> to vector<1x1x16xf32>
      tpu.vector_store %arg5[%swap3A_818, %swap3A_819, %swap3A_820], %swap3A_823 {add = true, strides = array<i32>} : memref<4x8x1024xf32, #tpu.memory_space<vmem>>, vector<1x1x16xf32>,
      %scan3A_824 = arith.constant 0 : i32
      scf.yield %scan3A_824 : i32
    }
    %scan3A_44 = arith.constant 256 : i32
    %add3A_45 = arith.constant 0 : i32
    %add3A_46 = arith.addi %mul3A_2, %add3A_45 : i32
    %dma_start3A_47 = arith.constant 0 : i32
    %dma_start3A_48 = arith.constant 0 : i32
    %dma_start3A_49 = tpu.memref_slice %arg4[%dma_start3A_47, %add3A_46, %dma_start3A_48] : memref<4x4096x1024xf32, #tpu.memory_space<hbm>> -> memref<4x8x1024xf32, #tpu.memory_space<hbm>>
    %dma_start3A_50 = arith.constant 0 : i32
    %dma_start3A_51 = arith.constant 0 : i32
    %dma_start3A_52 = tpu.memref_slice %arg4[%dma_start3A_50, %add3A_46, %dma_start3A_51] : memref<4x4096x1024xf32, #tpu.memory_space<hbm>> -> memref<4x8x1024xf32, #tpu.memory_space<hbm>>
    tpu.enqueue_dma source(%arg5 : memref<4x8x1024xf32, #tpu.memory_space<vmem>>) target(%dma_start3A_52 : memref<4x8x1024xf32, #tpu.memory_space<hbm>>) target_semaphore(%arg13 : memref<!tpu.dma_semaphore, #tpu.memory_space<semaphore_mem>>)
    %add3A_53 = arith.constant 16 : i32
    %add3A_54 = arith.addi %mul3A_2, %add3A_53 : i32
    %dma_start3A_55 = arith.constant 0 : i32
    %dma_start3A_56 = arith.constant 0 : i32
    %dma_start3A_57 = tpu.memref_slice %arg2[%dma_start3A_55, %add3A_54, %dma_start3A_56] : memref<4x4096x1024xf32, #tpu.memory_space<hbm>> -> memref<4x8x1024xf32, #tpu.memory_space<hbm>>
    %dma_start3A_58 = arith.constant 0 : i32
    %dma_start3A_59 = arith.constant 0 : i32
    %dma_start3A_60 = tpu.memref_slice %arg2[%dma_start3A_58, %add3A_54, %dma_start3A_59] : memref<4x4096x1024xf32, #tpu.memory_space<hbm>> -> memref<4x8x1024xf32, #tpu.memory_space<hbm>>
    tpu.enqueue_dma source(%dma_start3A_60 : memref<4x8x1024xf32, #tpu.memory_space<hbm>>) target(%arg7 : memref<4x8x1024xf32, #tpu.memory_space<vmem>>) target_semaphore(%arg12 : memref<!tpu.dma_semaphore, #tpu.memory_space<semaphore_mem>>)
    %dma_wait3A_61 = arith.constant 0 : i32
    %dma_wait3A_62 = tpu.memref_slice %arg3[%add3A_28, %dma_wait3A_61] : memref<8192x1024xf32, #tpu.memory_space<hbm>> -> memref<8x1024xf32, #tpu.memory_space<hbm>>
    %dma_wait3A_63 = arith.constant 0 : i32
    %dma_wait3A_64 = tpu.memref_slice %arg3[%add3A_28, %dma_wait3A_63] : memref<8192x1024xf32, #tpu.memory_space<hbm>> -> memref<8x1024xf32, #tpu.memory_space<hbm>>
    tpu.wait_dma2 semaphore(%arg17 : memref<!tpu.dma_semaphore, #tpu.memory_space<semaphore_mem>>) src(%dma_wait3A_64 : memref<8x1024xf32, #tpu.memory_space<hbm>>) dst(%arg9 : memref<8x1024xf32, #tpu.memory_space<vmem>>)
    %add3A_65 = arith.constant 16 : i32
    %add3A_66 = arith.addi %mul3A_2, %add3A_65 : i32
    %dma_start3A_67 = arith.constant 0 : i32
    %dma_start3A_68 = tpu.memref_slice %arg3[%add3A_66, %dma_start3A_67] : memref<8192x1024xf32, #tpu.memory_space<hbm>> -> memref<8x1024xf32, #tpu.memory_space<hbm>>
    %dma_start3A_69 = arith.constant 0 : i32
    %dma_start3A_70 = tpu.memref_slice %arg3[%add3A_66, %dma_start3A_69] : memref<8192x1024xf32, #tpu.memory_space<hbm>> -> memref<8x1024xf32, #tpu.memory_space<hbm>>
    tpu.enqueue_dma source(%dma_start3A_70 : memref<8x1024xf32, #tpu.memory_space<hbm>>) target(%arg8 : memref<8x1024xf32, #tpu.memory_space<vmem>>) target_semaphore(%arg16 : memref<!tpu.dma_semaphore, #tpu.memory_space<semaphore_mem>>)
    %dma_wait3A_71 = arith.constant 0 : i32
    %dma_wait3A_72 = arith.constant 0 : i32
    %dma_wait3A_73 = tpu.memref_slice %arg2[%dma_wait3A_71, %add3A_17, %dma_wait3A_72] : memref<4x4096x1024xf32, #tpu.memory_space<hbm>> -> memref<4x8x1024xf32, #tpu.memory_space<hbm>>
    %dma_wait3A_74 = arith.constant 0 : i32
    %dma_wait3A_75 = arith.constant 0 : i32
    %dma_wait3A_76 = tpu.memref_slice %arg2[%dma_wait3A_74, %add3A_17, %dma_wait3A_75] : memref<4x4096x1024xf32, #tpu.memory_space<hbm>> -> memref<4x8x1024xf32, #tpu.memory_space<hbm>>
    tpu.wait_dma2 semaphore(%arg11 : memref<!tpu.dma_semaphore, #tpu.memory_space<semaphore_mem>>) src(%dma_wait3A_76 : memref<4x8x1024xf32, #tpu.memory_space<hbm>>) dst(%arg6 : memref<4x8x1024xf32, #tpu.memory_space<vmem>>)
    %scan3A_77 = arith.constant 0 : i32
    %scan3A_78 = arith.constant 0 : i32
    %scan3A_79 = arith.constant 256 : i32
    %scan3A_80 = arith.addi %scan3A_78, %scan3A_79 : i32
    %scan3A_81 = arith.constant 1 : i32
    %scan3A_82 = scf.for %scan3A_720 = %scan3A_78 to %scan3A_80 step %scan3A_81 iter_args(%scan3A_721 = %scan3A_77) -> (i32)  : i32 {
      %shift_right_arithmetic3A = arith.constant 6 : i32
      %shift_right_arithmetic3A_722 = arith.shrsi %scan3A_720, %shift_right_arithmetic3A : i32
      %shift_right_arithmetic3A_723 = arith.constant 3 : i32
      %shift_right_arithmetic3A_724 = arith.shrsi %scan3A_720, %shift_right_arithmetic3A_723 : i32
      %and3A = arith.constant 7 : i32
      %and3A_725 = arith.andi %shift_right_arithmetic3A_724, %and3A : i32
      %and3A_726 = arith.constant 7 : i32
      %and3A_727 = arith.andi %scan3A_720, %and3A_726 : i32
      %mul3A_728 = arith.constant 128 : i32
      %mul3A_729 = arith.muli %and3A_727, %mul3A_728 : i32
      %add3A_730 = arith.constant 0 : i32
      %add3A_731 = arith.addi %mul3A_729, %add3A_730 : i32
      %add3A_732 = arith.constant 16 : i32
      %add3A_733 = arith.addi %mul3A_729, %add3A_732 : i32
      %add3A_734 = arith.constant 32 : i32
      %add3A_735 = arith.addi %mul3A_729, %add3A_734 : i32
      %add3A_736 = arith.constant 48 : i32
      %add3A_737 = arith.addi %mul3A_729, %add3A_736 : i32
      %add3A_738 = arith.constant 64 : i32
      %add3A_739 = arith.addi %mul3A_729, %add3A_738 : i32
      %add3A_740 = arith.constant 80 : i32
      %add3A_741 = arith.addi %mul3A_729, %add3A_740 : i32
      %add3A_742 = arith.constant 96 : i32
      %add3A_743 = arith.addi %mul3A_729, %add3A_742 : i32
      %add3A_744 = arith.constant 112 : i32
      %add3A_745 = arith.addi %mul3A_729, %add3A_744 : i32
      %get3A = arith.index_cast %and3A_725 : i32 to index
      %get3A_746 = arith.index_cast %add3A_731 : i32 to index
      %get3A_747 = tpu.vector_load %arg9[%get3A, %get3A_746] {strides = array<i32>} : memref<8x1024xf32, #tpu.memory_space<vmem>>, vector<1x16xf32>,
      %get3A_748 = vector.shape_cast %get3A_747 : vector<1x16xf32> to vector<16xf32>
      %get3A_749 = arith.index_cast %and3A_725 : i32 to index
      %get3A_750 = arith.index_cast %add3A_733 : i32 to index
      %get3A_751 = tpu.vector_load %arg9[%get3A_749, %get3A_750] {strides = array<i32>} : memref<8x1024xf32, #tpu.memory_space<vmem>>, vector<1x16xf32>,
      %get3A_752 = vector.shape_cast %get3A_751 : vector<1x16xf32> to vector<16xf32>
      %get3A_753 = arith.index_cast %and3A_725 : i32 to index
      %get3A_754 = arith.index_cast %add3A_735 : i32 to index
      %get3A_755 = tpu.vector_load %arg9[%get3A_753, %get3A_754] {strides = array<i32>} : memref<8x1024xf32, #tpu.memory_space<vmem>>, vector<1x16xf32>,
      %get3A_756 = vector.shape_cast %get3A_755 : vector<1x16xf32> to vector<16xf32>
      %get3A_757 = arith.index_cast %and3A_725 : i32 to index
      %get3A_758 = arith.index_cast %add3A_737 : i32 to index
      %get3A_759 = tpu.vector_load %arg9[%get3A_757, %get3A_758] {strides = array<i32>} : memref<8x1024xf32, #tpu.memory_space<vmem>>, vector<1x16xf32>,
      %get3A_760 = vector.shape_cast %get3A_759 : vector<1x16xf32> to vector<16xf32>
      %get3A_761 = arith.index_cast %and3A_725 : i32 to index
      %get3A_762 = arith.index_cast %add3A_739 : i32 to index
      %get3A_763 = tpu.vector_load %arg9[%get3A_761, %get3A_762] {strides = array<i32>} : memref<8x1024xf32, #tpu.memory_space<vmem>>, vector<1x16xf32>,
      %get3A_764 = vector.shape_cast %get3A_763 : vector<1x16xf32> to vector<16xf32>
      %get3A_765 = arith.index_cast %and3A_725 : i32 to index
      %get3A_766 = arith.index_cast %add3A_741 : i32 to index
      %get3A_767 = tpu.vector_load %arg9[%get3A_765, %get3A_766] {strides = array<i32>} : memref<8x1024xf32, #tpu.memory_space<vmem>>, vector<1x16xf32>,
      %get3A_768 = vector.shape_cast %get3A_767 : vector<1x16xf32> to vector<16xf32>
      %get3A_769 = arith.index_cast %and3A_725 : i32 to index
      %get3A_770 = arith.index_cast %add3A_743 : i32 to index
      %get3A_771 = tpu.vector_load %arg9[%get3A_769, %get3A_770] {strides = array<i32>} : memref<8x1024xf32, #tpu.memory_space<vmem>>, vector<1x16xf32>,
      %get3A_772 = vector.shape_cast %get3A_771 : vector<1x16xf32> to vector<16xf32>
      %get3A_773 = arith.index_cast %and3A_725 : i32 to index
      %get3A_774 = arith.index_cast %add3A_745 : i32 to index
      %get3A_775 = tpu.vector_load %arg9[%get3A_773, %get3A_774] {strides = array<i32>} : memref<8x1024xf32, #tpu.memory_space<vmem>>, vector<1x16xf32>,
      %get3A_776 = vector.shape_cast %get3A_775 : vector<1x16xf32> to vector<16xf32>
      %swap3A = arith.index_cast %shift_right_arithmetic3A_722 : i32 to index
      %swap3A_777 = arith.index_cast %and3A_725 : i32 to index
      %swap3A_778 = arith.index_cast %add3A_731 : i32 to index
      %swap3A_779 = tpu.vector_load %arg6[%swap3A, %swap3A_777, %swap3A_778] {strides = array<i32>} : memref<4x8x1024xf32, #tpu.memory_space<vmem>>, vector<1x1x16xf32>,
      %swap3A_780 = vector.shape_cast %swap3A_779 : vector<1x1x16xf32> to vector<16xf32>
      %swap3A_781 = vector.shape_cast %get3A_748 : vector<16xf32> to vector<1x1x16xf32>
      tpu.vector_store %arg6[%swap3A, %swap3A_777, %swap3A_778], %swap3A_781 {add = true, strides = array<i32>} : memref<4x8x1024xf32, #tpu.memory_space<vmem>>, vector<1x1x16xf32>,
      %swap3A_782 = arith.index_cast %shift_right_arithmetic3A_722 : i32 to index
      %swap3A_783 = arith.index_cast %and3A_725 : i32 to index
      %swap3A_784 = arith.index_cast %add3A_733 : i32 to index
      %swap3A_785 = tpu.vector_load %arg6[%swap3A_782, %swap3A_783, %swap3A_784] {strides = array<i32>} : memref<4x8x1024xf32, #tpu.memory_space<vmem>>, vector<1x1x16xf32>,
      %swap3A_786 = vector.shape_cast %swap3A_785 : vector<1x1x16xf32> to vector<16xf32>
      %swap3A_787 = vector.shape_cast %get3A_752 : vector<16xf32> to vector<1x1x16xf32>
      tpu.vector_store %arg6[%swap3A_782, %swap3A_783, %swap3A_784], %swap3A_787 {add = true, strides = array<i32>} : memref<4x8x1024xf32, #tpu.memory_space<vmem>>, vector<1x1x16xf32>,
      %swap3A_788 = arith.index_cast %shift_right_arithmetic3A_722 : i32 to index
      %swap3A_789 = arith.index_cast %and3A_725 : i32 to index
      %swap3A_790 = arith.index_cast %add3A_735 : i32 to index
      %swap3A_791 = tpu.vector_load %arg6[%swap3A_788, %swap3A_789, %swap3A_790] {strides = array<i32>} : memref<4x8x1024xf32, #tpu.memory_space<vmem>>, vector<1x1x16xf32>,
      %swap3A_792 = vector.shape_cast %swap3A_791 : vector<1x1x16xf32> to vector<16xf32>
      %swap3A_793 = vector.shape_cast %get3A_756 : vector<16xf32> to vector<1x1x16xf32>
      tpu.vector_store %arg6[%swap3A_788, %swap3A_789, %swap3A_790], %swap3A_793 {add = true, strides = array<i32>} : memref<4x8x1024xf32, #tpu.memory_space<vmem>>, vector<1x1x16xf32>,
      %swap3A_794 = arith.index_cast %shift_right_arithmetic3A_722 : i32 to index
      %swap3A_795 = arith.index_cast %and3A_725 : i32 to index
      %swap3A_796 = arith.index_cast %add3A_737 : i32 to index
      %swap3A_797 = tpu.vector_load %arg6[%swap3A_794, %swap3A_795, %swap3A_796] {strides = array<i32>} : memref<4x8x1024xf32, #tpu.memory_space<vmem>>, vector<1x1x16xf32>,
      %swap3A_798 = vector.shape_cast %swap3A_797 : vector<1x1x16xf32> to vector<16xf32>
      %swap3A_799 = vector.shape_cast %get3A_760 : vector<16xf32> to vector<1x1x16xf32>
      tpu.vector_store %arg6[%swap3A_794, %swap3A_795, %swap3A_796], %swap3A_799 {add = true, strides = array<i32>} : memref<4x8x1024xf32, #tpu.memory_space<vmem>>, vector<1x1x16xf32>,
      %swap3A_800 = arith.index_cast %shift_right_arithmetic3A_722 : i32 to index
      %swap3A_801 = arith.index_cast %and3A_725 : i32 to index
      %swap3A_802 = arith.index_cast %add3A_739 : i32 to index
      %swap3A_803 = tpu.vector_load %arg6[%swap3A_800, %swap3A_801, %swap3A_802] {strides = array<i32>} : memref<4x8x1024xf32, #tpu.memory_space<vmem>>, vector<1x1x16xf32>,
      %swap3A_804 = vector.shape_cast %swap3A_803 : vector<1x1x16xf32> to vector<16xf32>
      %swap3A_805 = vector.shape_cast %get3A_764 : vector<16xf32> to vector<1x1x16xf32>
      tpu.vector_store %arg6[%swap3A_800, %swap3A_801, %swap3A_802], %swap3A_805 {add = true, strides = array<i32>} : memref<4x8x1024xf32, #tpu.memory_space<vmem>>, vector<1x1x16xf32>,
      %swap3A_806 = arith.index_cast %shift_right_arithmetic3A_722 : i32 to index
      %swap3A_807 = arith.index_cast %and3A_725 : i32 to index
      %swap3A_808 = arith.index_cast %add3A_741 : i32 to index
      %swap3A_809 = tpu.vector_load %arg6[%swap3A_806, %swap3A_807, %swap3A_808] {strides = array<i32>} : memref<4x8x1024xf32, #tpu.memory_space<vmem>>, vector<1x1x16xf32>,
      %swap3A_810 = vector.shape_cast %swap3A_809 : vector<1x1x16xf32> to vector<16xf32>
      %swap3A_811 = vector.shape_cast %get3A_768 : vector<16xf32> to vector<1x1x16xf32>
      tpu.vector_store %arg6[%swap3A_806, %swap3A_807, %swap3A_808], %swap3A_811 {add = true, strides = array<i32>} : memref<4x8x1024xf32, #tpu.memory_space<vmem>>, vector<1x1x16xf32>,
      %swap3A_812 = arith.index_cast %shift_right_arithmetic3A_722 : i32 to index
      %swap3A_813 = arith.index_cast %and3A_725 : i32 to index
      %swap3A_814 = arith.index_cast %add3A_743 : i32 to index
      %swap3A_815 = tpu.vector_load %arg6[%swap3A_812, %swap3A_813, %swap3A_814] {strides = array<i32>} : memref<4x8x1024xf32, #tpu.memory_space<vmem>>, vector<1x1x16xf32>,
      %swap3A_816 = vector.shape_cast %swap3A_815 : vector<1x1x16xf32> to vector<16xf32>
      %swap3A_817 = vector.shape_cast %get3A_772 : vector<16xf32> to vector<1x1x16xf32>
      tpu.vector_store %arg6[%swap3A_812, %swap3A_813, %swap3A_814], %swap3A_817 {add = true, strides = array<i32>} : memref<4x8x1024xf32, #tpu.memory_space<vmem>>, vector<1x1x16xf32>,
      %swap3A_818 = arith.index_cast %shift_right_arithmetic3A_722 : i32 to index
      %swap3A_819 = arith.index_cast %and3A_725 : i32 to index
      %swap3A_820 = arith.index_cast %add3A_745 : i32 to index
      %swap3A_821 = tpu.vector_load %arg6[%swap3A_818, %swap3A_819, %swap3A_820] {strides = array<i32>} : memref<4x8x1024xf32, #tpu.memory_space<vmem>>, vector<1x1x16xf32>,
      %swap3A_822 = vector.shape_cast %swap3A_821 : vector<1x1x16xf32> to vector<16xf32>
      %swap3A_823 = vector.shape_cast %get3A_776 : vector<16xf32> to vector<1x1x16xf32>
      tpu.vector_store %arg6[%swap3A_818, %swap3A_819, %swap3A_820], %swap3A_823 {add = true, strides = array<i32>} : memref<4x8x1024xf32, #tpu.memory_space<vmem>>, vector<1x1x16xf32>,
      %scan3A_824 = arith.constant 0 : i32
      scf.yield %scan3A_824 : i32
    }
    %scan3A_83 = arith.constant 256 : i32
    %add3A_84 = arith.constant 8 : i32
    %add3A_85 = arith.addi %mul3A_2, %add3A_84 : i32
    %dma_start3A_86 = arith.constant 0 : i32
    %dma_start3A_87 = arith.constant 0 : i32
    %dma_start3A_88 = tpu.memref_slice %arg4[%dma_start3A_86, %add3A_85, %dma_start3A_87] : memref<4x4096x1024xf32, #tpu.memory_space<hbm>> -> memref<4x8x1024xf32, #tpu.memory_space<hbm>>
    %dma_start3A_89 = arith.constant 0 : i32
    %dma_start3A_90 = arith.constant 0 : i32
    %dma_start3A_91 = tpu.memref_slice %arg4[%dma_start3A_89, %add3A_85, %dma_start3A_90] : memref<4x4096x1024xf32, #tpu.memory_space<hbm>> -> memref<4x8x1024xf32, #tpu.memory_space<hbm>>
    tpu.enqueue_dma source(%arg6 : memref<4x8x1024xf32, #tpu.memory_space<vmem>>) target(%dma_start3A_91 : memref<4x8x1024xf32, #tpu.memory_space<hbm>>) target_semaphore(%arg14 : memref<!tpu.dma_semaphore, #tpu.memory_space<semaphore_mem>>)
    %dma_wait3A_92 = arith.constant 0 : i32
    %dma_wait3A_93 = arith.constant 0 : i32
    %dma_wait3A_94 = tpu.memref_slice %arg4[%dma_wait3A_92, %add3A_46, %dma_wait3A_93] : memref<4x4096x1024xf32, #tpu.memory_space<hbm>> -> memref<4x8x1024xf32, #tpu.memory_space<hbm>>
    %dma_wait3A_95 = arith.constant 0 : i32
    %dma_wait3A_96 = arith.constant 0 : i32
    %dma_wait3A_97 = tpu.memref_slice %arg4[%dma_wait3A_95, %add3A_46, %dma_wait3A_96] : memref<4x4096x1024xf32, #tpu.memory_space<hbm>> -> memref<4x8x1024xf32, #tpu.memory_space<hbm>>
    tpu.wait_dma2 semaphore(%arg13 : memref<!tpu.dma_semaphore, #tpu.memory_space<semaphore_mem>>) src(%arg5 : memref<4x8x1024xf32, #tpu.memory_space<vmem>>) dst(%dma_wait3A_97 : memref<4x8x1024xf32, #tpu.memory_space<hbm>>)
    %add3A_98 = arith.constant 24 : i32
    %add3A_99 = arith.addi %mul3A_2, %add3A_98 : i32
    %dma_start3A_100 = arith.constant 0 : i32
    %dma_start3A_101 = arith.constant 0 : i32
    %dma_start3A_102 = tpu.memref_slice %arg2[%dma_start3A_100, %add3A_99, %dma_start3A_101] : memref<4x4096x1024xf32, #tpu.memory_space<hbm>> -> memref<4x8x1024xf32, #tpu.memory_space<hbm>>
    %dma_start3A_103 = arith.constant 0 : i32
    %dma_start3A_104 = arith.constant 0 : i32
    %dma_start3A_105 = tpu.memref_slice %arg2[%dma_start3A_103, %add3A_99, %dma_start3A_104] : memref<4x4096x1024xf32, #tpu.memory_space<hbm>> -> memref<4x8x1024xf32, #tpu.memory_space<hbm>>
    tpu.enqueue_dma source(%dma_start3A_105 : memref<4x8x1024xf32, #tpu.memory_space<hbm>>) target(%arg5 : memref<4x8x1024xf32, #tpu.memory_space<vmem>>) target_semaphore(%arg10 : memref<!tpu.dma_semaphore, #tpu.memory_space<semaphore_mem>>)
    %dma_wait3A_106 = arith.constant 0 : i32
    %dma_wait3A_107 = tpu.memref_slice %arg3[%add3A_66, %dma_wait3A_106] : memref<8192x1024xf32, #tpu.memory_space<hbm>> -> memref<8x1024xf32, #tpu.memory_space<hbm>>
    %dma_wait3A_108 = arith.constant 0 : i32
    %dma_wait3A_109 = tpu.memref_slice %arg3[%add3A_66, %dma_wait3A_108] : memref<8192x1024xf32, #tpu.memory_space<hbm>> -> memref<8x1024xf32, #tpu.memory_space<hbm>>
    tpu.wait_dma2 semaphore(%arg16 : memref<!tpu.dma_semaphore, #tpu.memory_space<semaphore_mem>>) src(%dma_wait3A_109 : memref<8x1024xf32, #tpu.memory_space<hbm>>) dst(%arg8 : memref<8x1024xf32, #tpu.memory_space<vmem>>)
    %add3A_110 = arith.constant 24 : i32
    %add3A_111 = arith.addi %mul3A_2, %add3A_110 : i32
    %dma_start3A_112 = arith.constant 0 : i32
    %dma_start3A_113 = tpu.memref_slice %arg3[%add3A_111, %dma_start3A_112] : memref<8192x1024xf32, #tpu.memory_space<hbm>> -> memref<8x1024xf32, #tpu.memory_space<hbm>>
    %dma_start3A_114 = arith.constant 0 : i32
    %dma_start3A_115 = tpu.memref_slice %arg3[%add3A_111, %dma_start3A_114] : memref<8192x1024xf32, #tpu.memory_space<hbm>> -> memref<8x1024xf32, #tpu.memory_space<hbm>>
    tpu.enqueue_dma source(%dma_start3A_115 : memref<8x1024xf32, #tpu.memory_space<hbm>>) target(%arg9 : memref<8x1024xf32, #tpu.memory_space<vmem>>) target_semaphore(%arg17 : memref<!tpu.dma_semaphore, #tpu.memory_space<semaphore_mem>>)
    %dma_wait3A_116 = arith.constant 0 : i32
    %dma_wait3A_117 = arith.constant 0 : i32
    %dma_wait3A_118 = tpu.memref_slice %arg2[%dma_wait3A_116, %add3A_54, %dma_wait3A_117] : memref<4x4096x1024xf32, #tpu.memory_space<hbm>> -> memref<4x8x1024xf32, #tpu.memory_space<hbm>>
    %dma_wait3A_119 = arith.constant 0 : i32
    %dma_wait3A_120 = arith.constant 0 : i32
    %dma_wait3A_121 = tpu.memref_slice %arg2[%dma_wait3A_119, %add3A_54, %dma_wait3A_120] : memref<4x4096x1024xf32, #tpu.memory_space<hbm>> -> memref<4x8x1024xf32, #tpu.memory_space<hbm>>
    tpu.wait_dma2 semaphore(%arg12 : memref<!tpu.dma_semaphore, #tpu.memory_space<semaphore_mem>>) src(%dma_wait3A_121 : memref<4x8x1024xf32, #tpu.memory_space<hbm>>) dst(%arg7 : memref<4x8x1024xf32, #tpu.memory_space<vmem>>)
    %scan3A_122 = arith.constant 0 : i32
    %scan3A_123 = arith.constant 0 : i32
    %scan3A_124 = arith.constant 256 : i32
    %scan3A_125 = arith.addi %scan3A_123, %scan3A_124 : i32
    %scan3A_126 = arith.constant 1 : i32
    %scan3A_127 = scf.for %scan3A_720 = %scan3A_123 to %scan3A_125 step %scan3A_126 iter_args(%scan3A_721 = %scan3A_122) -> (i32)  : i32 {
      %shift_right_arithmetic3A = arith.constant 6 : i32
      %shift_right_arithmetic3A_722 = arith.shrsi %scan3A_720, %shift_right_arithmetic3A : i32
      %shift_right_arithmetic3A_723 = arith.constant 3 : i32
      %shift_right_arithmetic3A_724 = arith.shrsi %scan3A_720, %shift_right_arithmetic3A_723 : i32
      %and3A = arith.constant 7 : i32
      %and3A_725 = arith.andi %shift_right_arithmetic3A_724, %and3A : i32
      %and3A_726 = arith.constant 7 : i32
      %and3A_727 = arith.andi %scan3A_720, %and3A_726 : i32
      %mul3A_728 = arith.constant 128 : i32
      %mul3A_729 = arith.muli %and3A_727, %mul3A_728 : i32
      %add3A_730 = arith.constant 0 : i32
      %add3A_731 = arith.addi %mul3A_729, %add3A_730 : i32
      %add3A_732 = arith.constant 16 : i32
      %add3A_733 = arith.addi %mul3A_729, %add3A_732 : i32
      %add3A_734 = arith.constant 32 : i32
      %add3A_735 = arith.addi %mul3A_729, %add3A_734 : i32
      %add3A_736 = arith.constant 48 : i32
      %add3A_737 = arith.addi %mul3A_729, %add3A_736 : i32
      %add3A_738 = arith.constant 64 : i32
      %add3A_739 = arith.addi %mul3A_729, %add3A_738 : i32
      %add3A_740 = arith.constant 80 : i32
      %add3A_741 = arith.addi %mul3A_729, %add3A_740 : i32
      %add3A_742 = arith.constant 96 : i32
      %add3A_743 = arith.addi %mul3A_729, %add3A_742 : i32
      %add3A_744 = arith.constant 112 : i32
      %add3A_745 = arith.addi %mul3A_729, %add3A_744 : i32
      %get3A = arith.index_cast %and3A_725 : i32 to index
      %get3A_746 = arith.index_cast %add3A_731 : i32 to index
      %get3A_747 = tpu.vector_load %arg8[%get3A, %get3A_746] {strides = array<i32>} : memref<8x1024xf32, #tpu.memory_space<vmem>>, vector<1x16xf32>,
      %get3A_748 = vector.shape_cast %get3A_747 : vector<1x16xf32> to vector<16xf32>
      %get3A_749 = arith.index_cast %and3A_725 : i32 to index
      %get3A_750 = arith.index_cast %add3A_733 : i32 to index
      %get3A_751 = tpu.vector_load %arg8[%get3A_749, %get3A_750] {strides = array<i32>} : memref<8x1024xf32, #tpu.memory_space<vmem>>, vector<1x16xf32>,
      %get3A_752 = vector.shape_cast %get3A_751 : vector<1x16xf32> to vector<16xf32>
      %get3A_753 = arith.index_cast %and3A_725 : i32 to index
      %get3A_754 = arith.index_cast %add3A_735 : i32 to index
      %get3A_755 = tpu.vector_load %arg8[%get3A_753, %get3A_754] {strides = array<i32>} : memref<8x1024xf32, #tpu.memory_space<vmem>>, vector<1x16xf32>,
      %get3A_756 = vector.shape_cast %get3A_755 : vector<1x16xf32> to vector<16xf32>
      %get3A_757 = arith.index_cast %and3A_725 : i32 to index
      %get3A_758 = arith.index_cast %add3A_737 : i32 to index
      %get3A_759 = tpu.vector_load %arg8[%get3A_757, %get3A_758] {strides = array<i32>} : memref<8x1024xf32, #tpu.memory_space<vmem>>, vector<1x16xf32>,
      %get3A_760 = vector.shape_cast %get3A_759 : vector<1x16xf32> to vector<16xf32>
      %get3A_761 = arith.index_cast %and3A_725 : i32 to index
      %get3A_762 = arith.index_cast %add3A_739 : i32 to index
      %get3A_763 = tpu.vector_load %arg8[%get3A_761, %get3A_762] {strides = array<i32>} : memref<8x1024xf32, #tpu.memory_space<vmem>>, vector<1x16xf32>,
      %get3A_764 = vector.shape_cast %get3A_763 : vector<1x16xf32> to vector<16xf32>
      %get3A_765 = arith.index_cast %and3A_725 : i32 to index
      %get3A_766 = arith.index_cast %add3A_741 : i32 to index
      %get3A_767 = tpu.vector_load %arg8[%get3A_765, %get3A_766] {strides = array<i32>} : memref<8x1024xf32, #tpu.memory_space<vmem>>, vector<1x16xf32>,
      %get3A_768 = vector.shape_cast %get3A_767 : vector<1x16xf32> to vector<16xf32>
      %get3A_769 = arith.index_cast %and3A_725 : i32 to index
      %get3A_770 = arith.index_cast %add3A_743 : i32 to index
      %get3A_771 = tpu.vector_load %arg8[%get3A_769, %get3A_770] {strides = array<i32>} : memref<8x1024xf32, #tpu.memory_space<vmem>>, vector<1x16xf32>,
      %get3A_772 = vector.shape_cast %get3A_771 : vector<1x16xf32> to vector<16xf32>
      %get3A_773 = arith.index_cast %and3A_725 : i32 to index
      %get3A_774 = arith.index_cast %add3A_745 : i32 to index
      %get3A_775 = tpu.vector_load %arg8[%get3A_773, %get3A_774] {strides = array<i32>} : memref<8x1024xf32, #tpu.memory_space<vmem>>, vector<1x16xf32>,
      %get3A_776 = vector.shape_cast %get3A_775 : vector<1x16xf32> to vector<16xf32>
      %swap3A = arith.index_cast %shift_right_arithmetic3A_722 : i32 to index
      %swap3A_777 = arith.index_cast %and3A_725 : i32 to index
      %swap3A_778 = arith.index_cast %add3A_731 : i32 to index
      %swap3A_779 = tpu.vector_load %arg7[%swap3A, %swap3A_777, %swap3A_778] {strides = array<i32>} : memref<4x8x1024xf32, #tpu.memory_space<vmem>>, vector<1x1x16xf32>,
      %swap3A_780 = vector.shape_cast %swap3A_779 : vector<1x1x16xf32> to vector<16xf32>
      %swap3A_781 = vector.shape_cast %get3A_748 : vector<16xf32> to vector<1x1x16xf32>
      tpu.vector_store %arg7[%swap3A, %swap3A_777, %swap3A_778], %swap3A_781 {add = true, strides = array<i32>} : memref<4x8x1024xf32, #tpu.memory_space<vmem>>, vector<1x1x16xf32>,
      %swap3A_782 = arith.index_cast %shift_right_arithmetic3A_722 : i32 to index
      %swap3A_783 = arith.index_cast %and3A_725 : i32 to index
      %swap3A_784 = arith.index_cast %add3A_733 : i32 to index
      %swap3A_785 = tpu.vector_load %arg7[%swap3A_782, %swap3A_783, %swap3A_784] {strides = array<i32>} : memref<4x8x1024xf32, #tpu.memory_space<vmem>>, vector<1x1x16xf32>,
      %swap3A_786 = vector.shape_cast %swap3A_785 : vector<1x1x16xf32> to vector<16xf32>
      %swap3A_787 = vector.shape_cast %get3A_752 : vector<16xf32> to vector<1x1x16xf32>
      tpu.vector_store %arg7[%swap3A_782, %swap3A_783, %swap3A_784], %swap3A_787 {add = true, strides = array<i32>} : memref<4x8x1024xf32, #tpu.memory_space<vmem>>, vector<1x1x16xf32>,
      %swap3A_788 = arith.index_cast %shift_right_arithmetic3A_722 : i32 to index
      %swap3A_789 = arith.index_cast %and3A_725 : i32 to index
      %swap3A_790 = arith.index_cast %add3A_735 : i32 to index
      %swap3A_791 = tpu.vector_load %arg7[%swap3A_788, %swap3A_789, %swap3A_790] {strides = array<i32>} : memref<4x8x1024xf32, #tpu.memory_space<vmem>>, vector<1x1x16xf32>,
      %swap3A_792 = vector.shape_cast %swap3A_791 : vector<1x1x16xf32> to vector<16xf32>
      %swap3A_793 = vector.shape_cast %get3A_756 : vector<16xf32> to vector<1x1x16xf32>
      tpu.vector_store %arg7[%swap3A_788, %swap3A_789, %swap3A_790], %swap3A_793 {add = true, strides = array<i32>} : memref<4x8x1024xf32, #tpu.memory_space<vmem>>, vector<1x1x16xf32>,
      %swap3A_794 = arith.index_cast %shift_right_arithmetic3A_722 : i32 to index
      %swap3A_795 = arith.index_cast %and3A_725 : i32 to index
      %swap3A_796 = arith.index_cast %add3A_737 : i32 to index
      %swap3A_797 = tpu.vector_load %arg7[%swap3A_794, %swap3A_795, %swap3A_796] {strides = array<i32>} : memref<4x8x1024xf32, #tpu.memory_space<vmem>>, vector<1x1x16xf32>,
      %swap3A_798 = vector.shape_cast %swap3A_797 : vector<1x1x16xf32> to vector<16xf32>
      %swap3A_799 = vector.shape_cast %get3A_760 : vector<16xf32> to vector<1x1x16xf32>
      tpu.vector_store %arg7[%swap3A_794, %swap3A_795, %swap3A_796], %swap3A_799 {add = true, strides = array<i32>} : memref<4x8x1024xf32, #tpu.memory_space<vmem>>, vector<1x1x16xf32>,
      %swap3A_800 = arith.index_cast %shift_right_arithmetic3A_722 : i32 to index
      %swap3A_801 = arith.index_cast %and3A_725 : i32 to index
      %swap3A_802 = arith.index_cast %add3A_739 : i32 to index
      %swap3A_803 = tpu.vector_load %arg7[%swap3A_800, %swap3A_801, %swap3A_802] {strides = array<i32>} : memref<4x8x1024xf32, #tpu.memory_space<vmem>>, vector<1x1x16xf32>,
      %swap3A_804 = vector.shape_cast %swap3A_803 : vector<1x1x16xf32> to vector<16xf32>
      %swap3A_805 = vector.shape_cast %get3A_764 : vector<16xf32> to vector<1x1x16xf32>
      tpu.vector_store %arg7[%swap3A_800, %swap3A_801, %swap3A_802], %swap3A_805 {add = true, strides = array<i32>} : memref<4x8x1024xf32, #tpu.memory_space<vmem>>, vector<1x1x16xf32>,
      %swap3A_806 = arith.index_cast %shift_right_arithmetic3A_722 : i32 to index
      %swap3A_807 = arith.index_cast %and3A_725 : i32 to index
      %swap3A_808 = arith.index_cast %add3A_741 : i32 to index
      %swap3A_809 = tpu.vector_load %arg7[%swap3A_806, %swap3A_807, %swap3A_808] {strides = array<i32>} : memref<4x8x1024xf32, #tpu.memory_space<vmem>>, vector<1x1x16xf32>,
      %swap3A_810 = vector.shape_cast %swap3A_809 : vector<1x1x16xf32> to vector<16xf32>
      %swap3A_811 = vector.shape_cast %get3A_768 : vector<16xf32> to vector<1x1x16xf32>
      tpu.vector_store %arg7[%swap3A_806, %swap3A_807, %swap3A_808], %swap3A_811 {add = true, strides = array<i32>} : memref<4x8x1024xf32, #tpu.memory_space<vmem>>, vector<1x1x16xf32>,
      %swap3A_812 = arith.index_cast %shift_right_arithmetic3A_722 : i32 to index
      %swap3A_813 = arith.index_cast %and3A_725 : i32 to index
      %swap3A_814 = arith.index_cast %add3A_743 : i32 to index
      %swap3A_815 = tpu.vector_load %arg7[%swap3A_812, %swap3A_813, %swap3A_814] {strides = array<i32>} : memref<4x8x1024xf32, #tpu.memory_space<vmem>>, vector<1x1x16xf32>,
      %swap3A_816 = vector.shape_cast %swap3A_815 : vector<1x1x16xf32> to vector<16xf32>
      %swap3A_817 = vector.shape_cast %get3A_772 : vector<16xf32> to vector<1x1x16xf32>
      tpu.vector_store %arg7[%swap3A_812, %swap3A_813, %swap3A_814], %swap3A_817 {add = true, strides = array<i32>} : memref<4x8x1024xf32, #tpu.memory_space<vmem>>, vector<1x1x16xf32>,
      %swap3A_818 = arith.index_cast %shift_right_arithmetic3A_722 : i32 to index
      %swap3A_819 = arith.index_cast %and3A_725 : i32 to index
      %swap3A_820 = arith.index_cast %add3A_745 : i32 to index
      %swap3A_821 = tpu.vector_load %arg7[%swap3A_818, %swap3A_819, %swap3A_820] {strides = array<i32>} : memref<4x8x1024xf32, #tpu.memory_space<vmem>>, vector<1x1x16xf32>,
      %swap3A_822 = vector.shape_cast %swap3A_821 : vector<1x1x16xf32> to vector<16xf32>
      %swap3A_823 = vector.shape_cast %get3A_776 : vector<16xf32> to vector<1x1x16xf32>
      tpu.vector_store %arg7[%swap3A_818, %swap3A_819, %swap3A_820], %swap3A_823 {add = true, strides = array<i32>} : memref<4x8x1024xf32, #tpu.memory_space<vmem>>, vector<1x1x16xf32>,
      %scan3A_824 = arith.constant 0 : i32
      scf.yield %scan3A_824 : i32
    }
    %scan3A_128 = arith.constant 256 : i32
    %add3A_129 = arith.constant 16 : i32
    %add3A_130 = arith.addi %mul3A_2, %add3A_129 : i32
    %dma_start3A_131 = arith.constant 0 : i32
    %dma_start3A_132 = arith.constant 0 : i32
    %dma_start3A_133 = tpu.memref_slice %arg4[%dma_start3A_131, %add3A_130, %dma_start3A_132] : memref<4x4096x1024xf32, #tpu.memory_space<hbm>> -> memref<4x8x1024xf32, #tpu.memory_space<hbm>>
    %dma_start3A_134 = arith.constant 0 : i32
    %dma_start3A_135 = arith.constant 0 : i32
    %dma_start3A_136 = tpu.memref_slice %arg4[%dma_start3A_134, %add3A_130, %dma_start3A_135] : memref<4x4096x1024xf32, #tpu.memory_space<hbm>> -> memref<4x8x1024xf32, #tpu.memory_space<hbm>>
    tpu.enqueue_dma source(%arg7 : memref<4x8x1024xf32, #tpu.memory_space<vmem>>) target(%dma_start3A_136 : memref<4x8x1024xf32, #tpu.memory_space<hbm>>) target_semaphore(%arg15 : memref<!tpu.dma_semaphore, #tpu.memory_space<semaphore_mem>>)
    %dma_wait3A_137 = arith.constant 0 : i32
    %dma_wait3A_138 = arith.constant 0 : i32
    %dma_wait3A_139 = tpu.memref_slice %arg4[%dma_wait3A_137, %add3A_85, %dma_wait3A_138] : memref<4x4096x1024xf32, #tpu.memory_space<hbm>> -> memref<4x8x1024xf32, #tpu.memory_space<hbm>>
    %dma_wait3A_140 = arith.constant 0 : i32
    %dma_wait3A_141 = arith.constant 0 : i32
    %dma_wait3A_142 = tpu.memref_slice %arg4[%dma_wait3A_140, %add3A_85, %dma_wait3A_141] : memref<4x4096x1024xf32, #tpu.memory_space<hbm>> -> memref<4x8x1024xf32, #tpu.memory_space<hbm>>
    tpu.wait_dma2 semaphore(%arg14 : memref<!tpu.dma_semaphore, #tpu.memory_space<semaphore_mem>>) src(%arg6 : memref<4x8x1024xf32, #tpu.memory_space<vmem>>) dst(%dma_wait3A_142 : memref<4x8x1024xf32, #tpu.memory_space<hbm>>)
    %add3A_143 = arith.constant 32 : i32
    %add3A_144 = arith.addi %mul3A_2, %add3A_143 : i32
    %dma_start3A_145 = arith.constant 0 : i32
    %dma_start3A_146 = arith.constant 0 : i32
    %dma_start3A_147 = tpu.memref_slice %arg2[%dma_start3A_145, %add3A_144, %dma_start3A_146] : memref<4x4096x1024xf32, #tpu.memory_space<hbm>> -> memref<4x8x1024xf32, #tpu.memory_space<hbm>>
    %dma_start3A_148 = arith.constant 0 : i32
    %dma_start3A_149 = arith.constant 0 : i32
    %dma_start3A_150 = tpu.memref_slice %arg2[%dma_start3A_148, %add3A_144, %dma_start3A_149] : memref<4x4096x1024xf32, #tpu.memory_space<hbm>> -> memref<4x8x1024xf32, #tpu.memory_space<hbm>>
    tpu.enqueue_dma source(%dma_start3A_150 : memref<4x8x1024xf32, #tpu.memory_space<hbm>>) target(%arg6 : memref<4x8x1024xf32, #tpu.memory_space<vmem>>) target_semaphore(%arg11 : memref<!tpu.dma_semaphore, #tpu.memory_space<semaphore_mem>>)
    %dma_wait3A_151 = arith.constant 0 : i32
    %dma_wait3A_152 = tpu.memref_slice %arg3[%add3A_111, %dma_wait3A_151] : memref<8192x1024xf32, #tpu.memory_space<hbm>> -> memref<8x1024xf32, #tpu.memory_space<hbm>>
    %dma_wait3A_153 = arith.constant 0 : i32
    %dma_wait3A_154 = tpu.memref_slice %arg3[%add3A_111, %dma_wait3A_153] : memref<8192x1024xf32, #tpu.memory_space<hbm>> -> memref<8x1024xf32, #tpu.memory_space<hbm>>
    tpu.wait_dma2 semaphore(%arg17 : memref<!tpu.dma_semaphore, #tpu.memory_space<semaphore_mem>>) src(%dma_wait3A_154 : memref<8x1024xf32, #tpu.memory_space<hbm>>) dst(%arg9 : memref<8x1024xf32, #tpu.memory_space<vmem>>)
    %add3A_155 = arith.constant 32 : i32
    %add3A_156 = arith.addi %mul3A_2, %add3A_155 : i32
    %dma_start3A_157 = arith.constant 0 : i32
    %dma_start3A_158 = tpu.memref_slice %arg3[%add3A_156, %dma_start3A_157] : memref<8192x1024xf32, #tpu.memory_space<hbm>> -> memref<8x1024xf32, #tpu.memory_space<hbm>>
    %dma_start3A_159 = arith.constant 0 : i32
    %dma_start3A_160 = tpu.memref_slice %arg3[%add3A_156, %dma_start3A_159] : memref<8192x1024xf32, #tpu.memory_space<hbm>> -> memref<8x1024xf32, #tpu.memory_space<hbm>>
    tpu.enqueue_dma source(%dma_start3A_160 : memref<8x1024xf32, #tpu.memory_space<hbm>>) target(%arg8 : memref<8x1024xf32, #tpu.memory_space<vmem>>) target_semaphore(%arg16 : memref<!tpu.dma_semaphore, #tpu.memory_space<semaphore_mem>>)
    %dma_wait3A_161 = arith.constant 0 : i32
    %dma_wait3A_162 = arith.constant 0 : i32
    %dma_wait3A_163 = tpu.memref_slice %arg2[%dma_wait3A_161, %add3A_99, %dma_wait3A_162] : memref<4x4096x1024xf32, #tpu.memory_space<hbm>> -> memref<4x8x1024xf32, #tpu.memory_space<hbm>>
    %dma_wait3A_164 = arith.constant 0 : i32
    %dma_wait3A_165 = arith.constant 0 : i32
    %dma_wait3A_166 = tpu.memref_slice %arg2[%dma_wait3A_164, %add3A_99, %dma_wait3A_165] : memref<4x4096x1024xf32, #tpu.memory_space<hbm>> -> memref<4x8x1024xf32, #tpu.memory_space<hbm>>
    tpu.wait_dma2 semaphore(%arg10 : memref<!tpu.dma_semaphore, #tpu.memory_space<semaphore_mem>>) src(%dma_wait3A_166 : memref<4x8x1024xf32, #tpu.memory_space<hbm>>) dst(%arg5 : memref<4x8x1024xf32, #tpu.memory_space<vmem>>)
    %scan3A_167 = arith.constant 0 : i32
    %scan3A_168 = arith.constant 0 : i32
    %scan3A_169 = arith.constant 256 : i32
    %scan3A_170 = arith.addi %scan3A_168, %scan3A_169 : i32
    %scan3A_171 = arith.constant 1 : i32
    %scan3A_172 = scf.for %scan3A_720 = %scan3A_168 to %scan3A_170 step %scan3A_171 iter_args(%scan3A_721 = %scan3A_167) -> (i32)  : i32 {
      %shift_right_arithmetic3A = arith.constant 6 : i32
      %shift_right_arithmetic3A_722 = arith.shrsi %scan3A_720, %shift_right_arithmetic3A : i32
      %shift_right_arithmetic3A_723 = arith.constant 3 : i32
      %shift_right_arithmetic3A_724 = arith.shrsi %scan3A_720, %shift_right_arithmetic3A_723 : i32
      %and3A = arith.constant 7 : i32
      %and3A_725 = arith.andi %shift_right_arithmetic3A_724, %and3A : i32
      %and3A_726 = arith.constant 7 : i32
      %and3A_727 = arith.andi %scan3A_720, %and3A_726 : i32
      %mul3A_728 = arith.constant 128 : i32
      %mul3A_729 = arith.muli %and3A_727, %mul3A_728 : i32
      %add3A_730 = arith.constant 0 : i32
      %add3A_731 = arith.addi %mul3A_729, %add3A_730 : i32
      %add3A_732 = arith.constant 16 : i32
      %add3A_733 = arith.addi %mul3A_729, %add3A_732 : i32
      %add3A_734 = arith.constant 32 : i32
      %add3A_735 = arith.addi %mul3A_729, %add3A_734 : i32
      %add3A_736 = arith.constant 48 : i32
      %add3A_737 = arith.addi %mul3A_729, %add3A_736 : i32
      %add3A_738 = arith.constant 64 : i32
      %add3A_739 = arith.addi %mul3A_729, %add3A_738 : i32
      %add3A_740 = arith.constant 80 : i32
      %add3A_741 = arith.addi %mul3A_729, %add3A_740 : i32
      %add3A_742 = arith.constant 96 : i32
      %add3A_743 = arith.addi %mul3A_729, %add3A_742 : i32
      %add3A_744 = arith.constant 112 : i32
      %add3A_745 = arith.addi %mul3A_729, %add3A_744 : i32
      %get3A = arith.index_cast %and3A_725 : i32 to index
      %get3A_746 = arith.index_cast %add3A_731 : i32 to index
      %get3A_747 = tpu.vector_load %arg9[%get3A, %get3A_746] {strides = array<i32>} : memref<8x1024xf32, #tpu.memory_space<vmem>>, vector<1x16xf32>,
      %get3A_748 = vector.shape_cast %get3A_747 : vector<1x16xf32> to vector<16xf32>
      %get3A_749 = arith.index_cast %and3A_725 : i32 to index
      %get3A_750 = arith.index_cast %add3A_733 : i32 to index
      %get3A_751 = tpu.vector_load %arg9[%get3A_749, %get3A_750] {strides = array<i32>} : memref<8x1024xf32, #tpu.memory_space<vmem>>, vector<1x16xf32>,
      %get3A_752 = vector.shape_cast %get3A_751 : vector<1x16xf32> to vector<16xf32>
      %get3A_753 = arith.index_cast %and3A_725 : i32 to index
      %get3A_754 = arith.index_cast %add3A_735 : i32 to index
      %get3A_755 = tpu.vector_load %arg9[%get3A_753, %get3A_754] {strides = array<i32>} : memref<8x1024xf32, #tpu.memory_space<vmem>>, vector<1x16xf32>,
      %get3A_756 = vector.shape_cast %get3A_755 : vector<1x16xf32> to vector<16xf32>
      %get3A_757 = arith.index_cast %and3A_725 : i32 to index
      %get3A_758 = arith.index_cast %add3A_737 : i32 to index
      %get3A_759 = tpu.vector_load %arg9[%get3A_757, %get3A_758] {strides = array<i32>} : memref<8x1024xf32, #tpu.memory_space<vmem>>, vector<1x16xf32>,
      %get3A_760 = vector.shape_cast %get3A_759 : vector<1x16xf32> to vector<16xf32>
      %get3A_761 = arith.index_cast %and3A_725 : i32 to index
      %get3A_762 = arith.index_cast %add3A_739 : i32 to index
      %get3A_763 = tpu.vector_load %arg9[%get3A_761, %get3A_762] {strides = array<i32>} : memref<8x1024xf32, #tpu.memory_space<vmem>>, vector<1x16xf32>,
      %get3A_764 = vector.shape_cast %get3A_763 : vector<1x16xf32> to vector<16xf32>
      %get3A_765 = arith.index_cast %and3A_725 : i32 to index
      %get3A_766 = arith.index_cast %add3A_741 : i32 to index
      %get3A_767 = tpu.vector_load %arg9[%get3A_765, %get3A_766] {strides = array<i32>} : memref<8x1024xf32, #tpu.memory_space<vmem>>, vector<1x16xf32>,
      %get3A_768 = vector.shape_cast %get3A_767 : vector<1x16xf32> to vector<16xf32>
      %get3A_769 = arith.index_cast %and3A_725 : i32 to index
      %get3A_770 = arith.index_cast %add3A_743 : i32 to index
      %get3A_771 = tpu.vector_load %arg9[%get3A_769, %get3A_770] {strides = array<i32>} : memref<8x1024xf32, #tpu.memory_space<vmem>>, vector<1x16xf32>,
      %get3A_772 = vector.shape_cast %get3A_771 : vector<1x16xf32> to vector<16xf32>
      %get3A_773 = arith.index_cast %and3A_725 : i32 to index
      %get3A_774 = arith.index_cast %add3A_745 : i32 to index
      %get3A_775 = tpu.vector_load %arg9[%get3A_773, %get3A_774] {strides = array<i32>} : memref<8x1024xf32, #tpu.memory_space<vmem>>, vector<1x16xf32>,
      %get3A_776 = vector.shape_cast %get3A_775 : vector<1x16xf32> to vector<16xf32>
      %swap3A = arith.index_cast %shift_right_arithmetic3A_722 : i32 to index
      %swap3A_777 = arith.index_cast %and3A_725 : i32 to index
      %swap3A_778 = arith.index_cast %add3A_731 : i32 to index
      %swap3A_779 = tpu.vector_load %arg5[%swap3A, %swap3A_777, %swap3A_778] {strides = array<i32>} : memref<4x8x1024xf32, #tpu.memory_space<vmem>>, vector<1x1x16xf32>,
      %swap3A_780 = vector.shape_cast %swap3A_779 : vector<1x1x16xf32> to vector<16xf32>
      %swap3A_781 = vector.shape_cast %get3A_748 : vector<16xf32> to vector<1x1x16xf32>
      tpu.vector_store %arg5[%swap3A, %swap3A_777, %swap3A_778], %swap3A_781 {add = true, strides = array<i32>} : memref<4x8x1024xf32, #tpu.memory_space<vmem>>, vector<1x1x16xf32>,
      %swap3A_782 = arith.index_cast %shift_right_arithmetic3A_722 : i32 to index
      %swap3A_783 = arith.index_cast %and3A_725 : i32 to index
      %swap3A_784 = arith.index_cast %add3A_733 : i32 to index
      %swap3A_785 = tpu.vector_load %arg5[%swap3A_782, %swap3A_783, %swap3A_784] {strides = array<i32>} : memref<4x8x1024xf32, #tpu.memory_space<vmem>>, vector<1x1x16xf32>,
      %swap3A_786 = vector.shape_cast %swap3A_785 : vector<1x1x16xf32> to vector<16xf32>
      %swap3A_787 = vector.shape_cast %get3A_752 : vector<16xf32> to vector<1x1x16xf32>
      tpu.vector_store %arg5[%swap3A_782, %swap3A_783, %swap3A_784], %swap3A_787 {add = true, strides = array<i32>} : memref<4x8x1024xf32, #tpu.memory_space<vmem>>, vector<1x1x16xf32>,
      %swap3A_788 = arith.index_cast %shift_right_arithmetic3A_722 : i32 to index
      %swap3A_789 = arith.index_cast %and3A_725 : i32 to index
      %swap3A_790 = arith.index_cast %add3A_735 : i32 to index
      %swap3A_791 = tpu.vector_load %arg5[%swap3A_788, %swap3A_789, %swap3A_790] {strides = array<i32>} : memref<4x8x1024xf32, #tpu.memory_space<vmem>>, vector<1x1x16xf32>,
      %swap3A_792 = vector.shape_cast %swap3A_791 : vector<1x1x16xf32> to vector<16xf32>
      %swap3A_793 = vector.shape_cast %get3A_756 : vector<16xf32> to vector<1x1x16xf32>
      tpu.vector_store %arg5[%swap3A_788, %swap3A_789, %swap3A_790], %swap3A_793 {add = true, strides = array<i32>} : memref<4x8x1024xf32, #tpu.memory_space<vmem>>, vector<1x1x16xf32>,
      %swap3A_794 = arith.index_cast %shift_right_arithmetic3A_722 : i32 to index
      %swap3A_795 = arith.index_cast %and3A_725 : i32 to index
      %swap3A_796 = arith.index_cast %add3A_737 : i32 to index
      %swap3A_797 = tpu.vector_load %arg5[%swap3A_794, %swap3A_795, %swap3A_796] {strides = array<i32>} : memref<4x8x1024xf32, #tpu.memory_space<vmem>>, vector<1x1x16xf32>,
      %swap3A_798 = vector.shape_cast %swap3A_797 : vector<1x1x16xf32> to vector<16xf32>
      %swap3A_799 = vector.shape_cast %get3A_760 : vector<16xf32> to vector<1x1x16xf32>
      tpu.vector_store %arg5[%swap3A_794, %swap3A_795, %swap3A_796], %swap3A_799 {add = true, strides = array<i32>} : memref<4x8x1024xf32, #tpu.memory_space<vmem>>, vector<1x1x16xf32>,
      %swap3A_800 = arith.index_cast %shift_right_arithmetic3A_722 : i32 to index
      %swap3A_801 = arith.index_cast %and3A_725 : i32 to index
      %swap3A_802 = arith.index_cast %add3A_739 : i32 to index
      %swap3A_803 = tpu.vector_load %arg5[%swap3A_800, %swap3A_801, %swap3A_802] {strides = array<i32>} : memref<4x8x1024xf32, #tpu.memory_space<vmem>>, vector<1x1x16xf32>,
      %swap3A_804 = vector.shape_cast %swap3A_803 : vector<1x1x16xf32> to vector<16xf32>
      %swap3A_805 = vector.shape_cast %get3A_764 : vector<16xf32> to vector<1x1x16xf32>
      tpu.vector_store %arg5[%swap3A_800, %swap3A_801, %swap3A_802], %swap3A_805 {add = true, strides = array<i32>} : memref<4x8x1024xf32, #tpu.memory_space<vmem>>, vector<1x1x16xf32>,
      %swap3A_806 = arith.index_cast %shift_right_arithmetic3A_722 : i32 to index
      %swap3A_807 = arith.index_cast %and3A_725 : i32 to index
      %swap3A_808 = arith.index_cast %add3A_741 : i32 to index
      %swap3A_809 = tpu.vector_load %arg5[%swap3A_806, %swap3A_807, %swap3A_808] {strides = array<i32>} : memref<4x8x1024xf32, #tpu.memory_space<vmem>>, vector<1x1x16xf32>,
      %swap3A_810 = vector.shape_cast %swap3A_809 : vector<1x1x16xf32> to vector<16xf32>
      %swap3A_811 = vector.shape_cast %get3A_768 : vector<16xf32> to vector<1x1x16xf32>
      tpu.vector_store %arg5[%swap3A_806, %swap3A_807, %swap3A_808], %swap3A_811 {add = true, strides = array<i32>} : memref<4x8x1024xf32, #tpu.memory_space<vmem>>, vector<1x1x16xf32>,
      %swap3A_812 = arith.index_cast %shift_right_arithmetic3A_722 : i32 to index
      %swap3A_813 = arith.index_cast %and3A_725 : i32 to index
      %swap3A_814 = arith.index_cast %add3A_743 : i32 to index
      %swap3A_815 = tpu.vector_load %arg5[%swap3A_812, %swap3A_813, %swap3A_814] {strides = array<i32>} : memref<4x8x1024xf32, #tpu.memory_space<vmem>>, vector<1x1x16xf32>,
      %swap3A_816 = vector.shape_cast %swap3A_815 : vector<1x1x16xf32> to vector<16xf32>
      %swap3A_817 = vector.shape_cast %get3A_772 : vector<16xf32> to vector<1x1x16xf32>
      tpu.vector_store %arg5[%swap3A_812, %swap3A_813, %swap3A_814], %swap3A_817 {add = true, strides = array<i32>} : memref<4x8x1024xf32, #tpu.memory_space<vmem>>, vector<1x1x16xf32>,
      %swap3A_818 = arith.index_cast %shift_right_arithmetic3A_722 : i32 to index
      %swap3A_819 = arith.index_cast %and3A_725 : i32 to index
      %swap3A_820 = arith.index_cast %add3A_745 : i32 to index
      %swap3A_821 = tpu.vector_load %arg5[%swap3A_818, %swap3A_819, %swap3A_820] {strides = array<i32>} : memref<4x8x1024xf32, #tpu.memory_space<vmem>>, vector<1x1x16xf32>,
      %swap3A_822 = vector.shape_cast %swap3A_821 : vector<1x1x16xf32> to vector<16xf32>
      %swap3A_823 = vector.shape_cast %get3A_776 : vector<16xf32> to vector<1x1x16xf32>
      tpu.vector_store %arg5[%swap3A_818, %swap3A_819, %swap3A_820], %swap3A_823 {add = true, strides = array<i32>} : memref<4x8x1024xf32, #tpu.memory_space<vmem>>, vector<1x1x16xf32>,
      %scan3A_824 = arith.constant 0 : i32
      scf.yield %scan3A_824 : i32
    }
    %scan3A_173 = arith.constant 256 : i32
    %add3A_174 = arith.constant 24 : i32
    %add3A_175 = arith.addi %mul3A_2, %add3A_174 : i32
    %dma_start3A_176 = arith.constant 0 : i32
    %dma_start3A_177 = arith.constant 0 : i32
    %dma_start3A_178 = tpu.memref_slice %arg4[%dma_start3A_176, %add3A_175, %dma_start3A_177] : memref<4x4096x1024xf32, #tpu.memory_space<hbm>> -> memref<4x8x1024xf32, #tpu.memory_space<hbm>>
    %dma_start3A_179 = arith.constant 0 : i32
    %dma_start3A_180 = arith.constant 0 : i32
    %dma_start3A_181 = tpu.memref_slice %arg4[%dma_start3A_179, %add3A_175, %dma_start3A_180] : memref<4x4096x1024xf32, #tpu.memory_space<hbm>> -> memref<4x8x1024xf32, #tpu.memory_space<hbm>>
    tpu.enqueue_dma source(%arg5 : memref<4x8x1024xf32, #tpu.memory_space<vmem>>) target(%dma_start3A_181 : memref<4x8x1024xf32, #tpu.memory_space<hbm>>) target_semaphore(%arg13 : memref<!tpu.dma_semaphore, #tpu.memory_space<semaphore_mem>>)
    %dma_wait3A_182 = arith.constant 0 : i32
    %dma_wait3A_183 = arith.constant 0 : i32
    %dma_wait3A_184 = tpu.memref_slice %arg4[%dma_wait3A_182, %add3A_130, %dma_wait3A_183] : memref<4x4096x1024xf32, #tpu.memory_space<hbm>> -> memref<4x8x1024xf32, #tpu.memory_space<hbm>>
    %dma_wait3A_185 = arith.constant 0 : i32
    %dma_wait3A_186 = arith.constant 0 : i32
    %dma_wait3A_187 = tpu.memref_slice %arg4[%dma_wait3A_185, %add3A_130, %dma_wait3A_186] : memref<4x4096x1024xf32, #tpu.memory_space<hbm>> -> memref<4x8x1024xf32, #tpu.memory_space<hbm>>
    tpu.wait_dma2 semaphore(%arg15 : memref<!tpu.dma_semaphore, #tpu.memory_space<semaphore_mem>>) src(%arg7 : memref<4x8x1024xf32, #tpu.memory_space<vmem>>) dst(%dma_wait3A_187 : memref<4x8x1024xf32, #tpu.memory_space<hbm>>)
    %add3A_188 = arith.constant 40 : i32
    %add3A_189 = arith.addi %mul3A_2, %add3A_188 : i32
    %dma_start3A_190 = arith.constant 0 : i32
    %dma_start3A_191 = arith.constant 0 : i32
    %dma_start3A_192 = tpu.memref_slice %arg2[%dma_start3A_190, %add3A_189, %dma_start3A_191] : memref<4x4096x1024xf32, #tpu.memory_space<hbm>> -> memref<4x8x1024xf32, #tpu.memory_space<hbm>>
    %dma_start3A_193 = arith.constant 0 : i32
    %dma_start3A_194 = arith.constant 0 : i32
    %dma_start3A_195 = tpu.memref_slice %arg2[%dma_start3A_193, %add3A_189, %dma_start3A_194] : memref<4x4096x1024xf32, #tpu.memory_space<hbm>> -> memref<4x8x1024xf32, #tpu.memory_space<hbm>>
    tpu.enqueue_dma source(%dma_start3A_195 : memref<4x8x1024xf32, #tpu.memory_space<hbm>>) target(%arg7 : memref<4x8x1024xf32, #tpu.memory_space<vmem>>) target_semaphore(%arg12 : memref<!tpu.dma_semaphore, #tpu.memory_space<semaphore_mem>>)
    %dma_wait3A_196 = arith.constant 0 : i32
    %dma_wait3A_197 = tpu.memref_slice %arg3[%add3A_156, %dma_wait3A_196] : memref<8192x1024xf32, #tpu.memory_space<hbm>> -> memref<8x1024xf32, #tpu.memory_space<hbm>>
    %dma_wait3A_198 = arith.constant 0 : i32
    %dma_wait3A_199 = tpu.memref_slice %arg3[%add3A_156, %dma_wait3A_198] : memref<8192x1024xf32, #tpu.memory_space<hbm>> -> memref<8x1024xf32, #tpu.memory_space<hbm>>
    tpu.wait_dma2 semaphore(%arg16 : memref<!tpu.dma_semaphore, #tpu.memory_space<semaphore_mem>>) src(%dma_wait3A_199 : memref<8x1024xf32, #tpu.memory_space<hbm>>) dst(%arg8 : memref<8x1024xf32, #tpu.memory_space<vmem>>)
    %add3A_200 = arith.constant 40 : i32
    %add3A_201 = arith.addi %mul3A_2, %add3A_200 : i32
    %dma_start3A_202 = arith.constant 0 : i32
    %dma_start3A_203 = tpu.memref_slice %arg3[%add3A_201, %dma_start3A_202] : memref<8192x1024xf32, #tpu.memory_space<hbm>> -> memref<8x1024xf32, #tpu.memory_space<hbm>>
    %dma_start3A_204 = arith.constant 0 : i32
    %dma_start3A_205 = tpu.memref_slice %arg3[%add3A_201, %dma_start3A_204] : memref<8192x1024xf32, #tpu.memory_space<hbm>> -> memref<8x1024xf32, #tpu.memory_space<hbm>>
    tpu.enqueue_dma source(%dma_start3A_205 : memref<8x1024xf32, #tpu.memory_space<hbm>>) target(%arg9 : memref<8x1024xf32, #tpu.memory_space<vmem>>) target_semaphore(%arg17 : memref<!tpu.dma_semaphore, #tpu.memory_space<semaphore_mem>>)
    %dma_wait3A_206 = arith.constant 0 : i32
    %dma_wait3A_207 = arith.constant 0 : i32
    %dma_wait3A_208 = tpu.memref_slice %arg2[%dma_wait3A_206, %add3A_144, %dma_wait3A_207] : memref<4x4096x1024xf32, #tpu.memory_space<hbm>> -> memref<4x8x1024xf32, #tpu.memory_space<hbm>>
    %dma_wait3A_209 = arith.constant 0 : i32
    %dma_wait3A_210 = arith.constant 0 : i32
    %dma_wait3A_211 = tpu.memref_slice %arg2[%dma_wait3A_209, %add3A_144, %dma_wait3A_210] : memref<4x4096x1024xf32, #tpu.memory_space<hbm>> -> memref<4x8x1024xf32, #tpu.memory_space<hbm>>
    tpu.wait_dma2 semaphore(%arg11 : memref<!tpu.dma_semaphore, #tpu.memory_space<semaphore_mem>>) src(%dma_wait3A_211 : memref<4x8x1024xf32, #tpu.memory_space<hbm>>) dst(%arg6 : memref<4x8x1024xf32, #tpu.memory_space<vmem>>)
    %scan3A_212 = arith.constant 0 : i32
    %scan3A_213 = arith.constant 0 : i32
    %scan3A_214 = arith.constant 256 : i32
    %scan3A_215 = arith.addi %scan3A_213, %scan3A_214 : i32
    %scan3A_216 = arith.constant 1 : i32
    %scan3A_217 = scf.for %scan3A_720 = %scan3A_213 to %scan3A_215 step %scan3A_216 iter_args(%scan3A_721 = %scan3A_212) -> (i32)  : i32 {
      %shift_right_arithmetic3A = arith.constant 6 : i32
      %shift_right_arithmetic3A_722 = arith.shrsi %scan3A_720, %shift_right_arithmetic3A : i32
      %shift_right_arithmetic3A_723 = arith.constant 3 : i32
      %shift_right_arithmetic3A_724 = arith.shrsi %scan3A_720, %shift_right_arithmetic3A_723 : i32
      %and3A = arith.constant 7 : i32
      %and3A_725 = arith.andi %shift_right_arithmetic3A_724, %and3A : i32
      %and3A_726 = arith.constant 7 : i32
      %and3A_727 = arith.andi %scan3A_720, %and3A_726 : i32
      %mul3A_728 = arith.constant 128 : i32
      %mul3A_729 = arith.muli %and3A_727, %mul3A_728 : i32
      %add3A_730 = arith.constant 0 : i32
      %add3A_731 = arith.addi %mul3A_729, %add3A_730 : i32
      %add3A_732 = arith.constant 16 : i32
      %add3A_733 = arith.addi %mul3A_729, %add3A_732 : i32
      %add3A_734 = arith.constant 32 : i32
      %add3A_735 = arith.addi %mul3A_729, %add3A_734 : i32
      %add3A_736 = arith.constant 48 : i32
      %add3A_737 = arith.addi %mul3A_729, %add3A_736 : i32
      %add3A_738 = arith.constant 64 : i32
      %add3A_739 = arith.addi %mul3A_729, %add3A_738 : i32
      %add3A_740 = arith.constant 80 : i32
      %add3A_741 = arith.addi %mul3A_729, %add3A_740 : i32
      %add3A_742 = arith.constant 96 : i32
      %add3A_743 = arith.addi %mul3A_729, %add3A_742 : i32
      %add3A_744 = arith.constant 112 : i32
      %add3A_745 = arith.addi %mul3A_729, %add3A_744 : i32
      %get3A = arith.index_cast %and3A_725 : i32 to index
      %get3A_746 = arith.index_cast %add3A_731 : i32 to index
      %get3A_747 = tpu.vector_load %arg8[%get3A, %get3A_746] {strides = array<i32>} : memref<8x1024xf32, #tpu.memory_space<vmem>>, vector<1x16xf32>,
      %get3A_748 = vector.shape_cast %get3A_747 : vector<1x16xf32> to vector<16xf32>
      %get3A_749 = arith.index_cast %and3A_725 : i32 to index
      %get3A_750 = arith.index_cast %add3A_733 : i32 to index
      %get3A_751 = tpu.vector_load %arg8[%get3A_749, %get3A_750] {strides = array<i32>} : memref<8x1024xf32, #tpu.memory_space<vmem>>, vector<1x16xf32>,
      %get3A_752 = vector.shape_cast %get3A_751 : vector<1x16xf32> to vector<16xf32>
      %get3A_753 = arith.index_cast %and3A_725 : i32 to index
      %get3A_754 = arith.index_cast %add3A_735 : i32 to index
      %get3A_755 = tpu.vector_load %arg8[%get3A_753, %get3A_754] {strides = array<i32>} : memref<8x1024xf32, #tpu.memory_space<vmem>>, vector<1x16xf32>,
      %get3A_756 = vector.shape_cast %get3A_755 : vector<1x16xf32> to vector<16xf32>
      %get3A_757 = arith.index_cast %and3A_725 : i32 to index
      %get3A_758 = arith.index_cast %add3A_737 : i32 to index
      %get3A_759 = tpu.vector_load %arg8[%get3A_757, %get3A_758] {strides = array<i32>} : memref<8x1024xf32, #tpu.memory_space<vmem>>, vector<1x16xf32>,
      %get3A_760 = vector.shape_cast %get3A_759 : vector<1x16xf32> to vector<16xf32>
      %get3A_761 = arith.index_cast %and3A_725 : i32 to index
      %get3A_762 = arith.index_cast %add3A_739 : i32 to index
      %get3A_763 = tpu.vector_load %arg8[%get3A_761, %get3A_762] {strides = array<i32>} : memref<8x1024xf32, #tpu.memory_space<vmem>>, vector<1x16xf32>,
      %get3A_764 = vector.shape_cast %get3A_763 : vector<1x16xf32> to vector<16xf32>
      %get3A_765 = arith.index_cast %and3A_725 : i32 to index
      %get3A_766 = arith.index_cast %add3A_741 : i32 to index
      %get3A_767 = tpu.vector_load %arg8[%get3A_765, %get3A_766] {strides = array<i32>} : memref<8x1024xf32, #tpu.memory_space<vmem>>, vector<1x16xf32>,
      %get3A_768 = vector.shape_cast %get3A_767 : vector<1x16xf32> to vector<16xf32>
      %get3A_769 = arith.index_cast %and3A_725 : i32 to index
      %get3A_770 = arith.index_cast %add3A_743 : i32 to index
      %get3A_771 = tpu.vector_load %arg8[%get3A_769, %get3A_770] {strides = array<i32>} : memref<8x1024xf32, #tpu.memory_space<vmem>>, vector<1x16xf32>,
      %get3A_772 = vector.shape_cast %get3A_771 : vector<1x16xf32> to vector<16xf32>
      %get3A_773 = arith.index_cast %and3A_725 : i32 to index
      %get3A_774 = arith.index_cast %add3A_745 : i32 to index
      %get3A_775 = tpu.vector_load %arg8[%get3A_773, %get3A_774] {strides = array<i32>} : memref<8x1024xf32, #tpu.memory_space<vmem>>, vector<1x16xf32>,
      %get3A_776 = vector.shape_cast %get3A_775 : vector<1x16xf32> to vector<16xf32>
      %swap3A = arith.index_cast %shift_right_arithmetic3A_722 : i32 to index
      %swap3A_777 = arith.index_cast %and3A_725 : i32 to index
      %swap3A_778 = arith.index_cast %add3A_731 : i32 to index
      %swap3A_779 = tpu.vector_load %arg6[%swap3A, %swap3A_777, %swap3A_778] {strides = array<i32>} : memref<4x8x1024xf32, #tpu.memory_space<vmem>>, vector<1x1x16xf32>,
      %swap3A_780 = vector.shape_cast %swap3A_779 : vector<1x1x16xf32> to vector<16xf32>
      %swap3A_781 = vector.shape_cast %get3A_748 : vector<16xf32> to vector<1x1x16xf32>
      tpu.vector_store %arg6[%swap3A, %swap3A_777, %swap3A_778], %swap3A_781 {add = true, strides = array<i32>} : memref<4x8x1024xf32, #tpu.memory_space<vmem>>, vector<1x1x16xf32>,
      %swap3A_782 = arith.index_cast %shift_right_arithmetic3A_722 : i32 to index
      %swap3A_783 = arith.index_cast %and3A_725 : i32 to index
      %swap3A_784 = arith.index_cast %add3A_733 : i32 to index
      %swap3A_785 = tpu.vector_load %arg6[%swap3A_782, %swap3A_783, %swap3A_784] {strides = array<i32>} : memref<4x8x1024xf32, #tpu.memory_space<vmem>>, vector<1x1x16xf32>,
      %swap3A_786 = vector.shape_cast %swap3A_785 : vector<1x1x16xf32> to vector<16xf32>
      %swap3A_787 = vector.shape_cast %get3A_752 : vector<16xf32> to vector<1x1x16xf32>
      tpu.vector_store %arg6[%swap3A_782, %swap3A_783, %swap3A_784], %swap3A_787 {add = true, strides = array<i32>} : memref<4x8x1024xf32, #tpu.memory_space<vmem>>, vector<1x1x16xf32>,
      %swap3A_788 = arith.index_cast %shift_right_arithmetic3A_722 : i32 to index
      %swap3A_789 = arith.index_cast %and3A_725 : i32 to index
      %swap3A_790 = arith.index_cast %add3A_735 : i32 to index
      %swap3A_791 = tpu.vector_load %arg6[%swap3A_788, %swap3A_789, %swap3A_790] {strides = array<i32>} : memref<4x8x1024xf32, #tpu.memory_space<vmem>>, vector<1x1x16xf32>,
      %swap3A_792 = vector.shape_cast %swap3A_791 : vector<1x1x16xf32> to vector<16xf32>
      %swap3A_793 = vector.shape_cast %get3A_756 : vector<16xf32> to vector<1x1x16xf32>
      tpu.vector_store %arg6[%swap3A_788, %swap3A_789, %swap3A_790], %swap3A_793 {add = true, strides = array<i32>} : memref<4x8x1024xf32, #tpu.memory_space<vmem>>, vector<1x1x16xf32>,
      %swap3A_794 = arith.index_cast %shift_right_arithmetic3A_722 : i32 to index
      %swap3A_795 = arith.index_cast %and3A_725 : i32 to index
      %swap3A_796 = arith.index_cast %add3A_737 : i32 to index
      %swap3A_797 = tpu.vector_load %arg6[%swap3A_794, %swap3A_795, %swap3A_796] {strides = array<i32>} : memref<4x8x1024xf32, #tpu.memory_space<vmem>>, vector<1x1x16xf32>,
      %swap3A_798 = vector.shape_cast %swap3A_797 : vector<1x1x16xf32> to vector<16xf32>
      %swap3A_799 = vector.shape_cast %get3A_760 : vector<16xf32> to vector<1x1x16xf32>
      tpu.vector_store %arg6[%swap3A_794, %swap3A_795, %swap3A_796], %swap3A_799 {add = true, strides = array<i32>} : memref<4x8x1024xf32, #tpu.memory_space<vmem>>, vector<1x1x16xf32>,
      %swap3A_800 = arith.index_cast %shift_right_arithmetic3A_722 : i32 to index
      %swap3A_801 = arith.index_cast %and3A_725 : i32 to index
      %swap3A_802 = arith.index_cast %add3A_739 : i32 to index
      %swap3A_803 = tpu.vector_load %arg6[%swap3A_800, %swap3A_801, %swap3A_802] {strides = array<i32>} : memref<4x8x1024xf32, #tpu.memory_space<vmem>>, vector<1x1x16xf32>,
      %swap3A_804 = vector.shape_cast %swap3A_803 : vector<1x1x16xf32> to vector<16xf32>
      %swap3A_805 = vector.shape_cast %get3A_764 : vector<16xf32> to vector<1x1x16xf32>
      tpu.vector_store %arg6[%swap3A_800, %swap3A_801, %swap3A_802], %swap3A_805 {add = true, strides = array<i32>} : memref<4x8x1024xf32, #tpu.memory_space<vmem>>, vector<1x1x16xf32>,
      %swap3A_806 = arith.index_cast %shift_right_arithmetic3A_722 : i32 to index
      %swap3A_807 = arith.index_cast %and3A_725 : i32 to index
      %swap3A_808 = arith.index_cast %add3A_741 : i32 to index
      %swap3A_809 = tpu.vector_load %arg6[%swap3A_806, %swap3A_807, %swap3A_808] {strides = array<i32>} : memref<4x8x1024xf32, #tpu.memory_space<vmem>>, vector<1x1x16xf32>,
      %swap3A_810 = vector.shape_cast %swap3A_809 : vector<1x1x16xf32> to vector<16xf32>
      %swap3A_811 = vector.shape_cast %get3A_768 : vector<16xf32> to vector<1x1x16xf32>
      tpu.vector_store %arg6[%swap3A_806, %swap3A_807, %swap3A_808], %swap3A_811 {add = true, strides = array<i32>} : memref<4x8x1024xf32, #tpu.memory_space<vmem>>, vector<1x1x16xf32>,
      %swap3A_812 = arith.index_cast %shift_right_arithmetic3A_722 : i32 to index
      %swap3A_813 = arith.index_cast %and3A_725 : i32 to index
      %swap3A_814 = arith.index_cast %add3A_743 : i32 to index
      %swap3A_815 = tpu.vector_load %arg6[%swap3A_812, %swap3A_813, %swap3A_814] {strides = array<i32>} : memref<4x8x1024xf32, #tpu.memory_space<vmem>>, vector<1x1x16xf32>,
      %swap3A_816 = vector.shape_cast %swap3A_815 : vector<1x1x16xf32> to vector<16xf32>
      %swap3A_817 = vector.shape_cast %get3A_772 : vector<16xf32> to vector<1x1x16xf32>
      tpu.vector_store %arg6[%swap3A_812, %swap3A_813, %swap3A_814], %swap3A_817 {add = true, strides = array<i32>} : memref<4x8x1024xf32, #tpu.memory_space<vmem>>, vector<1x1x16xf32>,
      %swap3A_818 = arith.index_cast %shift_right_arithmetic3A_722 : i32 to index
      %swap3A_819 = arith.index_cast %and3A_725 : i32 to index
      %swap3A_820 = arith.index_cast %add3A_745 : i32 to index
      %swap3A_821 = tpu.vector_load %arg6[%swap3A_818, %swap3A_819, %swap3A_820] {strides = array<i32>} : memref<4x8x1024xf32, #tpu.memory_space<vmem>>, vector<1x1x16xf32>,
      %swap3A_822 = vector.shape_cast %swap3A_821 : vector<1x1x16xf32> to vector<16xf32>
      %swap3A_823 = vector.shape_cast %get3A_776 : vector<16xf32> to vector<1x1x16xf32>
      tpu.vector_store %arg6[%swap3A_818, %swap3A_819, %swap3A_820], %swap3A_823 {add = true, strides = array<i32>} : memref<4x8x1024xf32, #tpu.memory_space<vmem>>, vector<1x1x16xf32>,
      %scan3A_824 = arith.constant 0 : i32
      scf.yield %scan3A_824 : i32
    }
    %scan3A_218 = arith.constant 256 : i32
    %add3A_219 = arith.constant 32 : i32
    %add3A_220 = arith.addi %mul3A_2, %add3A_219 : i32
    %dma_start3A_221 = arith.constant 0 : i32
    %dma_start3A_222 = arith.constant 0 : i32
    %dma_start3A_223 = tpu.memref_slice %arg4[%dma_start3A_221, %add3A_220, %dma_start3A_222] : memref<4x4096x1024xf32, #tpu.memory_space<hbm>> -> memref<4x8x1024xf32, #tpu.memory_space<hbm>>
    %dma_start3A_224 = arith.constant 0 : i32
    %dma_start3A_225 = arith.constant 0 : i32
    %dma_start3A_226 = tpu.memref_slice %arg4[%dma_start3A_224, %add3A_220, %dma_start3A_225] : memref<4x4096x1024xf32, #tpu.memory_space<hbm>> -> memref<4x8x1024xf32, #tpu.memory_space<hbm>>
    tpu.enqueue_dma source(%arg6 : memref<4x8x1024xf32, #tpu.memory_space<vmem>>) target(%dma_start3A_226 : memref<4x8x1024xf32, #tpu.memory_space<hbm>>) target_semaphore(%arg14 : memref<!tpu.dma_semaphore, #tpu.memory_space<semaphore_mem>>)
    %dma_wait3A_227 = arith.constant 0 : i32
    %dma_wait3A_228 = arith.constant 0 : i32
    %dma_wait3A_229 = tpu.memref_slice %arg4[%dma_wait3A_227, %add3A_175, %dma_wait3A_228] : memref<4x4096x1024xf32, #tpu.memory_space<hbm>> -> memref<4x8x1024xf32, #tpu.memory_space<hbm>>
    %dma_wait3A_230 = arith.constant 0 : i32
    %dma_wait3A_231 = arith.constant 0 : i32
    %dma_wait3A_232 = tpu.memref_slice %arg4[%dma_wait3A_230, %add3A_175, %dma_wait3A_231] : memref<4x4096x1024xf32, #tpu.memory_space<hbm>> -> memref<4x8x1024xf32, #tpu.memory_space<hbm>>
    tpu.wait_dma2 semaphore(%arg13 : memref<!tpu.dma_semaphore, #tpu.memory_space<semaphore_mem>>) src(%arg5 : memref<4x8x1024xf32, #tpu.memory_space<vmem>>) dst(%dma_wait3A_232 : memref<4x8x1024xf32, #tpu.memory_space<hbm>>)
    %add3A_233 = arith.constant 48 : i32
    %add3A_234 = arith.addi %mul3A_2, %add3A_233 : i32
    %dma_start3A_235 = arith.constant 0 : i32
    %dma_start3A_236 = arith.constant 0 : i32
    %dma_start3A_237 = tpu.memref_slice %arg2[%dma_start3A_235, %add3A_234, %dma_start3A_236] : memref<4x4096x1024xf32, #tpu.memory_space<hbm>> -> memref<4x8x1024xf32, #tpu.memory_space<hbm>>
    %dma_start3A_238 = arith.constant 0 : i32
    %dma_start3A_239 = arith.constant 0 : i32
    %dma_start3A_240 = tpu.memref_slice %arg2[%dma_start3A_238, %add3A_234, %dma_start3A_239] : memref<4x4096x1024xf32, #tpu.memory_space<hbm>> -> memref<4x8x1024xf32, #tpu.memory_space<hbm>>
    tpu.enqueue_dma source(%dma_start3A_240 : memref<4x8x1024xf32, #tpu.memory_space<hbm>>) target(%arg5 : memref<4x8x1024xf32, #tpu.memory_space<vmem>>) target_semaphore(%arg10 : memref<!tpu.dma_semaphore, #tpu.memory_space<semaphore_mem>>)
    %dma_wait3A_241 = arith.constant 0 : i32
    %dma_wait3A_242 = tpu.memref_slice %arg3[%add3A_201, %dma_wait3A_241] : memref<8192x1024xf32, #tpu.memory_space<hbm>> -> memref<8x1024xf32, #tpu.memory_space<hbm>>
    %dma_wait3A_243 = arith.constant 0 : i32
    %dma_wait3A_244 = tpu.memref_slice %arg3[%add3A_201, %dma_wait3A_243] : memref<8192x1024xf32, #tpu.memory_space<hbm>> -> memref<8x1024xf32, #tpu.memory_space<hbm>>
    tpu.wait_dma2 semaphore(%arg17 : memref<!tpu.dma_semaphore, #tpu.memory_space<semaphore_mem>>) src(%dma_wait3A_244 : memref<8x1024xf32, #tpu.memory_space<hbm>>) dst(%arg9 : memref<8x1024xf32, #tpu.memory_space<vmem>>)
    %add3A_245 = arith.constant 48 : i32
    %add3A_246 = arith.addi %mul3A_2, %add3A_245 : i32
    %dma_start3A_247 = arith.constant 0 : i32
    %dma_start3A_248 = tpu.memref_slice %arg3[%add3A_246, %dma_start3A_247] : memref<8192x1024xf32, #tpu.memory_space<hbm>> -> memref<8x1024xf32, #tpu.memory_space<hbm>>
    %dma_start3A_249 = arith.constant 0 : i32
    %dma_start3A_250 = tpu.memref_slice %arg3[%add3A_246, %dma_start3A_249] : memref<8192x1024xf32, #tpu.memory_space<hbm>> -> memref<8x1024xf32, #tpu.memory_space<hbm>>
    tpu.enqueue_dma source(%dma_start3A_250 : memref<8x1024xf32, #tpu.memory_space<hbm>>) target(%arg8 : memref<8x1024xf32, #tpu.memory_space<vmem>>) target_semaphore(%arg16 : memref<!tpu.dma_semaphore, #tpu.memory_space<semaphore_mem>>)
    %dma_wait3A_251 = arith.constant 0 : i32
    %dma_wait3A_252 = arith.constant 0 : i32
    %dma_wait3A_253 = tpu.memref_slice %arg2[%dma_wait3A_251, %add3A_189, %dma_wait3A_252] : memref<4x4096x1024xf32, #tpu.memory_space<hbm>> -> memref<4x8x1024xf32, #tpu.memory_space<hbm>>
    %dma_wait3A_254 = arith.constant 0 : i32
    %dma_wait3A_255 = arith.constant 0 : i32
    %dma_wait3A_256 = tpu.memref_slice %arg2[%dma_wait3A_254, %add3A_189, %dma_wait3A_255] : memref<4x4096x1024xf32, #tpu.memory_space<hbm>> -> memref<4x8x1024xf32, #tpu.memory_space<hbm>>
    tpu.wait_dma2 semaphore(%arg12 : memref<!tpu.dma_semaphore, #tpu.memory_space<semaphore_mem>>) src(%dma_wait3A_256 : memref<4x8x1024xf32, #tpu.memory_space<hbm>>) dst(%arg7 : memref<4x8x1024xf32, #tpu.memory_space<vmem>>)
    %scan3A_257 = arith.constant 0 : i32
    %scan3A_258 = arith.constant 0 : i32
    %scan3A_259 = arith.constant 256 : i32
    %scan3A_260 = arith.addi %scan3A_258, %scan3A_259 : i32
    %scan3A_261 = arith.constant 1 : i32
    %scan3A_262 = scf.for %scan3A_720 = %scan3A_258 to %scan3A_260 step %scan3A_261 iter_args(%scan3A_721 = %scan3A_257) -> (i32)  : i32 {
      %shift_right_arithmetic3A = arith.constant 6 : i32
      %shift_right_arithmetic3A_722 = arith.shrsi %scan3A_720, %shift_right_arithmetic3A : i32
      %shift_right_arithmetic3A_723 = arith.constant 3 : i32
      %shift_right_arithmetic3A_724 = arith.shrsi %scan3A_720, %shift_right_arithmetic3A_723 : i32
      %and3A = arith.constant 7 : i32
      %and3A_725 = arith.andi %shift_right_arithmetic3A_724, %and3A : i32
      %and3A_726 = arith.constant 7 : i32
      %and3A_727 = arith.andi %scan3A_720, %and3A_726 : i32
      %mul3A_728 = arith.constant 128 : i32
      %mul3A_729 = arith.muli %and3A_727, %mul3A_728 : i32
      %add3A_730 = arith.constant 0 : i32
      %add3A_731 = arith.addi %mul3A_729, %add3A_730 : i32
      %add3A_732 = arith.constant 16 : i32
      %add3A_733 = arith.addi %mul3A_729, %add3A_732 : i32
      %add3A_734 = arith.constant 32 : i32
      %add3A_735 = arith.addi %mul3A_729, %add3A_734 : i32
      %add3A_736 = arith.constant 48 : i32
      %add3A_737 = arith.addi %mul3A_729, %add3A_736 : i32
      %add3A_738 = arith.constant 64 : i32
      %add3A_739 = arith.addi %mul3A_729, %add3A_738 : i32
      %add3A_740 = arith.constant 80 : i32
      %add3A_741 = arith.addi %mul3A_729, %add3A_740 : i32
      %add3A_742 = arith.constant 96 : i32
      %add3A_743 = arith.addi %mul3A_729, %add3A_742 : i32
      %add3A_744 = arith.constant 112 : i32
      %add3A_745 = arith.addi %mul3A_729, %add3A_744 : i32
      %get3A = arith.index_cast %and3A_725 : i32 to index
      %get3A_746 = arith.index_cast %add3A_731 : i32 to index
      %get3A_747 = tpu.vector_load %arg9[%get3A, %get3A_746] {strides = array<i32>} : memref<8x1024xf32, #tpu.memory_space<vmem>>, vector<1x16xf32>,
      %get3A_748 = vector.shape_cast %get3A_747 : vector<1x16xf32> to vector<16xf32>
      %get3A_749 = arith.index_cast %and3A_725 : i32 to index
      %get3A_750 = arith.index_cast %add3A_733 : i32 to index
      %get3A_751 = tpu.vector_load %arg9[%get3A_749, %get3A_750] {strides = array<i32>} : memref<8x1024xf32, #tpu.memory_space<vmem>>, vector<1x16xf32>,
      %get3A_752 = vector.shape_cast %get3A_751 : vector<1x16xf32> to vector<16xf32>
      %get3A_753 = arith.index_cast %and3A_725 : i32 to index
      %get3A_754 = arith.index_cast %add3A_735 : i32 to index
      %get3A_755 = tpu.vector_load %arg9[%get3A_753, %get3A_754] {strides = array<i32>} : memref<8x1024xf32, #tpu.memory_space<vmem>>, vector<1x16xf32>,
      %get3A_756 = vector.shape_cast %get3A_755 : vector<1x16xf32> to vector<16xf32>
      %get3A_757 = arith.index_cast %and3A_725 : i32 to index
      %get3A_758 = arith.index_cast %add3A_737 : i32 to index
      %get3A_759 = tpu.vector_load %arg9[%get3A_757, %get3A_758] {strides = array<i32>} : memref<8x1024xf32, #tpu.memory_space<vmem>>, vector<1x16xf32>,
      %get3A_760 = vector.shape_cast %get3A_759 : vector<1x16xf32> to vector<16xf32>
      %get3A_761 = arith.index_cast %and3A_725 : i32 to index
      %get3A_762 = arith.index_cast %add3A_739 : i32 to index
      %get3A_763 = tpu.vector_load %arg9[%get3A_761, %get3A_762] {strides = array<i32>} : memref<8x1024xf32, #tpu.memory_space<vmem>>, vector<1x16xf32>,
      %get3A_764 = vector.shape_cast %get3A_763 : vector<1x16xf32> to vector<16xf32>
      %get3A_765 = arith.index_cast %and3A_725 : i32 to index
      %get3A_766 = arith.index_cast %add3A_741 : i32 to index
      %get3A_767 = tpu.vector_load %arg9[%get3A_765, %get3A_766] {strides = array<i32>} : memref<8x1024xf32, #tpu.memory_space<vmem>>, vector<1x16xf32>,
      %get3A_768 = vector.shape_cast %get3A_767 : vector<1x16xf32> to vector<16xf32>
      %get3A_769 = arith.index_cast %and3A_725 : i32 to index
      %get3A_770 = arith.index_cast %add3A_743 : i32 to index
      %get3A_771 = tpu.vector_load %arg9[%get3A_769, %get3A_770] {strides = array<i32>} : memref<8x1024xf32, #tpu.memory_space<vmem>>, vector<1x16xf32>,
      %get3A_772 = vector.shape_cast %get3A_771 : vector<1x16xf32> to vector<16xf32>
      %get3A_773 = arith.index_cast %and3A_725 : i32 to index
      %get3A_774 = arith.index_cast %add3A_745 : i32 to index
      %get3A_775 = tpu.vector_load %arg9[%get3A_773, %get3A_774] {strides = array<i32>} : memref<8x1024xf32, #tpu.memory_space<vmem>>, vector<1x16xf32>,
      %get3A_776 = vector.shape_cast %get3A_775 : vector<1x16xf32> to vector<16xf32>
      %swap3A = arith.index_cast %shift_right_arithmetic3A_722 : i32 to index
      %swap3A_777 = arith.index_cast %and3A_725 : i32 to index
      %swap3A_778 = arith.index_cast %add3A_731 : i32 to index
      %swap3A_779 = tpu.vector_load %arg7[%swap3A, %swap3A_777, %swap3A_778] {strides = array<i32>} : memref<4x8x1024xf32, #tpu.memory_space<vmem>>, vector<1x1x16xf32>,
      %swap3A_780 = vector.shape_cast %swap3A_779 : vector<1x1x16xf32> to vector<16xf32>
      %swap3A_781 = vector.shape_cast %get3A_748 : vector<16xf32> to vector<1x1x16xf32>
      tpu.vector_store %arg7[%swap3A, %swap3A_777, %swap3A_778], %swap3A_781 {add = true, strides = array<i32>} : memref<4x8x1024xf32, #tpu.memory_space<vmem>>, vector<1x1x16xf32>,
      %swap3A_782 = arith.index_cast %shift_right_arithmetic3A_722 : i32 to index
      %swap3A_783 = arith.index_cast %and3A_725 : i32 to index
      %swap3A_784 = arith.index_cast %add3A_733 : i32 to index
      %swap3A_785 = tpu.vector_load %arg7[%swap3A_782, %swap3A_783, %swap3A_784] {strides = array<i32>} : memref<4x8x1024xf32, #tpu.memory_space<vmem>>, vector<1x1x16xf32>,
      %swap3A_786 = vector.shape_cast %swap3A_785 : vector<1x1x16xf32> to vector<16xf32>
      %swap3A_787 = vector.shape_cast %get3A_752 : vector<16xf32> to vector<1x1x16xf32>
      tpu.vector_store %arg7[%swap3A_782, %swap3A_783, %swap3A_784], %swap3A_787 {add = true, strides = array<i32>} : memref<4x8x1024xf32, #tpu.memory_space<vmem>>, vector<1x1x16xf32>,
      %swap3A_788 = arith.index_cast %shift_right_arithmetic3A_722 : i32 to index
      %swap3A_789 = arith.index_cast %and3A_725 : i32 to index
      %swap3A_790 = arith.index_cast %add3A_735 : i32 to index
      %swap3A_791 = tpu.vector_load %arg7[%swap3A_788, %swap3A_789, %swap3A_790] {strides = array<i32>} : memref<4x8x1024xf32, #tpu.memory_space<vmem>>, vector<1x1x16xf32>,
      %swap3A_792 = vector.shape_cast %swap3A_791 : vector<1x1x16xf32> to vector<16xf32>
      %swap3A_793 = vector.shape_cast %get3A_756 : vector<16xf32> to vector<1x1x16xf32>
      tpu.vector_store %arg7[%swap3A_788, %swap3A_789, %swap3A_790], %swap3A_793 {add = true, strides = array<i32>} : memref<4x8x1024xf32, #tpu.memory_space<vmem>>, vector<1x1x16xf32>,
      %swap3A_794 = arith.index_cast %shift_right_arithmetic3A_722 : i32 to index
      %swap3A_795 = arith.index_cast %and3A_725 : i32 to index
      %swap3A_796 = arith.index_cast %add3A_737 : i32 to index
      %swap3A_797 = tpu.vector_load %arg7[%swap3A_794, %swap3A_795, %swap3A_796] {strides = array<i32>} : memref<4x8x1024xf32, #tpu.memory_space<vmem>>, vector<1x1x16xf32>,
      %swap3A_798 = vector.shape_cast %swap3A_797 : vector<1x1x16xf32> to vector<16xf32>
      %swap3A_799 = vector.shape_cast %get3A_760 : vector<16xf32> to vector<1x1x16xf32>
      tpu.vector_store %arg7[%swap3A_794, %swap3A_795, %swap3A_796], %swap3A_799 {add = true, strides = array<i32>} : memref<4x8x1024xf32, #tpu.memory_space<vmem>>, vector<1x1x16xf32>,
      %swap3A_800 = arith.index_cast %shift_right_arithmetic3A_722 : i32 to index
      %swap3A_801 = arith.index_cast %and3A_725 : i32 to index
      %swap3A_802 = arith.index_cast %add3A_739 : i32 to index
      %swap3A_803 = tpu.vector_load %arg7[%swap3A_800, %swap3A_801, %swap3A_802] {strides = array<i32>} : memref<4x8x1024xf32, #tpu.memory_space<vmem>>, vector<1x1x16xf32>,
      %swap3A_804 = vector.shape_cast %swap3A_803 : vector<1x1x16xf32> to vector<16xf32>
      %swap3A_805 = vector.shape_cast %get3A_764 : vector<16xf32> to vector<1x1x16xf32>
      tpu.vector_store %arg7[%swap3A_800, %swap3A_801, %swap3A_802], %swap3A_805 {add = true, strides = array<i32>} : memref<4x8x1024xf32, #tpu.memory_space<vmem>>, vector<1x1x16xf32>,
      %swap3A_806 = arith.index_cast %shift_right_arithmetic3A_722 : i32 to index
      %swap3A_807 = arith.index_cast %and3A_725 : i32 to index
      %swap3A_808 = arith.index_cast %add3A_741 : i32 to index
      %swap3A_809 = tpu.vector_load %arg7[%swap3A_806, %swap3A_807, %swap3A_808] {strides = array<i32>} : memref<4x8x1024xf32, #tpu.memory_space<vmem>>, vector<1x1x16xf32>,
      %swap3A_810 = vector.shape_cast %swap3A_809 : vector<1x1x16xf32> to vector<16xf32>
      %swap3A_811 = vector.shape_cast %get3A_768 : vector<16xf32> to vector<1x1x16xf32>
      tpu.vector_store %arg7[%swap3A_806, %swap3A_807, %swap3A_808], %swap3A_811 {add = true, strides = array<i32>} : memref<4x8x1024xf32, #tpu.memory_space<vmem>>, vector<1x1x16xf32>,
      %swap3A_812 = arith.index_cast %shift_right_arithmetic3A_722 : i32 to index
      %swap3A_813 = arith.index_cast %and3A_725 : i32 to index
      %swap3A_814 = arith.index_cast %add3A_743 : i32 to index
      %swap3A_815 = tpu.vector_load %arg7[%swap3A_812, %swap3A_813, %swap3A_814] {strides = array<i32>} : memref<4x8x1024xf32, #tpu.memory_space<vmem>>, vector<1x1x16xf32>,
      %swap3A_816 = vector.shape_cast %swap3A_815 : vector<1x1x16xf32> to vector<16xf32>
      %swap3A_817 = vector.shape_cast %get3A_772 : vector<16xf32> to vector<1x1x16xf32>
      tpu.vector_store %arg7[%swap3A_812, %swap3A_813, %swap3A_814], %swap3A_817 {add = true, strides = array<i32>} : memref<4x8x1024xf32, #tpu.memory_space<vmem>>, vector<1x1x16xf32>,
      %swap3A_818 = arith.index_cast %shift_right_arithmetic3A_722 : i32 to index
      %swap3A_819 = arith.index_cast %and3A_725 : i32 to index
      %swap3A_820 = arith.index_cast %add3A_745 : i32 to index
      %swap3A_821 = tpu.vector_load %arg7[%swap3A_818, %swap3A_819, %swap3A_820] {strides = array<i32>} : memref<4x8x1024xf32, #tpu.memory_space<vmem>>, vector<1x1x16xf32>,
      %swap3A_822 = vector.shape_cast %swap3A_821 : vector<1x1x16xf32> to vector<16xf32>
      %swap3A_823 = vector.shape_cast %get3A_776 : vector<16xf32> to vector<1x1x16xf32>
      tpu.vector_store %arg7[%swap3A_818, %swap3A_819, %swap3A_820], %swap3A_823 {add = true, strides = array<i32>} : memref<4x8x1024xf32, #tpu.memory_space<vmem>>, vector<1x1x16xf32>,
      %scan3A_824 = arith.constant 0 : i32
      scf.yield %scan3A_824 : i32
    }
    %scan3A_263 = arith.constant 256 : i32
    %add3A_264 = arith.constant 40 : i32
    %add3A_265 = arith.addi %mul3A_2, %add3A_264 : i32
    %dma_start3A_266 = arith.constant 0 : i32
    %dma_start3A_267 = arith.constant 0 : i32
    %dma_start3A_268 = tpu.memref_slice %arg4[%dma_start3A_266, %add3A_265, %dma_start3A_267] : memref<4x4096x1024xf32, #tpu.memory_space<hbm>> -> memref<4x8x1024xf32, #tpu.memory_space<hbm>>
    %dma_start3A_269 = arith.constant 0 : i32
    %dma_start3A_270 = arith.constant 0 : i32
    %dma_start3A_271 = tpu.memref_slice %arg4[%dma_start3A_269, %add3A_265, %dma_start3A_270] : memref<4x4096x1024xf32, #tpu.memory_space<hbm>> -> memref<4x8x1024xf32, #tpu.memory_space<hbm>>
    tpu.enqueue_dma source(%arg7 : memref<4x8x1024xf32, #tpu.memory_space<vmem>>) target(%dma_start3A_271 : memref<4x8x1024xf32, #tpu.memory_space<hbm>>) target_semaphore(%arg15 : memref<!tpu.dma_semaphore, #tpu.memory_space<semaphore_mem>>)
    %dma_wait3A_272 = arith.constant 0 : i32
    %dma_wait3A_273 = arith.constant 0 : i32
    %dma_wait3A_274 = tpu.memref_slice %arg4[%dma_wait3A_272, %add3A_220, %dma_wait3A_273] : memref<4x4096x1024xf32, #tpu.memory_space<hbm>> -> memref<4x8x1024xf32, #tpu.memory_space<hbm>>
    %dma_wait3A_275 = arith.constant 0 : i32
    %dma_wait3A_276 = arith.constant 0 : i32
    %dma_wait3A_277 = tpu.memref_slice %arg4[%dma_wait3A_275, %add3A_220, %dma_wait3A_276] : memref<4x4096x1024xf32, #tpu.memory_space<hbm>> -> memref<4x8x1024xf32, #tpu.memory_space<hbm>>
    tpu.wait_dma2 semaphore(%arg14 : memref<!tpu.dma_semaphore, #tpu.memory_space<semaphore_mem>>) src(%arg6 : memref<4x8x1024xf32, #tpu.memory_space<vmem>>) dst(%dma_wait3A_277 : memref<4x8x1024xf32, #tpu.memory_space<hbm>>)
    %add3A_278 = arith.constant 56 : i32
    %add3A_279 = arith.addi %mul3A_2, %add3A_278 : i32
    %dma_start3A_280 = arith.constant 0 : i32
    %dma_start3A_281 = arith.constant 0 : i32
    %dma_start3A_282 = tpu.memref_slice %arg2[%dma_start3A_280, %add3A_279, %dma_start3A_281] : memref<4x4096x1024xf32, #tpu.memory_space<hbm>> -> memref<4x8x1024xf32, #tpu.memory_space<hbm>>
    %dma_start3A_283 = arith.constant 0 : i32
    %dma_start3A_284 = arith.constant 0 : i32
    %dma_start3A_285 = tpu.memref_slice %arg2[%dma_start3A_283, %add3A_279, %dma_start3A_284] : memref<4x4096x1024xf32, #tpu.memory_space<hbm>> -> memref<4x8x1024xf32, #tpu.memory_space<hbm>>
    tpu.enqueue_dma source(%dma_start3A_285 : memref<4x8x1024xf32, #tpu.memory_space<hbm>>) target(%arg6 : memref<4x8x1024xf32, #tpu.memory_space<vmem>>) target_semaphore(%arg11 : memref<!tpu.dma_semaphore, #tpu.memory_space<semaphore_mem>>)
    %dma_wait3A_286 = arith.constant 0 : i32
    %dma_wait3A_287 = tpu.memref_slice %arg3[%add3A_246, %dma_wait3A_286] : memref<8192x1024xf32, #tpu.memory_space<hbm>> -> memref<8x1024xf32, #tpu.memory_space<hbm>>
    %dma_wait3A_288 = arith.constant 0 : i32
    %dma_wait3A_289 = tpu.memref_slice %arg3[%add3A_246, %dma_wait3A_288] : memref<8192x1024xf32, #tpu.memory_space<hbm>> -> memref<8x1024xf32, #tpu.memory_space<hbm>>
    tpu.wait_dma2 semaphore(%arg16 : memref<!tpu.dma_semaphore, #tpu.memory_space<semaphore_mem>>) src(%dma_wait3A_289 : memref<8x1024xf32, #tpu.memory_space<hbm>>) dst(%arg8 : memref<8x1024xf32, #tpu.memory_space<vmem>>)
    %add3A_290 = arith.constant 56 : i32
    %add3A_291 = arith.addi %mul3A_2, %add3A_290 : i32
    %dma_start3A_292 = arith.constant 0 : i32
    %dma_start3A_293 = tpu.memref_slice %arg3[%add3A_291, %dma_start3A_292] : memref<8192x1024xf32, #tpu.memory_space<hbm>> -> memref<8x1024xf32, #tpu.memory_space<hbm>>
    %dma_start3A_294 = arith.constant 0 : i32
    %dma_start3A_295 = tpu.memref_slice %arg3[%add3A_291, %dma_start3A_294] : memref<8192x1024xf32, #tpu.memory_space<hbm>> -> memref<8x1024xf32, #tpu.memory_space<hbm>>
    tpu.enqueue_dma source(%dma_start3A_295 : memref<8x1024xf32, #tpu.memory_space<hbm>>) target(%arg9 : memref<8x1024xf32, #tpu.memory_space<vmem>>) target_semaphore(%arg17 : memref<!tpu.dma_semaphore, #tpu.memory_space<semaphore_mem>>)
    %dma_wait3A_296 = arith.constant 0 : i32
    %dma_wait3A_297 = arith.constant 0 : i32
    %dma_wait3A_298 = tpu.memref_slice %arg2[%dma_wait3A_296, %add3A_234, %dma_wait3A_297] : memref<4x4096x1024xf32, #tpu.memory_space<hbm>> -> memref<4x8x1024xf32, #tpu.memory_space<hbm>>
    %dma_wait3A_299 = arith.constant 0 : i32
    %dma_wait3A_300 = arith.constant 0 : i32
    %dma_wait3A_301 = tpu.memref_slice %arg2[%dma_wait3A_299, %add3A_234, %dma_wait3A_300] : memref<4x4096x1024xf32, #tpu.memory_space<hbm>> -> memref<4x8x1024xf32, #tpu.memory_space<hbm>>
    tpu.wait_dma2 semaphore(%arg10 : memref<!tpu.dma_semaphore, #tpu.memory_space<semaphore_mem>>) src(%dma_wait3A_301 : memref<4x8x1024xf32, #tpu.memory_space<hbm>>) dst(%arg5 : memref<4x8x1024xf32, #tpu.memory_space<vmem>>)
    %scan3A_302 = arith.constant 0 : i32
    %scan3A_303 = arith.constant 0 : i32
    %scan3A_304 = arith.constant 256 : i32
    %scan3A_305 = arith.addi %scan3A_303, %scan3A_304 : i32
    %scan3A_306 = arith.constant 1 : i32
    %scan3A_307 = scf.for %scan3A_720 = %scan3A_303 to %scan3A_305 step %scan3A_306 iter_args(%scan3A_721 = %scan3A_302) -> (i32)  : i32 {
      %shift_right_arithmetic3A = arith.constant 6 : i32
      %shift_right_arithmetic3A_722 = arith.shrsi %scan3A_720, %shift_right_arithmetic3A : i32
      %shift_right_arithmetic3A_723 = arith.constant 3 : i32
      %shift_right_arithmetic3A_724 = arith.shrsi %scan3A_720, %shift_right_arithmetic3A_723 : i32
      %and3A = arith.constant 7 : i32
      %and3A_725 = arith.andi %shift_right_arithmetic3A_724, %and3A : i32
      %and3A_726 = arith.constant 7 : i32
      %and3A_727 = arith.andi %scan3A_720, %and3A_726 : i32
      %mul3A_728 = arith.constant 128 : i32
      %mul3A_729 = arith.muli %and3A_727, %mul3A_728 : i32
      %add3A_730 = arith.constant 0 : i32
      %add3A_731 = arith.addi %mul3A_729, %add3A_730 : i32
      %add3A_732 = arith.constant 16 : i32
      %add3A_733 = arith.addi %mul3A_729, %add3A_732 : i32
      %add3A_734 = arith.constant 32 : i32
      %add3A_735 = arith.addi %mul3A_729, %add3A_734 : i32
      %add3A_736 = arith.constant 48 : i32
      %add3A_737 = arith.addi %mul3A_729, %add3A_736 : i32
      %add3A_738 = arith.constant 64 : i32
      %add3A_739 = arith.addi %mul3A_729, %add3A_738 : i32
      %add3A_740 = arith.constant 80 : i32
      %add3A_741 = arith.addi %mul3A_729, %add3A_740 : i32
      %add3A_742 = arith.constant 96 : i32
      %add3A_743 = arith.addi %mul3A_729, %add3A_742 : i32
      %add3A_744 = arith.constant 112 : i32
      %add3A_745 = arith.addi %mul3A_729, %add3A_744 : i32
      %get3A = arith.index_cast %and3A_725 : i32 to index
      %get3A_746 = arith.index_cast %add3A_731 : i32 to index
      %get3A_747 = tpu.vector_load %arg8[%get3A, %get3A_746] {strides = array<i32>} : memref<8x1024xf32, #tpu.memory_space<vmem>>, vector<1x16xf32>,
      %get3A_748 = vector.shape_cast %get3A_747 : vector<1x16xf32> to vector<16xf32>
      %get3A_749 = arith.index_cast %and3A_725 : i32 to index
      %get3A_750 = arith.index_cast %add3A_733 : i32 to index
      %get3A_751 = tpu.vector_load %arg8[%get3A_749, %get3A_750] {strides = array<i32>} : memref<8x1024xf32, #tpu.memory_space<vmem>>, vector<1x16xf32>,
      %get3A_752 = vector.shape_cast %get3A_751 : vector<1x16xf32> to vector<16xf32>
      %get3A_753 = arith.index_cast %and3A_725 : i32 to index
      %get3A_754 = arith.index_cast %add3A_735 : i32 to index
      %get3A_755 = tpu.vector_load %arg8[%get3A_753, %get3A_754] {strides = array<i32>} : memref<8x1024xf32, #tpu.memory_space<vmem>>, vector<1x16xf32>,
      %get3A_756 = vector.shape_cast %get3A_755 : vector<1x16xf32> to vector<16xf32>
      %get3A_757 = arith.index_cast %and3A_725 : i32 to index
      %get3A_758 = arith.index_cast %add3A_737 : i32 to index
      %get3A_759 = tpu.vector_load %arg8[%get3A_757, %get3A_758] {strides = array<i32>} : memref<8x1024xf32, #tpu.memory_space<vmem>>, vector<1x16xf32>,
      %get3A_760 = vector.shape_cast %get3A_759 : vector<1x16xf32> to vector<16xf32>
      %get3A_761 = arith.index_cast %and3A_725 : i32 to index
      %get3A_762 = arith.index_cast %add3A_739 : i32 to index
      %get3A_763 = tpu.vector_load %arg8[%get3A_761, %get3A_762] {strides = array<i32>} : memref<8x1024xf32, #tpu.memory_space<vmem>>, vector<1x16xf32>,
      %get3A_764 = vector.shape_cast %get3A_763 : vector<1x16xf32> to vector<16xf32>
      %get3A_765 = arith.index_cast %and3A_725 : i32 to index
      %get3A_766 = arith.index_cast %add3A_741 : i32 to index
      %get3A_767 = tpu.vector_load %arg8[%get3A_765, %get3A_766] {strides = array<i32>} : memref<8x1024xf32, #tpu.memory_space<vmem>>, vector<1x16xf32>,
      %get3A_768 = vector.shape_cast %get3A_767 : vector<1x16xf32> to vector<16xf32>
      %get3A_769 = arith.index_cast %and3A_725 : i32 to index
      %get3A_770 = arith.index_cast %add3A_743 : i32 to index
      %get3A_771 = tpu.vector_load %arg8[%get3A_769, %get3A_770] {strides = array<i32>} : memref<8x1024xf32, #tpu.memory_space<vmem>>, vector<1x16xf32>,
      %get3A_772 = vector.shape_cast %get3A_771 : vector<1x16xf32> to vector<16xf32>
      %get3A_773 = arith.index_cast %and3A_725 : i32 to index
      %get3A_774 = arith.index_cast %add3A_745 : i32 to index
      %get3A_775 = tpu.vector_load %arg8[%get3A_773, %get3A_774] {strides = array<i32>} : memref<8x1024xf32, #tpu.memory_space<vmem>>, vector<1x16xf32>,
      %get3A_776 = vector.shape_cast %get3A_775 : vector<1x16xf32> to vector<16xf32>
      %swap3A = arith.index_cast %shift_right_arithmetic3A_722 : i32 to index
      %swap3A_777 = arith.index_cast %and3A_725 : i32 to index
      %swap3A_778 = arith.index_cast %add3A_731 : i32 to index
      %swap3A_779 = tpu.vector_load %arg5[%swap3A, %swap3A_777, %swap3A_778] {strides = array<i32>} : memref<4x8x1024xf32, #tpu.memory_space<vmem>>, vector<1x1x16xf32>,
      %swap3A_780 = vector.shape_cast %swap3A_779 : vector<1x1x16xf32> to vector<16xf32>
      %swap3A_781 = vector.shape_cast %get3A_748 : vector<16xf32> to vector<1x1x16xf32>
      tpu.vector_store %arg5[%swap3A, %swap3A_777, %swap3A_778], %swap3A_781 {add = true, strides = array<i32>} : memref<4x8x1024xf32, #tpu.memory_space<vmem>>, vector<1x1x16xf32>,
      %swap3A_782 = arith.index_cast %shift_right_arithmetic3A_722 : i32 to index
      %swap3A_783 = arith.index_cast %and3A_725 : i32 to index
      %swap3A_784 = arith.index_cast %add3A_733 : i32 to index
      %swap3A_785 = tpu.vector_load %arg5[%swap3A_782, %swap3A_783, %swap3A_784] {strides = array<i32>} : memref<4x8x1024xf32, #tpu.memory_space<vmem>>, vector<1x1x16xf32>,
      %swap3A_786 = vector.shape_cast %swap3A_785 : vector<1x1x16xf32> to vector<16xf32>
      %swap3A_787 = vector.shape_cast %get3A_752 : vector<16xf32> to vector<1x1x16xf32>
      tpu.vector_store %arg5[%swap3A_782, %swap3A_783, %swap3A_784], %swap3A_787 {add = true, strides = array<i32>} : memref<4x8x1024xf32, #tpu.memory_space<vmem>>, vector<1x1x16xf32>,
      %swap3A_788 = arith.index_cast %shift_right_arithmetic3A_722 : i32 to index
      %swap3A_789 = arith.index_cast %and3A_725 : i32 to index
      %swap3A_790 = arith.index_cast %add3A_735 : i32 to index
      %swap3A_791 = tpu.vector_load %arg5[%swap3A_788, %swap3A_789, %swap3A_790] {strides = array<i32>} : memref<4x8x1024xf32, #tpu.memory_space<vmem>>, vector<1x1x16xf32>,
      %swap3A_792 = vector.shape_cast %swap3A_791 : vector<1x1x16xf32> to vector<16xf32>
      %swap3A_793 = vector.shape_cast %get3A_756 : vector<16xf32> to vector<1x1x16xf32>
      tpu.vector_store %arg5[%swap3A_788, %swap3A_789, %swap3A_790], %swap3A_793 {add = true, strides = array<i32>} : memref<4x8x1024xf32, #tpu.memory_space<vmem>>, vector<1x1x16xf32>,
      %swap3A_794 = arith.index_cast %shift_right_arithmetic3A_722 : i32 to index
      %swap3A_795 = arith.index_cast %and3A_725 : i32 to index
      %swap3A_796 = arith.index_cast %add3A_737 : i32 to index
      %swap3A_797 = tpu.vector_load %arg5[%swap3A_794, %swap3A_795, %swap3A_796] {strides = array<i32>} : memref<4x8x1024xf32, #tpu.memory_space<vmem>>, vector<1x1x16xf32>,
      %swap3A_798 = vector.shape_cast %swap3A_797 : vector<1x1x16xf32> to vector<16xf32>
      %swap3A_799 = vector.shape_cast %get3A_760 : vector<16xf32> to vector<1x1x16xf32>
      tpu.vector_store %arg5[%swap3A_794, %swap3A_795, %swap3A_796], %swap3A_799 {add = true, strides = array<i32>} : memref<4x8x1024xf32, #tpu.memory_space<vmem>>, vector<1x1x16xf32>,
      %swap3A_800 = arith.index_cast %shift_right_arithmetic3A_722 : i32 to index
      %swap3A_801 = arith.index_cast %and3A_725 : i32 to index
      %swap3A_802 = arith.index_cast %add3A_739 : i32 to index
      %swap3A_803 = tpu.vector_load %arg5[%swap3A_800, %swap3A_801, %swap3A_802] {strides = array<i32>} : memref<4x8x1024xf32, #tpu.memory_space<vmem>>, vector<1x1x16xf32>,
      %swap3A_804 = vector.shape_cast %swap3A_803 : vector<1x1x16xf32> to vector<16xf32>
      %swap3A_805 = vector.shape_cast %get3A_764 : vector<16xf32> to vector<1x1x16xf32>
      tpu.vector_store %arg5[%swap3A_800, %swap3A_801, %swap3A_802], %swap3A_805 {add = true, strides = array<i32>} : memref<4x8x1024xf32, #tpu.memory_space<vmem>>, vector<1x1x16xf32>,
      %swap3A_806 = arith.index_cast %shift_right_arithmetic3A_722 : i32 to index
      %swap3A_807 = arith.index_cast %and3A_725 : i32 to index
      %swap3A_808 = arith.index_cast %add3A_741 : i32 to index
      %swap3A_809 = tpu.vector_load %arg5[%swap3A_806, %swap3A_807, %swap3A_808] {strides = array<i32>} : memref<4x8x1024xf32, #tpu.memory_space<vmem>>, vector<1x1x16xf32>,
      %swap3A_810 = vector.shape_cast %swap3A_809 : vector<1x1x16xf32> to vector<16xf32>
      %swap3A_811 = vector.shape_cast %get3A_768 : vector<16xf32> to vector<1x1x16xf32>
      tpu.vector_store %arg5[%swap3A_806, %swap3A_807, %swap3A_808], %swap3A_811 {add = true, strides = array<i32>} : memref<4x8x1024xf32, #tpu.memory_space<vmem>>, vector<1x1x16xf32>,
      %swap3A_812 = arith.index_cast %shift_right_arithmetic3A_722 : i32 to index
      %swap3A_813 = arith.index_cast %and3A_725 : i32 to index
      %swap3A_814 = arith.index_cast %add3A_743 : i32 to index
      %swap3A_815 = tpu.vector_load %arg5[%swap3A_812, %swap3A_813, %swap3A_814] {strides = array<i32>} : memref<4x8x1024xf32, #tpu.memory_space<vmem>>, vector<1x1x16xf32>,
      %swap3A_816 = vector.shape_cast %swap3A_815 : vector<1x1x16xf32> to vector<16xf32>
      %swap3A_817 = vector.shape_cast %get3A_772 : vector<16xf32> to vector<1x1x16xf32>
      tpu.vector_store %arg5[%swap3A_812, %swap3A_813, %swap3A_814], %swap3A_817 {add = true, strides = array<i32>} : memref<4x8x1024xf32, #tpu.memory_space<vmem>>, vector<1x1x16xf32>,
      %swap3A_818 = arith.index_cast %shift_right_arithmetic3A_722 : i32 to index
      %swap3A_819 = arith.index_cast %and3A_725 : i32 to index
      %swap3A_820 = arith.index_cast %add3A_745 : i32 to index
      %swap3A_821 = tpu.vector_load %arg5[%swap3A_818, %swap3A_819, %swap3A_820] {strides = array<i32>} : memref<4x8x1024xf32, #tpu.memory_space<vmem>>, vector<1x1x16xf32>,
      %swap3A_822 = vector.shape_cast %swap3A_821 : vector<1x1x16xf32> to vector<16xf32>
      %swap3A_823 = vector.shape_cast %get3A_776 : vector<16xf32> to vector<1x1x16xf32>
      tpu.vector_store %arg5[%swap3A_818, %swap3A_819, %swap3A_820], %swap3A_823 {add = true, strides = array<i32>} : memref<4x8x1024xf32, #tpu.memory_space<vmem>>, vector<1x1x16xf32>,
      %scan3A_824 = arith.constant 0 : i32
      scf.yield %scan3A_824 : i32
    }
    %scan3A_308 = arith.constant 256 : i32
    %add3A_309 = arith.constant 48 : i32
    %add3A_310 = arith.addi %mul3A_2, %add3A_309 : i32
    %dma_start3A_311 = arith.constant 0 : i32
    %dma_start3A_312 = arith.constant 0 : i32
    %dma_start3A_313 = tpu.memref_slice %arg4[%dma_start3A_311, %add3A_310, %dma_start3A_312] : memref<4x4096x1024xf32, #tpu.memory_space<hbm>> -> memref<4x8x1024xf32, #tpu.memory_space<hbm>>
    %dma_start3A_314 = arith.constant 0 : i32
    %dma_start3A_315 = arith.constant 0 : i32
    %dma_start3A_316 = tpu.memref_slice %arg4[%dma_start3A_314, %add3A_310, %dma_start3A_315] : memref<4x4096x1024xf32, #tpu.memory_space<hbm>> -> memref<4x8x1024xf32, #tpu.memory_space<hbm>>
    tpu.enqueue_dma source(%arg5 : memref<4x8x1024xf32, #tpu.memory_space<vmem>>) target(%dma_start3A_316 : memref<4x8x1024xf32, #tpu.memory_space<hbm>>) target_semaphore(%arg13 : memref<!tpu.dma_semaphore, #tpu.memory_space<semaphore_mem>>)
    %dma_wait3A_317 = arith.constant 0 : i32
    %dma_wait3A_318 = arith.constant 0 : i32
    %dma_wait3A_319 = tpu.memref_slice %arg4[%dma_wait3A_317, %add3A_265, %dma_wait3A_318] : memref<4x4096x1024xf32, #tpu.memory_space<hbm>> -> memref<4x8x1024xf32, #tpu.memory_space<hbm>>
    %dma_wait3A_320 = arith.constant 0 : i32
    %dma_wait3A_321 = arith.constant 0 : i32
    %dma_wait3A_322 = tpu.memref_slice %arg4[%dma_wait3A_320, %add3A_265, %dma_wait3A_321] : memref<4x4096x1024xf32, #tpu.memory_space<hbm>> -> memref<4x8x1024xf32, #tpu.memory_space<hbm>>
    tpu.wait_dma2 semaphore(%arg15 : memref<!tpu.dma_semaphore, #tpu.memory_space<semaphore_mem>>) src(%arg7 : memref<4x8x1024xf32, #tpu.memory_space<vmem>>) dst(%dma_wait3A_322 : memref<4x8x1024xf32, #tpu.memory_space<hbm>>)
    %add3A_323 = arith.constant 64 : i32
    %add3A_324 = arith.addi %mul3A_2, %add3A_323 : i32
    %dma_start3A_325 = arith.constant 0 : i32
    %dma_start3A_326 = arith.constant 0 : i32
    %dma_start3A_327 = tpu.memref_slice %arg2[%dma_start3A_325, %add3A_324, %dma_start3A_326] : memref<4x4096x1024xf32, #tpu.memory_space<hbm>> -> memref<4x8x1024xf32, #tpu.memory_space<hbm>>
    %dma_start3A_328 = arith.constant 0 : i32
    %dma_start3A_329 = arith.constant 0 : i32
    %dma_start3A_330 = tpu.memref_slice %arg2[%dma_start3A_328, %add3A_324, %dma_start3A_329] : memref<4x4096x1024xf32, #tpu.memory_space<hbm>> -> memref<4x8x1024xf32, #tpu.memory_space<hbm>>
    tpu.enqueue_dma source(%dma_start3A_330 : memref<4x8x1024xf32, #tpu.memory_space<hbm>>) target(%arg7 : memref<4x8x1024xf32, #tpu.memory_space<vmem>>) target_semaphore(%arg12 : memref<!tpu.dma_semaphore, #tpu.memory_space<semaphore_mem>>)
    %dma_wait3A_331 = arith.constant 0 : i32
    %dma_wait3A_332 = tpu.memref_slice %arg3[%add3A_291, %dma_wait3A_331] : memref<8192x1024xf32, #tpu.memory_space<hbm>> -> memref<8x1024xf32, #tpu.memory_space<hbm>>
    %dma_wait3A_333 = arith.constant 0 : i32
    %dma_wait3A_334 = tpu.memref_slice %arg3[%add3A_291, %dma_wait3A_333] : memref<8192x1024xf32, #tpu.memory_space<hbm>> -> memref<8x1024xf32, #tpu.memory_space<hbm>>
    tpu.wait_dma2 semaphore(%arg17 : memref<!tpu.dma_semaphore, #tpu.memory_space<semaphore_mem>>) src(%dma_wait3A_334 : memref<8x1024xf32, #tpu.memory_space<hbm>>) dst(%arg9 : memref<8x1024xf32, #tpu.memory_space<vmem>>)
    %add3A_335 = arith.constant 64 : i32
    %add3A_336 = arith.addi %mul3A_2, %add3A_335 : i32
    %dma_start3A_337 = arith.constant 0 : i32
    %dma_start3A_338 = tpu.memref_slice %arg3[%add3A_336, %dma_start3A_337] : memref<8192x1024xf32, #tpu.memory_space<hbm>> -> memref<8x1024xf32, #tpu.memory_space<hbm>>
    %dma_start3A_339 = arith.constant 0 : i32
    %dma_start3A_340 = tpu.memref_slice %arg3[%add3A_336, %dma_start3A_339] : memref<8192x1024xf32, #tpu.memory_space<hbm>> -> memref<8x1024xf32, #tpu.memory_space<hbm>>
    tpu.enqueue_dma source(%dma_start3A_340 : memref<8x1024xf32, #tpu.memory_space<hbm>>) target(%arg8 : memref<8x1024xf32, #tpu.memory_space<vmem>>) target_semaphore(%arg16 : memref<!tpu.dma_semaphore, #tpu.memory_space<semaphore_mem>>)
    %dma_wait3A_341 = arith.constant 0 : i32
    %dma_wait3A_342 = arith.constant 0 : i32
    %dma_wait3A_343 = tpu.memref_slice %arg2[%dma_wait3A_341, %add3A_279, %dma_wait3A_342] : memref<4x4096x1024xf32, #tpu.memory_space<hbm>> -> memref<4x8x1024xf32, #tpu.memory_space<hbm>>
    %dma_wait3A_344 = arith.constant 0 : i32
    %dma_wait3A_345 = arith.constant 0 : i32
    %dma_wait3A_346 = tpu.memref_slice %arg2[%dma_wait3A_344, %add3A_279, %dma_wait3A_345] : memref<4x4096x1024xf32, #tpu.memory_space<hbm>> -> memref<4x8x1024xf32, #tpu.memory_space<hbm>>
    tpu.wait_dma2 semaphore(%arg11 : memref<!tpu.dma_semaphore, #tpu.memory_space<semaphore_mem>>) src(%dma_wait3A_346 : memref<4x8x1024xf32, #tpu.memory_space<hbm>>) dst(%arg6 : memref<4x8x1024xf32, #tpu.memory_space<vmem>>)
    %scan3A_347 = arith.constant 0 : i32
    %scan3A_348 = arith.constant 0 : i32
    %scan3A_349 = arith.constant 256 : i32
    %scan3A_350 = arith.addi %scan3A_348, %scan3A_349 : i32
    %scan3A_351 = arith.constant 1 : i32
    %scan3A_352 = scf.for %scan3A_720 = %scan3A_348 to %scan3A_350 step %scan3A_351 iter_args(%scan3A_721 = %scan3A_347) -> (i32)  : i32 {
      %shift_right_arithmetic3A = arith.constant 6 : i32
      %shift_right_arithmetic3A_722 = arith.shrsi %scan3A_720, %shift_right_arithmetic3A : i32
      %shift_right_arithmetic3A_723 = arith.constant 3 : i32
      %shift_right_arithmetic3A_724 = arith.shrsi %scan3A_720, %shift_right_arithmetic3A_723 : i32
      %and3A = arith.constant 7 : i32
      %and3A_725 = arith.andi %shift_right_arithmetic3A_724, %and3A : i32
      %and3A_726 = arith.constant 7 : i32
      %and3A_727 = arith.andi %scan3A_720, %and3A_726 : i32
      %mul3A_728 = arith.constant 128 : i32
      %mul3A_729 = arith.muli %and3A_727, %mul3A_728 : i32
      %add3A_730 = arith.constant 0 : i32
      %add3A_731 = arith.addi %mul3A_729, %add3A_730 : i32
      %add3A_732 = arith.constant 16 : i32
      %add3A_733 = arith.addi %mul3A_729, %add3A_732 : i32
      %add3A_734 = arith.constant 32 : i32
      %add3A_735 = arith.addi %mul3A_729, %add3A_734 : i32
      %add3A_736 = arith.constant 48 : i32
      %add3A_737 = arith.addi %mul3A_729, %add3A_736 : i32
      %add3A_738 = arith.constant 64 : i32
      %add3A_739 = arith.addi %mul3A_729, %add3A_738 : i32
      %add3A_740 = arith.constant 80 : i32
      %add3A_741 = arith.addi %mul3A_729, %add3A_740 : i32
      %add3A_742 = arith.constant 96 : i32
      %add3A_743 = arith.addi %mul3A_729, %add3A_742 : i32
      %add3A_744 = arith.constant 112 : i32
      %add3A_745 = arith.addi %mul3A_729, %add3A_744 : i32
      %get3A = arith.index_cast %and3A_725 : i32 to index
      %get3A_746 = arith.index_cast %add3A_731 : i32 to index
      %get3A_747 = tpu.vector_load %arg9[%get3A, %get3A_746] {strides = array<i32>} : memref<8x1024xf32, #tpu.memory_space<vmem>>, vector<1x16xf32>,
      %get3A_748 = vector.shape_cast %get3A_747 : vector<1x16xf32> to vector<16xf32>
      %get3A_749 = arith.index_cast %and3A_725 : i32 to index
      %get3A_750 = arith.index_cast %add3A_733 : i32 to index
      %get3A_751 = tpu.vector_load %arg9[%get3A_749, %get3A_750] {strides = array<i32>} : memref<8x1024xf32, #tpu.memory_space<vmem>>, vector<1x16xf32>,
      %get3A_752 = vector.shape_cast %get3A_751 : vector<1x16xf32> to vector<16xf32>
      %get3A_753 = arith.index_cast %and3A_725 : i32 to index
      %get3A_754 = arith.index_cast %add3A_735 : i32 to index
      %get3A_755 = tpu.vector_load %arg9[%get3A_753, %get3A_754] {strides = array<i32>} : memref<8x1024xf32, #tpu.memory_space<vmem>>, vector<1x16xf32>,
      %get3A_756 = vector.shape_cast %get3A_755 : vector<1x16xf32> to vector<16xf32>
      %get3A_757 = arith.index_cast %and3A_725 : i32 to index
      %get3A_758 = arith.index_cast %add3A_737 : i32 to index
      %get3A_759 = tpu.vector_load %arg9[%get3A_757, %get3A_758] {strides = array<i32>} : memref<8x1024xf32, #tpu.memory_space<vmem>>, vector<1x16xf32>,
      %get3A_760 = vector.shape_cast %get3A_759 : vector<1x16xf32> to vector<16xf32>
      %get3A_761 = arith.index_cast %and3A_725 : i32 to index
      %get3A_762 = arith.index_cast %add3A_739 : i32 to index
      %get3A_763 = tpu.vector_load %arg9[%get3A_761, %get3A_762] {strides = array<i32>} : memref<8x1024xf32, #tpu.memory_space<vmem>>, vector<1x16xf32>,
      %get3A_764 = vector.shape_cast %get3A_763 : vector<1x16xf32> to vector<16xf32>
      %get3A_765 = arith.index_cast %and3A_725 : i32 to index
      %get3A_766 = arith.index_cast %add3A_741 : i32 to index
      %get3A_767 = tpu.vector_load %arg9[%get3A_765, %get3A_766] {strides = array<i32>} : memref<8x1024xf32, #tpu.memory_space<vmem>>, vector<1x16xf32>,
      %get3A_768 = vector.shape_cast %get3A_767 : vector<1x16xf32> to vector<16xf32>
      %get3A_769 = arith.index_cast %and3A_725 : i32 to index
      %get3A_770 = arith.index_cast %add3A_743 : i32 to index
      %get3A_771 = tpu.vector_load %arg9[%get3A_769, %get3A_770] {strides = array<i32>} : memref<8x1024xf32, #tpu.memory_space<vmem>>, vector<1x16xf32>,
      %get3A_772 = vector.shape_cast %get3A_771 : vector<1x16xf32> to vector<16xf32>
      %get3A_773 = arith.index_cast %and3A_725 : i32 to index
      %get3A_774 = arith.index_cast %add3A_745 : i32 to index
      %get3A_775 = tpu.vector_load %arg9[%get3A_773, %get3A_774] {strides = array<i32>} : memref<8x1024xf32, #tpu.memory_space<vmem>>, vector<1x16xf32>,
      %get3A_776 = vector.shape_cast %get3A_775 : vector<1x16xf32> to vector<16xf32>
      %swap3A = arith.index_cast %shift_right_arithmetic3A_722 : i32 to index
      %swap3A_777 = arith.index_cast %and3A_725 : i32 to index
      %swap3A_778 = arith.index_cast %add3A_731 : i32 to index
      %swap3A_779 = tpu.vector_load %arg6[%swap3A, %swap3A_777, %swap3A_778] {strides = array<i32>} : memref<4x8x1024xf32, #tpu.memory_space<vmem>>, vector<1x1x16xf32>,
      %swap3A_780 = vector.shape_cast %swap3A_779 : vector<1x1x16xf32> to vector<16xf32>
      %swap3A_781 = vector.shape_cast %get3A_748 : vector<16xf32> to vector<1x1x16xf32>
      tpu.vector_store %arg6[%swap3A, %swap3A_777, %swap3A_778], %swap3A_781 {add = true, strides = array<i32>} : memref<4x8x1024xf32, #tpu.memory_space<vmem>>, vector<1x1x16xf32>,
      %swap3A_782 = arith.index_cast %shift_right_arithmetic3A_722 : i32 to index
      %swap3A_783 = arith.index_cast %and3A_725 : i32 to index
      %swap3A_784 = arith.index_cast %add3A_733 : i32 to index
      %swap3A_785 = tpu.vector_load %arg6[%swap3A_782, %swap3A_783, %swap3A_784] {strides = array<i32>} : memref<4x8x1024xf32, #tpu.memory_space<vmem>>, vector<1x1x16xf32>,
      %swap3A_786 = vector.shape_cast %swap3A_785 : vector<1x1x16xf32> to vector<16xf32>
      %swap3A_787 = vector.shape_cast %get3A_752 : vector<16xf32> to vector<1x1x16xf32>
      tpu.vector_store %arg6[%swap3A_782, %swap3A_783, %swap3A_784], %swap3A_787 {add = true, strides = array<i32>} : memref<4x8x1024xf32, #tpu.memory_space<vmem>>, vector<1x1x16xf32>,
      %swap3A_788 = arith.index_cast %shift_right_arithmetic3A_722 : i32 to index
      %swap3A_789 = arith.index_cast %and3A_725 : i32 to index
      %swap3A_790 = arith.index_cast %add3A_735 : i32 to index
      %swap3A_791 = tpu.vector_load %arg6[%swap3A_788, %swap3A_789, %swap3A_790] {strides = array<i32>} : memref<4x8x1024xf32, #tpu.memory_space<vmem>>, vector<1x1x16xf32>,
      %swap3A_792 = vector.shape_cast %swap3A_791 : vector<1x1x16xf32> to vector<16xf32>
      %swap3A_793 = vector.shape_cast %get3A_756 : vector<16xf32> to vector<1x1x16xf32>
      tpu.vector_store %arg6[%swap3A_788, %swap3A_789, %swap3A_790], %swap3A_793 {add = true, strides = array<i32>} : memref<4x8x1024xf32, #tpu.memory_space<vmem>>, vector<1x1x16xf32>,
      %swap3A_794 = arith.index_cast %shift_right_arithmetic3A_722 : i32 to index
      %swap3A_795 = arith.index_cast %and3A_725 : i32 to index
      %swap3A_796 = arith.index_cast %add3A_737 : i32 to index
      %swap3A_797 = tpu.vector_load %arg6[%swap3A_794, %swap3A_795, %swap3A_796] {strides = array<i32>} : memref<4x8x1024xf32, #tpu.memory_space<vmem>>, vector<1x1x16xf32>,
      %swap3A_798 = vector.shape_cast %swap3A_797 : vector<1x1x16xf32> to vector<16xf32>
      %swap3A_799 = vector.shape_cast %get3A_760 : vector<16xf32> to vector<1x1x16xf32>
      tpu.vector_store %arg6[%swap3A_794, %swap3A_795, %swap3A_796], %swap3A_799 {add = true, strides = array<i32>} : memref<4x8x1024xf32, #tpu.memory_space<vmem>>, vector<1x1x16xf32>,
      %swap3A_800 = arith.index_cast %shift_right_arithmetic3A_722 : i32 to index
      %swap3A_801 = arith.index_cast %and3A_725 : i32 to index
      %swap3A_802 = arith.index_cast %add3A_739 : i32 to index
      %swap3A_803 = tpu.vector_load %arg6[%swap3A_800, %swap3A_801, %swap3A_802] {strides = array<i32>} : memref<4x8x1024xf32, #tpu.memory_space<vmem>>, vector<1x1x16xf32>,
      %swap3A_804 = vector.shape_cast %swap3A_803 : vector<1x1x16xf32> to vector<16xf32>
      %swap3A_805 = vector.shape_cast %get3A_764 : vector<16xf32> to vector<1x1x16xf32>
      tpu.vector_store %arg6[%swap3A_800, %swap3A_801, %swap3A_802], %swap3A_805 {add = true, strides = array<i32>} : memref<4x8x1024xf32, #tpu.memory_space<vmem>>, vector<1x1x16xf32>,
      %swap3A_806 = arith.index_cast %shift_right_arithmetic3A_722 : i32 to index
      %swap3A_807 = arith.index_cast %and3A_725 : i32 to index
      %swap3A_808 = arith.index_cast %add3A_741 : i32 to index
      %swap3A_809 = tpu.vector_load %arg6[%swap3A_806, %swap3A_807, %swap3A_808] {strides = array<i32>} : memref<4x8x1024xf32, #tpu.memory_space<vmem>>, vector<1x1x16xf32>,
      %swap3A_810 = vector.shape_cast %swap3A_809 : vector<1x1x16xf32> to vector<16xf32>
      %swap3A_811 = vector.shape_cast %get3A_768 : vector<16xf32> to vector<1x1x16xf32>
      tpu.vector_store %arg6[%swap3A_806, %swap3A_807, %swap3A_808], %swap3A_811 {add = true, strides = array<i32>} : memref<4x8x1024xf32, #tpu.memory_space<vmem>>, vector<1x1x16xf32>,
      %swap3A_812 = arith.index_cast %shift_right_arithmetic3A_722 : i32 to index
      %swap3A_813 = arith.index_cast %and3A_725 : i32 to index
      %swap3A_814 = arith.index_cast %add3A_743 : i32 to index
      %swap3A_815 = tpu.vector_load %arg6[%swap3A_812, %swap3A_813, %swap3A_814] {strides = array<i32>} : memref<4x8x1024xf32, #tpu.memory_space<vmem>>, vector<1x1x16xf32>,
      %swap3A_816 = vector.shape_cast %swap3A_815 : vector<1x1x16xf32> to vector<16xf32>
      %swap3A_817 = vector.shape_cast %get3A_772 : vector<16xf32> to vector<1x1x16xf32>
      tpu.vector_store %arg6[%swap3A_812, %swap3A_813, %swap3A_814], %swap3A_817 {add = true, strides = array<i32>} : memref<4x8x1024xf32, #tpu.memory_space<vmem>>, vector<1x1x16xf32>,
      %swap3A_818 = arith.index_cast %shift_right_arithmetic3A_722 : i32 to index
      %swap3A_819 = arith.index_cast %and3A_725 : i32 to index
      %swap3A_820 = arith.index_cast %add3A_745 : i32 to index
      %swap3A_821 = tpu.vector_load %arg6[%swap3A_818, %swap3A_819, %swap3A_820] {strides = array<i32>} : memref<4x8x1024xf32, #tpu.memory_space<vmem>>, vector<1x1x16xf32>,
      %swap3A_822 = vector.shape_cast %swap3A_821 : vector<1x1x16xf32> to vector<16xf32>
      %swap3A_823 = vector.shape_cast %get3A_776 : vector<16xf32> to vector<1x1x16xf32>
      tpu.vector_store %arg6[%swap3A_818, %swap3A_819, %swap3A_820], %swap3A_823 {add = true, strides = array<i32>} : memref<4x8x1024xf32, #tpu.memory_space<vmem>>, vector<1x1x16xf32>,
      %scan3A_824 = arith.constant 0 : i32
      scf.yield %scan3A_824 : i32
    }
    %scan3A_353 = arith.constant 256 : i32
    %add3A_354 = arith.constant 56 : i32
    %add3A_355 = arith.addi %mul3A_2, %add3A_354 : i32
    %dma_start3A_356 = arith.constant 0 : i32
    %dma_start3A_357 = arith.constant 0 : i32
    %dma_start3A_358 = tpu.memref_slice %arg4[%dma_start3A_356, %add3A_355, %dma_start3A_357] : memref<4x4096x1024xf32, #tpu.memory_space<hbm>> -> memref<4x8x1024xf32, #tpu.memory_space<hbm>>
    %dma_start3A_359 = arith.constant 0 : i32
    %dma_start3A_360 = arith.constant 0 : i32
    %dma_start3A_361 = tpu.memref_slice %arg4[%dma_start3A_359, %add3A_355, %dma_start3A_360] : memref<4x4096x1024xf32, #tpu.memory_space<hbm>> -> memref<4x8x1024xf32, #tpu.memory_space<hbm>>
    tpu.enqueue_dma source(%arg6 : memref<4x8x1024xf32, #tpu.memory_space<vmem>>) target(%dma_start3A_361 : memref<4x8x1024xf32, #tpu.memory_space<hbm>>) target_semaphore(%arg14 : memref<!tpu.dma_semaphore, #tpu.memory_space<semaphore_mem>>)
    %dma_wait3A_362 = arith.constant 0 : i32
    %dma_wait3A_363 = arith.constant 0 : i32
    %dma_wait3A_364 = tpu.memref_slice %arg4[%dma_wait3A_362, %add3A_310, %dma_wait3A_363] : memref<4x4096x1024xf32, #tpu.memory_space<hbm>> -> memref<4x8x1024xf32, #tpu.memory_space<hbm>>
    %dma_wait3A_365 = arith.constant 0 : i32
    %dma_wait3A_366 = arith.constant 0 : i32
    %dma_wait3A_367 = tpu.memref_slice %arg4[%dma_wait3A_365, %add3A_310, %dma_wait3A_366] : memref<4x4096x1024xf32, #tpu.memory_space<hbm>> -> memref<4x8x1024xf32, #tpu.memory_space<hbm>>
    tpu.wait_dma2 semaphore(%arg13 : memref<!tpu.dma_semaphore, #tpu.memory_space<semaphore_mem>>) src(%arg5 : memref<4x8x1024xf32, #tpu.memory_space<vmem>>) dst(%dma_wait3A_367 : memref<4x8x1024xf32, #tpu.memory_space<hbm>>)
    %add3A_368 = arith.constant 72 : i32
    %add3A_369 = arith.addi %mul3A_2, %add3A_368 : i32
    %dma_start3A_370 = arith.constant 0 : i32
    %dma_start3A_371 = arith.constant 0 : i32
    %dma_start3A_372 = tpu.memref_slice %arg2[%dma_start3A_370, %add3A_369, %dma_start3A_371] : memref<4x4096x1024xf32, #tpu.memory_space<hbm>> -> memref<4x8x1024xf32, #tpu.memory_space<hbm>>
    %dma_start3A_373 = arith.constant 0 : i32
    %dma_start3A_374 = arith.constant 0 : i32
    %dma_start3A_375 = tpu.memref_slice %arg2[%dma_start3A_373, %add3A_369, %dma_start3A_374] : memref<4x4096x1024xf32, #tpu.memory_space<hbm>> -> memref<4x8x1024xf32, #tpu.memory_space<hbm>>
    tpu.enqueue_dma source(%dma_start3A_375 : memref<4x8x1024xf32, #tpu.memory_space<hbm>>) target(%arg5 : memref<4x8x1024xf32, #tpu.memory_space<vmem>>) target_semaphore(%arg10 : memref<!tpu.dma_semaphore, #tpu.memory_space<semaphore_mem>>)
    %dma_wait3A_376 = arith.constant 0 : i32
    %dma_wait3A_377 = tpu.memref_slice %arg3[%add3A_336, %dma_wait3A_376] : memref<8192x1024xf32, #tpu.memory_space<hbm>> -> memref<8x1024xf32, #tpu.memory_space<hbm>>
    %dma_wait3A_378 = arith.constant 0 : i32
    %dma_wait3A_379 = tpu.memref_slice %arg3[%add3A_336, %dma_wait3A_378] : memref<8192x1024xf32, #tpu.memory_space<hbm>> -> memref<8x1024xf32, #tpu.memory_space<hbm>>
    tpu.wait_dma2 semaphore(%arg16 : memref<!tpu.dma_semaphore, #tpu.memory_space<semaphore_mem>>) src(%dma_wait3A_379 : memref<8x1024xf32, #tpu.memory_space<hbm>>) dst(%arg8 : memref<8x1024xf32, #tpu.memory_space<vmem>>)
    %add3A_380 = arith.constant 72 : i32
    %add3A_381 = arith.addi %mul3A_2, %add3A_380 : i32
    %dma_start3A_382 = arith.constant 0 : i32
    %dma_start3A_383 = tpu.memref_slice %arg3[%add3A_381, %dma_start3A_382] : memref<8192x1024xf32, #tpu.memory_space<hbm>> -> memref<8x1024xf32, #tpu.memory_space<hbm>>
    %dma_start3A_384 = arith.constant 0 : i32
    %dma_start3A_385 = tpu.memref_slice %arg3[%add3A_381, %dma_start3A_384] : memref<8192x1024xf32, #tpu.memory_space<hbm>> -> memref<8x1024xf32, #tpu.memory_space<hbm>>
    tpu.enqueue_dma source(%dma_start3A_385 : memref<8x1024xf32, #tpu.memory_space<hbm>>) target(%arg9 : memref<8x1024xf32, #tpu.memory_space<vmem>>) target_semaphore(%arg17 : memref<!tpu.dma_semaphore, #tpu.memory_space<semaphore_mem>>)
    %dma_wait3A_386 = arith.constant 0 : i32
    %dma_wait3A_387 = arith.constant 0 : i32
    %dma_wait3A_388 = tpu.memref_slice %arg2[%dma_wait3A_386, %add3A_324, %dma_wait3A_387] : memref<4x4096x1024xf32, #tpu.memory_space<hbm>> -> memref<4x8x1024xf32, #tpu.memory_space<hbm>>
    %dma_wait3A_389 = arith.constant 0 : i32
    %dma_wait3A_390 = arith.constant 0 : i32
    %dma_wait3A_391 = tpu.memref_slice %arg2[%dma_wait3A_389, %add3A_324, %dma_wait3A_390] : memref<4x4096x1024xf32, #tpu.memory_space<hbm>> -> memref<4x8x1024xf32, #tpu.memory_space<hbm>>
    tpu.wait_dma2 semaphore(%arg12 : memref<!tpu.dma_semaphore, #tpu.memory_space<semaphore_mem>>) src(%dma_wait3A_391 : memref<4x8x1024xf32, #tpu.memory_space<hbm>>) dst(%arg7 : memref<4x8x1024xf32, #tpu.memory_space<vmem>>)
    %scan3A_392 = arith.constant 0 : i32
    %scan3A_393 = arith.constant 0 : i32
    %scan3A_394 = arith.constant 256 : i32
    %scan3A_395 = arith.addi %scan3A_393, %scan3A_394 : i32
    %scan3A_396 = arith.constant 1 : i32
    %scan3A_397 = scf.for %scan3A_720 = %scan3A_393 to %scan3A_395 step %scan3A_396 iter_args(%scan3A_721 = %scan3A_392) -> (i32)  : i32 {
      %shift_right_arithmetic3A = arith.constant 6 : i32
      %shift_right_arithmetic3A_722 = arith.shrsi %scan3A_720, %shift_right_arithmetic3A : i32
      %shift_right_arithmetic3A_723 = arith.constant 3 : i32
      %shift_right_arithmetic3A_724 = arith.shrsi %scan3A_720, %shift_right_arithmetic3A_723 : i32
      %and3A = arith.constant 7 : i32
      %and3A_725 = arith.andi %shift_right_arithmetic3A_724, %and3A : i32
      %and3A_726 = arith.constant 7 : i32
      %and3A_727 = arith.andi %scan3A_720, %and3A_726 : i32
      %mul3A_728 = arith.constant 128 : i32
      %mul3A_729 = arith.muli %and3A_727, %mul3A_728 : i32
      %add3A_730 = arith.constant 0 : i32
      %add3A_731 = arith.addi %mul3A_729, %add3A_730 : i32
      %add3A_732 = arith.constant 16 : i32
      %add3A_733 = arith.addi %mul3A_729, %add3A_732 : i32
      %add3A_734 = arith.constant 32 : i32
      %add3A_735 = arith.addi %mul3A_729, %add3A_734 : i32
      %add3A_736 = arith.constant 48 : i32
      %add3A_737 = arith.addi %mul3A_729, %add3A_736 : i32
      %add3A_738 = arith.constant 64 : i32
      %add3A_739 = arith.addi %mul3A_729, %add3A_738 : i32
      %add3A_740 = arith.constant 80 : i32
      %add3A_741 = arith.addi %mul3A_729, %add3A_740 : i32
      %add3A_742 = arith.constant 96 : i32
      %add3A_743 = arith.addi %mul3A_729, %add3A_742 : i32
      %add3A_744 = arith.constant 112 : i32
      %add3A_745 = arith.addi %mul3A_729, %add3A_744 : i32
      %get3A = arith.index_cast %and3A_725 : i32 to index
      %get3A_746 = arith.index_cast %add3A_731 : i32 to index
      %get3A_747 = tpu.vector_load %arg8[%get3A, %get3A_746] {strides = array<i32>} : memref<8x1024xf32, #tpu.memory_space<vmem>>, vector<1x16xf32>,
      %get3A_748 = vector.shape_cast %get3A_747 : vector<1x16xf32> to vector<16xf32>
      %get3A_749 = arith.index_cast %and3A_725 : i32 to index
      %get3A_750 = arith.index_cast %add3A_733 : i32 to index
      %get3A_751 = tpu.vector_load %arg8[%get3A_749, %get3A_750] {strides = array<i32>} : memref<8x1024xf32, #tpu.memory_space<vmem>>, vector<1x16xf32>,
      %get3A_752 = vector.shape_cast %get3A_751 : vector<1x16xf32> to vector<16xf32>
      %get3A_753 = arith.index_cast %and3A_725 : i32 to index
      %get3A_754 = arith.index_cast %add3A_735 : i32 to index
      %get3A_755 = tpu.vector_load %arg8[%get3A_753, %get3A_754] {strides = array<i32>} : memref<8x1024xf32, #tpu.memory_space<vmem>>, vector<1x16xf32>,
      %get3A_756 = vector.shape_cast %get3A_755 : vector<1x16xf32> to vector<16xf32>
      %get3A_757 = arith.index_cast %and3A_725 : i32 to index
      %get3A_758 = arith.index_cast %add3A_737 : i32 to index
      %get3A_759 = tpu.vector_load %arg8[%get3A_757, %get3A_758] {strides = array<i32>} : memref<8x1024xf32, #tpu.memory_space<vmem>>, vector<1x16xf32>,
      %get3A_760 = vector.shape_cast %get3A_759 : vector<1x16xf32> to vector<16xf32>
      %get3A_761 = arith.index_cast %and3A_725 : i32 to index
      %get3A_762 = arith.index_cast %add3A_739 : i32 to index
      %get3A_763 = tpu.vector_load %arg8[%get3A_761, %get3A_762] {strides = array<i32>} : memref<8x1024xf32, #tpu.memory_space<vmem>>, vector<1x16xf32>,
      %get3A_764 = vector.shape_cast %get3A_763 : vector<1x16xf32> to vector<16xf32>
      %get3A_765 = arith.index_cast %and3A_725 : i32 to index
      %get3A_766 = arith.index_cast %add3A_741 : i32 to index
      %get3A_767 = tpu.vector_load %arg8[%get3A_765, %get3A_766] {strides = array<i32>} : memref<8x1024xf32, #tpu.memory_space<vmem>>, vector<1x16xf32>,
      %get3A_768 = vector.shape_cast %get3A_767 : vector<1x16xf32> to vector<16xf32>
      %get3A_769 = arith.index_cast %and3A_725 : i32 to index
      %get3A_770 = arith.index_cast %add3A_743 : i32 to index
      %get3A_771 = tpu.vector_load %arg8[%get3A_769, %get3A_770] {strides = array<i32>} : memref<8x1024xf32, #tpu.memory_space<vmem>>, vector<1x16xf32>,
      %get3A_772 = vector.shape_cast %get3A_771 : vector<1x16xf32> to vector<16xf32>
      %get3A_773 = arith.index_cast %and3A_725 : i32 to index
      %get3A_774 = arith.index_cast %add3A_745 : i32 to index
      %get3A_775 = tpu.vector_load %arg8[%get3A_773, %get3A_774] {strides = array<i32>} : memref<8x1024xf32, #tpu.memory_space<vmem>>, vector<1x16xf32>,
      %get3A_776 = vector.shape_cast %get3A_775 : vector<1x16xf32> to vector<16xf32>
      %swap3A = arith.index_cast %shift_right_arithmetic3A_722 : i32 to index
      %swap3A_777 = arith.index_cast %and3A_725 : i32 to index
      %swap3A_778 = arith.index_cast %add3A_731 : i32 to index
      %swap3A_779 = tpu.vector_load %arg7[%swap3A, %swap3A_777, %swap3A_778] {strides = array<i32>} : memref<4x8x1024xf32, #tpu.memory_space<vmem>>, vector<1x1x16xf32>,
      %swap3A_780 = vector.shape_cast %swap3A_779 : vector<1x1x16xf32> to vector<16xf32>
      %swap3A_781 = vector.shape_cast %get3A_748 : vector<16xf32> to vector<1x1x16xf32>
      tpu.vector_store %arg7[%swap3A, %swap3A_777, %swap3A_778], %swap3A_781 {add = true, strides = array<i32>} : memref<4x8x1024xf32, #tpu.memory_space<vmem>>, vector<1x1x16xf32>,
      %swap3A_782 = arith.index_cast %shift_right_arithmetic3A_722 : i32 to index
      %swap3A_783 = arith.index_cast %and3A_725 : i32 to index
      %swap3A_784 = arith.index_cast %add3A_733 : i32 to index
      %swap3A_785 = tpu.vector_load %arg7[%swap3A_782, %swap3A_783, %swap3A_784] {strides = array<i32>} : memref<4x8x1024xf32, #tpu.memory_space<vmem>>, vector<1x1x16xf32>,
      %swap3A_786 = vector.shape_cast %swap3A_785 : vector<1x1x16xf32> to vector<16xf32>
      %swap3A_787 = vector.shape_cast %get3A_752 : vector<16xf32> to vector<1x1x16xf32>
      tpu.vector_store %arg7[%swap3A_782, %swap3A_783, %swap3A_784], %swap3A_787 {add = true, strides = array<i32>} : memref<4x8x1024xf32, #tpu.memory_space<vmem>>, vector<1x1x16xf32>,
      %swap3A_788 = arith.index_cast %shift_right_arithmetic3A_722 : i32 to index
      %swap3A_789 = arith.index_cast %and3A_725 : i32 to index
      %swap3A_790 = arith.index_cast %add3A_735 : i32 to index
      %swap3A_791 = tpu.vector_load %arg7[%swap3A_788, %swap3A_789, %swap3A_790] {strides = array<i32>} : memref<4x8x1024xf32, #tpu.memory_space<vmem>>, vector<1x1x16xf32>,
      %swap3A_792 = vector.shape_cast %swap3A_791 : vector<1x1x16xf32> to vector<16xf32>
      %swap3A_793 = vector.shape_cast %get3A_756 : vector<16xf32> to vector<1x1x16xf32>
      tpu.vector_store %arg7[%swap3A_788, %swap3A_789, %swap3A_790], %swap3A_793 {add = true, strides = array<i32>} : memref<4x8x1024xf32, #tpu.memory_space<vmem>>, vector<1x1x16xf32>,
      %swap3A_794 = arith.index_cast %shift_right_arithmetic3A_722 : i32 to index
      %swap3A_795 = arith.index_cast %and3A_725 : i32 to index
      %swap3A_796 = arith.index_cast %add3A_737 : i32 to index
      %swap3A_797 = tpu.vector_load %arg7[%swap3A_794, %swap3A_795, %swap3A_796] {strides = array<i32>} : memref<4x8x1024xf32, #tpu.memory_space<vmem>>, vector<1x1x16xf32>,
      %swap3A_798 = vector.shape_cast %swap3A_797 : vector<1x1x16xf32> to vector<16xf32>
      %swap3A_799 = vector.shape_cast %get3A_760 : vector<16xf32> to vector<1x1x16xf32>
      tpu.vector_store %arg7[%swap3A_794, %swap3A_795, %swap3A_796], %swap3A_799 {add = true, strides = array<i32>} : memref<4x8x1024xf32, #tpu.memory_space<vmem>>, vector<1x1x16xf32>,
      %swap3A_800 = arith.index_cast %shift_right_arithmetic3A_722 : i32 to index
      %swap3A_801 = arith.index_cast %and3A_725 : i32 to index
      %swap3A_802 = arith.index_cast %add3A_739 : i32 to index
      %swap3A_803 = tpu.vector_load %arg7[%swap3A_800, %swap3A_801, %swap3A_802] {strides = array<i32>} : memref<4x8x1024xf32, #tpu.memory_space<vmem>>, vector<1x1x16xf32>,
      %swap3A_804 = vector.shape_cast %swap3A_803 : vector<1x1x16xf32> to vector<16xf32>
      %swap3A_805 = vector.shape_cast %get3A_764 : vector<16xf32> to vector<1x1x16xf32>
      tpu.vector_store %arg7[%swap3A_800, %swap3A_801, %swap3A_802], %swap3A_805 {add = true, strides = array<i32>} : memref<4x8x1024xf32, #tpu.memory_space<vmem>>, vector<1x1x16xf32>,
      %swap3A_806 = arith.index_cast %shift_right_arithmetic3A_722 : i32 to index
      %swap3A_807 = arith.index_cast %and3A_725 : i32 to index
      %swap3A_808 = arith.index_cast %add3A_741 : i32 to index
      %swap3A_809 = tpu.vector_load %arg7[%swap3A_806, %swap3A_807, %swap3A_808] {strides = array<i32>} : memref<4x8x1024xf32, #tpu.memory_space<vmem>>, vector<1x1x16xf32>,
      %swap3A_810 = vector.shape_cast %swap3A_809 : vector<1x1x16xf32> to vector<16xf32>
      %swap3A_811 = vector.shape_cast %get3A_768 : vector<16xf32> to vector<1x1x16xf32>
      tpu.vector_store %arg7[%swap3A_806, %swap3A_807, %swap3A_808], %swap3A_811 {add = true, strides = array<i32>} : memref<4x8x1024xf32, #tpu.memory_space<vmem>>, vector<1x1x16xf32>,
      %swap3A_812 = arith.index_cast %shift_right_arithmetic3A_722 : i32 to index
      %swap3A_813 = arith.index_cast %and3A_725 : i32 to index
      %swap3A_814 = arith.index_cast %add3A_743 : i32 to index
      %swap3A_815 = tpu.vector_load %arg7[%swap3A_812, %swap3A_813, %swap3A_814] {strides = array<i32>} : memref<4x8x1024xf32, #tpu.memory_space<vmem>>, vector<1x1x16xf32>,
      %swap3A_816 = vector.shape_cast %swap3A_815 : vector<1x1x16xf32> to vector<16xf32>
      %swap3A_817 = vector.shape_cast %get3A_772 : vector<16xf32> to vector<1x1x16xf32>
      tpu.vector_store %arg7[%swap3A_812, %swap3A_813, %swap3A_814], %swap3A_817 {add = true, strides = array<i32>} : memref<4x8x1024xf32, #tpu.memory_space<vmem>>, vector<1x1x16xf32>,
      %swap3A_818 = arith.index_cast %shift_right_arithmetic3A_722 : i32 to index
      %swap3A_819 = arith.index_cast %and3A_725 : i32 to index
      %swap3A_820 = arith.index_cast %add3A_745 : i32 to index
      %swap3A_821 = tpu.vector_load %arg7[%swap3A_818, %swap3A_819, %swap3A_820] {strides = array<i32>} : memref<4x8x1024xf32, #tpu.memory_space<vmem>>, vector<1x1x16xf32>,
      %swap3A_822 = vector.shape_cast %swap3A_821 : vector<1x1x16xf32> to vector<16xf32>
      %swap3A_823 = vector.shape_cast %get3A_776 : vector<16xf32> to vector<1x1x16xf32>
      tpu.vector_store %arg7[%swap3A_818, %swap3A_819, %swap3A_820], %swap3A_823 {add = true, strides = array<i32>} : memref<4x8x1024xf32, #tpu.memory_space<vmem>>, vector<1x1x16xf32>,
      %scan3A_824 = arith.constant 0 : i32
      scf.yield %scan3A_824 : i32
    }
    %scan3A_398 = arith.constant 256 : i32
    %add3A_399 = arith.constant 64 : i32
    %add3A_400 = arith.addi %mul3A_2, %add3A_399 : i32
    %dma_start3A_401 = arith.constant 0 : i32
    %dma_start3A_402 = arith.constant 0 : i32
    %dma_start3A_403 = tpu.memref_slice %arg4[%dma_start3A_401, %add3A_400, %dma_start3A_402] : memref<4x4096x1024xf32, #tpu.memory_space<hbm>> -> memref<4x8x1024xf32, #tpu.memory_space<hbm>>
    %dma_start3A_404 = arith.constant 0 : i32
    %dma_start3A_405 = arith.constant 0 : i32
    %dma_start3A_406 = tpu.memref_slice %arg4[%dma_start3A_404, %add3A_400, %dma_start3A_405] : memref<4x4096x1024xf32, #tpu.memory_space<hbm>> -> memref<4x8x1024xf32, #tpu.memory_space<hbm>>
    tpu.enqueue_dma source(%arg7 : memref<4x8x1024xf32, #tpu.memory_space<vmem>>) target(%dma_start3A_406 : memref<4x8x1024xf32, #tpu.memory_space<hbm>>) target_semaphore(%arg15 : memref<!tpu.dma_semaphore, #tpu.memory_space<semaphore_mem>>)
    %dma_wait3A_407 = arith.constant 0 : i32
    %dma_wait3A_408 = arith.constant 0 : i32
    %dma_wait3A_409 = tpu.memref_slice %arg4[%dma_wait3A_407, %add3A_355, %dma_wait3A_408] : memref<4x4096x1024xf32, #tpu.memory_space<hbm>> -> memref<4x8x1024xf32, #tpu.memory_space<hbm>>
    %dma_wait3A_410 = arith.constant 0 : i32
    %dma_wait3A_411 = arith.constant 0 : i32
    %dma_wait3A_412 = tpu.memref_slice %arg4[%dma_wait3A_410, %add3A_355, %dma_wait3A_411] : memref<4x4096x1024xf32, #tpu.memory_space<hbm>> -> memref<4x8x1024xf32, #tpu.memory_space<hbm>>
    tpu.wait_dma2 semaphore(%arg14 : memref<!tpu.dma_semaphore, #tpu.memory_space<semaphore_mem>>) src(%arg6 : memref<4x8x1024xf32, #tpu.memory_space<vmem>>) dst(%dma_wait3A_412 : memref<4x8x1024xf32, #tpu.memory_space<hbm>>)
    %add3A_413 = arith.constant 80 : i32
    %add3A_414 = arith.addi %mul3A_2, %add3A_413 : i32
    %dma_start3A_415 = arith.constant 0 : i32
    %dma_start3A_416 = arith.constant 0 : i32
    %dma_start3A_417 = tpu.memref_slice %arg2[%dma_start3A_415, %add3A_414, %dma_start3A_416] : memref<4x4096x1024xf32, #tpu.memory_space<hbm>> -> memref<4x8x1024xf32, #tpu.memory_space<hbm>>
    %dma_start3A_418 = arith.constant 0 : i32
    %dma_start3A_419 = arith.constant 0 : i32
    %dma_start3A_420 = tpu.memref_slice %arg2[%dma_start3A_418, %add3A_414, %dma_start3A_419] : memref<4x4096x1024xf32, #tpu.memory_space<hbm>> -> memref<4x8x1024xf32, #tpu.memory_space<hbm>>
    tpu.enqueue_dma source(%dma_start3A_420 : memref<4x8x1024xf32, #tpu.memory_space<hbm>>) target(%arg6 : memref<4x8x1024xf32, #tpu.memory_space<vmem>>) target_semaphore(%arg11 : memref<!tpu.dma_semaphore, #tpu.memory_space<semaphore_mem>>)
    %dma_wait3A_421 = arith.constant 0 : i32
    %dma_wait3A_422 = tpu.memref_slice %arg3[%add3A_381, %dma_wait3A_421] : memref<8192x1024xf32, #tpu.memory_space<hbm>> -> memref<8x1024xf32, #tpu.memory_space<hbm>>
    %dma_wait3A_423 = arith.constant 0 : i32
    %dma_wait3A_424 = tpu.memref_slice %arg3[%add3A_381, %dma_wait3A_423] : memref<8192x1024xf32, #tpu.memory_space<hbm>> -> memref<8x1024xf32, #tpu.memory_space<hbm>>
    tpu.wait_dma2 semaphore(%arg17 : memref<!tpu.dma_semaphore, #tpu.memory_space<semaphore_mem>>) src(%dma_wait3A_424 : memref<8x1024xf32, #tpu.memory_space<hbm>>) dst(%arg9 : memref<8x1024xf32, #tpu.memory_space<vmem>>)
    %add3A_425 = arith.constant 80 : i32
    %add3A_426 = arith.addi %mul3A_2, %add3A_425 : i32
    %dma_start3A_427 = arith.constant 0 : i32
    %dma_start3A_428 = tpu.memref_slice %arg3[%add3A_426, %dma_start3A_427] : memref<8192x1024xf32, #tpu.memory_space<hbm>> -> memref<8x1024xf32, #tpu.memory_space<hbm>>
    %dma_start3A_429 = arith.constant 0 : i32
    %dma_start3A_430 = tpu.memref_slice %arg3[%add3A_426, %dma_start3A_429] : memref<8192x1024xf32, #tpu.memory_space<hbm>> -> memref<8x1024xf32, #tpu.memory_space<hbm>>
    tpu.enqueue_dma source(%dma_start3A_430 : memref<8x1024xf32, #tpu.memory_space<hbm>>) target(%arg8 : memref<8x1024xf32, #tpu.memory_space<vmem>>) target_semaphore(%arg16 : memref<!tpu.dma_semaphore, #tpu.memory_space<semaphore_mem>>)
    %dma_wait3A_431 = arith.constant 0 : i32
    %dma_wait3A_432 = arith.constant 0 : i32
    %dma_wait3A_433 = tpu.memref_slice %arg2[%dma_wait3A_431, %add3A_369, %dma_wait3A_432] : memref<4x4096x1024xf32, #tpu.memory_space<hbm>> -> memref<4x8x1024xf32, #tpu.memory_space<hbm>>
    %dma_wait3A_434 = arith.constant 0 : i32
    %dma_wait3A_435 = arith.constant 0 : i32
    %dma_wait3A_436 = tpu.memref_slice %arg2[%dma_wait3A_434, %add3A_369, %dma_wait3A_435] : memref<4x4096x1024xf32, #tpu.memory_space<hbm>> -> memref<4x8x1024xf32, #tpu.memory_space<hbm>>
    tpu.wait_dma2 semaphore(%arg10 : memref<!tpu.dma_semaphore, #tpu.memory_space<semaphore_mem>>) src(%dma_wait3A_436 : memref<4x8x1024xf32, #tpu.memory_space<hbm>>) dst(%arg5 : memref<4x8x1024xf32, #tpu.memory_space<vmem>>)
    %scan3A_437 = arith.constant 0 : i32
    %scan3A_438 = arith.constant 0 : i32
    %scan3A_439 = arith.constant 256 : i32
    %scan3A_440 = arith.addi %scan3A_438, %scan3A_439 : i32
    %scan3A_441 = arith.constant 1 : i32
    %scan3A_442 = scf.for %scan3A_720 = %scan3A_438 to %scan3A_440 step %scan3A_441 iter_args(%scan3A_721 = %scan3A_437) -> (i32)  : i32 {
      %shift_right_arithmetic3A = arith.constant 6 : i32
      %shift_right_arithmetic3A_722 = arith.shrsi %scan3A_720, %shift_right_arithmetic3A : i32
      %shift_right_arithmetic3A_723 = arith.constant 3 : i32
      %shift_right_arithmetic3A_724 = arith.shrsi %scan3A_720, %shift_right_arithmetic3A_723 : i32
      %and3A = arith.constant 7 : i32
      %and3A_725 = arith.andi %shift_right_arithmetic3A_724, %and3A : i32
      %and3A_726 = arith.constant 7 : i32
      %and3A_727 = arith.andi %scan3A_720, %and3A_726 : i32
      %mul3A_728 = arith.constant 128 : i32
      %mul3A_729 = arith.muli %and3A_727, %mul3A_728 : i32
      %add3A_730 = arith.constant 0 : i32
      %add3A_731 = arith.addi %mul3A_729, %add3A_730 : i32
      %add3A_732 = arith.constant 16 : i32
      %add3A_733 = arith.addi %mul3A_729, %add3A_732 : i32
      %add3A_734 = arith.constant 32 : i32
      %add3A_735 = arith.addi %mul3A_729, %add3A_734 : i32
      %add3A_736 = arith.constant 48 : i32
      %add3A_737 = arith.addi %mul3A_729, %add3A_736 : i32
      %add3A_738 = arith.constant 64 : i32
      %add3A_739 = arith.addi %mul3A_729, %add3A_738 : i32
      %add3A_740 = arith.constant 80 : i32
      %add3A_741 = arith.addi %mul3A_729, %add3A_740 : i32
      %add3A_742 = arith.constant 96 : i32
      %add3A_743 = arith.addi %mul3A_729, %add3A_742 : i32
      %add3A_744 = arith.constant 112 : i32
      %add3A_745 = arith.addi %mul3A_729, %add3A_744 : i32
      %get3A = arith.index_cast %and3A_725 : i32 to index
      %get3A_746 = arith.index_cast %add3A_731 : i32 to index
      %get3A_747 = tpu.vector_load %arg9[%get3A, %get3A_746] {strides = array<i32>} : memref<8x1024xf32, #tpu.memory_space<vmem>>, vector<1x16xf32>,
      %get3A_748 = vector.shape_cast %get3A_747 : vector<1x16xf32> to vector<16xf32>
      %get3A_749 = arith.index_cast %and3A_725 : i32 to index
      %get3A_750 = arith.index_cast %add3A_733 : i32 to index
      %get3A_751 = tpu.vector_load %arg9[%get3A_749, %get3A_750] {strides = array<i32>} : memref<8x1024xf32, #tpu.memory_space<vmem>>, vector<1x16xf32>,
      %get3A_752 = vector.shape_cast %get3A_751 : vector<1x16xf32> to vector<16xf32>
      %get3A_753 = arith.index_cast %and3A_725 : i32 to index
      %get3A_754 = arith.index_cast %add3A_735 : i32 to index
      %get3A_755 = tpu.vector_load %arg9[%get3A_753, %get3A_754] {strides = array<i32>} : memref<8x1024xf32, #tpu.memory_space<vmem>>, vector<1x16xf32>,
      %get3A_756 = vector.shape_cast %get3A_755 : vector<1x16xf32> to vector<16xf32>
      %get3A_757 = arith.index_cast %and3A_725 : i32 to index
      %get3A_758 = arith.index_cast %add3A_737 : i32 to index
      %get3A_759 = tpu.vector_load %arg9[%get3A_757, %get3A_758] {strides = array<i32>} : memref<8x1024xf32, #tpu.memory_space<vmem>>, vector<1x16xf32>,
      %get3A_760 = vector.shape_cast %get3A_759 : vector<1x16xf32> to vector<16xf32>
      %get3A_761 = arith.index_cast %and3A_725 : i32 to index
      %get3A_762 = arith.index_cast %add3A_739 : i32 to index
      %get3A_763 = tpu.vector_load %arg9[%get3A_761, %get3A_762] {strides = array<i32>} : memref<8x1024xf32, #tpu.memory_space<vmem>>, vector<1x16xf32>,
      %get3A_764 = vector.shape_cast %get3A_763 : vector<1x16xf32> to vector<16xf32>
      %get3A_765 = arith.index_cast %and3A_725 : i32 to index
      %get3A_766 = arith.index_cast %add3A_741 : i32 to index
      %get3A_767 = tpu.vector_load %arg9[%get3A_765, %get3A_766] {strides = array<i32>} : memref<8x1024xf32, #tpu.memory_space<vmem>>, vector<1x16xf32>,
      %get3A_768 = vector.shape_cast %get3A_767 : vector<1x16xf32> to vector<16xf32>
      %get3A_769 = arith.index_cast %and3A_725 : i32 to index
      %get3A_770 = arith.index_cast %add3A_743 : i32 to index
      %get3A_771 = tpu.vector_load %arg9[%get3A_769, %get3A_770] {strides = array<i32>} : memref<8x1024xf32, #tpu.memory_space<vmem>>, vector<1x16xf32>,
      %get3A_772 = vector.shape_cast %get3A_771 : vector<1x16xf32> to vector<16xf32>
      %get3A_773 = arith.index_cast %and3A_725 : i32 to index
      %get3A_774 = arith.index_cast %add3A_745 : i32 to index
      %get3A_775 = tpu.vector_load %arg9[%get3A_773, %get3A_774] {strides = array<i32>} : memref<8x1024xf32, #tpu.memory_space<vmem>>, vector<1x16xf32>,
      %get3A_776 = vector.shape_cast %get3A_775 : vector<1x16xf32> to vector<16xf32>
      %swap3A = arith.index_cast %shift_right_arithmetic3A_722 : i32 to index
      %swap3A_777 = arith.index_cast %and3A_725 : i32 to index
      %swap3A_778 = arith.index_cast %add3A_731 : i32 to index
      %swap3A_779 = tpu.vector_load %arg5[%swap3A, %swap3A_777, %swap3A_778] {strides = array<i32>} : memref<4x8x1024xf32, #tpu.memory_space<vmem>>, vector<1x1x16xf32>,
      %swap3A_780 = vector.shape_cast %swap3A_779 : vector<1x1x16xf32> to vector<16xf32>
      %swap3A_781 = vector.shape_cast %get3A_748 : vector<16xf32> to vector<1x1x16xf32>
      tpu.vector_store %arg5[%swap3A, %swap3A_777, %swap3A_778], %swap3A_781 {add = true, strides = array<i32>} : memref<4x8x1024xf32, #tpu.memory_space<vmem>>, vector<1x1x16xf32>,
      %swap3A_782 = arith.index_cast %shift_right_arithmetic3A_722 : i32 to index
      %swap3A_783 = arith.index_cast %and3A_725 : i32 to index
      %swap3A_784 = arith.index_cast %add3A_733 : i32 to index
      %swap3A_785 = tpu.vector_load %arg5[%swap3A_782, %swap3A_783, %swap3A_784] {strides = array<i32>} : memref<4x8x1024xf32, #tpu.memory_space<vmem>>, vector<1x1x16xf32>,
      %swap3A_786 = vector.shape_cast %swap3A_785 : vector<1x1x16xf32> to vector<16xf32>
      %swap3A_787 = vector.shape_cast %get3A_752 : vector<16xf32> to vector<1x1x16xf32>
      tpu.vector_store %arg5[%swap3A_782, %swap3A_783, %swap3A_784], %swap3A_787 {add = true, strides = array<i32>} : memref<4x8x1024xf32, #tpu.memory_space<vmem>>, vector<1x1x16xf32>,
      %swap3A_788 = arith.index_cast %shift_right_arithmetic3A_722 : i32 to index
      %swap3A_789 = arith.index_cast %and3A_725 : i32 to index
      %swap3A_790 = arith.index_cast %add3A_735 : i32 to index
      %swap3A_791 = tpu.vector_load %arg5[%swap3A_788, %swap3A_789, %swap3A_790] {strides = array<i32>} : memref<4x8x1024xf32, #tpu.memory_space<vmem>>, vector<1x1x16xf32>,
      %swap3A_792 = vector.shape_cast %swap3A_791 : vector<1x1x16xf32> to vector<16xf32>
      %swap3A_793 = vector.shape_cast %get3A_756 : vector<16xf32> to vector<1x1x16xf32>
      tpu.vector_store %arg5[%swap3A_788, %swap3A_789, %swap3A_790], %swap3A_793 {add = true, strides = array<i32>} : memref<4x8x1024xf32, #tpu.memory_space<vmem>>, vector<1x1x16xf32>,
      %swap3A_794 = arith.index_cast %shift_right_arithmetic3A_722 : i32 to index
      %swap3A_795 = arith.index_cast %and3A_725 : i32 to index
      %swap3A_796 = arith.index_cast %add3A_737 : i32 to index
      %swap3A_797 = tpu.vector_load %arg5[%swap3A_794, %swap3A_795, %swap3A_796] {strides = array<i32>} : memref<4x8x1024xf32, #tpu.memory_space<vmem>>, vector<1x1x16xf32>,
      %swap3A_798 = vector.shape_cast %swap3A_797 : vector<1x1x16xf32> to vector<16xf32>
      %swap3A_799 = vector.shape_cast %get3A_760 : vector<16xf32> to vector<1x1x16xf32>
      tpu.vector_store %arg5[%swap3A_794, %swap3A_795, %swap3A_796], %swap3A_799 {add = true, strides = array<i32>} : memref<4x8x1024xf32, #tpu.memory_space<vmem>>, vector<1x1x16xf32>,
      %swap3A_800 = arith.index_cast %shift_right_arithmetic3A_722 : i32 to index
      %swap3A_801 = arith.index_cast %and3A_725 : i32 to index
      %swap3A_802 = arith.index_cast %add3A_739 : i32 to index
      %swap3A_803 = tpu.vector_load %arg5[%swap3A_800, %swap3A_801, %swap3A_802] {strides = array<i32>} : memref<4x8x1024xf32, #tpu.memory_space<vmem>>, vector<1x1x16xf32>,
      %swap3A_804 = vector.shape_cast %swap3A_803 : vector<1x1x16xf32> to vector<16xf32>
      %swap3A_805 = vector.shape_cast %get3A_764 : vector<16xf32> to vector<1x1x16xf32>
      tpu.vector_store %arg5[%swap3A_800, %swap3A_801, %swap3A_802], %swap3A_805 {add = true, strides = array<i32>} : memref<4x8x1024xf32, #tpu.memory_space<vmem>>, vector<1x1x16xf32>,
      %swap3A_806 = arith.index_cast %shift_right_arithmetic3A_722 : i32 to index
      %swap3A_807 = arith.index_cast %and3A_725 : i32 to index
      %swap3A_808 = arith.index_cast %add3A_741 : i32 to index
      %swap3A_809 = tpu.vector_load %arg5[%swap3A_806, %swap3A_807, %swap3A_808] {strides = array<i32>} : memref<4x8x1024xf32, #tpu.memory_space<vmem>>, vector<1x1x16xf32>,
      %swap3A_810 = vector.shape_cast %swap3A_809 : vector<1x1x16xf32> to vector<16xf32>
      %swap3A_811 = vector.shape_cast %get3A_768 : vector<16xf32> to vector<1x1x16xf32>
      tpu.vector_store %arg5[%swap3A_806, %swap3A_807, %swap3A_808], %swap3A_811 {add = true, strides = array<i32>} : memref<4x8x1024xf32, #tpu.memory_space<vmem>>, vector<1x1x16xf32>,
      %swap3A_812 = arith.index_cast %shift_right_arithmetic3A_722 : i32 to index
      %swap3A_813 = arith.index_cast %and3A_725 : i32 to index
      %swap3A_814 = arith.index_cast %add3A_743 : i32 to index
      %swap3A_815 = tpu.vector_load %arg5[%swap3A_812, %swap3A_813, %swap3A_814] {strides = array<i32>} : memref<4x8x1024xf32, #tpu.memory_space<vmem>>, vector<1x1x16xf32>,
      %swap3A_816 = vector.shape_cast %swap3A_815 : vector<1x1x16xf32> to vector<16xf32>
      %swap3A_817 = vector.shape_cast %get3A_772 : vector<16xf32> to vector<1x1x16xf32>
      tpu.vector_store %arg5[%swap3A_812, %swap3A_813, %swap3A_814], %swap3A_817 {add = true, strides = array<i32>} : memref<4x8x1024xf32, #tpu.memory_space<vmem>>, vector<1x1x16xf32>,
      %swap3A_818 = arith.index_cast %shift_right_arithmetic3A_722 : i32 to index
      %swap3A_819 = arith.index_cast %and3A_725 : i32 to index
      %swap3A_820 = arith.index_cast %add3A_745 : i32 to index
      %swap3A_821 = tpu.vector_load %arg5[%swap3A_818, %swap3A_819, %swap3A_820] {strides = array<i32>} : memref<4x8x1024xf32, #tpu.memory_space<vmem>>, vector<1x1x16xf32>,
      %swap3A_822 = vector.shape_cast %swap3A_821 : vector<1x1x16xf32> to vector<16xf32>
      %swap3A_823 = vector.shape_cast %get3A_776 : vector<16xf32> to vector<1x1x16xf32>
      tpu.vector_store %arg5[%swap3A_818, %swap3A_819, %swap3A_820], %swap3A_823 {add = true, strides = array<i32>} : memref<4x8x1024xf32, #tpu.memory_space<vmem>>, vector<1x1x16xf32>,
      %scan3A_824 = arith.constant 0 : i32
      scf.yield %scan3A_824 : i32
    }
    %scan3A_443 = arith.constant 256 : i32
    %add3A_444 = arith.constant 72 : i32
    %add3A_445 = arith.addi %mul3A_2, %add3A_444 : i32
    %dma_start3A_446 = arith.constant 0 : i32
    %dma_start3A_447 = arith.constant 0 : i32
    %dma_start3A_448 = tpu.memref_slice %arg4[%dma_start3A_446, %add3A_445, %dma_start3A_447] : memref<4x4096x1024xf32, #tpu.memory_space<hbm>> -> memref<4x8x1024xf32, #tpu.memory_space<hbm>>
    %dma_start3A_449 = arith.constant 0 : i32
    %dma_start3A_450 = arith.constant 0 : i32
    %dma_start3A_451 = tpu.memref_slice %arg4[%dma_start3A_449, %add3A_445, %dma_start3A_450] : memref<4x4096x1024xf32, #tpu.memory_space<hbm>> -> memref<4x8x1024xf32, #tpu.memory_space<hbm>>
    tpu.enqueue_dma source(%arg5 : memref<4x8x1024xf32, #tpu.memory_space<vmem>>) target(%dma_start3A_451 : memref<4x8x1024xf32, #tpu.memory_space<hbm>>) target_semaphore(%arg13 : memref<!tpu.dma_semaphore, #tpu.memory_space<semaphore_mem>>)
    %dma_wait3A_452 = arith.constant 0 : i32
    %dma_wait3A_453 = arith.constant 0 : i32
    %dma_wait3A_454 = tpu.memref_slice %arg4[%dma_wait3A_452, %add3A_400, %dma_wait3A_453] : memref<4x4096x1024xf32, #tpu.memory_space<hbm>> -> memref<4x8x1024xf32, #tpu.memory_space<hbm>>
    %dma_wait3A_455 = arith.constant 0 : i32
    %dma_wait3A_456 = arith.constant 0 : i32
    %dma_wait3A_457 = tpu.memref_slice %arg4[%dma_wait3A_455, %add3A_400, %dma_wait3A_456] : memref<4x4096x1024xf32, #tpu.memory_space<hbm>> -> memref<4x8x1024xf32, #tpu.memory_space<hbm>>
    tpu.wait_dma2 semaphore(%arg15 : memref<!tpu.dma_semaphore, #tpu.memory_space<semaphore_mem>>) src(%arg7 : memref<4x8x1024xf32, #tpu.memory_space<vmem>>) dst(%dma_wait3A_457 : memref<4x8x1024xf32, #tpu.memory_space<hbm>>)
    %add3A_458 = arith.constant 88 : i32
    %add3A_459 = arith.addi %mul3A_2, %add3A_458 : i32
    %dma_start3A_460 = arith.constant 0 : i32
    %dma_start3A_461 = arith.constant 0 : i32
    %dma_start3A_462 = tpu.memref_slice %arg2[%dma_start3A_460, %add3A_459, %dma_start3A_461] : memref<4x4096x1024xf32, #tpu.memory_space<hbm>> -> memref<4x8x1024xf32, #tpu.memory_space<hbm>>
    %dma_start3A_463 = arith.constant 0 : i32
    %dma_start3A_464 = arith.constant 0 : i32
    %dma_start3A_465 = tpu.memref_slice %arg2[%dma_start3A_463, %add3A_459, %dma_start3A_464] : memref<4x4096x1024xf32, #tpu.memory_space<hbm>> -> memref<4x8x1024xf32, #tpu.memory_space<hbm>>
    tpu.enqueue_dma source(%dma_start3A_465 : memref<4x8x1024xf32, #tpu.memory_space<hbm>>) target(%arg7 : memref<4x8x1024xf32, #tpu.memory_space<vmem>>) target_semaphore(%arg12 : memref<!tpu.dma_semaphore, #tpu.memory_space<semaphore_mem>>)
    %dma_wait3A_466 = arith.constant 0 : i32
    %dma_wait3A_467 = tpu.memref_slice %arg3[%add3A_426, %dma_wait3A_466] : memref<8192x1024xf32, #tpu.memory_space<hbm>> -> memref<8x1024xf32, #tpu.memory_space<hbm>>
    %dma_wait3A_468 = arith.constant 0 : i32
    %dma_wait3A_469 = tpu.memref_slice %arg3[%add3A_426, %dma_wait3A_468] : memref<8192x1024xf32, #tpu.memory_space<hbm>> -> memref<8x1024xf32, #tpu.memory_space<hbm>>
    tpu.wait_dma2 semaphore(%arg16 : memref<!tpu.dma_semaphore, #tpu.memory_space<semaphore_mem>>) src(%dma_wait3A_469 : memref<8x1024xf32, #tpu.memory_space<hbm>>) dst(%arg8 : memref<8x1024xf32, #tpu.memory_space<vmem>>)
    %add3A_470 = arith.constant 88 : i32
    %add3A_471 = arith.addi %mul3A_2, %add3A_470 : i32
    %dma_start3A_472 = arith.constant 0 : i32
    %dma_start3A_473 = tpu.memref_slice %arg3[%add3A_471, %dma_start3A_472] : memref<8192x1024xf32, #tpu.memory_space<hbm>> -> memref<8x1024xf32, #tpu.memory_space<hbm>>
    %dma_start3A_474 = arith.constant 0 : i32
    %dma_start3A_475 = tpu.memref_slice %arg3[%add3A_471, %dma_start3A_474] : memref<8192x1024xf32, #tpu.memory_space<hbm>> -> memref<8x1024xf32, #tpu.memory_space<hbm>>
    tpu.enqueue_dma source(%dma_start3A_475 : memref<8x1024xf32, #tpu.memory_space<hbm>>) target(%arg9 : memref<8x1024xf32, #tpu.memory_space<vmem>>) target_semaphore(%arg17 : memref<!tpu.dma_semaphore, #tpu.memory_space<semaphore_mem>>)
    %dma_wait3A_476 = arith.constant 0 : i32
    %dma_wait3A_477 = arith.constant 0 : i32
    %dma_wait3A_478 = tpu.memref_slice %arg2[%dma_wait3A_476, %add3A_414, %dma_wait3A_477] : memref<4x4096x1024xf32, #tpu.memory_space<hbm>> -> memref<4x8x1024xf32, #tpu.memory_space<hbm>>
    %dma_wait3A_479 = arith.constant 0 : i32
    %dma_wait3A_480 = arith.constant 0 : i32
    %dma_wait3A_481 = tpu.memref_slice %arg2[%dma_wait3A_479, %add3A_414, %dma_wait3A_480] : memref<4x4096x1024xf32, #tpu.memory_space<hbm>> -> memref<4x8x1024xf32, #tpu.memory_space<hbm>>
    tpu.wait_dma2 semaphore(%arg11 : memref<!tpu.dma_semaphore, #tpu.memory_space<semaphore_mem>>) src(%dma_wait3A_481 : memref<4x8x1024xf32, #tpu.memory_space<hbm>>) dst(%arg6 : memref<4x8x1024xf32, #tpu.memory_space<vmem>>)
    %scan3A_482 = arith.constant 0 : i32
    %scan3A_483 = arith.constant 0 : i32
    %scan3A_484 = arith.constant 256 : i32
    %scan3A_485 = arith.addi %scan3A_483, %scan3A_484 : i32
    %scan3A_486 = arith.constant 1 : i32
    %scan3A_487 = scf.for %scan3A_720 = %scan3A_483 to %scan3A_485 step %scan3A_486 iter_args(%scan3A_721 = %scan3A_482) -> (i32)  : i32 {
      %shift_right_arithmetic3A = arith.constant 6 : i32
      %shift_right_arithmetic3A_722 = arith.shrsi %scan3A_720, %shift_right_arithmetic3A : i32
      %shift_right_arithmetic3A_723 = arith.constant 3 : i32
      %shift_right_arithmetic3A_724 = arith.shrsi %scan3A_720, %shift_right_arithmetic3A_723 : i32
      %and3A = arith.constant 7 : i32
      %and3A_725 = arith.andi %shift_right_arithmetic3A_724, %and3A : i32
      %and3A_726 = arith.constant 7 : i32
      %and3A_727 = arith.andi %scan3A_720, %and3A_726 : i32
      %mul3A_728 = arith.constant 128 : i32
      %mul3A_729 = arith.muli %and3A_727, %mul3A_728 : i32
      %add3A_730 = arith.constant 0 : i32
      %add3A_731 = arith.addi %mul3A_729, %add3A_730 : i32
      %add3A_732 = arith.constant 16 : i32
      %add3A_733 = arith.addi %mul3A_729, %add3A_732 : i32
      %add3A_734 = arith.constant 32 : i32
      %add3A_735 = arith.addi %mul3A_729, %add3A_734 : i32
      %add3A_736 = arith.constant 48 : i32
      %add3A_737 = arith.addi %mul3A_729, %add3A_736 : i32
      %add3A_738 = arith.constant 64 : i32
      %add3A_739 = arith.addi %mul3A_729, %add3A_738 : i32
      %add3A_740 = arith.constant 80 : i32
      %add3A_741 = arith.addi %mul3A_729, %add3A_740 : i32
      %add3A_742 = arith.constant 96 : i32
      %add3A_743 = arith.addi %mul3A_729, %add3A_742 : i32
      %add3A_744 = arith.constant 112 : i32
      %add3A_745 = arith.addi %mul3A_729, %add3A_744 : i32
      %get3A = arith.index_cast %and3A_725 : i32 to index
      %get3A_746 = arith.index_cast %add3A_731 : i32 to index
      %get3A_747 = tpu.vector_load %arg8[%get3A, %get3A_746] {strides = array<i32>} : memref<8x1024xf32, #tpu.memory_space<vmem>>, vector<1x16xf32>,
      %get3A_748 = vector.shape_cast %get3A_747 : vector<1x16xf32> to vector<16xf32>
      %get3A_749 = arith.index_cast %and3A_725 : i32 to index
      %get3A_750 = arith.index_cast %add3A_733 : i32 to index
      %get3A_751 = tpu.vector_load %arg8[%get3A_749, %get3A_750] {strides = array<i32>} : memref<8x1024xf32, #tpu.memory_space<vmem>>, vector<1x16xf32>,
      %get3A_752 = vector.shape_cast %get3A_751 : vector<1x16xf32> to vector<16xf32>
      %get3A_753 = arith.index_cast %and3A_725 : i32 to index
      %get3A_754 = arith.index_cast %add3A_735 : i32 to index
      %get3A_755 = tpu.vector_load %arg8[%get3A_753, %get3A_754] {strides = array<i32>} : memref<8x1024xf32, #tpu.memory_space<vmem>>, vector<1x16xf32>,
      %get3A_756 = vector.shape_cast %get3A_755 : vector<1x16xf32> to vector<16xf32>
      %get3A_757 = arith.index_cast %and3A_725 : i32 to index
      %get3A_758 = arith.index_cast %add3A_737 : i32 to index
      %get3A_759 = tpu.vector_load %arg8[%get3A_757, %get3A_758] {strides = array<i32>} : memref<8x1024xf32, #tpu.memory_space<vmem>>, vector<1x16xf32>,
      %get3A_760 = vector.shape_cast %get3A_759 : vector<1x16xf32> to vector<16xf32>
      %get3A_761 = arith.index_cast %and3A_725 : i32 to index
      %get3A_762 = arith.index_cast %add3A_739 : i32 to index
      %get3A_763 = tpu.vector_load %arg8[%get3A_761, %get3A_762] {strides = array<i32>} : memref<8x1024xf32, #tpu.memory_space<vmem>>, vector<1x16xf32>,
      %get3A_764 = vector.shape_cast %get3A_763 : vector<1x16xf32> to vector<16xf32>
      %get3A_765 = arith.index_cast %and3A_725 : i32 to index
      %get3A_766 = arith.index_cast %add3A_741 : i32 to index
      %get3A_767 = tpu.vector_load %arg8[%get3A_765, %get3A_766] {strides = array<i32>} : memref<8x1024xf32, #tpu.memory_space<vmem>>, vector<1x16xf32>,
      %get3A_768 = vector.shape_cast %get3A_767 : vector<1x16xf32> to vector<16xf32>
      %get3A_769 = arith.index_cast %and3A_725 : i32 to index
      %get3A_770 = arith.index_cast %add3A_743 : i32 to index
      %get3A_771 = tpu.vector_load %arg8[%get3A_769, %get3A_770] {strides = array<i32>} : memref<8x1024xf32, #tpu.memory_space<vmem>>, vector<1x16xf32>,
      %get3A_772 = vector.shape_cast %get3A_771 : vector<1x16xf32> to vector<16xf32>
      %get3A_773 = arith.index_cast %and3A_725 : i32 to index
      %get3A_774 = arith.index_cast %add3A_745 : i32 to index
      %get3A_775 = tpu.vector_load %arg8[%get3A_773, %get3A_774] {strides = array<i32>} : memref<8x1024xf32, #tpu.memory_space<vmem>>, vector<1x16xf32>,
      %get3A_776 = vector.shape_cast %get3A_775 : vector<1x16xf32> to vector<16xf32>
      %swap3A = arith.index_cast %shift_right_arithmetic3A_722 : i32 to index
      %swap3A_777 = arith.index_cast %and3A_725 : i32 to index
      %swap3A_778 = arith.index_cast %add3A_731 : i32 to index
      %swap3A_779 = tpu.vector_load %arg6[%swap3A, %swap3A_777, %swap3A_778] {strides = array<i32>} : memref<4x8x1024xf32, #tpu.memory_space<vmem>>, vector<1x1x16xf32>,
      %swap3A_780 = vector.shape_cast %swap3A_779 : vector<1x1x16xf32> to vector<16xf32>
      %swap3A_781 = vector.shape_cast %get3A_748 : vector<16xf32> to vector<1x1x16xf32>
      tpu.vector_store %arg6[%swap3A, %swap3A_777, %swap3A_778], %swap3A_781 {add = true, strides = array<i32>} : memref<4x8x1024xf32, #tpu.memory_space<vmem>>, vector<1x1x16xf32>,
      %swap3A_782 = arith.index_cast %shift_right_arithmetic3A_722 : i32 to index
      %swap3A_783 = arith.index_cast %and3A_725 : i32 to index
      %swap3A_784 = arith.index_cast %add3A_733 : i32 to index
      %swap3A_785 = tpu.vector_load %arg6[%swap3A_782, %swap3A_783, %swap3A_784] {strides = array<i32>} : memref<4x8x1024xf32, #tpu.memory_space<vmem>>, vector<1x1x16xf32>,
      %swap3A_786 = vector.shape_cast %swap3A_785 : vector<1x1x16xf32> to vector<16xf32>
      %swap3A_787 = vector.shape_cast %get3A_752 : vector<16xf32> to vector<1x1x16xf32>
      tpu.vector_store %arg6[%swap3A_782, %swap3A_783, %swap3A_784], %swap3A_787 {add = true, strides = array<i32>} : memref<4x8x1024xf32, #tpu.memory_space<vmem>>, vector<1x1x16xf32>,
      %swap3A_788 = arith.index_cast %shift_right_arithmetic3A_722 : i32 to index
      %swap3A_789 = arith.index_cast %and3A_725 : i32 to index
      %swap3A_790 = arith.index_cast %add3A_735 : i32 to index
      %swap3A_791 = tpu.vector_load %arg6[%swap3A_788, %swap3A_789, %swap3A_790] {strides = array<i32>} : memref<4x8x1024xf32, #tpu.memory_space<vmem>>, vector<1x1x16xf32>,
      %swap3A_792 = vector.shape_cast %swap3A_791 : vector<1x1x16xf32> to vector<16xf32>
      %swap3A_793 = vector.shape_cast %get3A_756 : vector<16xf32> to vector<1x1x16xf32>
      tpu.vector_store %arg6[%swap3A_788, %swap3A_789, %swap3A_790], %swap3A_793 {add = true, strides = array<i32>} : memref<4x8x1024xf32, #tpu.memory_space<vmem>>, vector<1x1x16xf32>,
      %swap3A_794 = arith.index_cast %shift_right_arithmetic3A_722 : i32 to index
      %swap3A_795 = arith.index_cast %and3A_725 : i32 to index
      %swap3A_796 = arith.index_cast %add3A_737 : i32 to index
      %swap3A_797 = tpu.vector_load %arg6[%swap3A_794, %swap3A_795, %swap3A_796] {strides = array<i32>} : memref<4x8x1024xf32, #tpu.memory_space<vmem>>, vector<1x1x16xf32>,
      %swap3A_798 = vector.shape_cast %swap3A_797 : vector<1x1x16xf32> to vector<16xf32>
      %swap3A_799 = vector.shape_cast %get3A_760 : vector<16xf32> to vector<1x1x16xf32>
      tpu.vector_store %arg6[%swap3A_794, %swap3A_795, %swap3A_796], %swap3A_799 {add = true, strides = array<i32>} : memref<4x8x1024xf32, #tpu.memory_space<vmem>>, vector<1x1x16xf32>,
      %swap3A_800 = arith.index_cast %shift_right_arithmetic3A_722 : i32 to index
      %swap3A_801 = arith.index_cast %and3A_725 : i32 to index
      %swap3A_802 = arith.index_cast %add3A_739 : i32 to index
      %swap3A_803 = tpu.vector_load %arg6[%swap3A_800, %swap3A_801, %swap3A_802] {strides = array<i32>} : memref<4x8x1024xf32, #tpu.memory_space<vmem>>, vector<1x1x16xf32>,
      %swap3A_804 = vector.shape_cast %swap3A_803 : vector<1x1x16xf32> to vector<16xf32>
      %swap3A_805 = vector.shape_cast %get3A_764 : vector<16xf32> to vector<1x1x16xf32>
      tpu.vector_store %arg6[%swap3A_800, %swap3A_801, %swap3A_802], %swap3A_805 {add = true, strides = array<i32>} : memref<4x8x1024xf32, #tpu.memory_space<vmem>>, vector<1x1x16xf32>,
      %swap3A_806 = arith.index_cast %shift_right_arithmetic3A_722 : i32 to index
      %swap3A_807 = arith.index_cast %and3A_725 : i32 to index
      %swap3A_808 = arith.index_cast %add3A_741 : i32 to index
      %swap3A_809 = tpu.vector_load %arg6[%swap3A_806, %swap3A_807, %swap3A_808] {strides = array<i32>} : memref<4x8x1024xf32, #tpu.memory_space<vmem>>, vector<1x1x16xf32>,
      %swap3A_810 = vector.shape_cast %swap3A_809 : vector<1x1x16xf32> to vector<16xf32>
      %swap3A_811 = vector.shape_cast %get3A_768 : vector<16xf32> to vector<1x1x16xf32>
      tpu.vector_store %arg6[%swap3A_806, %swap3A_807, %swap3A_808], %swap3A_811 {add = true, strides = array<i32>} : memref<4x8x1024xf32, #tpu.memory_space<vmem>>, vector<1x1x16xf32>,
      %swap3A_812 = arith.index_cast %shift_right_arithmetic3A_722 : i32 to index
      %swap3A_813 = arith.index_cast %and3A_725 : i32 to index
      %swap3A_814 = arith.index_cast %add3A_743 : i32 to index
      %swap3A_815 = tpu.vector_load %arg6[%swap3A_812, %swap3A_813, %swap3A_814] {strides = array<i32>} : memref<4x8x1024xf32, #tpu.memory_space<vmem>>, vector<1x1x16xf32>,
      %swap3A_816 = vector.shape_cast %swap3A_815 : vector<1x1x16xf32> to vector<16xf32>
      %swap3A_817 = vector.shape_cast %get3A_772 : vector<16xf32> to vector<1x1x16xf32>
      tpu.vector_store %arg6[%swap3A_812, %swap3A_813, %swap3A_814], %swap3A_817 {add = true, strides = array<i32>} : memref<4x8x1024xf32, #tpu.memory_space<vmem>>, vector<1x1x16xf32>,
      %swap3A_818 = arith.index_cast %shift_right_arithmetic3A_722 : i32 to index
      %swap3A_819 = arith.index_cast %and3A_725 : i32 to index
      %swap3A_820 = arith.index_cast %add3A_745 : i32 to index
      %swap3A_821 = tpu.vector_load %arg6[%swap3A_818, %swap3A_819, %swap3A_820] {strides = array<i32>} : memref<4x8x1024xf32, #tpu.memory_space<vmem>>, vector<1x1x16xf32>,
      %swap3A_822 = vector.shape_cast %swap3A_821 : vector<1x1x16xf32> to vector<16xf32>
      %swap3A_823 = vector.shape_cast %get3A_776 : vector<16xf32> to vector<1x1x16xf32>
      tpu.vector_store %arg6[%swap3A_818, %swap3A_819, %swap3A_820], %swap3A_823 {add = true, strides = array<i32>} : memref<4x8x1024xf32, #tpu.memory_space<vmem>>, vector<1x1x16xf32>,
      %scan3A_824 = arith.constant 0 : i32
      scf.yield %scan3A_824 : i32
    }
    %scan3A_488 = arith.constant 256 : i32
    %add3A_489 = arith.constant 80 : i32
    %add3A_490 = arith.addi %mul3A_2, %add3A_489 : i32
    %dma_start3A_491 = arith.constant 0 : i32
    %dma_start3A_492 = arith.constant 0 : i32
    %dma_start3A_493 = tpu.memref_slice %arg4[%dma_start3A_491, %add3A_490, %dma_start3A_492] : memref<4x4096x1024xf32, #tpu.memory_space<hbm>> -> memref<4x8x1024xf32, #tpu.memory_space<hbm>>
    %dma_start3A_494 = arith.constant 0 : i32
    %dma_start3A_495 = arith.constant 0 : i32
    %dma_start3A_496 = tpu.memref_slice %arg4[%dma_start3A_494, %add3A_490, %dma_start3A_495] : memref<4x4096x1024xf32, #tpu.memory_space<hbm>> -> memref<4x8x1024xf32, #tpu.memory_space<hbm>>
    tpu.enqueue_dma source(%arg6 : memref<4x8x1024xf32, #tpu.memory_space<vmem>>) target(%dma_start3A_496 : memref<4x8x1024xf32, #tpu.memory_space<hbm>>) target_semaphore(%arg14 : memref<!tpu.dma_semaphore, #tpu.memory_space<semaphore_mem>>)
    %dma_wait3A_497 = arith.constant 0 : i32
    %dma_wait3A_498 = arith.constant 0 : i32
    %dma_wait3A_499 = tpu.memref_slice %arg4[%dma_wait3A_497, %add3A_445, %dma_wait3A_498] : memref<4x4096x1024xf32, #tpu.memory_space<hbm>> -> memref<4x8x1024xf32, #tpu.memory_space<hbm>>
    %dma_wait3A_500 = arith.constant 0 : i32
    %dma_wait3A_501 = arith.constant 0 : i32
    %dma_wait3A_502 = tpu.memref_slice %arg4[%dma_wait3A_500, %add3A_445, %dma_wait3A_501] : memref<4x4096x1024xf32, #tpu.memory_space<hbm>> -> memref<4x8x1024xf32, #tpu.memory_space<hbm>>
    tpu.wait_dma2 semaphore(%arg13 : memref<!tpu.dma_semaphore, #tpu.memory_space<semaphore_mem>>) src(%arg5 : memref<4x8x1024xf32, #tpu.memory_space<vmem>>) dst(%dma_wait3A_502 : memref<4x8x1024xf32, #tpu.memory_space<hbm>>)
    %add3A_503 = arith.constant 96 : i32
    %add3A_504 = arith.addi %mul3A_2, %add3A_503 : i32
    %dma_start3A_505 = arith.constant 0 : i32
    %dma_start3A_506 = arith.constant 0 : i32
    %dma_start3A_507 = tpu.memref_slice %arg2[%dma_start3A_505, %add3A_504, %dma_start3A_506] : memref<4x4096x1024xf32, #tpu.memory_space<hbm>> -> memref<4x8x1024xf32, #tpu.memory_space<hbm>>
    %dma_start3A_508 = arith.constant 0 : i32
    %dma_start3A_509 = arith.constant 0 : i32
    %dma_start3A_510 = tpu.memref_slice %arg2[%dma_start3A_508, %add3A_504, %dma_start3A_509] : memref<4x4096x1024xf32, #tpu.memory_space<hbm>> -> memref<4x8x1024xf32, #tpu.memory_space<hbm>>
    tpu.enqueue_dma source(%dma_start3A_510 : memref<4x8x1024xf32, #tpu.memory_space<hbm>>) target(%arg5 : memref<4x8x1024xf32, #tpu.memory_space<vmem>>) target_semaphore(%arg10 : memref<!tpu.dma_semaphore, #tpu.memory_space<semaphore_mem>>)
    %dma_wait3A_511 = arith.constant 0 : i32
    %dma_wait3A_512 = tpu.memref_slice %arg3[%add3A_471, %dma_wait3A_511] : memref<8192x1024xf32, #tpu.memory_space<hbm>> -> memref<8x1024xf32, #tpu.memory_space<hbm>>
    %dma_wait3A_513 = arith.constant 0 : i32
    %dma_wait3A_514 = tpu.memref_slice %arg3[%add3A_471, %dma_wait3A_513] : memref<8192x1024xf32, #tpu.memory_space<hbm>> -> memref<8x1024xf32, #tpu.memory_space<hbm>>
    tpu.wait_dma2 semaphore(%arg17 : memref<!tpu.dma_semaphore, #tpu.memory_space<semaphore_mem>>) src(%dma_wait3A_514 : memref<8x1024xf32, #tpu.memory_space<hbm>>) dst(%arg9 : memref<8x1024xf32, #tpu.memory_space<vmem>>)
    %add3A_515 = arith.constant 96 : i32
    %add3A_516 = arith.addi %mul3A_2, %add3A_515 : i32
    %dma_start3A_517 = arith.constant 0 : i32
    %dma_start3A_518 = tpu.memref_slice %arg3[%add3A_516, %dma_start3A_517] : memref<8192x1024xf32, #tpu.memory_space<hbm>> -> memref<8x1024xf32, #tpu.memory_space<hbm>>
    %dma_start3A_519 = arith.constant 0 : i32
    %dma_start3A_520 = tpu.memref_slice %arg3[%add3A_516, %dma_start3A_519] : memref<8192x1024xf32, #tpu.memory_space<hbm>> -> memref<8x1024xf32, #tpu.memory_space<hbm>>
    tpu.enqueue_dma source(%dma_start3A_520 : memref<8x1024xf32, #tpu.memory_space<hbm>>) target(%arg8 : memref<8x1024xf32, #tpu.memory_space<vmem>>) target_semaphore(%arg16 : memref<!tpu.dma_semaphore, #tpu.memory_space<semaphore_mem>>)
    %dma_wait3A_521 = arith.constant 0 : i32
    %dma_wait3A_522 = arith.constant 0 : i32
    %dma_wait3A_523 = tpu.memref_slice %arg2[%dma_wait3A_521, %add3A_459, %dma_wait3A_522] : memref<4x4096x1024xf32, #tpu.memory_space<hbm>> -> memref<4x8x1024xf32, #tpu.memory_space<hbm>>
    %dma_wait3A_524 = arith.constant 0 : i32
    %dma_wait3A_525 = arith.constant 0 : i32
    %dma_wait3A_526 = tpu.memref_slice %arg2[%dma_wait3A_524, %add3A_459, %dma_wait3A_525] : memref<4x4096x1024xf32, #tpu.memory_space<hbm>> -> memref<4x8x1024xf32, #tpu.memory_space<hbm>>
    tpu.wait_dma2 semaphore(%arg12 : memref<!tpu.dma_semaphore, #tpu.memory_space<semaphore_mem>>) src(%dma_wait3A_526 : memref<4x8x1024xf32, #tpu.memory_space<hbm>>) dst(%arg7 : memref<4x8x1024xf32, #tpu.memory_space<vmem>>)
    %scan3A_527 = arith.constant 0 : i32
    %scan3A_528 = arith.constant 0 : i32
    %scan3A_529 = arith.constant 256 : i32
    %scan3A_530 = arith.addi %scan3A_528, %scan3A_529 : i32
    %scan3A_531 = arith.constant 1 : i32
    %scan3A_532 = scf.for %scan3A_720 = %scan3A_528 to %scan3A_530 step %scan3A_531 iter_args(%scan3A_721 = %scan3A_527) -> (i32)  : i32 {
      %shift_right_arithmetic3A = arith.constant 6 : i32
      %shift_right_arithmetic3A_722 = arith.shrsi %scan3A_720, %shift_right_arithmetic3A : i32
      %shift_right_arithmetic3A_723 = arith.constant 3 : i32
      %shift_right_arithmetic3A_724 = arith.shrsi %scan3A_720, %shift_right_arithmetic3A_723 : i32
      %and3A = arith.constant 7 : i32
      %and3A_725 = arith.andi %shift_right_arithmetic3A_724, %and3A : i32
      %and3A_726 = arith.constant 7 : i32
      %and3A_727 = arith.andi %scan3A_720, %and3A_726 : i32
      %mul3A_728 = arith.constant 128 : i32
      %mul3A_729 = arith.muli %and3A_727, %mul3A_728 : i32
      %add3A_730 = arith.constant 0 : i32
      %add3A_731 = arith.addi %mul3A_729, %add3A_730 : i32
      %add3A_732 = arith.constant 16 : i32
      %add3A_733 = arith.addi %mul3A_729, %add3A_732 : i32
      %add3A_734 = arith.constant 32 : i32
      %add3A_735 = arith.addi %mul3A_729, %add3A_734 : i32
      %add3A_736 = arith.constant 48 : i32
      %add3A_737 = arith.addi %mul3A_729, %add3A_736 : i32
      %add3A_738 = arith.constant 64 : i32
      %add3A_739 = arith.addi %mul3A_729, %add3A_738 : i32
      %add3A_740 = arith.constant 80 : i32
      %add3A_741 = arith.addi %mul3A_729, %add3A_740 : i32
      %add3A_742 = arith.constant 96 : i32
      %add3A_743 = arith.addi %mul3A_729, %add3A_742 : i32
      %add3A_744 = arith.constant 112 : i32
      %add3A_745 = arith.addi %mul3A_729, %add3A_744 : i32
      %get3A = arith.index_cast %and3A_725 : i32 to index
      %get3A_746 = arith.index_cast %add3A_731 : i32 to index
      %get3A_747 = tpu.vector_load %arg9[%get3A, %get3A_746] {strides = array<i32>} : memref<8x1024xf32, #tpu.memory_space<vmem>>, vector<1x16xf32>,
      %get3A_748 = vector.shape_cast %get3A_747 : vector<1x16xf32> to vector<16xf32>
      %get3A_749 = arith.index_cast %and3A_725 : i32 to index
      %get3A_750 = arith.index_cast %add3A_733 : i32 to index
      %get3A_751 = tpu.vector_load %arg9[%get3A_749, %get3A_750] {strides = array<i32>} : memref<8x1024xf32, #tpu.memory_space<vmem>>, vector<1x16xf32>,
      %get3A_752 = vector.shape_cast %get3A_751 : vector<1x16xf32> to vector<16xf32>
      %get3A_753 = arith.index_cast %and3A_725 : i32 to index
      %get3A_754 = arith.index_cast %add3A_735 : i32 to index
      %get3A_755 = tpu.vector_load %arg9[%get3A_753, %get3A_754] {strides = array<i32>} : memref<8x1024xf32, #tpu.memory_space<vmem>>, vector<1x16xf32>,
      %get3A_756 = vector.shape_cast %get3A_755 : vector<1x16xf32> to vector<16xf32>
      %get3A_757 = arith.index_cast %and3A_725 : i32 to index
      %get3A_758 = arith.index_cast %add3A_737 : i32 to index
      %get3A_759 = tpu.vector_load %arg9[%get3A_757, %get3A_758] {strides = array<i32>} : memref<8x1024xf32, #tpu.memory_space<vmem>>, vector<1x16xf32>,
      %get3A_760 = vector.shape_cast %get3A_759 : vector<1x16xf32> to vector<16xf32>
      %get3A_761 = arith.index_cast %and3A_725 : i32 to index
      %get3A_762 = arith.index_cast %add3A_739 : i32 to index
      %get3A_763 = tpu.vector_load %arg9[%get3A_761, %get3A_762] {strides = array<i32>} : memref<8x1024xf32, #tpu.memory_space<vmem>>, vector<1x16xf32>,
      %get3A_764 = vector.shape_cast %get3A_763 : vector<1x16xf32> to vector<16xf32>
      %get3A_765 = arith.index_cast %and3A_725 : i32 to index
      %get3A_766 = arith.index_cast %add3A_741 : i32 to index
      %get3A_767 = tpu.vector_load %arg9[%get3A_765, %get3A_766] {strides = array<i32>} : memref<8x1024xf32, #tpu.memory_space<vmem>>, vector<1x16xf32>,
      %get3A_768 = vector.shape_cast %get3A_767 : vector<1x16xf32> to vector<16xf32>
      %get3A_769 = arith.index_cast %and3A_725 : i32 to index
      %get3A_770 = arith.index_cast %add3A_743 : i32 to index
      %get3A_771 = tpu.vector_load %arg9[%get3A_769, %get3A_770] {strides = array<i32>} : memref<8x1024xf32, #tpu.memory_space<vmem>>, vector<1x16xf32>,
      %get3A_772 = vector.shape_cast %get3A_771 : vector<1x16xf32> to vector<16xf32>
      %get3A_773 = arith.index_cast %and3A_725 : i32 to index
      %get3A_774 = arith.index_cast %add3A_745 : i32 to index
      %get3A_775 = tpu.vector_load %arg9[%get3A_773, %get3A_774] {strides = array<i32>} : memref<8x1024xf32, #tpu.memory_space<vmem>>, vector<1x16xf32>,
      %get3A_776 = vector.shape_cast %get3A_775 : vector<1x16xf32> to vector<16xf32>
      %swap3A = arith.index_cast %shift_right_arithmetic3A_722 : i32 to index
      %swap3A_777 = arith.index_cast %and3A_725 : i32 to index
      %swap3A_778 = arith.index_cast %add3A_731 : i32 to index
      %swap3A_779 = tpu.vector_load %arg7[%swap3A, %swap3A_777, %swap3A_778] {strides = array<i32>} : memref<4x8x1024xf32, #tpu.memory_space<vmem>>, vector<1x1x16xf32>,
      %swap3A_780 = vector.shape_cast %swap3A_779 : vector<1x1x16xf32> to vector<16xf32>
      %swap3A_781 = vector.shape_cast %get3A_748 : vector<16xf32> to vector<1x1x16xf32>
      tpu.vector_store %arg7[%swap3A, %swap3A_777, %swap3A_778], %swap3A_781 {add = true, strides = array<i32>} : memref<4x8x1024xf32, #tpu.memory_space<vmem>>, vector<1x1x16xf32>,
      %swap3A_782 = arith.index_cast %shift_right_arithmetic3A_722 : i32 to index
      %swap3A_783 = arith.index_cast %and3A_725 : i32 to index
      %swap3A_784 = arith.index_cast %add3A_733 : i32 to index
      %swap3A_785 = tpu.vector_load %arg7[%swap3A_782, %swap3A_783, %swap3A_784] {strides = array<i32>} : memref<4x8x1024xf32, #tpu.memory_space<vmem>>, vector<1x1x16xf32>,
      %swap3A_786 = vector.shape_cast %swap3A_785 : vector<1x1x16xf32> to vector<16xf32>
      %swap3A_787 = vector.shape_cast %get3A_752 : vector<16xf32> to vector<1x1x16xf32>
      tpu.vector_store %arg7[%swap3A_782, %swap3A_783, %swap3A_784], %swap3A_787 {add = true, strides = array<i32>} : memref<4x8x1024xf32, #tpu.memory_space<vmem>>, vector<1x1x16xf32>,
      %swap3A_788 = arith.index_cast %shift_right_arithmetic3A_722 : i32 to index
      %swap3A_789 = arith.index_cast %and3A_725 : i32 to index
      %swap3A_790 = arith.index_cast %add3A_735 : i32 to index
      %swap3A_791 = tpu.vector_load %arg7[%swap3A_788, %swap3A_789, %swap3A_790] {strides = array<i32>} : memref<4x8x1024xf32, #tpu.memory_space<vmem>>, vector<1x1x16xf32>,
      %swap3A_792 = vector.shape_cast %swap3A_791 : vector<1x1x16xf32> to vector<16xf32>
      %swap3A_793 = vector.shape_cast %get3A_756 : vector<16xf32> to vector<1x1x16xf32>
      tpu.vector_store %arg7[%swap3A_788, %swap3A_789, %swap3A_790], %swap3A_793 {add = true, strides = array<i32>} : memref<4x8x1024xf32, #tpu.memory_space<vmem>>, vector<1x1x16xf32>,
      %swap3A_794 = arith.index_cast %shift_right_arithmetic3A_722 : i32 to index
      %swap3A_795 = arith.index_cast %and3A_725 : i32 to index
      %swap3A_796 = arith.index_cast %add3A_737 : i32 to index
      %swap3A_797 = tpu.vector_load %arg7[%swap3A_794, %swap3A_795, %swap3A_796] {strides = array<i32>} : memref<4x8x1024xf32, #tpu.memory_space<vmem>>, vector<1x1x16xf32>,
      %swap3A_798 = vector.shape_cast %swap3A_797 : vector<1x1x16xf32> to vector<16xf32>
      %swap3A_799 = vector.shape_cast %get3A_760 : vector<16xf32> to vector<1x1x16xf32>
      tpu.vector_store %arg7[%swap3A_794, %swap3A_795, %swap3A_796], %swap3A_799 {add = true, strides = array<i32>} : memref<4x8x1024xf32, #tpu.memory_space<vmem>>, vector<1x1x16xf32>,
      %swap3A_800 = arith.index_cast %shift_right_arithmetic3A_722 : i32 to index
      %swap3A_801 = arith.index_cast %and3A_725 : i32 to index
      %swap3A_802 = arith.index_cast %add3A_739 : i32 to index
      %swap3A_803 = tpu.vector_load %arg7[%swap3A_800, %swap3A_801, %swap3A_802] {strides = array<i32>} : memref<4x8x1024xf32, #tpu.memory_space<vmem>>, vector<1x1x16xf32>,
      %swap3A_804 = vector.shape_cast %swap3A_803 : vector<1x1x16xf32> to vector<16xf32>
      %swap3A_805 = vector.shape_cast %get3A_764 : vector<16xf32> to vector<1x1x16xf32>
      tpu.vector_store %arg7[%swap3A_800, %swap3A_801, %swap3A_802], %swap3A_805 {add = true, strides = array<i32>} : memref<4x8x1024xf32, #tpu.memory_space<vmem>>, vector<1x1x16xf32>,
      %swap3A_806 = arith.index_cast %shift_right_arithmetic3A_722 : i32 to index
      %swap3A_807 = arith.index_cast %and3A_725 : i32 to index
      %swap3A_808 = arith.index_cast %add3A_741 : i32 to index
      %swap3A_809 = tpu.vector_load %arg7[%swap3A_806, %swap3A_807, %swap3A_808] {strides = array<i32>} : memref<4x8x1024xf32, #tpu.memory_space<vmem>>, vector<1x1x16xf32>,
      %swap3A_810 = vector.shape_cast %swap3A_809 : vector<1x1x16xf32> to vector<16xf32>
      %swap3A_811 = vector.shape_cast %get3A_768 : vector<16xf32> to vector<1x1x16xf32>
      tpu.vector_store %arg7[%swap3A_806, %swap3A_807, %swap3A_808], %swap3A_811 {add = true, strides = array<i32>} : memref<4x8x1024xf32, #tpu.memory_space<vmem>>, vector<1x1x16xf32>,
      %swap3A_812 = arith.index_cast %shift_right_arithmetic3A_722 : i32 to index
      %swap3A_813 = arith.index_cast %and3A_725 : i32 to index
      %swap3A_814 = arith.index_cast %add3A_743 : i32 to index
      %swap3A_815 = tpu.vector_load %arg7[%swap3A_812, %swap3A_813, %swap3A_814] {strides = array<i32>} : memref<4x8x1024xf32, #tpu.memory_space<vmem>>, vector<1x1x16xf32>,
      %swap3A_816 = vector.shape_cast %swap3A_815 : vector<1x1x16xf32> to vector<16xf32>
      %swap3A_817 = vector.shape_cast %get3A_772 : vector<16xf32> to vector<1x1x16xf32>
      tpu.vector_store %arg7[%swap3A_812, %swap3A_813, %swap3A_814], %swap3A_817 {add = true, strides = array<i32>} : memref<4x8x1024xf32, #tpu.memory_space<vmem>>, vector<1x1x16xf32>,
      %swap3A_818 = arith.index_cast %shift_right_arithmetic3A_722 : i32 to index
      %swap3A_819 = arith.index_cast %and3A_725 : i32 to index
      %swap3A_820 = arith.index_cast %add3A_745 : i32 to index
      %swap3A_821 = tpu.vector_load %arg7[%swap3A_818, %swap3A_819, %swap3A_820] {strides = array<i32>} : memref<4x8x1024xf32, #tpu.memory_space<vmem>>, vector<1x1x16xf32>,
      %swap3A_822 = vector.shape_cast %swap3A_821 : vector<1x1x16xf32> to vector<16xf32>
      %swap3A_823 = vector.shape_cast %get3A_776 : vector<16xf32> to vector<1x1x16xf32>
      tpu.vector_store %arg7[%swap3A_818, %swap3A_819, %swap3A_820], %swap3A_823 {add = true, strides = array<i32>} : memref<4x8x1024xf32, #tpu.memory_space<vmem>>, vector<1x1x16xf32>,
      %scan3A_824 = arith.constant 0 : i32
      scf.yield %scan3A_824 : i32
    }
    %scan3A_533 = arith.constant 256 : i32
    %add3A_534 = arith.constant 88 : i32
    %add3A_535 = arith.addi %mul3A_2, %add3A_534 : i32
    %dma_start3A_536 = arith.constant 0 : i32
    %dma_start3A_537 = arith.constant 0 : i32
    %dma_start3A_538 = tpu.memref_slice %arg4[%dma_start3A_536, %add3A_535, %dma_start3A_537] : memref<4x4096x1024xf32, #tpu.memory_space<hbm>> -> memref<4x8x1024xf32, #tpu.memory_space<hbm>>
    %dma_start3A_539 = arith.constant 0 : i32
    %dma_start3A_540 = arith.constant 0 : i32
    %dma_start3A_541 = tpu.memref_slice %arg4[%dma_start3A_539, %add3A_535, %dma_start3A_540] : memref<4x4096x1024xf32, #tpu.memory_space<hbm>> -> memref<4x8x1024xf32, #tpu.memory_space<hbm>>
    tpu.enqueue_dma source(%arg7 : memref<4x8x1024xf32, #tpu.memory_space<vmem>>) target(%dma_start3A_541 : memref<4x8x1024xf32, #tpu.memory_space<hbm>>) target_semaphore(%arg15 : memref<!tpu.dma_semaphore, #tpu.memory_space<semaphore_mem>>)
    %dma_wait3A_542 = arith.constant 0 : i32
    %dma_wait3A_543 = arith.constant 0 : i32
    %dma_wait3A_544 = tpu.memref_slice %arg4[%dma_wait3A_542, %add3A_490, %dma_wait3A_543] : memref<4x4096x1024xf32, #tpu.memory_space<hbm>> -> memref<4x8x1024xf32, #tpu.memory_space<hbm>>
    %dma_wait3A_545 = arith.constant 0 : i32
    %dma_wait3A_546 = arith.constant 0 : i32
    %dma_wait3A_547 = tpu.memref_slice %arg4[%dma_wait3A_545, %add3A_490, %dma_wait3A_546] : memref<4x4096x1024xf32, #tpu.memory_space<hbm>> -> memref<4x8x1024xf32, #tpu.memory_space<hbm>>
    tpu.wait_dma2 semaphore(%arg14 : memref<!tpu.dma_semaphore, #tpu.memory_space<semaphore_mem>>) src(%arg6 : memref<4x8x1024xf32, #tpu.memory_space<vmem>>) dst(%dma_wait3A_547 : memref<4x8x1024xf32, #tpu.memory_space<hbm>>)
    %add3A_548 = arith.constant 104 : i32
    %add3A_549 = arith.addi %mul3A_2, %add3A_548 : i32
    %dma_start3A_550 = arith.constant 0 : i32
    %dma_start3A_551 = arith.constant 0 : i32
    %dma_start3A_552 = tpu.memref_slice %arg2[%dma_start3A_550, %add3A_549, %dma_start3A_551] : memref<4x4096x1024xf32, #tpu.memory_space<hbm>> -> memref<4x8x1024xf32, #tpu.memory_space<hbm>>
    %dma_start3A_553 = arith.constant 0 : i32
    %dma_start3A_554 = arith.constant 0 : i32
    %dma_start3A_555 = tpu.memref_slice %arg2[%dma_start3A_553, %add3A_549, %dma_start3A_554] : memref<4x4096x1024xf32, #tpu.memory_space<hbm>> -> memref<4x8x1024xf32, #tpu.memory_space<hbm>>
    tpu.enqueue_dma source(%dma_start3A_555 : memref<4x8x1024xf32, #tpu.memory_space<hbm>>) target(%arg6 : memref<4x8x1024xf32, #tpu.memory_space<vmem>>) target_semaphore(%arg11 : memref<!tpu.dma_semaphore, #tpu.memory_space<semaphore_mem>>)
    %dma_wait3A_556 = arith.constant 0 : i32
    %dma_wait3A_557 = tpu.memref_slice %arg3[%add3A_516, %dma_wait3A_556] : memref<8192x1024xf32, #tpu.memory_space<hbm>> -> memref<8x1024xf32, #tpu.memory_space<hbm>>
    %dma_wait3A_558 = arith.constant 0 : i32
    %dma_wait3A_559 = tpu.memref_slice %arg3[%add3A_516, %dma_wait3A_558] : memref<8192x1024xf32, #tpu.memory_space<hbm>> -> memref<8x1024xf32, #tpu.memory_space<hbm>>
    tpu.wait_dma2 semaphore(%arg16 : memref<!tpu.dma_semaphore, #tpu.memory_space<semaphore_mem>>) src(%dma_wait3A_559 : memref<8x1024xf32, #tpu.memory_space<hbm>>) dst(%arg8 : memref<8x1024xf32, #tpu.memory_space<vmem>>)
    %add3A_560 = arith.constant 104 : i32
    %add3A_561 = arith.addi %mul3A_2, %add3A_560 : i32
    %dma_start3A_562 = arith.constant 0 : i32
    %dma_start3A_563 = tpu.memref_slice %arg3[%add3A_561, %dma_start3A_562] : memref<8192x1024xf32, #tpu.memory_space<hbm>> -> memref<8x1024xf32, #tpu.memory_space<hbm>>
    %dma_start3A_564 = arith.constant 0 : i32
    %dma_start3A_565 = tpu.memref_slice %arg3[%add3A_561, %dma_start3A_564] : memref<8192x1024xf32, #tpu.memory_space<hbm>> -> memref<8x1024xf32, #tpu.memory_space<hbm>>
    tpu.enqueue_dma source(%dma_start3A_565 : memref<8x1024xf32, #tpu.memory_space<hbm>>) target(%arg9 : memref<8x1024xf32, #tpu.memory_space<vmem>>) target_semaphore(%arg17 : memref<!tpu.dma_semaphore, #tpu.memory_space<semaphore_mem>>)
    %dma_wait3A_566 = arith.constant 0 : i32
    %dma_wait3A_567 = arith.constant 0 : i32
    %dma_wait3A_568 = tpu.memref_slice %arg2[%dma_wait3A_566, %add3A_504, %dma_wait3A_567] : memref<4x4096x1024xf32, #tpu.memory_space<hbm>> -> memref<4x8x1024xf32, #tpu.memory_space<hbm>>
    %dma_wait3A_569 = arith.constant 0 : i32
    %dma_wait3A_570 = arith.constant 0 : i32
    %dma_wait3A_571 = tpu.memref_slice %arg2[%dma_wait3A_569, %add3A_504, %dma_wait3A_570] : memref<4x4096x1024xf32, #tpu.memory_space<hbm>> -> memref<4x8x1024xf32, #tpu.memory_space<hbm>>
    tpu.wait_dma2 semaphore(%arg10 : memref<!tpu.dma_semaphore, #tpu.memory_space<semaphore_mem>>) src(%dma_wait3A_571 : memref<4x8x1024xf32, #tpu.memory_space<hbm>>) dst(%arg5 : memref<4x8x1024xf32, #tpu.memory_space<vmem>>)
    %scan3A_572 = arith.constant 0 : i32
    %scan3A_573 = arith.constant 0 : i32
    %scan3A_574 = arith.constant 256 : i32
    %scan3A_575 = arith.addi %scan3A_573, %scan3A_574 : i32
    %scan3A_576 = arith.constant 1 : i32
    %scan3A_577 = scf.for %scan3A_720 = %scan3A_573 to %scan3A_575 step %scan3A_576 iter_args(%scan3A_721 = %scan3A_572) -> (i32)  : i32 {
      %shift_right_arithmetic3A = arith.constant 6 : i32
      %shift_right_arithmetic3A_722 = arith.shrsi %scan3A_720, %shift_right_arithmetic3A : i32
      %shift_right_arithmetic3A_723 = arith.constant 3 : i32
      %shift_right_arithmetic3A_724 = arith.shrsi %scan3A_720, %shift_right_arithmetic3A_723 : i32
      %and3A = arith.constant 7 : i32
      %and3A_725 = arith.andi %shift_right_arithmetic3A_724, %and3A : i32
      %and3A_726 = arith.constant 7 : i32
      %and3A_727 = arith.andi %scan3A_720, %and3A_726 : i32
      %mul3A_728 = arith.constant 128 : i32
      %mul3A_729 = arith.muli %and3A_727, %mul3A_728 : i32
      %add3A_730 = arith.constant 0 : i32
      %add3A_731 = arith.addi %mul3A_729, %add3A_730 : i32
      %add3A_732 = arith.constant 16 : i32
      %add3A_733 = arith.addi %mul3A_729, %add3A_732 : i32
      %add3A_734 = arith.constant 32 : i32
      %add3A_735 = arith.addi %mul3A_729, %add3A_734 : i32
      %add3A_736 = arith.constant 48 : i32
      %add3A_737 = arith.addi %mul3A_729, %add3A_736 : i32
      %add3A_738 = arith.constant 64 : i32
      %add3A_739 = arith.addi %mul3A_729, %add3A_738 : i32
      %add3A_740 = arith.constant 80 : i32
      %add3A_741 = arith.addi %mul3A_729, %add3A_740 : i32
      %add3A_742 = arith.constant 96 : i32
      %add3A_743 = arith.addi %mul3A_729, %add3A_742 : i32
      %add3A_744 = arith.constant 112 : i32
      %add3A_745 = arith.addi %mul3A_729, %add3A_744 : i32
      %get3A = arith.index_cast %and3A_725 : i32 to index
      %get3A_746 = arith.index_cast %add3A_731 : i32 to index
      %get3A_747 = tpu.vector_load %arg8[%get3A, %get3A_746] {strides = array<i32>} : memref<8x1024xf32, #tpu.memory_space<vmem>>, vector<1x16xf32>,
      %get3A_748 = vector.shape_cast %get3A_747 : vector<1x16xf32> to vector<16xf32>
      %get3A_749 = arith.index_cast %and3A_725 : i32 to index
      %get3A_750 = arith.index_cast %add3A_733 : i32 to index
      %get3A_751 = tpu.vector_load %arg8[%get3A_749, %get3A_750] {strides = array<i32>} : memref<8x1024xf32, #tpu.memory_space<vmem>>, vector<1x16xf32>,
      %get3A_752 = vector.shape_cast %get3A_751 : vector<1x16xf32> to vector<16xf32>
      %get3A_753 = arith.index_cast %and3A_725 : i32 to index
      %get3A_754 = arith.index_cast %add3A_735 : i32 to index
      %get3A_755 = tpu.vector_load %arg8[%get3A_753, %get3A_754] {strides = array<i32>} : memref<8x1024xf32, #tpu.memory_space<vmem>>, vector<1x16xf32>,
      %get3A_756 = vector.shape_cast %get3A_755 : vector<1x16xf32> to vector<16xf32>
      %get3A_757 = arith.index_cast %and3A_725 : i32 to index
      %get3A_758 = arith.index_cast %add3A_737 : i32 to index
      %get3A_759 = tpu.vector_load %arg8[%get3A_757, %get3A_758] {strides = array<i32>} : memref<8x1024xf32, #tpu.memory_space<vmem>>, vector<1x16xf32>,
      %get3A_760 = vector.shape_cast %get3A_759 : vector<1x16xf32> to vector<16xf32>
      %get3A_761 = arith.index_cast %and3A_725 : i32 to index
      %get3A_762 = arith.index_cast %add3A_739 : i32 to index
      %get3A_763 = tpu.vector_load %arg8[%get3A_761, %get3A_762] {strides = array<i32>} : memref<8x1024xf32, #tpu.memory_space<vmem>>, vector<1x16xf32>,
      %get3A_764 = vector.shape_cast %get3A_763 : vector<1x16xf32> to vector<16xf32>
      %get3A_765 = arith.index_cast %and3A_725 : i32 to index
      %get3A_766 = arith.index_cast %add3A_741 : i32 to index
      %get3A_767 = tpu.vector_load %arg8[%get3A_765, %get3A_766] {strides = array<i32>} : memref<8x1024xf32, #tpu.memory_space<vmem>>, vector<1x16xf32>,
      %get3A_768 = vector.shape_cast %get3A_767 : vector<1x16xf32> to vector<16xf32>
      %get3A_769 = arith.index_cast %and3A_725 : i32 to index
      %get3A_770 = arith.index_cast %add3A_743 : i32 to index
      %get3A_771 = tpu.vector_load %arg8[%get3A_769, %get3A_770] {strides = array<i32>} : memref<8x1024xf32, #tpu.memory_space<vmem>>, vector<1x16xf32>,
      %get3A_772 = vector.shape_cast %get3A_771 : vector<1x16xf32> to vector<16xf32>
      %get3A_773 = arith.index_cast %and3A_725 : i32 to index
      %get3A_774 = arith.index_cast %add3A_745 : i32 to index
      %get3A_775 = tpu.vector_load %arg8[%get3A_773, %get3A_774] {strides = array<i32>} : memref<8x1024xf32, #tpu.memory_space<vmem>>, vector<1x16xf32>,
      %get3A_776 = vector.shape_cast %get3A_775 : vector<1x16xf32> to vector<16xf32>
      %swap3A = arith.index_cast %shift_right_arithmetic3A_722 : i32 to index
      %swap3A_777 = arith.index_cast %and3A_725 : i32 to index
      %swap3A_778 = arith.index_cast %add3A_731 : i32 to index
      %swap3A_779 = tpu.vector_load %arg5[%swap3A, %swap3A_777, %swap3A_778] {strides = array<i32>} : memref<4x8x1024xf32, #tpu.memory_space<vmem>>, vector<1x1x16xf32>,
      %swap3A_780 = vector.shape_cast %swap3A_779 : vector<1x1x16xf32> to vector<16xf32>
      %swap3A_781 = vector.shape_cast %get3A_748 : vector<16xf32> to vector<1x1x16xf32>
      tpu.vector_store %arg5[%swap3A, %swap3A_777, %swap3A_778], %swap3A_781 {add = true, strides = array<i32>} : memref<4x8x1024xf32, #tpu.memory_space<vmem>>, vector<1x1x16xf32>,
      %swap3A_782 = arith.index_cast %shift_right_arithmetic3A_722 : i32 to index
      %swap3A_783 = arith.index_cast %and3A_725 : i32 to index
      %swap3A_784 = arith.index_cast %add3A_733 : i32 to index
      %swap3A_785 = tpu.vector_load %arg5[%swap3A_782, %swap3A_783, %swap3A_784] {strides = array<i32>} : memref<4x8x1024xf32, #tpu.memory_space<vmem>>, vector<1x1x16xf32>,
      %swap3A_786 = vector.shape_cast %swap3A_785 : vector<1x1x16xf32> to vector<16xf32>
      %swap3A_787 = vector.shape_cast %get3A_752 : vector<16xf32> to vector<1x1x16xf32>
      tpu.vector_store %arg5[%swap3A_782, %swap3A_783, %swap3A_784], %swap3A_787 {add = true, strides = array<i32>} : memref<4x8x1024xf32, #tpu.memory_space<vmem>>, vector<1x1x16xf32>,
      %swap3A_788 = arith.index_cast %shift_right_arithmetic3A_722 : i32 to index
      %swap3A_789 = arith.index_cast %and3A_725 : i32 to index
      %swap3A_790 = arith.index_cast %add3A_735 : i32 to index
      %swap3A_791 = tpu.vector_load %arg5[%swap3A_788, %swap3A_789, %swap3A_790] {strides = array<i32>} : memref<4x8x1024xf32, #tpu.memory_space<vmem>>, vector<1x1x16xf32>,
      %swap3A_792 = vector.shape_cast %swap3A_791 : vector<1x1x16xf32> to vector<16xf32>
      %swap3A_793 = vector.shape_cast %get3A_756 : vector<16xf32> to vector<1x1x16xf32>
      tpu.vector_store %arg5[%swap3A_788, %swap3A_789, %swap3A_790], %swap3A_793 {add = true, strides = array<i32>} : memref<4x8x1024xf32, #tpu.memory_space<vmem>>, vector<1x1x16xf32>,
      %swap3A_794 = arith.index_cast %shift_right_arithmetic3A_722 : i32 to index
      %swap3A_795 = arith.index_cast %and3A_725 : i32 to index
      %swap3A_796 = arith.index_cast %add3A_737 : i32 to index
      %swap3A_797 = tpu.vector_load %arg5[%swap3A_794, %swap3A_795, %swap3A_796] {strides = array<i32>} : memref<4x8x1024xf32, #tpu.memory_space<vmem>>, vector<1x1x16xf32>,
      %swap3A_798 = vector.shape_cast %swap3A_797 : vector<1x1x16xf32> to vector<16xf32>
      %swap3A_799 = vector.shape_cast %get3A_760 : vector<16xf32> to vector<1x1x16xf32>
      tpu.vector_store %arg5[%swap3A_794, %swap3A_795, %swap3A_796], %swap3A_799 {add = true, strides = array<i32>} : memref<4x8x1024xf32, #tpu.memory_space<vmem>>, vector<1x1x16xf32>,
      %swap3A_800 = arith.index_cast %shift_right_arithmetic3A_722 : i32 to index
      %swap3A_801 = arith.index_cast %and3A_725 : i32 to index
      %swap3A_802 = arith.index_cast %add3A_739 : i32 to index
      %swap3A_803 = tpu.vector_load %arg5[%swap3A_800, %swap3A_801, %swap3A_802] {strides = array<i32>} : memref<4x8x1024xf32, #tpu.memory_space<vmem>>, vector<1x1x16xf32>,
      %swap3A_804 = vector.shape_cast %swap3A_803 : vector<1x1x16xf32> to vector<16xf32>
      %swap3A_805 = vector.shape_cast %get3A_764 : vector<16xf32> to vector<1x1x16xf32>
      tpu.vector_store %arg5[%swap3A_800, %swap3A_801, %swap3A_802], %swap3A_805 {add = true, strides = array<i32>} : memref<4x8x1024xf32, #tpu.memory_space<vmem>>, vector<1x1x16xf32>,
      %swap3A_806 = arith.index_cast %shift_right_arithmetic3A_722 : i32 to index
      %swap3A_807 = arith.index_cast %and3A_725 : i32 to index
      %swap3A_808 = arith.index_cast %add3A_741 : i32 to index
      %swap3A_809 = tpu.vector_load %arg5[%swap3A_806, %swap3A_807, %swap3A_808] {strides = array<i32>} : memref<4x8x1024xf32, #tpu.memory_space<vmem>>, vector<1x1x16xf32>,
      %swap3A_810 = vector.shape_cast %swap3A_809 : vector<1x1x16xf32> to vector<16xf32>
      %swap3A_811 = vector.shape_cast %get3A_768 : vector<16xf32> to vector<1x1x16xf32>
      tpu.vector_store %arg5[%swap3A_806, %swap3A_807, %swap3A_808], %swap3A_811 {add = true, strides = array<i32>} : memref<4x8x1024xf32, #tpu.memory_space<vmem>>, vector<1x1x16xf32>,
      %swap3A_812 = arith.index_cast %shift_right_arithmetic3A_722 : i32 to index
      %swap3A_813 = arith.index_cast %and3A_725 : i32 to index
      %swap3A_814 = arith.index_cast %add3A_743 : i32 to index
      %swap3A_815 = tpu.vector_load %arg5[%swap3A_812, %swap3A_813, %swap3A_814] {strides = array<i32>} : memref<4x8x1024xf32, #tpu.memory_space<vmem>>, vector<1x1x16xf32>,
      %swap3A_816 = vector.shape_cast %swap3A_815 : vector<1x1x16xf32> to vector<16xf32>
      %swap3A_817 = vector.shape_cast %get3A_772 : vector<16xf32> to vector<1x1x16xf32>
      tpu.vector_store %arg5[%swap3A_812, %swap3A_813, %swap3A_814], %swap3A_817 {add = true, strides = array<i32>} : memref<4x8x1024xf32, #tpu.memory_space<vmem>>, vector<1x1x16xf32>,
      %swap3A_818 = arith.index_cast %shift_right_arithmetic3A_722 : i32 to index
      %swap3A_819 = arith.index_cast %and3A_725 : i32 to index
      %swap3A_820 = arith.index_cast %add3A_745 : i32 to index
      %swap3A_821 = tpu.vector_load %arg5[%swap3A_818, %swap3A_819, %swap3A_820] {strides = array<i32>} : memref<4x8x1024xf32, #tpu.memory_space<vmem>>, vector<1x1x16xf32>,
      %swap3A_822 = vector.shape_cast %swap3A_821 : vector<1x1x16xf32> to vector<16xf32>
      %swap3A_823 = vector.shape_cast %get3A_776 : vector<16xf32> to vector<1x1x16xf32>
      tpu.vector_store %arg5[%swap3A_818, %swap3A_819, %swap3A_820], %swap3A_823 {add = true, strides = array<i32>} : memref<4x8x1024xf32, #tpu.memory_space<vmem>>, vector<1x1x16xf32>,
      %scan3A_824 = arith.constant 0 : i32
      scf.yield %scan3A_824 : i32
    }
    %scan3A_578 = arith.constant 256 : i32
    %add3A_579 = arith.constant 96 : i32
    %add3A_580 = arith.addi %mul3A_2, %add3A_579 : i32
    %dma_start3A_581 = arith.constant 0 : i32
    %dma_start3A_582 = arith.constant 0 : i32
    %dma_start3A_583 = tpu.memref_slice %arg4[%dma_start3A_581, %add3A_580, %dma_start3A_582] : memref<4x4096x1024xf32, #tpu.memory_space<hbm>> -> memref<4x8x1024xf32, #tpu.memory_space<hbm>>
    %dma_start3A_584 = arith.constant 0 : i32
    %dma_start3A_585 = arith.constant 0 : i32
    %dma_start3A_586 = tpu.memref_slice %arg4[%dma_start3A_584, %add3A_580, %dma_start3A_585] : memref<4x4096x1024xf32, #tpu.memory_space<hbm>> -> memref<4x8x1024xf32, #tpu.memory_space<hbm>>
    tpu.enqueue_dma source(%arg5 : memref<4x8x1024xf32, #tpu.memory_space<vmem>>) target(%dma_start3A_586 : memref<4x8x1024xf32, #tpu.memory_space<hbm>>) target_semaphore(%arg13 : memref<!tpu.dma_semaphore, #tpu.memory_space<semaphore_mem>>)
    %dma_wait3A_587 = arith.constant 0 : i32
    %dma_wait3A_588 = arith.constant 0 : i32
    %dma_wait3A_589 = tpu.memref_slice %arg4[%dma_wait3A_587, %add3A_535, %dma_wait3A_588] : memref<4x4096x1024xf32, #tpu.memory_space<hbm>> -> memref<4x8x1024xf32, #tpu.memory_space<hbm>>
    %dma_wait3A_590 = arith.constant 0 : i32
    %dma_wait3A_591 = arith.constant 0 : i32
    %dma_wait3A_592 = tpu.memref_slice %arg4[%dma_wait3A_590, %add3A_535, %dma_wait3A_591] : memref<4x4096x1024xf32, #tpu.memory_space<hbm>> -> memref<4x8x1024xf32, #tpu.memory_space<hbm>>
    tpu.wait_dma2 semaphore(%arg15 : memref<!tpu.dma_semaphore, #tpu.memory_space<semaphore_mem>>) src(%arg7 : memref<4x8x1024xf32, #tpu.memory_space<vmem>>) dst(%dma_wait3A_592 : memref<4x8x1024xf32, #tpu.memory_space<hbm>>)
    %add3A_593 = arith.constant 112 : i32
    %add3A_594 = arith.addi %mul3A_2, %add3A_593 : i32
    %dma_start3A_595 = arith.constant 0 : i32
    %dma_start3A_596 = arith.constant 0 : i32
    %dma_start3A_597 = tpu.memref_slice %arg2[%dma_start3A_595, %add3A_594, %dma_start3A_596] : memref<4x4096x1024xf32, #tpu.memory_space<hbm>> -> memref<4x8x1024xf32, #tpu.memory_space<hbm>>
    %dma_start3A_598 = arith.constant 0 : i32
    %dma_start3A_599 = arith.constant 0 : i32
    %dma_start3A_600 = tpu.memref_slice %arg2[%dma_start3A_598, %add3A_594, %dma_start3A_599] : memref<4x4096x1024xf32, #tpu.memory_space<hbm>> -> memref<4x8x1024xf32, #tpu.memory_space<hbm>>
    tpu.enqueue_dma source(%dma_start3A_600 : memref<4x8x1024xf32, #tpu.memory_space<hbm>>) target(%arg7 : memref<4x8x1024xf32, #tpu.memory_space<vmem>>) target_semaphore(%arg12 : memref<!tpu.dma_semaphore, #tpu.memory_space<semaphore_mem>>)
    %dma_wait3A_601 = arith.constant 0 : i32
    %dma_wait3A_602 = tpu.memref_slice %arg3[%add3A_561, %dma_wait3A_601] : memref<8192x1024xf32, #tpu.memory_space<hbm>> -> memref<8x1024xf32, #tpu.memory_space<hbm>>
    %dma_wait3A_603 = arith.constant 0 : i32
    %dma_wait3A_604 = tpu.memref_slice %arg3[%add3A_561, %dma_wait3A_603] : memref<8192x1024xf32, #tpu.memory_space<hbm>> -> memref<8x1024xf32, #tpu.memory_space<hbm>>
    tpu.wait_dma2 semaphore(%arg17 : memref<!tpu.dma_semaphore, #tpu.memory_space<semaphore_mem>>) src(%dma_wait3A_604 : memref<8x1024xf32, #tpu.memory_space<hbm>>) dst(%arg9 : memref<8x1024xf32, #tpu.memory_space<vmem>>)
    %add3A_605 = arith.constant 112 : i32
    %add3A_606 = arith.addi %mul3A_2, %add3A_605 : i32
    %dma_start3A_607 = arith.constant 0 : i32
    %dma_start3A_608 = tpu.memref_slice %arg3[%add3A_606, %dma_start3A_607] : memref<8192x1024xf32, #tpu.memory_space<hbm>> -> memref<8x1024xf32, #tpu.memory_space<hbm>>
    %dma_start3A_609 = arith.constant 0 : i32
    %dma_start3A_610 = tpu.memref_slice %arg3[%add3A_606, %dma_start3A_609] : memref<8192x1024xf32, #tpu.memory_space<hbm>> -> memref<8x1024xf32, #tpu.memory_space<hbm>>
    tpu.enqueue_dma source(%dma_start3A_610 : memref<8x1024xf32, #tpu.memory_space<hbm>>) target(%arg8 : memref<8x1024xf32, #tpu.memory_space<vmem>>) target_semaphore(%arg16 : memref<!tpu.dma_semaphore, #tpu.memory_space<semaphore_mem>>)
    %dma_wait3A_611 = arith.constant 0 : i32
    %dma_wait3A_612 = arith.constant 0 : i32
    %dma_wait3A_613 = tpu.memref_slice %arg2[%dma_wait3A_611, %add3A_549, %dma_wait3A_612] : memref<4x4096x1024xf32, #tpu.memory_space<hbm>> -> memref<4x8x1024xf32, #tpu.memory_space<hbm>>
    %dma_wait3A_614 = arith.constant 0 : i32
    %dma_wait3A_615 = arith.constant 0 : i32
    %dma_wait3A_616 = tpu.memref_slice %arg2[%dma_wait3A_614, %add3A_549, %dma_wait3A_615] : memref<4x4096x1024xf32, #tpu.memory_space<hbm>> -> memref<4x8x1024xf32, #tpu.memory_space<hbm>>
    tpu.wait_dma2 semaphore(%arg11 : memref<!tpu.dma_semaphore, #tpu.memory_space<semaphore_mem>>) src(%dma_wait3A_616 : memref<4x8x1024xf32, #tpu.memory_space<hbm>>) dst(%arg6 : memref<4x8x1024xf32, #tpu.memory_space<vmem>>)
    %scan3A_617 = arith.constant 0 : i32
    %scan3A_618 = arith.constant 0 : i32
    %scan3A_619 = arith.constant 256 : i32
    %scan3A_620 = arith.addi %scan3A_618, %scan3A_619 : i32
    %scan3A_621 = arith.constant 1 : i32
    %scan3A_622 = scf.for %scan3A_720 = %scan3A_618 to %scan3A_620 step %scan3A_621 iter_args(%scan3A_721 = %scan3A_617) -> (i32)  : i32 {
      %shift_right_arithmetic3A = arith.constant 6 : i32
      %shift_right_arithmetic3A_722 = arith.shrsi %scan3A_720, %shift_right_arithmetic3A : i32
      %shift_right_arithmetic3A_723 = arith.constant 3 : i32
      %shift_right_arithmetic3A_724 = arith.shrsi %scan3A_720, %shift_right_arithmetic3A_723 : i32
      %and3A = arith.constant 7 : i32
      %and3A_725 = arith.andi %shift_right_arithmetic3A_724, %and3A : i32
      %and3A_726 = arith.constant 7 : i32
      %and3A_727 = arith.andi %scan3A_720, %and3A_726 : i32
      %mul3A_728 = arith.constant 128 : i32
      %mul3A_729 = arith.muli %and3A_727, %mul3A_728 : i32
      %add3A_730 = arith.constant 0 : i32
      %add3A_731 = arith.addi %mul3A_729, %add3A_730 : i32
      %add3A_732 = arith.constant 16 : i32
      %add3A_733 = arith.addi %mul3A_729, %add3A_732 : i32
      %add3A_734 = arith.constant 32 : i32
      %add3A_735 = arith.addi %mul3A_729, %add3A_734 : i32
      %add3A_736 = arith.constant 48 : i32
      %add3A_737 = arith.addi %mul3A_729, %add3A_736 : i32
      %add3A_738 = arith.constant 64 : i32
      %add3A_739 = arith.addi %mul3A_729, %add3A_738 : i32
      %add3A_740 = arith.constant 80 : i32
      %add3A_741 = arith.addi %mul3A_729, %add3A_740 : i32
      %add3A_742 = arith.constant 96 : i32
      %add3A_743 = arith.addi %mul3A_729, %add3A_742 : i32
      %add3A_744 = arith.constant 112 : i32
      %add3A_745 = arith.addi %mul3A_729, %add3A_744 : i32
      %get3A = arith.index_cast %and3A_725 : i32 to index
      %get3A_746 = arith.index_cast %add3A_731 : i32 to index
      %get3A_747 = tpu.vector_load %arg9[%get3A, %get3A_746] {strides = array<i32>} : memref<8x1024xf32, #tpu.memory_space<vmem>>, vector<1x16xf32>,
      %get3A_748 = vector.shape_cast %get3A_747 : vector<1x16xf32> to vector<16xf32>
      %get3A_749 = arith.index_cast %and3A_725 : i32 to index
      %get3A_750 = arith.index_cast %add3A_733 : i32 to index
      %get3A_751 = tpu.vector_load %arg9[%get3A_749, %get3A_750] {strides = array<i32>} : memref<8x1024xf32, #tpu.memory_space<vmem>>, vector<1x16xf32>,
      %get3A_752 = vector.shape_cast %get3A_751 : vector<1x16xf32> to vector<16xf32>
      %get3A_753 = arith.index_cast %and3A_725 : i32 to index
      %get3A_754 = arith.index_cast %add3A_735 : i32 to index
      %get3A_755 = tpu.vector_load %arg9[%get3A_753, %get3A_754] {strides = array<i32>} : memref<8x1024xf32, #tpu.memory_space<vmem>>, vector<1x16xf32>,
      %get3A_756 = vector.shape_cast %get3A_755 : vector<1x16xf32> to vector<16xf32>
      %get3A_757 = arith.index_cast %and3A_725 : i32 to index
      %get3A_758 = arith.index_cast %add3A_737 : i32 to index
      %get3A_759 = tpu.vector_load %arg9[%get3A_757, %get3A_758] {strides = array<i32>} : memref<8x1024xf32, #tpu.memory_space<vmem>>, vector<1x16xf32>,
      %get3A_760 = vector.shape_cast %get3A_759 : vector<1x16xf32> to vector<16xf32>
      %get3A_761 = arith.index_cast %and3A_725 : i32 to index
      %get3A_762 = arith.index_cast %add3A_739 : i32 to index
      %get3A_763 = tpu.vector_load %arg9[%get3A_761, %get3A_762] {strides = array<i32>} : memref<8x1024xf32, #tpu.memory_space<vmem>>, vector<1x16xf32>,
      %get3A_764 = vector.shape_cast %get3A_763 : vector<1x16xf32> to vector<16xf32>
      %get3A_765 = arith.index_cast %and3A_725 : i32 to index
      %get3A_766 = arith.index_cast %add3A_741 : i32 to index
      %get3A_767 = tpu.vector_load %arg9[%get3A_765, %get3A_766] {strides = array<i32>} : memref<8x1024xf32, #tpu.memory_space<vmem>>, vector<1x16xf32>,
      %get3A_768 = vector.shape_cast %get3A_767 : vector<1x16xf32> to vector<16xf32>
      %get3A_769 = arith.index_cast %and3A_725 : i32 to index
      %get3A_770 = arith.index_cast %add3A_743 : i32 to index
      %get3A_771 = tpu.vector_load %arg9[%get3A_769, %get3A_770] {strides = array<i32>} : memref<8x1024xf32, #tpu.memory_space<vmem>>, vector<1x16xf32>,
      %get3A_772 = vector.shape_cast %get3A_771 : vector<1x16xf32> to vector<16xf32>
      %get3A_773 = arith.index_cast %and3A_725 : i32 to index
      %get3A_774 = arith.index_cast %add3A_745 : i32 to index
      %get3A_775 = tpu.vector_load %arg9[%get3A_773, %get3A_774] {strides = array<i32>} : memref<8x1024xf32, #tpu.memory_space<vmem>>, vector<1x16xf32>,
      %get3A_776 = vector.shape_cast %get3A_775 : vector<1x16xf32> to vector<16xf32>
      %swap3A = arith.index_cast %shift_right_arithmetic3A_722 : i32 to index
      %swap3A_777 = arith.index_cast %and3A_725 : i32 to index
      %swap3A_778 = arith.index_cast %add3A_731 : i32 to index
      %swap3A_779 = tpu.vector_load %arg6[%swap3A, %swap3A_777, %swap3A_778] {strides = array<i32>} : memref<4x8x1024xf32, #tpu.memory_space<vmem>>, vector<1x1x16xf32>,
      %swap3A_780 = vector.shape_cast %swap3A_779 : vector<1x1x16xf32> to vector<16xf32>
      %swap3A_781 = vector.shape_cast %get3A_748 : vector<16xf32> to vector<1x1x16xf32>
      tpu.vector_store %arg6[%swap3A, %swap3A_777, %swap3A_778], %swap3A_781 {add = true, strides = array<i32>} : memref<4x8x1024xf32, #tpu.memory_space<vmem>>, vector<1x1x16xf32>,
      %swap3A_782 = arith.index_cast %shift_right_arithmetic3A_722 : i32 to index
      %swap3A_783 = arith.index_cast %and3A_725 : i32 to index
      %swap3A_784 = arith.index_cast %add3A_733 : i32 to index
      %swap3A_785 = tpu.vector_load %arg6[%swap3A_782, %swap3A_783, %swap3A_784] {strides = array<i32>} : memref<4x8x1024xf32, #tpu.memory_space<vmem>>, vector<1x1x16xf32>,
      %swap3A_786 = vector.shape_cast %swap3A_785 : vector<1x1x16xf32> to vector<16xf32>
      %swap3A_787 = vector.shape_cast %get3A_752 : vector<16xf32> to vector<1x1x16xf32>
      tpu.vector_store %arg6[%swap3A_782, %swap3A_783, %swap3A_784], %swap3A_787 {add = true, strides = array<i32>} : memref<4x8x1024xf32, #tpu.memory_space<vmem>>, vector<1x1x16xf32>,
      %swap3A_788 = arith.index_cast %shift_right_arithmetic3A_722 : i32 to index
      %swap3A_789 = arith.index_cast %and3A_725 : i32 to index
      %swap3A_790 = arith.index_cast %add3A_735 : i32 to index
      %swap3A_791 = tpu.vector_load %arg6[%swap3A_788, %swap3A_789, %swap3A_790] {strides = array<i32>} : memref<4x8x1024xf32, #tpu.memory_space<vmem>>, vector<1x1x16xf32>,
      %swap3A_792 = vector.shape_cast %swap3A_791 : vector<1x1x16xf32> to vector<16xf32>
      %swap3A_793 = vector.shape_cast %get3A_756 : vector<16xf32> to vector<1x1x16xf32>
      tpu.vector_store %arg6[%swap3A_788, %swap3A_789, %swap3A_790], %swap3A_793 {add = true, strides = array<i32>} : memref<4x8x1024xf32, #tpu.memory_space<vmem>>, vector<1x1x16xf32>,
      %swap3A_794 = arith.index_cast %shift_right_arithmetic3A_722 : i32 to index
      %swap3A_795 = arith.index_cast %and3A_725 : i32 to index
      %swap3A_796 = arith.index_cast %add3A_737 : i32 to index
      %swap3A_797 = tpu.vector_load %arg6[%swap3A_794, %swap3A_795, %swap3A_796] {strides = array<i32>} : memref<4x8x1024xf32, #tpu.memory_space<vmem>>, vector<1x1x16xf32>,
      %swap3A_798 = vector.shape_cast %swap3A_797 : vector<1x1x16xf32> to vector<16xf32>
      %swap3A_799 = vector.shape_cast %get3A_760 : vector<16xf32> to vector<1x1x16xf32>
      tpu.vector_store %arg6[%swap3A_794, %swap3A_795, %swap3A_796], %swap3A_799 {add = true, strides = array<i32>} : memref<4x8x1024xf32, #tpu.memory_space<vmem>>, vector<1x1x16xf32>,
      %swap3A_800 = arith.index_cast %shift_right_arithmetic3A_722 : i32 to index
      %swap3A_801 = arith.index_cast %and3A_725 : i32 to index
      %swap3A_802 = arith.index_cast %add3A_739 : i32 to index
      %swap3A_803 = tpu.vector_load %arg6[%swap3A_800, %swap3A_801, %swap3A_802] {strides = array<i32>} : memref<4x8x1024xf32, #tpu.memory_space<vmem>>, vector<1x1x16xf32>,
      %swap3A_804 = vector.shape_cast %swap3A_803 : vector<1x1x16xf32> to vector<16xf32>
      %swap3A_805 = vector.shape_cast %get3A_764 : vector<16xf32> to vector<1x1x16xf32>
      tpu.vector_store %arg6[%swap3A_800, %swap3A_801, %swap3A_802], %swap3A_805 {add = true, strides = array<i32>} : memref<4x8x1024xf32, #tpu.memory_space<vmem>>, vector<1x1x16xf32>,
      %swap3A_806 = arith.index_cast %shift_right_arithmetic3A_722 : i32 to index
      %swap3A_807 = arith.index_cast %and3A_725 : i32 to index
      %swap3A_808 = arith.index_cast %add3A_741 : i32 to index
      %swap3A_809 = tpu.vector_load %arg6[%swap3A_806, %swap3A_807, %swap3A_808] {strides = array<i32>} : memref<4x8x1024xf32, #tpu.memory_space<vmem>>, vector<1x1x16xf32>,
      %swap3A_810 = vector.shape_cast %swap3A_809 : vector<1x1x16xf32> to vector<16xf32>
      %swap3A_811 = vector.shape_cast %get3A_768 : vector<16xf32> to vector<1x1x16xf32>
      tpu.vector_store %arg6[%swap3A_806, %swap3A_807, %swap3A_808], %swap3A_811 {add = true, strides = array<i32>} : memref<4x8x1024xf32, #tpu.memory_space<vmem>>, vector<1x1x16xf32>,
      %swap3A_812 = arith.index_cast %shift_right_arithmetic3A_722 : i32 to index
      %swap3A_813 = arith.index_cast %and3A_725 : i32 to index
      %swap3A_814 = arith.index_cast %add3A_743 : i32 to index
      %swap3A_815 = tpu.vector_load %arg6[%swap3A_812, %swap3A_813, %swap3A_814] {strides = array<i32>} : memref<4x8x1024xf32, #tpu.memory_space<vmem>>, vector<1x1x16xf32>,
      %swap3A_816 = vector.shape_cast %swap3A_815 : vector<1x1x16xf32> to vector<16xf32>
      %swap3A_817 = vector.shape_cast %get3A_772 : vector<16xf32> to vector<1x1x16xf32>
      tpu.vector_store %arg6[%swap3A_812, %swap3A_813, %swap3A_814], %swap3A_817 {add = true, strides = array<i32>} : memref<4x8x1024xf32, #tpu.memory_space<vmem>>, vector<1x1x16xf32>,
      %swap3A_818 = arith.index_cast %shift_right_arithmetic3A_722 : i32 to index
      %swap3A_819 = arith.index_cast %and3A_725 : i32 to index
      %swap3A_820 = arith.index_cast %add3A_745 : i32 to index
      %swap3A_821 = tpu.vector_load %arg6[%swap3A_818, %swap3A_819, %swap3A_820] {strides = array<i32>} : memref<4x8x1024xf32, #tpu.memory_space<vmem>>, vector<1x1x16xf32>,
      %swap3A_822 = vector.shape_cast %swap3A_821 : vector<1x1x16xf32> to vector<16xf32>
      %swap3A_823 = vector.shape_cast %get3A_776 : vector<16xf32> to vector<1x1x16xf32>
      tpu.vector_store %arg6[%swap3A_818, %swap3A_819, %swap3A_820], %swap3A_823 {add = true, strides = array<i32>} : memref<4x8x1024xf32, #tpu.memory_space<vmem>>, vector<1x1x16xf32>,
      %scan3A_824 = arith.constant 0 : i32
      scf.yield %scan3A_824 : i32
    }
    %scan3A_623 = arith.constant 256 : i32
    %add3A_624 = arith.constant 104 : i32
    %add3A_625 = arith.addi %mul3A_2, %add3A_624 : i32
    %dma_start3A_626 = arith.constant 0 : i32
    %dma_start3A_627 = arith.constant 0 : i32
    %dma_start3A_628 = tpu.memref_slice %arg4[%dma_start3A_626, %add3A_625, %dma_start3A_627] : memref<4x4096x1024xf32, #tpu.memory_space<hbm>> -> memref<4x8x1024xf32, #tpu.memory_space<hbm>>
    %dma_start3A_629 = arith.constant 0 : i32
    %dma_start3A_630 = arith.constant 0 : i32
    %dma_start3A_631 = tpu.memref_slice %arg4[%dma_start3A_629, %add3A_625, %dma_start3A_630] : memref<4x4096x1024xf32, #tpu.memory_space<hbm>> -> memref<4x8x1024xf32, #tpu.memory_space<hbm>>
    tpu.enqueue_dma source(%arg6 : memref<4x8x1024xf32, #tpu.memory_space<vmem>>) target(%dma_start3A_631 : memref<4x8x1024xf32, #tpu.memory_space<hbm>>) target_semaphore(%arg14 : memref<!tpu.dma_semaphore, #tpu.memory_space<semaphore_mem>>)
    %dma_wait3A_632 = arith.constant 0 : i32
    %dma_wait3A_633 = arith.constant 0 : i32
    %dma_wait3A_634 = tpu.memref_slice %arg4[%dma_wait3A_632, %add3A_580, %dma_wait3A_633] : memref<4x4096x1024xf32, #tpu.memory_space<hbm>> -> memref<4x8x1024xf32, #tpu.memory_space<hbm>>
    %dma_wait3A_635 = arith.constant 0 : i32
    %dma_wait3A_636 = arith.constant 0 : i32
    %dma_wait3A_637 = tpu.memref_slice %arg4[%dma_wait3A_635, %add3A_580, %dma_wait3A_636] : memref<4x4096x1024xf32, #tpu.memory_space<hbm>> -> memref<4x8x1024xf32, #tpu.memory_space<hbm>>
    tpu.wait_dma2 semaphore(%arg13 : memref<!tpu.dma_semaphore, #tpu.memory_space<semaphore_mem>>) src(%arg5 : memref<4x8x1024xf32, #tpu.memory_space<vmem>>) dst(%dma_wait3A_637 : memref<4x8x1024xf32, #tpu.memory_space<hbm>>)
    %add3A_638 = arith.constant 120 : i32
    %add3A_639 = arith.addi %mul3A_2, %add3A_638 : i32
    %dma_start3A_640 = arith.constant 0 : i32
    %dma_start3A_641 = arith.constant 0 : i32
    %dma_start3A_642 = tpu.memref_slice %arg2[%dma_start3A_640, %add3A_639, %dma_start3A_641] : memref<4x4096x1024xf32, #tpu.memory_space<hbm>> -> memref<4x8x1024xf32, #tpu.memory_space<hbm>>
    %dma_start3A_643 = arith.constant 0 : i32
    %dma_start3A_644 = arith.constant 0 : i32
    %dma_start3A_645 = tpu.memref_slice %arg2[%dma_start3A_643, %add3A_639, %dma_start3A_644] : memref<4x4096x1024xf32, #tpu.memory_space<hbm>> -> memref<4x8x1024xf32, #tpu.memory_space<hbm>>
    tpu.enqueue_dma source(%dma_start3A_645 : memref<4x8x1024xf32, #tpu.memory_space<hbm>>) target(%arg5 : memref<4x8x1024xf32, #tpu.memory_space<vmem>>) target_semaphore(%arg10 : memref<!tpu.dma_semaphore, #tpu.memory_space<semaphore_mem>>)
    %dma_wait3A_646 = arith.constant 0 : i32
    %dma_wait3A_647 = tpu.memref_slice %arg3[%add3A_606, %dma_wait3A_646] : memref<8192x1024xf32, #tpu.memory_space<hbm>> -> memref<8x1024xf32, #tpu.memory_space<hbm>>
    %dma_wait3A_648 = arith.constant 0 : i32
    %dma_wait3A_649 = tpu.memref_slice %arg3[%add3A_606, %dma_wait3A_648] : memref<8192x1024xf32, #tpu.memory_space<hbm>> -> memref<8x1024xf32, #tpu.memory_space<hbm>>
    tpu.wait_dma2 semaphore(%arg16 : memref<!tpu.dma_semaphore, #tpu.memory_space<semaphore_mem>>) src(%dma_wait3A_649 : memref<8x1024xf32, #tpu.memory_space<hbm>>) dst(%arg8 : memref<8x1024xf32, #tpu.memory_space<vmem>>)
    %add3A_650 = arith.constant 120 : i32
    %add3A_651 = arith.addi %mul3A_2, %add3A_650 : i32
    %dma_start3A_652 = arith.constant 0 : i32
    %dma_start3A_653 = tpu.memref_slice %arg3[%add3A_651, %dma_start3A_652] : memref<8192x1024xf32, #tpu.memory_space<hbm>> -> memref<8x1024xf32, #tpu.memory_space<hbm>>
    %dma_start3A_654 = arith.constant 0 : i32
    %dma_start3A_655 = tpu.memref_slice %arg3[%add3A_651, %dma_start3A_654] : memref<8192x1024xf32, #tpu.memory_space<hbm>> -> memref<8x1024xf32, #tpu.memory_space<hbm>>
    tpu.enqueue_dma source(%dma_start3A_655 : memref<8x1024xf32, #tpu.memory_space<hbm>>) target(%arg9 : memref<8x1024xf32, #tpu.memory_space<vmem>>) target_semaphore(%arg17 : memref<!tpu.dma_semaphore, #tpu.memory_space<semaphore_mem>>)
    %dma_wait3A_656 = arith.constant 0 : i32
    %dma_wait3A_657 = arith.constant 0 : i32
    %dma_wait3A_658 = tpu.memref_slice %arg2[%dma_wait3A_656, %add3A_594, %dma_wait3A_657] : memref<4x4096x1024xf32, #tpu.memory_space<hbm>> -> memref<4x8x1024xf32, #tpu.memory_space<hbm>>
    %dma_wait3A_659 = arith.constant 0 : i32
    %dma_wait3A_660 = arith.constant 0 : i32
    %dma_wait3A_661 = tpu.memref_slice %arg2[%dma_wait3A_659, %add3A_594, %dma_wait3A_660] : memref<4x4096x1024xf32, #tpu.memory_space<hbm>> -> memref<4x8x1024xf32, #tpu.memory_space<hbm>>
    tpu.wait_dma2 semaphore(%arg12 : memref<!tpu.dma_semaphore, #tpu.memory_space<semaphore_mem>>) src(%dma_wait3A_661 : memref<4x8x1024xf32, #tpu.memory_space<hbm>>) dst(%arg7 : memref<4x8x1024xf32, #tpu.memory_space<vmem>>)
    %scan3A_662 = arith.constant 0 : i32
    %scan3A_663 = arith.constant 0 : i32
    %scan3A_664 = arith.constant 256 : i32
    %scan3A_665 = arith.addi %scan3A_663, %scan3A_664 : i32
    %scan3A_666 = arith.constant 1 : i32
    %scan3A_667 = scf.for %scan3A_720 = %scan3A_663 to %scan3A_665 step %scan3A_666 iter_args(%scan3A_721 = %scan3A_662) -> (i32)  : i32 {
      %shift_right_arithmetic3A = arith.constant 6 : i32
      %shift_right_arithmetic3A_722 = arith.shrsi %scan3A_720, %shift_right_arithmetic3A : i32
      %shift_right_arithmetic3A_723 = arith.constant 3 : i32
      %shift_right_arithmetic3A_724 = arith.shrsi %scan3A_720, %shift_right_arithmetic3A_723 : i32
      %and3A = arith.constant 7 : i32
      %and3A_725 = arith.andi %shift_right_arithmetic3A_724, %and3A : i32
      %and3A_726 = arith.constant 7 : i32
      %and3A_727 = arith.andi %scan3A_720, %and3A_726 : i32
      %mul3A_728 = arith.constant 128 : i32
      %mul3A_729 = arith.muli %and3A_727, %mul3A_728 : i32
      %add3A_730 = arith.constant 0 : i32
      %add3A_731 = arith.addi %mul3A_729, %add3A_730 : i32
      %add3A_732 = arith.constant 16 : i32
      %add3A_733 = arith.addi %mul3A_729, %add3A_732 : i32
      %add3A_734 = arith.constant 32 : i32
      %add3A_735 = arith.addi %mul3A_729, %add3A_734 : i32
      %add3A_736 = arith.constant 48 : i32
      %add3A_737 = arith.addi %mul3A_729, %add3A_736 : i32
      %add3A_738 = arith.constant 64 : i32
      %add3A_739 = arith.addi %mul3A_729, %add3A_738 : i32
      %add3A_740 = arith.constant 80 : i32
      %add3A_741 = arith.addi %mul3A_729, %add3A_740 : i32
      %add3A_742 = arith.constant 96 : i32
      %add3A_743 = arith.addi %mul3A_729, %add3A_742 : i32
      %add3A_744 = arith.constant 112 : i32
      %add3A_745 = arith.addi %mul3A_729, %add3A_744 : i32
      %get3A = arith.index_cast %and3A_725 : i32 to index
      %get3A_746 = arith.index_cast %add3A_731 : i32 to index
      %get3A_747 = tpu.vector_load %arg8[%get3A, %get3A_746] {strides = array<i32>} : memref<8x1024xf32, #tpu.memory_space<vmem>>, vector<1x16xf32>,
      %get3A_748 = vector.shape_cast %get3A_747 : vector<1x16xf32> to vector<16xf32>
      %get3A_749 = arith.index_cast %and3A_725 : i32 to index
      %get3A_750 = arith.index_cast %add3A_733 : i32 to index
      %get3A_751 = tpu.vector_load %arg8[%get3A_749, %get3A_750] {strides = array<i32>} : memref<8x1024xf32, #tpu.memory_space<vmem>>, vector<1x16xf32>,
      %get3A_752 = vector.shape_cast %get3A_751 : vector<1x16xf32> to vector<16xf32>
      %get3A_753 = arith.index_cast %and3A_725 : i32 to index
      %get3A_754 = arith.index_cast %add3A_735 : i32 to index
      %get3A_755 = tpu.vector_load %arg8[%get3A_753, %get3A_754] {strides = array<i32>} : memref<8x1024xf32, #tpu.memory_space<vmem>>, vector<1x16xf32>,
      %get3A_756 = vector.shape_cast %get3A_755 : vector<1x16xf32> to vector<16xf32>
      %get3A_757 = arith.index_cast %and3A_725 : i32 to index
      %get3A_758 = arith.index_cast %add3A_737 : i32 to index
      %get3A_759 = tpu.vector_load %arg8[%get3A_757, %get3A_758] {strides = array<i32>} : memref<8x1024xf32, #tpu.memory_space<vmem>>, vector<1x16xf32>,
      %get3A_760 = vector.shape_cast %get3A_759 : vector<1x16xf32> to vector<16xf32>
      %get3A_761 = arith.index_cast %and3A_725 : i32 to index
      %get3A_762 = arith.index_cast %add3A_739 : i32 to index
      %get3A_763 = tpu.vector_load %arg8[%get3A_761, %get3A_762] {strides = array<i32>} : memref<8x1024xf32, #tpu.memory_space<vmem>>, vector<1x16xf32>,
      %get3A_764 = vector.shape_cast %get3A_763 : vector<1x16xf32> to vector<16xf32>
      %get3A_765 = arith.index_cast %and3A_725 : i32 to index
      %get3A_766 = arith.index_cast %add3A_741 : i32 to index
      %get3A_767 = tpu.vector_load %arg8[%get3A_765, %get3A_766] {strides = array<i32>} : memref<8x1024xf32, #tpu.memory_space<vmem>>, vector<1x16xf32>,
      %get3A_768 = vector.shape_cast %get3A_767 : vector<1x16xf32> to vector<16xf32>
      %get3A_769 = arith.index_cast %and3A_725 : i32 to index
      %get3A_770 = arith.index_cast %add3A_743 : i32 to index
      %get3A_771 = tpu.vector_load %arg8[%get3A_769, %get3A_770] {strides = array<i32>} : memref<8x1024xf32, #tpu.memory_space<vmem>>, vector<1x16xf32>,
      %get3A_772 = vector.shape_cast %get3A_771 : vector<1x16xf32> to vector<16xf32>
      %get3A_773 = arith.index_cast %and3A_725 : i32 to index
      %get3A_774 = arith.index_cast %add3A_745 : i32 to index
      %get3A_775 = tpu.vector_load %arg8[%get3A_773, %get3A_774] {strides = array<i32>} : memref<8x1024xf32, #tpu.memory_space<vmem>>, vector<1x16xf32>,
      %get3A_776 = vector.shape_cast %get3A_775 : vector<1x16xf32> to vector<16xf32>
      %swap3A = arith.index_cast %shift_right_arithmetic3A_722 : i32 to index
      %swap3A_777 = arith.index_cast %and3A_725 : i32 to index
      %swap3A_778 = arith.index_cast %add3A_731 : i32 to index
      %swap3A_779 = tpu.vector_load %arg7[%swap3A, %swap3A_777, %swap3A_778] {strides = array<i32>} : memref<4x8x1024xf32, #tpu.memory_space<vmem>>, vector<1x1x16xf32>,
      %swap3A_780 = vector.shape_cast %swap3A_779 : vector<1x1x16xf32> to vector<16xf32>
      %swap3A_781 = vector.shape_cast %get3A_748 : vector<16xf32> to vector<1x1x16xf32>
      tpu.vector_store %arg7[%swap3A, %swap3A_777, %swap3A_778], %swap3A_781 {add = true, strides = array<i32>} : memref<4x8x1024xf32, #tpu.memory_space<vmem>>, vector<1x1x16xf32>,
      %swap3A_782 = arith.index_cast %shift_right_arithmetic3A_722 : i32 to index
      %swap3A_783 = arith.index_cast %and3A_725 : i32 to index
      %swap3A_784 = arith.index_cast %add3A_733 : i32 to index
      %swap3A_785 = tpu.vector_load %arg7[%swap3A_782, %swap3A_783, %swap3A_784] {strides = array<i32>} : memref<4x8x1024xf32, #tpu.memory_space<vmem>>, vector<1x1x16xf32>,
      %swap3A_786 = vector.shape_cast %swap3A_785 : vector<1x1x16xf32> to vector<16xf32>
      %swap3A_787 = vector.shape_cast %get3A_752 : vector<16xf32> to vector<1x1x16xf32>
      tpu.vector_store %arg7[%swap3A_782, %swap3A_783, %swap3A_784], %swap3A_787 {add = true, strides = array<i32>} : memref<4x8x1024xf32, #tpu.memory_space<vmem>>, vector<1x1x16xf32>,
      %swap3A_788 = arith.index_cast %shift_right_arithmetic3A_722 : i32 to index
      %swap3A_789 = arith.index_cast %and3A_725 : i32 to index
      %swap3A_790 = arith.index_cast %add3A_735 : i32 to index
      %swap3A_791 = tpu.vector_load %arg7[%swap3A_788, %swap3A_789, %swap3A_790] {strides = array<i32>} : memref<4x8x1024xf32, #tpu.memory_space<vmem>>, vector<1x1x16xf32>,
      %swap3A_792 = vector.shape_cast %swap3A_791 : vector<1x1x16xf32> to vector<16xf32>
      %swap3A_793 = vector.shape_cast %get3A_756 : vector<16xf32> to vector<1x1x16xf32>
      tpu.vector_store %arg7[%swap3A_788, %swap3A_789, %swap3A_790], %swap3A_793 {add = true, strides = array<i32>} : memref<4x8x1024xf32, #tpu.memory_space<vmem>>, vector<1x1x16xf32>,
      %swap3A_794 = arith.index_cast %shift_right_arithmetic3A_722 : i32 to index
      %swap3A_795 = arith.index_cast %and3A_725 : i32 to index
      %swap3A_796 = arith.index_cast %add3A_737 : i32 to index
      %swap3A_797 = tpu.vector_load %arg7[%swap3A_794, %swap3A_795, %swap3A_796] {strides = array<i32>} : memref<4x8x1024xf32, #tpu.memory_space<vmem>>, vector<1x1x16xf32>,
      %swap3A_798 = vector.shape_cast %swap3A_797 : vector<1x1x16xf32> to vector<16xf32>
      %swap3A_799 = vector.shape_cast %get3A_760 : vector<16xf32> to vector<1x1x16xf32>
      tpu.vector_store %arg7[%swap3A_794, %swap3A_795, %swap3A_796], %swap3A_799 {add = true, strides = array<i32>} : memref<4x8x1024xf32, #tpu.memory_space<vmem>>, vector<1x1x16xf32>,
      %swap3A_800 = arith.index_cast %shift_right_arithmetic3A_722 : i32 to index
      %swap3A_801 = arith.index_cast %and3A_725 : i32 to index
      %swap3A_802 = arith.index_cast %add3A_739 : i32 to index
      %swap3A_803 = tpu.vector_load %arg7[%swap3A_800, %swap3A_801, %swap3A_802] {strides = array<i32>} : memref<4x8x1024xf32, #tpu.memory_space<vmem>>, vector<1x1x16xf32>,
      %swap3A_804 = vector.shape_cast %swap3A_803 : vector<1x1x16xf32> to vector<16xf32>
      %swap3A_805 = vector.shape_cast %get3A_764 : vector<16xf32> to vector<1x1x16xf32>
      tpu.vector_store %arg7[%swap3A_800, %swap3A_801, %swap3A_802], %swap3A_805 {add = true, strides = array<i32>} : memref<4x8x1024xf32, #tpu.memory_space<vmem>>, vector<1x1x16xf32>,
      %swap3A_806 = arith.index_cast %shift_right_arithmetic3A_722 : i32 to index
      %swap3A_807 = arith.index_cast %and3A_725 : i32 to index
      %swap3A_808 = arith.index_cast %add3A_741 : i32 to index
      %swap3A_809 = tpu.vector_load %arg7[%swap3A_806, %swap3A_807, %swap3A_808] {strides = array<i32>} : memref<4x8x1024xf32, #tpu.memory_space<vmem>>, vector<1x1x16xf32>,
      %swap3A_810 = vector.shape_cast %swap3A_809 : vector<1x1x16xf32> to vector<16xf32>
      %swap3A_811 = vector.shape_cast %get3A_768 : vector<16xf32> to vector<1x1x16xf32>
      tpu.vector_store %arg7[%swap3A_806, %swap3A_807, %swap3A_808], %swap3A_811 {add = true, strides = array<i32>} : memref<4x8x1024xf32, #tpu.memory_space<vmem>>, vector<1x1x16xf32>,
      %swap3A_812 = arith.index_cast %shift_right_arithmetic3A_722 : i32 to index
      %swap3A_813 = arith.index_cast %and3A_725 : i32 to index
      %swap3A_814 = arith.index_cast %add3A_743 : i32 to index
      %swap3A_815 = tpu.vector_load %arg7[%swap3A_812, %swap3A_813, %swap3A_814] {strides = array<i32>} : memref<4x8x1024xf32, #tpu.memory_space<vmem>>, vector<1x1x16xf32>,
      %swap3A_816 = vector.shape_cast %swap3A_815 : vector<1x1x16xf32> to vector<16xf32>
      %swap3A_817 = vector.shape_cast %get3A_772 : vector<16xf32> to vector<1x1x16xf32>
      tpu.vector_store %arg7[%swap3A_812, %swap3A_813, %swap3A_814], %swap3A_817 {add = true, strides = array<i32>} : memref<4x8x1024xf32, #tpu.memory_space<vmem>>, vector<1x1x16xf32>,
      %swap3A_818 = arith.index_cast %shift_right_arithmetic3A_722 : i32 to index
      %swap3A_819 = arith.index_cast %and3A_725 : i32 to index
      %swap3A_820 = arith.index_cast %add3A_745 : i32 to index
      %swap3A_821 = tpu.vector_load %arg7[%swap3A_818, %swap3A_819, %swap3A_820] {strides = array<i32>} : memref<4x8x1024xf32, #tpu.memory_space<vmem>>, vector<1x1x16xf32>,
      %swap3A_822 = vector.shape_cast %swap3A_821 : vector<1x1x16xf32> to vector<16xf32>
      %swap3A_823 = vector.shape_cast %get3A_776 : vector<16xf32> to vector<1x1x16xf32>
      tpu.vector_store %arg7[%swap3A_818, %swap3A_819, %swap3A_820], %swap3A_823 {add = true, strides = array<i32>} : memref<4x8x1024xf32, #tpu.memory_space<vmem>>, vector<1x1x16xf32>,
      %scan3A_824 = arith.constant 0 : i32
      scf.yield %scan3A_824 : i32
    }
    %scan3A_668 = arith.constant 256 : i32
    %add3A_669 = arith.constant 112 : i32
    %add3A_670 = arith.addi %mul3A_2, %add3A_669 : i32
    %dma_start3A_671 = arith.constant 0 : i32
    %dma_start3A_672 = arith.constant 0 : i32
    %dma_start3A_673 = tpu.memref_slice %arg4[%dma_start3A_671, %add3A_670, %dma_start3A_672] : memref<4x4096x1024xf32, #tpu.memory_space<hbm>> -> memref<4x8x1024xf32, #tpu.memory_space<hbm>>
    %dma_start3A_674 = arith.constant 0 : i32
    %dma_start3A_675 = arith.constant 0 : i32
    %dma_start3A_676 = tpu.memref_slice %arg4[%dma_start3A_674, %add3A_670, %dma_start3A_675] : memref<4x4096x1024xf32, #tpu.memory_space<hbm>> -> memref<4x8x1024xf32, #tpu.memory_space<hbm>>
    tpu.enqueue_dma source(%arg7 : memref<4x8x1024xf32, #tpu.memory_space<vmem>>) target(%dma_start3A_676 : memref<4x8x1024xf32, #tpu.memory_space<hbm>>) target_semaphore(%arg15 : memref<!tpu.dma_semaphore, #tpu.memory_space<semaphore_mem>>)
    %dma_wait3A_677 = arith.constant 0 : i32
    %dma_wait3A_678 = tpu.memref_slice %arg3[%add3A_651, %dma_wait3A_677] : memref<8192x1024xf32, #tpu.memory_space<hbm>> -> memref<8x1024xf32, #tpu.memory_space<hbm>>
    %dma_wait3A_679 = arith.constant 0 : i32
    %dma_wait3A_680 = tpu.memref_slice %arg3[%add3A_651, %dma_wait3A_679] : memref<8192x1024xf32, #tpu.memory_space<hbm>> -> memref<8x1024xf32, #tpu.memory_space<hbm>>
    tpu.wait_dma2 semaphore(%arg17 : memref<!tpu.dma_semaphore, #tpu.memory_space<semaphore_mem>>) src(%dma_wait3A_680 : memref<8x1024xf32, #tpu.memory_space<hbm>>) dst(%arg9 : memref<8x1024xf32, #tpu.memory_space<vmem>>)
    %dma_wait3A_681 = arith.constant 0 : i32
    %dma_wait3A_682 = arith.constant 0 : i32
    %dma_wait3A_683 = tpu.memref_slice %arg2[%dma_wait3A_681, %add3A_639, %dma_wait3A_682] : memref<4x4096x1024xf32, #tpu.memory_space<hbm>> -> memref<4x8x1024xf32, #tpu.memory_space<hbm>>
    %dma_wait3A_684 = arith.constant 0 : i32
    %dma_wait3A_685 = arith.constant 0 : i32
    %dma_wait3A_686 = tpu.memref_slice %arg2[%dma_wait3A_684, %add3A_639, %dma_wait3A_685] : memref<4x4096x1024xf32, #tpu.memory_space<hbm>> -> memref<4x8x1024xf32, #tpu.memory_space<hbm>>
    tpu.wait_dma2 semaphore(%arg10 : memref<!tpu.dma_semaphore, #tpu.memory_space<semaphore_mem>>) src(%dma_wait3A_686 : memref<4x8x1024xf32, #tpu.memory_space<hbm>>) dst(%arg5 : memref<4x8x1024xf32, #tpu.memory_space<vmem>>)
    %scan3A_687 = arith.constant 0 : i32
    %scan3A_688 = arith.constant 0 : i32
    %scan3A_689 = arith.constant 256 : i32
    %scan3A_690 = arith.addi %scan3A_688, %scan3A_689 : i32
    %scan3A_691 = arith.constant 1 : i32
    %scan3A_692 = scf.for %scan3A_720 = %scan3A_688 to %scan3A_690 step %scan3A_691 iter_args(%scan3A_721 = %scan3A_687) -> (i32)  : i32 {
      %shift_right_arithmetic3A = arith.constant 6 : i32
      %shift_right_arithmetic3A_722 = arith.shrsi %scan3A_720, %shift_right_arithmetic3A : i32
      %shift_right_arithmetic3A_723 = arith.constant 3 : i32
      %shift_right_arithmetic3A_724 = arith.shrsi %scan3A_720, %shift_right_arithmetic3A_723 : i32
      %and3A = arith.constant 7 : i32
      %and3A_725 = arith.andi %shift_right_arithmetic3A_724, %and3A : i32
      %and3A_726 = arith.constant 7 : i32
      %and3A_727 = arith.andi %scan3A_720, %and3A_726 : i32
      %mul3A_728 = arith.constant 128 : i32
      %mul3A_729 = arith.muli %and3A_727, %mul3A_728 : i32
      %add3A_730 = arith.constant 0 : i32
      %add3A_731 = arith.addi %mul3A_729, %add3A_730 : i32
      %add3A_732 = arith.constant 16 : i32
      %add3A_733 = arith.addi %mul3A_729, %add3A_732 : i32
      %add3A_734 = arith.constant 32 : i32
      %add3A_735 = arith.addi %mul3A_729, %add3A_734 : i32
      %add3A_736 = arith.constant 48 : i32
      %add3A_737 = arith.addi %mul3A_729, %add3A_736 : i32
      %add3A_738 = arith.constant 64 : i32
      %add3A_739 = arith.addi %mul3A_729, %add3A_738 : i32
      %add3A_740 = arith.constant 80 : i32
      %add3A_741 = arith.addi %mul3A_729, %add3A_740 : i32
      %add3A_742 = arith.constant 96 : i32
      %add3A_743 = arith.addi %mul3A_729, %add3A_742 : i32
      %add3A_744 = arith.constant 112 : i32
      %add3A_745 = arith.addi %mul3A_729, %add3A_744 : i32
      %get3A = arith.index_cast %and3A_725 : i32 to index
      %get3A_746 = arith.index_cast %add3A_731 : i32 to index
      %get3A_747 = tpu.vector_load %arg9[%get3A, %get3A_746] {strides = array<i32>} : memref<8x1024xf32, #tpu.memory_space<vmem>>, vector<1x16xf32>,
      %get3A_748 = vector.shape_cast %get3A_747 : vector<1x16xf32> to vector<16xf32>
      %get3A_749 = arith.index_cast %and3A_725 : i32 to index
      %get3A_750 = arith.index_cast %add3A_733 : i32 to index
      %get3A_751 = tpu.vector_load %arg9[%get3A_749, %get3A_750] {strides = array<i32>} : memref<8x1024xf32, #tpu.memory_space<vmem>>, vector<1x16xf32>,
      %get3A_752 = vector.shape_cast %get3A_751 : vector<1x16xf32> to vector<16xf32>
      %get3A_753 = arith.index_cast %and3A_725 : i32 to index
      %get3A_754 = arith.index_cast %add3A_735 : i32 to index
      %get3A_755 = tpu.vector_load %arg9[%get3A_753, %get3A_754] {strides = array<i32>} : memref<8x1024xf32, #tpu.memory_space<vmem>>, vector<1x16xf32>,
      %get3A_756 = vector.shape_cast %get3A_755 : vector<1x16xf32> to vector<16xf32>
      %get3A_757 = arith.index_cast %and3A_725 : i32 to index
      %get3A_758 = arith.index_cast %add3A_737 : i32 to index
      %get3A_759 = tpu.vector_load %arg9[%get3A_757, %get3A_758] {strides = array<i32>} : memref<8x1024xf32, #tpu.memory_space<vmem>>, vector<1x16xf32>,
      %get3A_760 = vector.shape_cast %get3A_759 : vector<1x16xf32> to vector<16xf32>
      %get3A_761 = arith.index_cast %and3A_725 : i32 to index
      %get3A_762 = arith.index_cast %add3A_739 : i32 to index
      %get3A_763 = tpu.vector_load %arg9[%get3A_761, %get3A_762] {strides = array<i32>} : memref<8x1024xf32, #tpu.memory_space<vmem>>, vector<1x16xf32>,
      %get3A_764 = vector.shape_cast %get3A_763 : vector<1x16xf32> to vector<16xf32>
      %get3A_765 = arith.index_cast %and3A_725 : i32 to index
      %get3A_766 = arith.index_cast %add3A_741 : i32 to index
      %get3A_767 = tpu.vector_load %arg9[%get3A_765, %get3A_766] {strides = array<i32>} : memref<8x1024xf32, #tpu.memory_space<vmem>>, vector<1x16xf32>,
      %get3A_768 = vector.shape_cast %get3A_767 : vector<1x16xf32> to vector<16xf32>
      %get3A_769 = arith.index_cast %and3A_725 : i32 to index
      %get3A_770 = arith.index_cast %add3A_743 : i32 to index
      %get3A_771 = tpu.vector_load %arg9[%get3A_769, %get3A_770] {strides = array<i32>} : memref<8x1024xf32, #tpu.memory_space<vmem>>, vector<1x16xf32>,
      %get3A_772 = vector.shape_cast %get3A_771 : vector<1x16xf32> to vector<16xf32>
      %get3A_773 = arith.index_cast %and3A_725 : i32 to index
      %get3A_774 = arith.index_cast %add3A_745 : i32 to index
      %get3A_775 = tpu.vector_load %arg9[%get3A_773, %get3A_774] {strides = array<i32>} : memref<8x1024xf32, #tpu.memory_space<vmem>>, vector<1x16xf32>,
      %get3A_776 = vector.shape_cast %get3A_775 : vector<1x16xf32> to vector<16xf32>
      %swap3A = arith.index_cast %shift_right_arithmetic3A_722 : i32 to index
      %swap3A_777 = arith.index_cast %and3A_725 : i32 to index
      %swap3A_778 = arith.index_cast %add3A_731 : i32 to index
      %swap3A_779 = tpu.vector_load %arg5[%swap3A, %swap3A_777, %swap3A_778] {strides = array<i32>} : memref<4x8x1024xf32, #tpu.memory_space<vmem>>, vector<1x1x16xf32>,
      %swap3A_780 = vector.shape_cast %swap3A_779 : vector<1x1x16xf32> to vector<16xf32>
      %swap3A_781 = vector.shape_cast %get3A_748 : vector<16xf32> to vector<1x1x16xf32>
      tpu.vector_store %arg5[%swap3A, %swap3A_777, %swap3A_778], %swap3A_781 {add = true, strides = array<i32>} : memref<4x8x1024xf32, #tpu.memory_space<vmem>>, vector<1x1x16xf32>,
      %swap3A_782 = arith.index_cast %shift_right_arithmetic3A_722 : i32 to index
      %swap3A_783 = arith.index_cast %and3A_725 : i32 to index
      %swap3A_784 = arith.index_cast %add3A_733 : i32 to index
      %swap3A_785 = tpu.vector_load %arg5[%swap3A_782, %swap3A_783, %swap3A_784] {strides = array<i32>} : memref<4x8x1024xf32, #tpu.memory_space<vmem>>, vector<1x1x16xf32>,
      %swap3A_786 = vector.shape_cast %swap3A_785 : vector<1x1x16xf32> to vector<16xf32>
      %swap3A_787 = vector.shape_cast %get3A_752 : vector<16xf32> to vector<1x1x16xf32>
      tpu.vector_store %arg5[%swap3A_782, %swap3A_783, %swap3A_784], %swap3A_787 {add = true, strides = array<i32>} : memref<4x8x1024xf32, #tpu.memory_space<vmem>>, vector<1x1x16xf32>,
      %swap3A_788 = arith.index_cast %shift_right_arithmetic3A_722 : i32 to index
      %swap3A_789 = arith.index_cast %and3A_725 : i32 to index
      %swap3A_790 = arith.index_cast %add3A_735 : i32 to index
      %swap3A_791 = tpu.vector_load %arg5[%swap3A_788, %swap3A_789, %swap3A_790] {strides = array<i32>} : memref<4x8x1024xf32, #tpu.memory_space<vmem>>, vector<1x1x16xf32>,
      %swap3A_792 = vector.shape_cast %swap3A_791 : vector<1x1x16xf32> to vector<16xf32>
      %swap3A_793 = vector.shape_cast %get3A_756 : vector<16xf32> to vector<1x1x16xf32>
      tpu.vector_store %arg5[%swap3A_788, %swap3A_789, %swap3A_790], %swap3A_793 {add = true, strides = array<i32>} : memref<4x8x1024xf32, #tpu.memory_space<vmem>>, vector<1x1x16xf32>,
      %swap3A_794 = arith.index_cast %shift_right_arithmetic3A_722 : i32 to index
      %swap3A_795 = arith.index_cast %and3A_725 : i32 to index
      %swap3A_796 = arith.index_cast %add3A_737 : i32 to index
      %swap3A_797 = tpu.vector_load %arg5[%swap3A_794, %swap3A_795, %swap3A_796] {strides = array<i32>} : memref<4x8x1024xf32, #tpu.memory_space<vmem>>, vector<1x1x16xf32>,
      %swap3A_798 = vector.shape_cast %swap3A_797 : vector<1x1x16xf32> to vector<16xf32>
      %swap3A_799 = vector.shape_cast %get3A_760 : vector<16xf32> to vector<1x1x16xf32>
      tpu.vector_store %arg5[%swap3A_794, %swap3A_795, %swap3A_796], %swap3A_799 {add = true, strides = array<i32>} : memref<4x8x1024xf32, #tpu.memory_space<vmem>>, vector<1x1x16xf32>,
      %swap3A_800 = arith.index_cast %shift_right_arithmetic3A_722 : i32 to index
      %swap3A_801 = arith.index_cast %and3A_725 : i32 to index
      %swap3A_802 = arith.index_cast %add3A_739 : i32 to index
      %swap3A_803 = tpu.vector_load %arg5[%swap3A_800, %swap3A_801, %swap3A_802] {strides = array<i32>} : memref<4x8x1024xf32, #tpu.memory_space<vmem>>, vector<1x1x16xf32>,
      %swap3A_804 = vector.shape_cast %swap3A_803 : vector<1x1x16xf32> to vector<16xf32>
      %swap3A_805 = vector.shape_cast %get3A_764 : vector<16xf32> to vector<1x1x16xf32>
      tpu.vector_store %arg5[%swap3A_800, %swap3A_801, %swap3A_802], %swap3A_805 {add = true, strides = array<i32>} : memref<4x8x1024xf32, #tpu.memory_space<vmem>>, vector<1x1x16xf32>,
      %swap3A_806 = arith.index_cast %shift_right_arithmetic3A_722 : i32 to index
      %swap3A_807 = arith.index_cast %and3A_725 : i32 to index
      %swap3A_808 = arith.index_cast %add3A_741 : i32 to index
      %swap3A_809 = tpu.vector_load %arg5[%swap3A_806, %swap3A_807, %swap3A_808] {strides = array<i32>} : memref<4x8x1024xf32, #tpu.memory_space<vmem>>, vector<1x1x16xf32>,
      %swap3A_810 = vector.shape_cast %swap3A_809 : vector<1x1x16xf32> to vector<16xf32>
      %swap3A_811 = vector.shape_cast %get3A_768 : vector<16xf32> to vector<1x1x16xf32>
      tpu.vector_store %arg5[%swap3A_806, %swap3A_807, %swap3A_808], %swap3A_811 {add = true, strides = array<i32>} : memref<4x8x1024xf32, #tpu.memory_space<vmem>>, vector<1x1x16xf32>,
      %swap3A_812 = arith.index_cast %shift_right_arithmetic3A_722 : i32 to index
      %swap3A_813 = arith.index_cast %and3A_725 : i32 to index
      %swap3A_814 = arith.index_cast %add3A_743 : i32 to index
      %swap3A_815 = tpu.vector_load %arg5[%swap3A_812, %swap3A_813, %swap3A_814] {strides = array<i32>} : memref<4x8x1024xf32, #tpu.memory_space<vmem>>, vector<1x1x16xf32>,
      %swap3A_816 = vector.shape_cast %swap3A_815 : vector<1x1x16xf32> to vector<16xf32>
      %swap3A_817 = vector.shape_cast %get3A_772 : vector<16xf32> to vector<1x1x16xf32>
      tpu.vector_store %arg5[%swap3A_812, %swap3A_813, %swap3A_814], %swap3A_817 {add = true, strides = array<i32>} : memref<4x8x1024xf32, #tpu.memory_space<vmem>>, vector<1x1x16xf32>,
      %swap3A_818 = arith.index_cast %shift_right_arithmetic3A_722 : i32 to index
      %swap3A_819 = arith.index_cast %and3A_725 : i32 to index
      %swap3A_820 = arith.index_cast %add3A_745 : i32 to index
      %swap3A_821 = tpu.vector_load %arg5[%swap3A_818, %swap3A_819, %swap3A_820] {strides = array<i32>} : memref<4x8x1024xf32, #tpu.memory_space<vmem>>, vector<1x1x16xf32>,
      %swap3A_822 = vector.shape_cast %swap3A_821 : vector<1x1x16xf32> to vector<16xf32>
      %swap3A_823 = vector.shape_cast %get3A_776 : vector<16xf32> to vector<1x1x16xf32>
      tpu.vector_store %arg5[%swap3A_818, %swap3A_819, %swap3A_820], %swap3A_823 {add = true, strides = array<i32>} : memref<4x8x1024xf32, #tpu.memory_space<vmem>>, vector<1x1x16xf32>,
      %scan3A_824 = arith.constant 0 : i32
      scf.yield %scan3A_824 : i32
    }
    %scan3A_693 = arith.constant 256 : i32
    %add3A_694 = arith.constant 120 : i32
    %add3A_695 = arith.addi %mul3A_2, %add3A_694 : i32
    %dma_start3A_696 = arith.constant 0 : i32
    %dma_start3A_697 = arith.constant 0 : i32
    %dma_start3A_698 = tpu.memref_slice %arg4[%dma_start3A_696, %add3A_695, %dma_start3A_697] : memref<4x4096x1024xf32, #tpu.memory_space<hbm>> -> memref<4x8x1024xf32, #tpu.memory_space<hbm>>
    %dma_start3A_699 = arith.constant 0 : i32
    %dma_start3A_700 = arith.constant 0 : i32
    %dma_start3A_701 = tpu.memref_slice %arg4[%dma_start3A_699, %add3A_695, %dma_start3A_700] : memref<4x4096x1024xf32, #tpu.memory_space<hbm>> -> memref<4x8x1024xf32, #tpu.memory_space<hbm>>
    tpu.enqueue_dma source(%arg5 : memref<4x8x1024xf32, #tpu.memory_space<vmem>>) target(%dma_start3A_701 : memref<4x8x1024xf32, #tpu.memory_space<hbm>>) target_semaphore(%arg13 : memref<!tpu.dma_semaphore, #tpu.memory_space<semaphore_mem>>)
    %dma_wait3A_702 = arith.constant 0 : i32
    %dma_wait3A_703 = arith.constant 0 : i32
    %dma_wait3A_704 = tpu.memref_slice %arg4[%dma_wait3A_702, %add3A_695, %dma_wait3A_703] : memref<4x4096x1024xf32, #tpu.memory_space<hbm>> -> memref<4x8x1024xf32, #tpu.memory_space<hbm>>
    %dma_wait3A_705 = arith.constant 0 : i32
    %dma_wait3A_706 = arith.constant 0 : i32
    %dma_wait3A_707 = tpu.memref_slice %arg4[%dma_wait3A_705, %add3A_695, %dma_wait3A_706] : memref<4x4096x1024xf32, #tpu.memory_space<hbm>> -> memref<4x8x1024xf32, #tpu.memory_space<hbm>>
    tpu.wait_dma2 semaphore(%arg13 : memref<!tpu.dma_semaphore, #tpu.memory_space<semaphore_mem>>) src(%arg5 : memref<4x8x1024xf32, #tpu.memory_space<vmem>>) dst(%dma_wait3A_707 : memref<4x8x1024xf32, #tpu.memory_space<hbm>>)
    %dma_wait3A_708 = arith.constant 0 : i32
    %dma_wait3A_709 = arith.constant 0 : i32
    %dma_wait3A_710 = tpu.memref_slice %arg4[%dma_wait3A_708, %add3A_625, %dma_wait3A_709] : memref<4x4096x1024xf32, #tpu.memory_space<hbm>> -> memref<4x8x1024xf32, #tpu.memory_space<hbm>>
    %dma_wait3A_711 = arith.constant 0 : i32
    %dma_wait3A_712 = arith.constant 0 : i32
    %dma_wait3A_713 = tpu.memref_slice %arg4[%dma_wait3A_711, %add3A_625, %dma_wait3A_712] : memref<4x4096x1024xf32, #tpu.memory_space<hbm>> -> memref<4x8x1024xf32, #tpu.memory_space<hbm>>
    tpu.wait_dma2 semaphore(%arg14 : memref<!tpu.dma_semaphore, #tpu.memory_space<semaphore_mem>>) src(%arg6 : memref<4x8x1024xf32, #tpu.memory_space<vmem>>) dst(%dma_wait3A_713 : memref<4x8x1024xf32, #tpu.memory_space<hbm>>)
    %dma_wait3A_714 = arith.constant 0 : i32
    %dma_wait3A_715 = arith.constant 0 : i32
    %dma_wait3A_716 = tpu.memref_slice %arg4[%dma_wait3A_714, %add3A_670, %dma_wait3A_715] : memref<4x4096x1024xf32, #tpu.memory_space<hbm>> -> memref<4x8x1024xf32, #tpu.memory_space<hbm>>
    %dma_wait3A_717 = arith.constant 0 : i32
    %dma_wait3A_718 = arith.constant 0 : i32
    %dma_wait3A_719 = tpu.memref_slice %arg4[%dma_wait3A_717, %add3A_670, %dma_wait3A_718] : memref<4x4096x1024xf32, #tpu.memory_space<hbm>> -> memref<4x8x1024xf32, #tpu.memory_space<hbm>>
    tpu.wait_dma2 semaphore(%arg15 : memref<!tpu.dma_semaphore, #tpu.memory_space<semaphore_mem>>) src(%arg7 : memref<4x8x1024xf32, #tpu.memory_space<vmem>>) dst(%dma_wait3A_719 : memref<4x8x1024xf32, #tpu.memory_space<hbm>>)
    return
  }
}

</mosaic_0001>

<sc_bundles>
// kernel: kernel.3.cloned.1.call-start
scs
__scs_entry_jumppad:
0x0: {  	(pc) =	sbr.rel $0x88, $3  }
0x1: {  	(tag) =	ssettag $0x0;
	lr =	simm.s32 $0x1  }
0x2: {  	[smem:$0x3F9F] =	sst lr;
	_ =	strace $0xD0000000  }
0x3: {  	_ = 	snop  }
0x4: {  	_ = 	snop  }
0x5: {  	_ = 	snop  }
0x6: {  	_ = 	snop  }
0x7: {  	_ = 	snop  }
__scs_overlays_trampoline_lowered:
0x8: {  	[smem:$0x3FAE] =	sst s0  }
0x9: {  	[smem:$0x3FAF] =	sst s1  }
0xa: {  	[smem:$0x3FB0] =	sst s2  }
0xb: {  	[smem:$0x3FB1] =	sst s3  }
0xc: {  	[smem:$0x3FB2] =	sst s4  }
0xd: {  	[smem:$0x3FB3] =	sst s5  }
0xe: {  	[smem:$0x3FB4] =	sst s6  }
0xf: {  	[smem:$0x3FB5] =	sst s7  }
0x10: {  	[smem:$0x3FB6] =	sst s8  }
0x11: {  	[smem:$0x3FB7] =	sst s9;
	s0 =	simm.s32 @!p0 $0x0  }
0x12: {  	s1 =	sld [smem:$0x3F9D];
	s0 =	simm.s32 @p0 $0x1  }
0x13: {  	[smem:$0x3FB8] =	sst s0;
	s0 =	simm.s32 @!p1 $0x0  }
0x14: {  	s2 =	sld [smem:$0x3F9C];
	s0 =	simm.s32 @p1 $0x1  }
0x15: {  	[smem:$0x3FB9] =	sst s0;
	s0 =	simm.s32 @!p2 $0x0  }
0x16: {  	s3 =	sld [smem:$0x3FDB];
	s0 =	simm.s32 @p2 $0x1  }
0x17: {  	s4 =	simm.s32 $0x1BF5;
	[smem:$0x3FBB] =	sst s0  }
0x18: {  	s0 =	sld [smem:$0x3F9E];
	_ =	swait.ge [sflag:s4], $0x0  }
0x19: {  	s7 =	sld [smem:$0x3F9F]  }
0x1a: {  	s8 =	sadd.s32 $0xFFFFE003, lr  }
0x1b: {  	s9 =	sadd.s32 $0xFFFFFEF7, lr;
	s5 =	simm.s32 $0xFFFFFFFF;
	p2 =	slt.u32 s8, $0xFFFFF086  }
0x1c: {  	p1 =	slt.u32 s9, $0xF7A;
	s5 =	simm.s32 @!p2 $0x0  }
0x1d: {  	s5 =	simm.s32 @p1 $0x1;
	p0 =	seq.s32 s7, s2  }
0x1e: {  	s7 =	smul.u32 @!p0 $0xF7A, s2;
	p2 =	seq.s32 @!p0 s5, $0x0  }
0x1f: {  	s9 =	smul.u32 $0xF7A, s1;
	s8 =	simm.s32 @!p0 $0x1BF5;
	p2 =	por !p2, p0  }
0x20: {  	[sflag:s8] =	ssyncset.s32 @!p0 $0xFFFFF086;
	s6 =	sadd.s32 @!p0 s3, s7;
	s7 =	simm.s32 @!p0 $0x108  }
0x21: {  	s3 =	sadd.s32 s3, s9;
	s6 =	sadd.s32 @!p0 $0x88, s6;
	s7 =	simm.s32 @p2 $0x1082  }
0x22: {  	[simem:s7], [sflag:s8] =	dma.local @!p0 [hbm:s6], $0xF7A  }
0x23: {  	s9 =	sor.u32 $0xD0000000, s2;
	s6 =	simm.s32 $0x108;
	_ =	swait.ge @!p0 [sflag:s8], $0x0  }
0x24: {  	s3 =	sadd.s32 $0x88, s3;
	s6 =	simm.s32 @!p1 $0x1082;
	[sflag:s4] =	ssyncset.s32 $0xFFFFF086  }
0x25: {  	[simem:s6], [sflag:s4] =	dma.local [hbm:s3], $0xF7A  }
0x26: {  	[smem:$0x3F9F] =	sst s1;
	(tag) =	ssettag s2;
	_ =	strace s9  }
0x27: {  	s1 =	sld [smem:$0x3FAF]  }
0x28: {  	s2 =	sld [smem:$0x3FB0]  }
0x29: {  	s4 =	sld [smem:$0x3FB2]  }
0x2a: {  	p0 =	seq.s32 s5, $0x0;
	s5 =	sld [smem:$0x3FB3]  }
0x2b: {  	s6 =	sld [smem:$0x3FB4]  }
0x2c: {  	s7 =	sld [smem:$0x3FB5]  }
0x2d: {  	s3 =	simm.s32 $0x108;
	s8 =	sld [smem:$0x3FB6]  }
0x2e: {  	s3 =	simm.s32 @!p0 $0x1082;
	s9 =	sld [smem:$0x3FB7]  }
0x2f: {  	lr =	sadd.s32 s0, s3;
	s0 =	sld [smem:$0x3FAE]  }
0x30: {  	s3 =	sld [smem:$0x3FB1]  }
0x31: {  	[smem:$0x3FBA] =	sst s10  }
0x32: {  	s10 =	sld [smem:$0x3FB8];
	_ =	sdelay $0x3  }
0x33: {  	p0 =	seq.s32 s10, $0x1;
	s10 =	sld [smem:$0x3FBA];
	_ =	sdelay $0x3  }
0x34: {  	[smem:$0x3FBA] =	sst s10  }
0x35: {  	s10 =	sld [smem:$0x3FB9];
	_ =	sdelay $0x3  }
0x36: {  	p1 =	seq.s32 s10, $0x1;
	s10 =	sld [smem:$0x3FBA];
	_ =	sdelay $0x3  }
0x37: {  	[smem:$0x3FBA] =	sst s10  }
0x38: {  	s10 =	sld [smem:$0x3FBB]  }
0x39: {  	_ = 	snop;
	(pc) =	sbr.ind lr, $3  }
0x3a: {  	_ = 	snop  }
0x3b: {  	_ = 	snop  }
0x3c: {  	p2 =	seq.s32 s10, $0x1;
	s10 =	sld [smem:$0x3FBA]  }
0x3d: {  	_ =	shalt  }
0x3e: {  	_ =	shalt  }
0x3f: {  	_ =	shalt  }
0x40: {  	_ =	shalt  }
0x41: {  	_ =	shalt  }
0x42: {  	_ =	shalt  }
0x43: {  	_ =	shalt  }
0x44: {  	_ =	shalt  }
0x45: {  	_ =	shalt  }
0x46: {  	_ =	shalt  }
0x47: {  	_ =	shalt  }
0x48: {  	_ =	shalt  }
0x49: {  	_ =	shalt  }
0x4a: {  	_ =	shalt  }
0x4b: {  	_ =	shalt  }
0x4c: {  	_ =	shalt  }
0x4d: {  	_ =	shalt  }
0x4e: {  	_ =	shalt  }
0x4f: {  	_ =	shalt  }
0x50: {  	_ =	shalt  }
0x51: {  	_ =	shalt  }
0x52: {  	_ =	shalt  }
0x53: {  	_ =	shalt  }
0x54: {  	_ =	shalt  }
0x55: {  	_ =	shalt  }
0x56: {  	_ =	shalt  }
0x57: {  	_ =	shalt  }
0x58: {  	_ =	shalt  }
0x59: {  	_ =	shalt  }
0x5a: {  	_ =	shalt  }
0x5b: {  	_ =	shalt  }
0x5c: {  	_ =	shalt  }
0x5d: {  	_ =	shalt  }
0x5e: {  	_ =	shalt  }
0x5f: {  	_ =	shalt  }
0x60: {  	_ =	shalt  }
0x61: {  	_ =	shalt  }
0x62: {  	_ =	shalt  }
0x63: {  	_ =	shalt  }
0x64: {  	_ =	shalt  }
0x65: {  	_ =	shalt  }
0x66: {  	_ =	shalt  }
0x67: {  	_ =	shalt  }
0x68: {  	_ =	shalt  }
0x69: {  	_ =	shalt  }
0x6a: {  	_ =	shalt  }
0x6b: {  	_ =	shalt  }
0x6c: {  	_ =	shalt  }
0x6d: {  	_ =	shalt  }
0x6e: {  	_ =	shalt  }
0x6f: {  	_ =	shalt  }
0x70: {  	_ =	shalt  }
0x71: {  	_ =	shalt  }
0x72: {  	_ =	shalt  }
0x73: {  	_ =	shalt  }
0x74: {  	_ =	shalt  }
0x75: {  	_ =	shalt  }
0x76: {  	_ =	shalt  }
0x77: {  	_ =	shalt  }
0x78: {  	_ =	shalt  }
0x79: {  	_ =	shalt  }
0x7a: {  	_ =	shalt  }
0x7b: {  	_ =	shalt  }
0x7c: {  	_ =	shalt  }
0x7d: {  	_ =	shalt  }
0x7e: {  	_ =	shalt  }
0x7f: {  	_ =	shalt  }
0x80: {  	_ =	shalt  }
0x81: {  	_ =	shalt  }
0x82: {  	_ =	shalt  }
0x83: {  	_ =	shalt  }
0x84: {  	_ =	shalt  }
0x85: {  	_ =	shalt  }
0x86: {  	_ =	shalt  }
0x87: {  	_ =	shalt  }
.Lfunc_end0:
.L_simem_size_0:
called_computation_lowered:
.L_overlay_start_0:
0x88: {  	s2 =	sld [smem:$0x3FD9]  }
0x89: {  	s3 =	sld [smem:$0x3FFE];
	_ =	sdelay $0x1  }
0x8a: {  	s1 =	srdreg.scid  }
0x8b: {  	s0 =	sand.u32 $0x1, s1  }
0x8c: {  	s18 =	sshll.u32 s0, $0xA;
	s2 =	sadd.s32 s3, s2  }
0x8d: {  	s2 =	sadd.s32 s2, s18  }
0x8e: {  	[smem:$0x3FC6] =	sst s2  }
0x8f: {  	_ = 	snop  }
0x90: {  	s2 =	sld [smem:$0x3FC9]  }
0x91: {  	s19 =	sld [smem:$0x3FC8]  }
0x92: {  	s4 =	sld [smem:$0x3FD0];
	(tm) =	ssettm $0x1  }
0x93: {  	s5 =	sld [smem:$0x3FFB];
	_ =	sdelay $0x3  }
0x94: {  	_ =	strace s5  }
0x95: {  	s5 =	sld [smem:$0x3FFC];
	_ =	sdelay $0x3  }
0x96: {  	_ =	strace s5  }
0x97: {  	s5 =	sld [smem:$0x3FFD];
	_ =	sdelay $0x3  }
0x98: {  	_ =	strace s5  }
0x99: {  	_ =	strace $0x8FFFFFFF  }
0x9a: {  	s20 =	sld [smem:$0x3FDB];
	_ =	sdelay $0x1  }
0x9b: {  	s6 =	simm.s32 $_scs_section_size  }
0x9c: {  	s7 =	simm.s32 $_size__tile_overlayer_lowered;
	s8 =	simm.s32 $_tile_overlayer_lowered  }
0x9d: {  	s23 =	simm.s32 $0x1BFF;
	s22 =	sshll.u32 s8, $0x1;
	s5 =	sadd.s32 s6, s20  }
0x9e: {  	s9 =	simm.s32 $0x0;
	s21 =	sshll.u32 s7, $0x1;
	s7 =	sadd.s32 s22, s5  }
0x9f: {  	[timem:s9], [sflag:s23] =	dma.local [hbm:s7], s21  }
0xa0: {  	_ =	swait.ge [sflag:s23], s21  }
0xa1: {  	s6 =	ssub.s32 $0x0, s21;
	[sflag:s23] =	ssyncset.done $0x0  }
0xa2: {  	[sflag:s23] =	ssyncadd.s32 s6;
	_ =	sdelay $0x1  }
0xa3: {  	s24 =	simm.s32 $0x1B8B  }
0xa4: {  	_ =	swait.ge [sflag:s24], $0x1  }
0xa5: {  	[sflag:s24] =	ssyncset.done $0x0  }
0xa6: {  	s25 =	simm.s32 $0x1B8E;
	[sflag:s24] =	ssyncadd.s32 $0xFFFFFFFF  }
0xa7: {  	s26 =	simm.s32 $execute0_lowered;
	[smem:$0x3FD2] =	sst s25  }
0xa8: {  	s6 =	sshll.u32 s26, $0x1;
	_ =	strace $0x80000046;
	[dreg:$0x1] =	wrdreg $0xFFFFFFFF  }
0xa9: {  	s28 =	simm.s32 $_size_execute0_lowered;
	s5 =	sadd.s32 s5, s6;
	[dreg:$0x0] =	wrdreg $0x0  }
0xaa: {  	s6 =	sshll.u32 s28, $0x1;
	[dreg:$0x2] =	wrdreg s5  }
0xab: {  	[dreg:$0x3] =	wrdreg s6  }
0xac: {  	[dreg:$0x4] =	wrdreg $0xC0  }
0xad: {  	_ =	task [dreg:s9], $0x5FFFF  }
0xae: {  	[dreg:$0x1] =	wrdreg $0xFFFFFFFF  }
0xaf: {  	[dreg:$0x0] =	wrdreg $0x60  }
0xb0: {  	[dreg:$0x2] =	wrdreg s2  }
0xb1: {  	[dreg:$0x3] =	wrdreg s19  }
0xb2: {  	[dreg:$0x4] =	wrdreg s4  }
0xb3: {  	[dreg:$0x5] =	wrdreg $0x9  }
0xb4: {  	_ =	task.clear_ibuf [dreg:s9], $0x6FFFF;
	_ =	strace $0x90000046  }
0xb5: {  	s29 =	simm.s32 $0x9;
	_ =	strace $0x80000048  }
0xb6: {  	_ =	swait.ge [sflag:s29], $0x1  }
0xb7: {  	[sflag:s29] =	ssyncadd.s32 $0xFFFFFFFF  }
0xb8: {  	_ =	strace $0x90000048  }
0xb9: {  	_ =	sfence  }
0xba: {  	s30 =	sld [smem:$0x0];
	_ =	sdelay $0x2  }
0xbb: {  	s31 =	sshll.u32 s1, $0xD;
	s1 =	sshrl.u32 s1, $0x2  }
0xbc: {  	s3 =	sand.u32 $0x4000, s31;
	s1 =	sadd.s32 s1, s30  }
0xbd: {  	s0 =	sor.u32 s3, s0;
	s1 =	sshll.u32 s1, $0x11  }
0xbe: {  	s0 =	sor.u32 s1, s0  }
0xbf: {  	s0 =	sadd.s32 $0x8F2B, s0  }
0xc0: {  	[sflag:s0] =	ssyncadd.remote.s32 $0x1  }
0xc1: {  	_ =	sfence.sel $0xFFFF  }
0xc2: {  	[dreg:$0x0] =	wrdreg $0xFFFFFFFF;
	(pc) =	sbr.abs _section_cstart, $3  }
0xc3: {  	[dreg:$0x1] =	wrdreg $0xFFFFFFFF  }
0xc4: {  	_ =	task.clear_ibuf [dreg:s9], $0x2FFFF;
	_ =	strace $0x9FFFFFFF  }
0xc5: {  	(tm) =	ssettm $0x7FFFFFFF  }
tec
execute0_lowered:
.L_overlay_start_1:
0x0: {  	(tag) =	ssettag $0x1  }
0x1: {  	s1 =	srdreg.scid  }
0x2: {  	s6 =	stileid.u32;
	s4 =	sand.u32 $0x1, s1  }
0x3: {  	s0 =	rddreg [dreg:$0x0];
	s6 =	sshll.u32 s6, $0xE;
	s5 =	sshll.u32 s4, $0x12  }
0x4: {  	s2 =	rddreg [dreg:$0x1];
	s5 =	sor.u32 s6, s5  }
0x5: {  	s3 =	rddreg [dreg:$0x2];
	s1 =	simm.s32 $0x0;
	s7 =	sor.u32 $0x400, s5  }
0x6: {  	[smem:$0x7FF] =	sst s1;
	s20 =	sadd.s32 s0, s7  }
0x7: {  	s21 =	sor.u32 $0x800, s5;
	s8 =	sadd.s32 s2, s7;
	[dreg:$0x4] =	wrdreg s20  }
0x8: {  	s22 =	sadd.s32 s0, s21;
	[dreg:$0x5] =	wrdreg s8  }
0x9: {  	s9 =	sadd.s32 s2, s21;
	[dreg:$0x6] =	wrdreg s22  }
0xa: {  	s23 =	sor.u32 $0xC00, s5;
	s7 =	sadd.s32 s3, s7;
	[dreg:$0x7] =	wrdreg s9  }
0xb: {  	s24 =	sadd.s32 s0, s23;
	[dreg:$0x8] =	wrdreg s7  }
0xc: {  	s25 =	sadd.s32 s2, s23;
	[dreg:$0x9] =	wrdreg s24  }
0xd: {  	s26 =	sor.u32 $0x1000, s5;
	s6 =	sadd.s32 s3, s21;
	[dreg:$0xa] =	wrdreg s25  }
0xe: {  	s11 =	sor.u32 $0x1400, s5;
	s10 =	sadd.s32 s2, s26;
	[dreg:$0xb] =	wrdreg s6  }
0xf: {  	s12 =	sadd.s32 s0, s11;
	[dreg:$0xd] =	wrdreg s10  }
0x10: {  	s13 =	sor.u32 $0x1800, s5;
	s14 =	sadd.s32 s2, s11;
	[dreg:$0xf] =	wrdreg s12  }
0x11: {  	s15 =	sadd.s32 s0, s13;
	[dreg:$0x10] =	wrdreg s14  }
0x12: {  	s4 =	ssub.s32 $0x2, s4;
	s16 =	sadd.s32 s2, s13;
	[dreg:$0x12] =	wrdreg s15  }
0x13: {  	s19 =	sshrl.u32 s4, $0x1;
	s17 =	sadd.s32 s3, s11;
	[dreg:$0x13] =	wrdreg s16  }
0x14: {  	s4 =	ssub.s32 s4, s19;
	s19 =	sadd.s32 s3, s13;
	[dreg:$0x14] =	wrdreg s17  }
0x15: {  	s9 =	sadd.s32 s0, s26;
	[dreg:$0x15] =	wrdreg s19  }
0x16: {  	s8 =	sadd.s32 s3, s23;
	[dreg:$0xc] =	wrdreg s9  }
0x17: {  	s18 =	sor.u32 $0x1C00, s5;
	s6 =	sadd.s32 s3, s26;
	[dreg:$0xe] =	wrdreg s8  }
0x18: {  	s20 =	sadd.s32 s0, s18;
	[dreg:$0x11] =	wrdreg s6  }
0x19: {  	s21 =	sor.u32 $0x2000, s5;
	s22 =	sadd.s32 s2, s18;
	[dreg:$0x16] =	wrdreg s20  }
0x1a: {  	s23 =	sadd.s32 s0, s21;
	[dreg:$0x17] =	wrdreg s22  }
0x1b: {  	s24 =	sadd.s32 s2, s21;
	[dreg:$0x19] =	wrdreg s23  }
0x1c: {  	s25 =	sadd.s32 s3, s21;
	[dreg:$0x1a] =	wrdreg s24  }
0x1d: {  	s26 =	sor.u32 $0x2400, s5;
	s6 =	sadd.s32 s3, s18;
	[dreg:$0x1b] =	wrdreg s25  }
0x1e: {  	s8 =	sadd.s32 s0, s26;
	[dreg:$0x18] =	wrdreg s6  }
0x1f: {  	s10 =	sor.u32 $0x2800, s5;
	s9 =	sadd.s32 s2, s26;
	[dreg:$0x1c] =	wrdreg s8  }
0x20: {  	s11 =	sadd.s32 s0, s10;
	[dreg:$0x1d] =	wrdreg s9  }
0x21: {  	s13 =	sadd.s32 s2, s10;
	[dreg:$0x1f] =	wrdreg s11  }
0x22: {  	s12 =	sor.u32 $0x2C00, s5;
	s7 =	sadd.s32 s3, s10;
	[smem:$0x7F0] =	sst s13  }
0x23: {  	s14 =	sadd.s32 s0, s12;
	[smem:$0x7F1] =	sst s7  }
0x24: {  	s16 =	sor.u32 $0x3000, s5;
	s15 =	sadd.s32 s2, s12;
	[smem:$0x7F2] =	sst s14  }
0x25: {  	s17 =	sadd.s32 s0, s16;
	[smem:$0x7F3] =	sst s15  }
0x26: {  	s19 =	sor.u32 $0x3400, s5;
	s18 =	sadd.s32 s2, s16;
	[smem:$0x7F5] =	sst s17  }
0x27: {  	s20 =	sadd.s32 s0, s19;
	[smem:$0x7F6] =	sst s18  }
0x28: {  	s28 =	simm.s32 $0x1;
	s21 =	sadd.s32 s2, s19;
	[smem:$0x7F8] =	sst s20  }
0x29: {  	s29 =	simm.s32 $0x10000;
	s22 =	sadd.s32 s3, s19;
	[smem:$0x7F9] =	sst s21  }
0x2a: {  	s30 =	simm.s32 $0x8;
	s23 =	sadd.s32 s2, s5;
	[smem:$0x7FA] =	sst s22  }
0x2b: {  	s31 =	simm.s32 $0x2;
	s24 =	sadd.s32 s0, s5;
	[smem:$0x7FB] =	sst s23  }
0x2c: {  	s25 =	sadd.s32 s3, s5;
	s6 =	sadd.s32 s3, s26;
	[smem:$0x7FC] =	sst s24  }
0x2d: {  	[smem:$0x7FD] =	sst s25;
	s26 =	sor.u32 $0x3800, s5;
	s5 =	sor.u32 $0x3C00, s5  }
0x2e: {  	s20 =	smax.u32 s4, $0x1;
	s21 =	simm.s32 $0x18000;
	s22 =	simm.s32 $0x2000  }
0x2f: {  	s23 =	simm.s32 $0x400000;
	s24 =	simm.s32 $0x8000;
	s25 =	simm.s32 $0x7  }
0x30: {  	s4 =	simm.s32 $0x6;
	[dreg:$0x1e] =	wrdreg s6;
	s6 =	sadd.s32 s3, s12  }
0x31: {  	s14 =	sadd.s32 s0, s26;
	s15 =	sadd.s32 s0, s5;
	s17 =	sadd.s32 s2, s5  }
0x32: {  	s18 =	sadd.s32 s3, s26;
	s19 =	sadd.s32 s3, s5;
	s0 =	simm.s32 $0x4  }
0x33: {  	s5 =	simm.s32 $0x0;
	[smem:$0x7F4] =	sst s6;
	s6 =	sadd.s32 s3, s16  }
0x34: {  	s16 =	sadd.s32 s2, s26;
	s26 =	simm.s32 $0x1A000;
	[smem:$0x7F7] =	sst s6  }
0x35: {  	s2 =	simm.s32 $0x3;
	s3 =	simm.s32 $0x5;
	_ =	strace $0x80000047  }
.LBB2_1:
0x36: {  	s6 =	sld [smem:$0x7FB];
	_ =	sdelay $0x1  }
0x37: {  	s12 =	sld [smem:$0x7FC]  }
0x38: {  	[tilespmem:s21], [sflag:$0x7] =	stream.linear.gather [hbm4b:s6+s1], $0x2000, $0x38;
	[tilespmem:$0x1C000] =	vst v63  }
0x39: {  	_ = 	snop  }
0x3a: {  	[tilespmem:s1], [sflag:$0x1] =	stream.strided.gather [hbm4b:s12+s22], $0x8000, s23, s22, $0x38;
	[tilespmem:$0x1C000] =	vst v63  }
0x3b: {  	s13 =	rddreg [dreg:$0x4]  }
0x3c: {  	[tilespmem:s24], [sflag:$0x2] =	stream.strided.gather [hbm4b:s13+s22], $0x8000, s23, s22, $0x38;
	[tilespmem:$0x1C000] =	vst v63  }
0x3d: {  	_ =	swait.ge [sflag:s25], $0x2000  }
0x3e: {  	[sflag:s25] =	ssyncset.done $0x0  }
0x3f: {  	s7 =	rddreg [dreg:$0x5];
	[sflag:s25] =	ssyncadd.s32 $0xFFFFE000  }
0x40: {  	[tilespmem:s26], [sflag:$0x8] =	stream.linear.gather [hbm4b:s7+s1], $0x2000, $0x38;
	[tilespmem:$0x1C000] =	vst v63  }
0x41: {  	_ =	swait.ge [sflag:s28], $0x8000  }
0x42: {  	s8 =	sand.u32 $0x1C00, s1;
	s7 =	sand.u32 $0x380, s1;
	[sflag:s28] =	ssyncset.done $0x0  }
0x43: {  	s6 =	sor.u32 s7, s8;
	[sflag:s28] =	ssyncadd.s32 $0xFFFF8000  }
0x44: {  	v2 =	vld [tilespmem:s6+$0x18030]  }
0x45: {  	v3 =	vld [tilespmem:s6+$0x18020]  }
0x46: {  	v4 =	vld [tilespmem:s6+$0x18010]  }
0x47: {  	v5 =	vld [tilespmem:s6+$0x18000]  }
0x48: {  	v6 =	vld [tilespmem:s6+$0x18040]  }
0x49: {  	v7 =	vld [tilespmem:s6+$0x18050]  }
0x4a: {  	s9 =	sand.u32 $0x6000, s1;
	v1 =	vld [tilespmem:s6+$0x18060]  }
0x4b: {  	s7 =	sor.u32 s9, s6;
	v0 =	vld [tilespmem:s6+$0x18070]  }
0x4c: {  	s10 =	sor.u32 $0x10, s7;
	[tilespmem:s7+$0x0] =	vst.add.f32.msk $0xffff, v5  }
0x4d: {  	s8 =	sor.u32 $0x20, s7;
	[tilespmem:s10+$0x0] =	vst.add.f32.msk $0xffff, v4  }
0x4e: {  	s11 =	sor.u32 $0x30, s7;
	[tilespmem:s8+$0x0] =	vst.add.f32.msk $0xffff, v3  }
0x4f: {  	s12 =	sor.u32 $0x40, s7;
	[tilespmem:s11+$0x0] =	vst.add.f32.msk $0xffff, v2  }
0x50: {  	s9 =	simm.s32 $0x400;
	s13 =	sor.u32 $0x50, s7;
	s6 =	simm.s32 $0x10;
	[tilespmem:s12+$0x0] =	vst.add.f32.msk $0xffff, v6  }
0x51: {  	s10 =	sor.u32 $0x60, s7;
	s8 =	sor.u32 $0x70, s7;
	s7 =	simm.s32 $0x80;
	[tilespmem:s13+$0x0] =	vst.add.f32.msk $0xffff, v7  }
.LBB2_2:
0x52: {  	s11 =	sand.u32 $0x1C00, s9  }
0x53: {  	s12 =	sand.u32 $0x380, s6;
	[tilespmem:s10+$0x0] =	vst.add.f32.msk $0xffff, v1;
	s10 =	smov.u32 s9;
	s13 =	sadd.s32 $0x400, s9  }
0x54: {  	p0 =	sne.s32 s9, $0x3FC00;
	s10 =	sor.u32 s12, s11;
	[tilespmem:s8+$0x0] =	vst.add.f32.msk $0xffff, v0  }
0x55: {  	v2 =	vld [tilespmem:s10+$0x18030]  }
0x56: {  	v3 =	vld [tilespmem:s10+$0x18020]  }
0x57: {  	v4 =	vld [tilespmem:s10+$0x18010]  }
0x58: {  	v5 =	vld [tilespmem:s10+$0x18000]  }
0x59: {  	v6 =	vld [tilespmem:s10+$0x18040]  }
0x5a: {  	s8 =	sand.u32 $0x6000, s7;
	v7 =	vld [tilespmem:s10+$0x18050]  }
0x5b: {  	s8 =	sor.u32 s8, s10;
	v1 =	vld [tilespmem:s10+$0x18060]  }
0x5c: {  	s9 =	sor.u32 $0x10, s8;
	v0 =	vld [tilespmem:s10+$0x18070]  }
0x5d: {  	s10 =	sor.u32 $0x20, s8;
	[tilespmem:s8+$0x0] =	vst.add.f32.msk $0xffff, v5  }
.Ltmp0:
0x5e: {  	[tilespmem:s9+$0x0] =	vst.add.f32.msk $0xffff, v4;
	s9 =	sor.u32 $0x30, s8;
	(pc) =	sbr.rel @p0 .LBB2_2-.Ltmp0, $4  }
0x5f: {  	[tilespmem:s10+$0x0] =	vst.add.f32.msk $0xffff, v3;
	s10 =	sor.u32 $0x40, s8  }
0x60: {  	[tilespmem:s9+$0x0] =	vst.add.f32.msk $0xffff, v2;
	s9 =	sor.u32 $0x50, s8  }
0x61: {  	s6 =	sadd.s32 $0x10, s6;
	[tilespmem:s10+$0x0] =	vst.add.f32.msk $0xffff, v6;
	s10 =	sor.u32 $0x60, s8  }
0x62: {  	s7 =	sadd.s32 $0x80, s7;
	s8 =	sor.u32 $0x70, s8;
	[tilespmem:s9+$0x0] =	vst.add.f32.msk $0xffff, v7;
	s9 =	smov.u32 s13  }
0x63: {  	s7 =	sld [smem:$0x7FD]  }
0x64: {  	[tilespmem:s10+$0x0] =	vst.add.f32.msk $0xffff, v1  }
0x65: {  	s6 =	simm.s32 $0x0;
	[tilespmem:s8+$0x0] =	vst.add.f32.msk $0xffff, v0  }
0x66: {  	[hbm4b:s7+s22] =	stream.strided.scatter [tilespmem:s6], [sflag:$0x4], $0x8000, s23, s22, $0x38;
	[tilespmem:$0x1C000] =	vst v63  }
0x67: {  	s9 =	rddreg [dreg:$0x6]  }
0x68: {  	[tilespmem:s29], [sflag:$0x3] =	stream.strided.gather [hbm4b:s9+s22], $0x8000, s23, s22, $0x38;
	[tilespmem:$0x1C000] =	vst v63  }
0x69: {  	_ =	swait.ge [sflag:s30], $0x2000  }
0x6a: {  	[sflag:s30] =	ssyncset.done $0x0  }
0x6b: {  	s10 =	rddreg [dreg:$0x7];
	[sflag:s30] =	ssyncadd.s32 $0xFFFFE000  }
0x6c: {  	[tilespmem:s21], [sflag:$0x7] =	stream.linear.gather [hbm4b:s10+s6], $0x2000, $0x38;
	[tilespmem:$0x1C000] =	vst v63  }
0x6d: {  	_ =	swait.ge [sflag:s31], $0x8000  }
0x6e: {  	s11 =	sand.u32 $0x1C00, s6;
	s12 =	sand.u32 $0x380, s6;
	[sflag:s31] =	ssyncset.done $0x0  }
0x6f: {  	s7 =	sor.u32 s12, s11;
	[sflag:s31] =	ssyncadd.s32 $0xFFFF8000  }
0x70: {  	v2 =	vld [tilespmem:s7+$0x1A030]  }
0x71: {  	v3 =	vld [tilespmem:s7+$0x1A020]  }
0x72: {  	v4 =	vld [tilespmem:s7+$0x1A010]  }
0x73: {  	v5 =	vld [tilespmem:s7+$0x1A000]  }
0x74: {  	v6 =	vld [tilespmem:s7+$0x1A040]  }
0x75: {  	s6 =	sand.u32 $0x6000, s6;
	v7 =	vld [tilespmem:s7+$0x1A050]  }
0x76: {  	s6 =	sor.u32 s6, s7;
	v1 =	vld [tilespmem:s7+$0x1A060]  }
0x77: {  	s13 =	sor.u32 $0x8000, s6;
	v0 =	vld [tilespmem:s7+$0x1A070]  }
0x78: {  	s9 =	sor.u32 $0x8010, s6;
	[tilespmem:s13+$0x0] =	vst.add.f32.msk $0xffff, v5  }
0x79: {  	s10 =	sor.u32 $0x8020, s6;
	[tilespmem:s9+$0x0] =	vst.add.f32.msk $0xffff, v4  }
0x7a: {  	s11 =	sor.u32 $0x8030, s6;
	[tilespmem:s10+$0x0] =	vst.add.f32.msk $0xffff, v3  }
0x7b: {  	s12 =	sor.u32 $0x8040, s6;
	[tilespmem:s11+$0x0] =	vst.add.f32.msk $0xffff, v2  }
0x7c: {  	s8 =	sor.u32 $0x8070, s6;
	s7 =	simm.s32 $0x80;
	s13 =	sor.u32 $0x8050, s6;
	[tilespmem:s12+$0x0] =	vst.add.f32.msk $0xffff, v6  }
0x7d: {  	s9 =	simm.s32 $0x400;
	s10 =	sor.u32 $0x8060, s6;
	s6 =	simm.s32 $0x10;
	[tilespmem:s13+$0x0] =	vst.add.f32.msk $0xffff, v7  }
.LBB2_4:
0x7e: {  	s11 =	sand.u32 $0x1C00, s9  }
0x7f: {  	s12 =	sand.u32 $0x380, s6;
	[tilespmem:s10+$0x0] =	vst.add.f32.msk $0xffff, v1;
	s10 =	smov.u32 s9;
	s13 =	sadd.s32 $0x400, s9  }
0x80: {  	p0 =	sne.s32 s9, $0x3FC00;
	s10 =	sor.u32 s12, s11;
	s11 =	sand.u32 $0x6000, s7;
	[tilespmem:s8+$0x0] =	vst.add.f32.msk $0xffff, v0  }
0x81: {  	v2 =	vld [tilespmem:s10+$0x1A030];
	s8 =	sor.u32 s11, s10  }
0x82: {  	v3 =	vld [tilespmem:s10+$0x1A020]  }
0x83: {  	v4 =	vld [tilespmem:s10+$0x1A010]  }
0x84: {  	v5 =	vld [tilespmem:s10+$0x1A000]  }
0x85: {  	v6 =	vld [tilespmem:s10+$0x1A040]  }
0x86: {  	v7 =	vld [tilespmem:s10+$0x1A050]  }
0x87: {  	s9 =	sor.u32 $0x8000, s8;
	v1 =	vld [tilespmem:s10+$0x1A060]  }
0x88: {  	v0 =	vld [tilespmem:s10+$0x1A070];
	s10 =	sor.u32 $0x8010, s8  }
0x89: {  	[tilespmem:s9+$0x0] =	vst.add.f32.msk $0xffff, v5;
	s9 =	sor.u32 $0x8020, s8  }
.Ltmp1:
0x8a: {  	[tilespmem:s10+$0x0] =	vst.add.f32.msk $0xffff, v4;
	s10 =	sor.u32 $0x8030, s8;
	(pc) =	sbr.rel @p0 .LBB2_4-.Ltmp1, $4  }
0x8b: {  	[tilespmem:s9+$0x0] =	vst.add.f32.msk $0xffff, v3;
	s9 =	sor.u32 $0x8040, s8  }
0x8c: {  	s11 =	sor.u32 $0x8050, s8;
	[tilespmem:s10+$0x0] =	vst.add.f32.msk $0xffff, v2  }
0x8d: {  	s6 =	sadd.s32 $0x10, s6;
	s10 =	sor.u32 $0x8060, s8;
	[tilespmem:s9+$0x0] =	vst.add.f32.msk $0xffff, v6  }
0x8e: {  	s7 =	sadd.s32 $0x80, s7;
	s8 =	sor.u32 $0x8070, s8;
	s9 =	smov.u32 s13;
	[tilespmem:s11+$0x0] =	vst.add.f32.msk $0xffff, v7  }
0x8f: {  	[tilespmem:s10+$0x0] =	vst.add.f32.msk $0xffff, v1  }
0x90: {  	s6 =	rddreg [dreg:$0x8];
	[tilespmem:s8+$0x0] =	vst.add.f32.msk $0xffff, v0  }
0x91: {  	[hbm4b:s6+s22] =	stream.strided.scatter [tilespmem:s24], [sflag:$0x5], $0x8000, s23, s22, $0x38;
	[tilespmem:$0x1C000] =	vst v63  }
0x92: {  	_ =	swait.ge [sflag:s0], $0x8000  }
0x93: {  	[sflag:s0] =	ssyncset.done $0x0  }
0x94: {  	s9 =	simm.s32 $0x0;
	s7 =	rddreg [dreg:$0x9];
	[sflag:s0] =	ssyncadd.s32 $0xFFFF8000  }
0x95: {  	[tilespmem:s9], [sflag:$0x1] =	stream.strided.gather [hbm4b:s7+s22], $0x8000, s23, s22, $0x38;
	[tilespmem:$0x1C000] =	vst v63  }
0x96: {  	_ =	swait.ge [sflag:s25], $0x2000  }
0x97: {  	[sflag:s25] =	ssyncset.done $0x0  }
0x98: {  	s10 =	rddreg [dreg:$0xa];
	[sflag:s25] =	ssyncadd.s32 $0xFFFFE000  }
0x99: {  	[tilespmem:s26], [sflag:$0x8] =	stream.linear.gather [hbm4b:s10+s9], $0x2000, $0x38;
	[tilespmem:$0x1C000] =	vst v63  }
0x9a: {  	_ =	swait.ge [sflag:s2], $0x8000  }
0x9b: {  	s11 =	sand.u32 $0x1C00, s9;
	s12 =	sand.u32 $0x380, s9;
	[sflag:s2] =	ssyncset.done $0x0  }
0x9c: {  	s7 =	sor.u32 s12, s11;
	[sflag:s2] =	ssyncadd.s32 $0xFFFF8000  }
0x9d: {  	v2 =	vld [tilespmem:s7+$0x18030]  }
0x9e: {  	v3 =	vld [tilespmem:s7+$0x18020]  }
0x9f: {  	v4 =	vld [tilespmem:s7+$0x18010]  }
0xa0: {  	v5 =	vld [tilespmem:s7+$0x18000]  }
0xa1: {  	v6 =	vld [tilespmem:s7+$0x18040]  }
0xa2: {  	s6 =	sand.u32 $0x6000, s9;
	v7 =	vld [tilespmem:s7+$0x18050]  }
0xa3: {  	s6 =	sor.u32 s6, s7;
	v1 =	vld [tilespmem:s7+$0x18060]  }
0xa4: {  	s13 =	sor.u32 $0x10000, s6;
	v0 =	vld [tilespmem:s7+$0x18070]  }
0xa5: {  	s9 =	sor.u32 $0x10010, s6;
	[tilespmem:s13+$0x0] =	vst.add.f32.msk $0xffff, v5  }
0xa6: {  	s10 =	sor.u32 $0x10020, s6;
	[tilespmem:s9+$0x0] =	vst.add.f32.msk $0xffff, v4  }
0xa7: {  	s11 =	sor.u32 $0x10030, s6;
	[tilespmem:s10+$0x0] =	vst.add.f32.msk $0xffff, v3  }
0xa8: {  	s12 =	sor.u32 $0x10040, s6;
	[tilespmem:s11+$0x0] =	vst.add.f32.msk $0xffff, v2  }
0xa9: {  	s8 =	sor.u32 $0x10070, s6;
	s7 =	simm.s32 $0x80;
	s13 =	sor.u32 $0x10050, s6;
	[tilespmem:s12+$0x0] =	vst.add.f32.msk $0xffff, v6  }
0xaa: {  	s9 =	simm.s32 $0x400;
	s10 =	sor.u32 $0x10060, s6;
	s6 =	simm.s32 $0x10;
	[tilespmem:s13+$0x0] =	vst.add.f32.msk $0xffff, v7  }
.LBB2_6:
0xab: {  	s11 =	sand.u32 $0x1C00, s9  }
0xac: {  	s12 =	sand.u32 $0x380, s6;
	[tilespmem:s10+$0x0] =	vst.add.f32.msk $0xffff, v1;
	s10 =	smov.u32 s9;
	s13 =	sadd.s32 $0x400, s9  }
0xad: {  	p0 =	sne.s32 s9, $0x3FC00;
	s10 =	sor.u32 s12, s11;
	s11 =	sand.u32 $0x6000, s7;
	[tilespmem:s8+$0x0] =	vst.add.f32.msk $0xffff, v0  }
0xae: {  	v2 =	vld [tilespmem:s10+$0x18030];
	s8 =	sor.u32 s11, s10  }
0xaf: {  	v3 =	vld [tilespmem:s10+$0x18020]  }
0xb0: {  	v4 =	vld [tilespmem:s10+$0x18010]  }
0xb1: {  	v5 =	vld [tilespmem:s10+$0x18000]  }
0xb2: {  	v6 =	vld [tilespmem:s10+$0x18040]  }
0xb3: {  	v7 =	vld [tilespmem:s10+$0x18050]  }
0xb4: {  	s9 =	sor.u32 $0x10000, s8;
	v1 =	vld [tilespmem:s10+$0x18060]  }
0xb5: {  	v0 =	vld [tilespmem:s10+$0x18070];
	s10 =	sor.u32 $0x10010, s8  }
0xb6: {  	[tilespmem:s9+$0x0] =	vst.add.f32.msk $0xffff, v5;
	s9 =	sor.u32 $0x10020, s8  }
.Ltmp2:
0xb7: {  	[tilespmem:s10+$0x0] =	vst.add.f32.msk $0xffff, v4;
	s10 =	sor.u32 $0x10030, s8;
	(pc) =	sbr.rel @p0 .LBB2_6-.Ltmp2, $4  }
0xb8: {  	[tilespmem:s9+$0x0] =	vst.add.f32.msk $0xffff, v3;
	s9 =	sor.u32 $0x10040, s8  }
0xb9: {  	s11 =	sor.u32 $0x10050, s8;
	[tilespmem:s10+$0x0] =	vst.add.f32.msk $0xffff, v2  }
0xba: {  	s6 =	sadd.s32 $0x10, s6;
	s10 =	sor.u32 $0x10060, s8;
	[tilespmem:s9+$0x0] =	vst.add.f32.msk $0xffff, v6  }
0xbb: {  	s7 =	sadd.s32 $0x80, s7;
	s8 =	sor.u32 $0x10070, s8;
	s9 =	smov.u32 s13;
	[tilespmem:s11+$0x0] =	vst.add.f32.msk $0xffff, v7  }
0xbc: {  	[tilespmem:s10+$0x0] =	vst.add.f32.msk $0xffff, v1  }
0xbd: {  	s6 =	rddreg [dreg:$0xb];
	[tilespmem:s8+$0x0] =	vst.add.f32.msk $0xffff, v0  }
0xbe: {  	[hbm4b:s6+s22] =	stream.strided.scatter [tilespmem:s29], [sflag:$0x6], $0x8000, s23, s22, $0x38;
	[tilespmem:$0x1C000] =	vst v63  }
0xbf: {  	_ =	swait.ge [sflag:s3], $0x8000  }
0xc0: {  	[sflag:s3] =	ssyncset.done $0x0  }
0xc1: {  	s10 =	rddreg [dreg:$0xc];
	[sflag:s3] =	ssyncadd.s32 $0xFFFF8000  }
0xc2: {  	[tilespmem:s24], [sflag:$0x2] =	stream.strided.gather [hbm4b:s10+s22], $0x8000, s23, s22, $0x38;
	[tilespmem:$0x1C000] =	vst v63  }
0xc3: {  	_ =	swait.ge [sflag:s30], $0x2000  }
0xc4: {  	[sflag:s30] =	ssyncset.done $0x0  }
0xc5: {  	s11 =	simm.s32 $0x0;
	s7 =	rddreg [dreg:$0xd];
	[sflag:s30] =	ssyncadd.s32 $0xFFFFE000  }
0xc6: {  	[tilespmem:s21], [sflag:$0x7] =	stream.linear.gather [hbm4b:s7+s11], $0x2000, $0x38;
	[tilespmem:$0x1C000] =	vst v63  }
0xc7: {  	_ =	swait.ge [sflag:s28], $0x8000  }
0xc8: {  	s12 =	sand.u32 $0x1C00, s11;
	s13 =	sand.u32 $0x380, s11;
	[sflag:s28] =	ssyncset.done $0x0  }
0xc9: {  	s7 =	sor.u32 s13, s12;
	[sflag:s28] =	ssyncadd.s32 $0xFFFF8000  }
0xca: {  	v2 =	vld [tilespmem:s7+$0x1A030]  }
0xcb: {  	v3 =	vld [tilespmem:s7+$0x1A020]  }
0xcc: {  	v4 =	vld [tilespmem:s7+$0x1A010]  }
0xcd: {  	v5 =	vld [tilespmem:s7+$0x1A000]  }
0xce: {  	v6 =	vld [tilespmem:s7+$0x1A040]  }
0xcf: {  	v7 =	vld [tilespmem:s7+$0x1A050]  }
0xd0: {  	s6 =	sand.u32 $0x6000, s11;
	v1 =	vld [tilespmem:s7+$0x1A060]  }
0xd1: {  	s6 =	sor.u32 s6, s7;
	v0 =	vld [tilespmem:s7+$0x1A070]  }
0xd2: {  	s9 =	sor.u32 $0x10, s6;
	[tilespmem:s6+$0x0] =	vst.add.f32.msk $0xffff, v5  }
0xd3: {  	s10 =	sor.u32 $0x20, s6;
	[tilespmem:s9+$0x0] =	vst.add.f32.msk $0xffff, v4  }
0xd4: {  	s11 =	sor.u32 $0x30, s6;
	[tilespmem:s10+$0x0] =	vst.add.f32.msk $0xffff, v3  }
0xd5: {  	s12 =	sor.u32 $0x40, s6;
	[tilespmem:s11+$0x0] =	vst.add.f32.msk $0xffff, v2  }
0xd6: {  	s13 =	sor.u32 $0x50, s6;
	s8 =	sor.u32 $0x70, s6;
	s7 =	simm.s32 $0x80;
	[tilespmem:s12+$0x0] =	vst.add.f32.msk $0xffff, v6  }
0xd7: {  	s9 =	simm.s32 $0x400;
	s10 =	sor.u32 $0x60, s6;
	s6 =	simm.s32 $0x10;
	[tilespmem:s13+$0x0] =	vst.add.f32.msk $0xffff, v7  }
.LBB2_8:
0xd8: {  	s11 =	sand.u32 $0x1C00, s9  }
0xd9: {  	s12 =	sand.u32 $0x380, s6;
	[tilespmem:s10+$0x0] =	vst.add.f32.msk $0xffff, v1;
	s10 =	smov.u32 s9;
	s13 =	sadd.s32 $0x400, s9  }
0xda: {  	p0 =	sne.s32 s9, $0x3FC00;
	s10 =	sor.u32 s12, s11;
	[tilespmem:s8+$0x0] =	vst.add.f32.msk $0xffff, v0  }
0xdb: {  	v2 =	vld [tilespmem:s10+$0x1A030]  }
0xdc: {  	v3 =	vld [tilespmem:s10+$0x1A020]  }
0xdd: {  	v4 =	vld [tilespmem:s10+$0x1A010]  }
0xde: {  	v5 =	vld [tilespmem:s10+$0x1A000]  }
0xdf: {  	v6 =	vld [tilespmem:s10+$0x1A040]  }
0xe0: {  	s8 =	sand.u32 $0x6000, s7;
	v7 =	vld [tilespmem:s10+$0x1A050]  }
0xe1: {  	s8 =	sor.u32 s8, s10;
	v1 =	vld [tilespmem:s10+$0x1A060]  }
0xe2: {  	s9 =	sor.u32 $0x10, s8;
	v0 =	vld [tilespmem:s10+$0x1A070]  }
0xe3: {  	s10 =	sor.u32 $0x20, s8;
	[tilespmem:s8+$0x0] =	vst.add.f32.msk $0xffff, v5  }
.Ltmp3:
0xe4: {  	[tilespmem:s9+$0x0] =	vst.add.f32.msk $0xffff, v4;
	s9 =	sor.u32 $0x30, s8;
	(pc) =	sbr.rel @p0 .LBB2_8-.Ltmp3, $4  }
0xe5: {  	[tilespmem:s10+$0x0] =	vst.add.f32.msk $0xffff, v3;
	s10 =	sor.u32 $0x40, s8  }
0xe6: {  	[tilespmem:s9+$0x0] =	vst.add.f32.msk $0xffff, v2;
	s9 =	sor.u32 $0x50, s8  }
0xe7: {  	s6 =	sadd.s32 $0x10, s6;
	[tilespmem:s10+$0x0] =	vst.add.f32.msk $0xffff, v6;
	s10 =	sor.u32 $0x60, s8  }
0xe8: {  	s7 =	sadd.s32 $0x80, s7;
	s8 =	sor.u32 $0x70, s8;
	[tilespmem:s9+$0x0] =	vst.add.f32.msk $0xffff, v7;
	s9 =	smov.u32 s13  }
0xe9: {  	[tilespmem:s10+$0x0] =	vst.add.f32.msk $0xffff, v1  }
0xea: {  	s6 =	simm.s32 $0x0;
	s7 =	rddreg [dreg:$0xe];
	[tilespmem:s8+$0x0] =	vst.add.f32.msk $0xffff, v0  }
0xeb: {  	[hbm4b:s7+s22] =	stream.strided.scatter [tilespmem:s6], [sflag:$0x4], $0x8000, s23, s22, $0x38;
	[tilespmem:$0x1C000] =	vst v63  }
0xec: {  	_ =	swait.ge [sflag:s4], $0x8000  }
0xed: {  	[sflag:s4] =	ssyncset.done $0x0  }
0xee: {  	s9 =	rddreg [dreg:$0xf];
	[sflag:s4] =	ssyncadd.s32 $0xFFFF8000  }
0xef: {  	[tilespmem:s29], [sflag:$0x3] =	stream.strided.gather [hbm4b:s9+s22], $0x8000, s23, s22, $0x38;
	[tilespmem:$0x1C000] =	vst v63  }
0xf0: {  	_ =	swait.ge [sflag:s25], $0x2000  }
0xf1: {  	[sflag:s25] =	ssyncset.done $0x0  }
0xf2: {  	s10 =	rddreg [dreg:$0x10];
	[sflag:s25] =	ssyncadd.s32 $0xFFFFE000  }
0xf3: {  	[tilespmem:s26], [sflag:$0x8] =	stream.linear.gather [hbm4b:s10+s6], $0x2000, $0x38;
	[tilespmem:$0x1C000] =	vst v63  }
0xf4: {  	_ =	swait.ge [sflag:s31], $0x8000  }
0xf5: {  	s11 =	sand.u32 $0x1C00, s6;
	s12 =	sand.u32 $0x380, s6;
	[sflag:s31] =	ssyncset.done $0x0  }
0xf6: {  	s7 =	sor.u32 s12, s11;
	[sflag:s31] =	ssyncadd.s32 $0xFFFF8000  }
0xf7: {  	v2 =	vld [tilespmem:s7+$0x18030]  }
0xf8: {  	v3 =	vld [tilespmem:s7+$0x18020]  }
0xf9: {  	v4 =	vld [tilespmem:s7+$0x18010]  }
0xfa: {  	v5 =	vld [tilespmem:s7+$0x18000]  }
0xfb: {  	v6 =	vld [tilespmem:s7+$0x18040]  }
0xfc: {  	s6 =	sand.u32 $0x6000, s6;
	v7 =	vld [tilespmem:s7+$0x18050]  }
0xfd: {  	s6 =	sor.u32 s6, s7;
	v1 =	vld [tilespmem:s7+$0x18060]  }
0xfe: {  	s13 =	sor.u32 $0x8000, s6;
	v0 =	vld [tilespmem:s7+$0x18070]  }
0xff: {  	s9 =	sor.u32 $0x8010, s6;
	[tilespmem:s13+$0x0] =	vst.add.f32.msk $0xffff, v5  }
0x100: {  	s10 =	sor.u32 $0x8020, s6;
	[tilespmem:s9+$0x0] =	vst.add.f32.msk $0xffff, v4  }
0x101: {  	s11 =	sor.u32 $0x8030, s6;
	[tilespmem:s10+$0x0] =	vst.add.f32.msk $0xffff, v3  }
0x102: {  	s12 =	sor.u32 $0x8040, s6;
	[tilespmem:s11+$0x0] =	vst.add.f32.msk $0xffff, v2  }
0x103: {  	s8 =	sor.u32 $0x8070, s6;
	s7 =	simm.s32 $0x80;
	s13 =	sor.u32 $0x8050, s6;
	[tilespmem:s12+$0x0] =	vst.add.f32.msk $0xffff, v6  }
0x104: {  	s9 =	simm.s32 $0x400;
	s10 =	sor.u32 $0x8060, s6;
	s6 =	simm.s32 $0x10;
	[tilespmem:s13+$0x0] =	vst.add.f32.msk $0xffff, v7  }
.LBB2_10:
0x105: {  	s11 =	sand.u32 $0x1C00, s9  }
0x106: {  	s12 =	sand.u32 $0x380, s6;
	[tilespmem:s10+$0x0] =	vst.add.f32.msk $0xffff, v1;
	s10 =	smov.u32 s9;
	s13 =	sadd.s32 $0x400, s9  }
0x107: {  	p0 =	sne.s32 s9, $0x3FC00;
	s10 =	sor.u32 s12, s11;
	s11 =	sand.u32 $0x6000, s7;
	[tilespmem:s8+$0x0] =	vst.add.f32.msk $0xffff, v0  }
0x108: {  	v2 =	vld [tilespmem:s10+$0x18030];
	s8 =	sor.u32 s11, s10  }
0x109: {  	v3 =	vld [tilespmem:s10+$0x18020]  }
0x10a: {  	v4 =	vld [tilespmem:s10+$0x18010]  }
0x10b: {  	v5 =	vld [tilespmem:s10+$0x18000]  }
0x10c: {  	v6 =	vld [tilespmem:s10+$0x18040]  }
0x10d: {  	v7 =	vld [tilespmem:s10+$0x18050]  }
0x10e: {  	s9 =	sor.u32 $0x8000, s8;
	v1 =	vld [tilespmem:s10+$0x18060]  }
0x10f: {  	v0 =	vld [tilespmem:s10+$0x18070];
	s10 =	sor.u32 $0x8010, s8  }
0x110: {  	[tilespmem:s9+$0x0] =	vst.add.f32.msk $0xffff, v5;
	s9 =	sor.u32 $0x8020, s8  }
.Ltmp4:
0x111: {  	[tilespmem:s10+$0x0] =	vst.add.f32.msk $0xffff, v4;
	s10 =	sor.u32 $0x8030, s8;
	(pc) =	sbr.rel @p0 .LBB2_10-.Ltmp4, $4  }
0x112: {  	[tilespmem:s9+$0x0] =	vst.add.f32.msk $0xffff, v3;
	s9 =	sor.u32 $0x8040, s8  }
0x113: {  	s11 =	sor.u32 $0x8050, s8;
	[tilespmem:s10+$0x0] =	vst.add.f32.msk $0xffff, v2  }
0x114: {  	s6 =	sadd.s32 $0x10, s6;
	s10 =	sor.u32 $0x8060, s8;
	[tilespmem:s9+$0x0] =	vst.add.f32.msk $0xffff, v6  }
0x115: {  	s7 =	sadd.s32 $0x80, s7;
	s8 =	sor.u32 $0x8070, s8;
	s9 =	smov.u32 s13;
	[tilespmem:s11+$0x0] =	vst.add.f32.msk $0xffff, v7  }
0x116: {  	[tilespmem:s10+$0x0] =	vst.add.f32.msk $0xffff, v1  }
0x117: {  	s6 =	rddreg [dreg:$0x11];
	[tilespmem:s8+$0x0] =	vst.add.f32.msk $0xffff, v0  }
0x118: {  	[hbm4b:s6+s22] =	stream.strided.scatter [tilespmem:s24], [sflag:$0x5], $0x8000, s23, s22, $0x38;
	[tilespmem:$0x1C000] =	vst v63  }
0x119: {  	_ =	swait.ge [sflag:s0], $0x8000  }
0x11a: {  	[sflag:s0] =	ssyncset.done $0x0  }
0x11b: {  	s9 =	simm.s32 $0x0;
	s7 =	rddreg [dreg:$0x12];
	[sflag:s0] =	ssyncadd.s32 $0xFFFF8000  }
0x11c: {  	[tilespmem:s9], [sflag:$0x1] =	stream.strided.gather [hbm4b:s7+s22], $0x8000, s23, s22, $0x38;
	[tilespmem:$0x1C000] =	vst v63  }
0x11d: {  	_ =	swait.ge [sflag:s30], $0x2000  }
0x11e: {  	[sflag:s30] =	ssyncset.done $0x0  }
0x11f: {  	s10 =	rddreg [dreg:$0x13];
	[sflag:s30] =	ssyncadd.s32 $0xFFFFE000  }
0x120: {  	[tilespmem:s21], [sflag:$0x7] =	stream.linear.gather [hbm4b:s10+s9], $0x2000, $0x38;
	[tilespmem:$0x1C000] =	vst v63  }
0x121: {  	_ =	swait.ge [sflag:s2], $0x8000  }
0x122: {  	s11 =	sand.u32 $0x1C00, s9;
	s12 =	sand.u32 $0x380, s9;
	[sflag:s2] =	ssyncset.done $0x0  }
0x123: {  	s7 =	sor.u32 s12, s11;
	[sflag:s2] =	ssyncadd.s32 $0xFFFF8000  }
0x124: {  	v2 =	vld [tilespmem:s7+$0x1A030]  }
0x125: {  	v3 =	vld [tilespmem:s7+$0x1A020]  }
0x126: {  	v4 =	vld [tilespmem:s7+$0x1A010]  }
0x127: {  	v5 =	vld [tilespmem:s7+$0x1A000]  }
0x128: {  	v6 =	vld [tilespmem:s7+$0x1A040]  }
0x129: {  	s6 =	sand.u32 $0x6000, s9;
	v7 =	vld [tilespmem:s7+$0x1A050]  }
0x12a: {  	s6 =	sor.u32 s6, s7;
	v1 =	vld [tilespmem:s7+$0x1A060]  }
0x12b: {  	s13 =	sor.u32 $0x10000, s6;
	v0 =	vld [tilespmem:s7+$0x1A070]  }
0x12c: {  	s9 =	sor.u32 $0x10010, s6;
	[tilespmem:s13+$0x0] =	vst.add.f32.msk $0xffff, v5  }
0x12d: {  	s10 =	sor.u32 $0x10020, s6;
	[tilespmem:s9+$0x0] =	vst.add.f32.msk $0xffff, v4  }
0x12e: {  	s11 =	sor.u32 $0x10030, s6;
	[tilespmem:s10+$0x0] =	vst.add.f32.msk $0xffff, v3  }
0x12f: {  	s12 =	sor.u32 $0x10040, s6;
	[tilespmem:s11+$0x0] =	vst.add.f32.msk $0xffff, v2  }
0x130: {  	s8 =	sor.u32 $0x10070, s6;
	s7 =	simm.s32 $0x80;
	s13 =	sor.u32 $0x10050, s6;
	[tilespmem:s12+$0x0] =	vst.add.f32.msk $0xffff, v6  }
0x131: {  	s9 =	simm.s32 $0x400;
	s10 =	sor.u32 $0x10060, s6;
	s6 =	simm.s32 $0x10;
	[tilespmem:s13+$0x0] =	vst.add.f32.msk $0xffff, v7  }
.LBB2_12:
0x132: {  	s11 =	sand.u32 $0x1C00, s9  }
0x133: {  	s12 =	sand.u32 $0x380, s6;
	[tilespmem:s10+$0x0] =	vst.add.f32.msk $0xffff, v1;
	s10 =	smov.u32 s9;
	s13 =	sadd.s32 $0x400, s9  }
0x134: {  	p0 =	sne.s32 s9, $0x3FC00;
	s10 =	sor.u32 s12, s11;
	s11 =	sand.u32 $0x6000, s7;
	[tilespmem:s8+$0x0] =	vst.add.f32.msk $0xffff, v0  }
0x135: {  	v2 =	vld [tilespmem:s10+$0x1A030];
	s8 =	sor.u32 s11, s10  }
0x136: {  	v3 =	vld [tilespmem:s10+$0x1A020]  }
0x137: {  	v4 =	vld [tilespmem:s10+$0x1A010]  }
0x138: {  	v5 =	vld [tilespmem:s10+$0x1A000]  }
0x139: {  	v6 =	vld [tilespmem:s10+$0x1A040]  }
0x13a: {  	v7 =	vld [tilespmem:s10+$0x1A050]  }
0x13b: {  	s9 =	sor.u32 $0x10000, s8;
	v1 =	vld [tilespmem:s10+$0x1A060]  }
0x13c: {  	v0 =	vld [tilespmem:s10+$0x1A070];
	s10 =	sor.u32 $0x10010, s8  }
0x13d: {  	[tilespmem:s9+$0x0] =	vst.add.f32.msk $0xffff, v5;
	s9 =	sor.u32 $0x10020, s8  }
.Ltmp5:
0x13e: {  	[tilespmem:s10+$0x0] =	vst.add.f32.msk $0xffff, v4;
	s10 =	sor.u32 $0x10030, s8;
	(pc) =	sbr.rel @p0 .LBB2_12-.Ltmp5, $4  }
0x13f: {  	[tilespmem:s9+$0x0] =	vst.add.f32.msk $0xffff, v3;
	s9 =	sor.u32 $0x10040, s8  }
0x140: {  	s11 =	sor.u32 $0x10050, s8;
	[tilespmem:s10+$0x0] =	vst.add.f32.msk $0xffff, v2  }
0x141: {  	s6 =	sadd.s32 $0x10, s6;
	s10 =	sor.u32 $0x10060, s8;
	[tilespmem:s9+$0x0] =	vst.add.f32.msk $0xffff, v6  }
0x142: {  	s7 =	sadd.s32 $0x80, s7;
	s8 =	sor.u32 $0x10070, s8;
	s9 =	smov.u32 s13;
	[tilespmem:s11+$0x0] =	vst.add.f32.msk $0xffff, v7  }
0x143: {  	[tilespmem:s10+$0x0] =	vst.add.f32.msk $0xffff, v1  }
0x144: {  	s6 =	rddreg [dreg:$0x14];
	[tilespmem:s8+$0x0] =	vst.add.f32.msk $0xffff, v0  }
0x145: {  	[hbm4b:s6+s22] =	stream.strided.scatter [tilespmem:s29], [sflag:$0x6], $0x8000, s23, s22, $0x38;
	[tilespmem:$0x1C000] =	vst v63  }
0x146: {  	_ =	swait.ge [sflag:s3], $0x8000  }
0x147: {  	[sflag:s3] =	ssyncset.done $0x0  }
0x148: {  	s10 =	rddreg [dreg:$0x16];
	[sflag:s3] =	ssyncadd.s32 $0xFFFF8000  }
0x149: {  	[tilespmem:s24], [sflag:$0x2] =	stream.strided.gather [hbm4b:s10+s22], $0x8000, s23, s22, $0x38;
	[tilespmem:$0x1C000] =	vst v63  }
0x14a: {  	_ =	swait.ge [sflag:s25], $0x2000  }
0x14b: {  	[sflag:s25] =	ssyncset.done $0x0  }
0x14c: {  	s11 =	simm.s32 $0x0;
	s7 =	rddreg [dreg:$0x17];
	[sflag:s25] =	ssyncadd.s32 $0xFFFFE000  }
0x14d: {  	[tilespmem:s26], [sflag:$0x8] =	stream.linear.gather [hbm4b:s7+s11], $0x2000, $0x38;
	[tilespmem:$0x1C000] =	vst v63  }
0x14e: {  	_ =	swait.ge [sflag:s28], $0x8000  }
0x14f: {  	s12 =	sand.u32 $0x1C00, s11;
	s13 =	sand.u32 $0x380, s11;
	[sflag:s28] =	ssyncset.done $0x0  }
0x150: {  	s7 =	sor.u32 s13, s12;
	[sflag:s28] =	ssyncadd.s32 $0xFFFF8000  }
0x151: {  	v2 =	vld [tilespmem:s7+$0x18030]  }
0x152: {  	v3 =	vld [tilespmem:s7+$0x18020]  }
0x153: {  	v4 =	vld [tilespmem:s7+$0x18010]  }
0x154: {  	v5 =	vld [tilespmem:s7+$0x18000]  }
0x155: {  	v6 =	vld [tilespmem:s7+$0x18040]  }
0x156: {  	v7 =	vld [tilespmem:s7+$0x18050]  }
0x157: {  	s6 =	sand.u32 $0x6000, s11;
	v1 =	vld [tilespmem:s7+$0x18060]  }
0x158: {  	s6 =	sor.u32 s6, s7;
	v0 =	vld [tilespmem:s7+$0x18070]  }
0x159: {  	s9 =	sor.u32 $0x10, s6;
	[tilespmem:s6+$0x0] =	vst.add.f32.msk $0xffff, v5  }
0x15a: {  	s10 =	sor.u32 $0x20, s6;
	[tilespmem:s9+$0x0] =	vst.add.f32.msk $0xffff, v4  }
0x15b: {  	s11 =	sor.u32 $0x30, s6;
	[tilespmem:s10+$0x0] =	vst.add.f32.msk $0xffff, v3  }
0x15c: {  	s12 =	sor.u32 $0x40, s6;
	[tilespmem:s11+$0x0] =	vst.add.f32.msk $0xffff, v2  }
0x15d: {  	s13 =	sor.u32 $0x50, s6;
	s8 =	sor.u32 $0x70, s6;
	s7 =	simm.s32 $0x80;
	[tilespmem:s12+$0x0] =	vst.add.f32.msk $0xffff, v6  }
0x15e: {  	s9 =	simm.s32 $0x400;
	s10 =	sor.u32 $0x60, s6;
	s6 =	simm.s32 $0x10;
	[tilespmem:s13+$0x0] =	vst.add.f32.msk $0xffff, v7  }
.LBB2_14:
0x15f: {  	s11 =	sand.u32 $0x1C00, s9  }
0x160: {  	s12 =	sand.u32 $0x380, s6;
	[tilespmem:s10+$0x0] =	vst.add.f32.msk $0xffff, v1;
	s10 =	smov.u32 s9;
	s13 =	sadd.s32 $0x400, s9  }
0x161: {  	p0 =	sne.s32 s9, $0x3FC00;
	s10 =	sor.u32 s12, s11;
	[tilespmem:s8+$0x0] =	vst.add.f32.msk $0xffff, v0  }
0x162: {  	v2 =	vld [tilespmem:s10+$0x18030]  }
0x163: {  	v3 =	vld [tilespmem:s10+$0x18020]  }
0x164: {  	v4 =	vld [tilespmem:s10+$0x18010]  }
0x165: {  	v5 =	vld [tilespmem:s10+$0x18000]  }
0x166: {  	v6 =	vld [tilespmem:s10+$0x18040]  }
0x167: {  	s8 =	sand.u32 $0x6000, s7;
	v7 =	vld [tilespmem:s10+$0x18050]  }
0x168: {  	s8 =	sor.u32 s8, s10;
	v1 =	vld [tilespmem:s10+$0x18060]  }
0x169: {  	s9 =	sor.u32 $0x10, s8;
	v0 =	vld [tilespmem:s10+$0x18070]  }
0x16a: {  	s10 =	sor.u32 $0x20, s8;
	[tilespmem:s8+$0x0] =	vst.add.f32.msk $0xffff, v5  }
.Ltmp6:
0x16b: {  	[tilespmem:s9+$0x0] =	vst.add.f32.msk $0xffff, v4;
	s9 =	sor.u32 $0x30, s8;
	(pc) =	sbr.rel @p0 .LBB2_14-.Ltmp6, $4  }
0x16c: {  	[tilespmem:s10+$0x0] =	vst.add.f32.msk $0xffff, v3;
	s10 =	sor.u32 $0x40, s8  }
0x16d: {  	[tilespmem:s9+$0x0] =	vst.add.f32.msk $0xffff, v2;
	s9 =	sor.u32 $0x50, s8  }
0x16e: {  	s6 =	sadd.s32 $0x10, s6;
	[tilespmem:s10+$0x0] =	vst.add.f32.msk $0xffff, v6;
	s10 =	sor.u32 $0x60, s8  }
0x16f: {  	s7 =	sadd.s32 $0x80, s7;
	s8 =	sor.u32 $0x70, s8;
	[tilespmem:s9+$0x0] =	vst.add.f32.msk $0xffff, v7;
	s9 =	smov.u32 s13  }
0x170: {  	[tilespmem:s10+$0x0] =	vst.add.f32.msk $0xffff, v1  }
0x171: {  	s6 =	simm.s32 $0x0;
	s7 =	rddreg [dreg:$0x15];
	[tilespmem:s8+$0x0] =	vst.add.f32.msk $0xffff, v0  }
0x172: {  	[hbm4b:s7+s22] =	stream.strided.scatter [tilespmem:s6], [sflag:$0x4], $0x8000, s23, s22, $0x38;
	[tilespmem:$0x1C000] =	vst v63  }
0x173: {  	_ =	swait.ge [sflag:s4], $0x8000  }
0x174: {  	[sflag:s4] =	ssyncset.done $0x0  }
0x175: {  	s9 =	rddreg [dreg:$0x19];
	[sflag:s4] =	ssyncadd.s32 $0xFFFF8000  }
0x176: {  	[tilespmem:s29], [sflag:$0x3] =	stream.strided.gather [hbm4b:s9+s22], $0x8000, s23, s22, $0x38;
	[tilespmem:$0x1C000] =	vst v63  }
0x177: {  	_ =	swait.ge [sflag:s30], $0x2000  }
0x178: {  	[sflag:s30] =	ssyncset.done $0x0  }
0x179: {  	s10 =	rddreg [dreg:$0x1a];
	[sflag:s30] =	ssyncadd.s32 $0xFFFFE000  }
0x17a: {  	[tilespmem:s21], [sflag:$0x7] =	stream.linear.gather [hbm4b:s10+s6], $0x2000, $0x38;
	[tilespmem:$0x1C000] =	vst v63  }
0x17b: {  	_ =	swait.ge [sflag:s31], $0x8000  }
0x17c: {  	s11 =	sand.u32 $0x1C00, s6;
	s12 =	sand.u32 $0x380, s6;
	[sflag:s31] =	ssyncset.done $0x0  }
0x17d: {  	s7 =	sor.u32 s12, s11;
	[sflag:s31] =	ssyncadd.s32 $0xFFFF8000  }
0x17e: {  	v2 =	vld [tilespmem:s7+$0x1A030]  }
0x17f: {  	v3 =	vld [tilespmem:s7+$0x1A020]  }
0x180: {  	v4 =	vld [tilespmem:s7+$0x1A010]  }
0x181: {  	v5 =	vld [tilespmem:s7+$0x1A000]  }
0x182: {  	v6 =	vld [tilespmem:s7+$0x1A040]  }
0x183: {  	s6 =	sand.u32 $0x6000, s6;
	v7 =	vld [tilespmem:s7+$0x1A050]  }
0x184: {  	s6 =	sor.u32 s6, s7;
	v1 =	vld [tilespmem:s7+$0x1A060]  }
0x185: {  	s13 =	sor.u32 $0x8000, s6;
	v0 =	vld [tilespmem:s7+$0x1A070]  }
0x186: {  	s9 =	sor.u32 $0x8010, s6;
	[tilespmem:s13+$0x0] =	vst.add.f32.msk $0xffff, v5  }
0x187: {  	s10 =	sor.u32 $0x8020, s6;
	[tilespmem:s9+$0x0] =	vst.add.f32.msk $0xffff, v4  }
0x188: {  	s11 =	sor.u32 $0x8030, s6;
	[tilespmem:s10+$0x0] =	vst.add.f32.msk $0xffff, v3  }
0x189: {  	s12 =	sor.u32 $0x8040, s6;
	[tilespmem:s11+$0x0] =	vst.add.f32.msk $0xffff, v2  }
0x18a: {  	s8 =	sor.u32 $0x8070, s6;
	s7 =	simm.s32 $0x80;
	s13 =	sor.u32 $0x8050, s6;
	[tilespmem:s12+$0x0] =	vst.add.f32.msk $0xffff, v6  }
0x18b: {  	s9 =	simm.s32 $0x400;
	s10 =	sor.u32 $0x8060, s6;
	s6 =	simm.s32 $0x10;
	[tilespmem:s13+$0x0] =	vst.add.f32.msk $0xffff, v7  }
.LBB2_16:
0x18c: {  	s11 =	sand.u32 $0x1C00, s9  }
0x18d: {  	s12 =	sand.u32 $0x380, s6;
	[tilespmem:s10+$0x0] =	vst.add.f32.msk $0xffff, v1;
	s10 =	smov.u32 s9;
	s13 =	sadd.s32 $0x400, s9  }
0x18e: {  	p0 =	sne.s32 s9, $0x3FC00;
	s10 =	sor.u32 s12, s11;
	s11 =	sand.u32 $0x6000, s7;
	[tilespmem:s8+$0x0] =	vst.add.f32.msk $0xffff, v0  }
0x18f: {  	v2 =	vld [tilespmem:s10+$0x1A030];
	s8 =	sor.u32 s11, s10  }
0x190: {  	v3 =	vld [tilespmem:s10+$0x1A020]  }
0x191: {  	v4 =	vld [tilespmem:s10+$0x1A010]  }
0x192: {  	v5 =	vld [tilespmem:s10+$0x1A000]  }
0x193: {  	v6 =	vld [tilespmem:s10+$0x1A040]  }
0x194: {  	v7 =	vld [tilespmem:s10+$0x1A050]  }
0x195: {  	s9 =	sor.u32 $0x8000, s8;
	v1 =	vld [tilespmem:s10+$0x1A060]  }
0x196: {  	v0 =	vld [tilespmem:s10+$0x1A070];
	s10 =	sor.u32 $0x8010, s8  }
0x197: {  	[tilespmem:s9+$0x0] =	vst.add.f32.msk $0xffff, v5;
	s9 =	sor.u32 $0x8020, s8  }
.Ltmp7:
0x198: {  	[tilespmem:s10+$0x0] =	vst.add.f32.msk $0xffff, v4;
	s10 =	sor.u32 $0x8030, s8;
	(pc) =	sbr.rel @p0 .LBB2_16-.Ltmp7, $4  }
0x199: {  	[tilespmem:s9+$0x0] =	vst.add.f32.msk $0xffff, v3;
	s9 =	sor.u32 $0x8040, s8  }
0x19a: {  	s11 =	sor.u32 $0x8050, s8;
	[tilespmem:s10+$0x0] =	vst.add.f32.msk $0xffff, v2  }
0x19b: {  	s6 =	sadd.s32 $0x10, s6;
	s10 =	sor.u32 $0x8060, s8;
	[tilespmem:s9+$0x0] =	vst.add.f32.msk $0xffff, v6  }
0x19c: {  	s7 =	sadd.s32 $0x80, s7;
	s8 =	sor.u32 $0x8070, s8;
	s9 =	smov.u32 s13;
	[tilespmem:s11+$0x0] =	vst.add.f32.msk $0xffff, v7  }
0x19d: {  	[tilespmem:s10+$0x0] =	vst.add.f32.msk $0xffff, v1  }
0x19e: {  	s6 =	rddreg [dreg:$0x18];
	[tilespmem:s8+$0x0] =	vst.add.f32.msk $0xffff, v0  }
0x19f: {  	[hbm4b:s6+s22] =	stream.strided.scatter [tilespmem:s24], [sflag:$0x5], $0x8000, s23, s22, $0x38;
	[tilespmem:$0x1C000] =	vst v63  }
0x1a0: {  	_ =	swait.ge [sflag:s0], $0x8000  }
0x1a1: {  	[sflag:s0] =	ssyncset.done $0x0  }
0x1a2: {  	s9 =	simm.s32 $0x0;
	s7 =	rddreg [dreg:$0x1c];
	[sflag:s0] =	ssyncadd.s32 $0xFFFF8000  }
0x1a3: {  	[tilespmem:s9], [sflag:$0x1] =	stream.strided.gather [hbm4b:s7+s22], $0x8000, s23, s22, $0x38;
	[tilespmem:$0x1C000] =	vst v63  }
0x1a4: {  	_ =	swait.ge [sflag:s25], $0x2000  }
0x1a5: {  	[sflag:s25] =	ssyncset.done $0x0  }
0x1a6: {  	s10 =	rddreg [dreg:$0x1d];
	[sflag:s25] =	ssyncadd.s32 $0xFFFFE000  }
0x1a7: {  	[tilespmem:s26], [sflag:$0x8] =	stream.linear.gather [hbm4b:s10+s9], $0x2000, $0x38;
	[tilespmem:$0x1C000] =	vst v63  }
0x1a8: {  	_ =	swait.ge [sflag:s2], $0x8000  }
0x1a9: {  	s11 =	sand.u32 $0x1C00, s9;
	s12 =	sand.u32 $0x380, s9;
	[sflag:s2] =	ssyncset.done $0x0  }
0x1aa: {  	s7 =	sor.u32 s12, s11;
	[sflag:s2] =	ssyncadd.s32 $0xFFFF8000  }
0x1ab: {  	v2 =	vld [tilespmem:s7+$0x18030]  }
0x1ac: {  	v3 =	vld [tilespmem:s7+$0x18020]  }
0x1ad: {  	v4 =	vld [tilespmem:s7+$0x18010]  }
0x1ae: {  	v5 =	vld [tilespmem:s7+$0x18000]  }
0x1af: {  	v6 =	vld [tilespmem:s7+$0x18040]  }
0x1b0: {  	s6 =	sand.u32 $0x6000, s9;
	v7 =	vld [tilespmem:s7+$0x18050]  }
0x1b1: {  	s6 =	sor.u32 s6, s7;
	v1 =	vld [tilespmem:s7+$0x18060]  }
0x1b2: {  	s13 =	sor.u32 $0x10000, s6;
	v0 =	vld [tilespmem:s7+$0x18070]  }
0x1b3: {  	s9 =	sor.u32 $0x10010, s6;
	[tilespmem:s13+$0x0] =	vst.add.f32.msk $0xffff, v5  }
0x1b4: {  	s10 =	sor.u32 $0x10020, s6;
	[tilespmem:s9+$0x0] =	vst.add.f32.msk $0xffff, v4  }
0x1b5: {  	s11 =	sor.u32 $0x10030, s6;
	[tilespmem:s10+$0x0] =	vst.add.f32.msk $0xffff, v3  }
0x1b6: {  	s12 =	sor.u32 $0x10040, s6;
	[tilespmem:s11+$0x0] =	vst.add.f32.msk $0xffff, v2  }
0x1b7: {  	s8 =	sor.u32 $0x10070, s6;
	s7 =	simm.s32 $0x80;
	s13 =	sor.u32 $0x10050, s6;
	[tilespmem:s12+$0x0] =	vst.add.f32.msk $0xffff, v6  }
0x1b8: {  	s9 =	simm.s32 $0x400;
	s10 =	sor.u32 $0x10060, s6;
	s6 =	simm.s32 $0x10;
	[tilespmem:s13+$0x0] =	vst.add.f32.msk $0xffff, v7  }
.LBB2_18:
0x1b9: {  	s11 =	sand.u32 $0x1C00, s9  }
0x1ba: {  	s12 =	sand.u32 $0x380, s6;
	[tilespmem:s10+$0x0] =	vst.add.f32.msk $0xffff, v1;
	s10 =	smov.u32 s9;
	s13 =	sadd.s32 $0x400, s9  }
0x1bb: {  	p0 =	sne.s32 s9, $0x3FC00;
	s10 =	sor.u32 s12, s11;
	s11 =	sand.u32 $0x6000, s7;
	[tilespmem:s8+$0x0] =	vst.add.f32.msk $0xffff, v0  }
0x1bc: {  	v2 =	vld [tilespmem:s10+$0x18030];
	s8 =	sor.u32 s11, s10  }
0x1bd: {  	v3 =	vld [tilespmem:s10+$0x18020]  }
0x1be: {  	v4 =	vld [tilespmem:s10+$0x18010]  }
0x1bf: {  	v5 =	vld [tilespmem:s10+$0x18000]  }
0x1c0: {  	v6 =	vld [tilespmem:s10+$0x18040]  }
0x1c1: {  	v7 =	vld [tilespmem:s10+$0x18050]  }
0x1c2: {  	s9 =	sor.u32 $0x10000, s8;
	v1 =	vld [tilespmem:s10+$0x18060]  }
0x1c3: {  	v0 =	vld [tilespmem:s10+$0x18070];
	s10 =	sor.u32 $0x10010, s8  }
0x1c4: {  	[tilespmem:s9+$0x0] =	vst.add.f32.msk $0xffff, v5;
	s9 =	sor.u32 $0x10020, s8  }
.Ltmp8:
0x1c5: {  	[tilespmem:s10+$0x0] =	vst.add.f32.msk $0xffff, v4;
	s10 =	sor.u32 $0x10030, s8;
	(pc) =	sbr.rel @p0 .LBB2_18-.Ltmp8, $4  }
0x1c6: {  	[tilespmem:s9+$0x0] =	vst.add.f32.msk $0xffff, v3;
	s9 =	sor.u32 $0x10040, s8  }
0x1c7: {  	s11 =	sor.u32 $0x10050, s8;
	[tilespmem:s10+$0x0] =	vst.add.f32.msk $0xffff, v2  }
0x1c8: {  	s6 =	sadd.s32 $0x10, s6;
	s10 =	sor.u32 $0x10060, s8;
	[tilespmem:s9+$0x0] =	vst.add.f32.msk $0xffff, v6  }
0x1c9: {  	s7 =	sadd.s32 $0x80, s7;
	s8 =	sor.u32 $0x10070, s8;
	s9 =	smov.u32 s13;
	[tilespmem:s11+$0x0] =	vst.add.f32.msk $0xffff, v7  }
0x1ca: {  	[tilespmem:s10+$0x0] =	vst.add.f32.msk $0xffff, v1  }
0x1cb: {  	s6 =	rddreg [dreg:$0x1b];
	[tilespmem:s8+$0x0] =	vst.add.f32.msk $0xffff, v0  }
0x1cc: {  	[hbm4b:s6+s22] =	stream.strided.scatter [tilespmem:s29], [sflag:$0x6], $0x8000, s23, s22, $0x38;
	[tilespmem:$0x1C000] =	vst v63  }
0x1cd: {  	_ =	swait.ge [sflag:s3], $0x8000  }
0x1ce: {  	[sflag:s3] =	ssyncset.done $0x0  }
0x1cf: {  	s10 =	rddreg [dreg:$0x1f];
	[sflag:s3] =	ssyncadd.s32 $0xFFFF8000  }
0x1d0: {  	[tilespmem:s24], [sflag:$0x2] =	stream.strided.gather [hbm4b:s10+s22], $0x8000, s23, s22, $0x38;
	[tilespmem:$0x1C000] =	vst v63  }
0x1d1: {  	_ =	swait.ge [sflag:s30], $0x2000  }
0x1d2: {  	s7 =	sld [smem:$0x7F0]  }
0x1d3: {  	[sflag:s30] =	ssyncset.done $0x0  }
0x1d4: {  	s11 =	simm.s32 $0x0;
	[sflag:s30] =	ssyncadd.s32 $0xFFFFE000  }
0x1d5: {  	[tilespmem:s21], [sflag:$0x7] =	stream.linear.gather [hbm4b:s7+s11], $0x2000, $0x38;
	[tilespmem:$0x1C000] =	vst v63  }
0x1d6: {  	_ =	swait.ge [sflag:s28], $0x8000  }
0x1d7: {  	s12 =	sand.u32 $0x1C00, s11;
	s13 =	sand.u32 $0x380, s11;
	[sflag:s28] =	ssyncset.done $0x0  }
0x1d8: {  	s7 =	sor.u32 s13, s12;
	[sflag:s28] =	ssyncadd.s32 $0xFFFF8000  }
0x1d9: {  	v2 =	vld [tilespmem:s7+$0x1A030]  }
0x1da: {  	v3 =	vld [tilespmem:s7+$0x1A020]  }
0x1db: {  	v4 =	vld [tilespmem:s7+$0x1A010]  }
0x1dc: {  	v5 =	vld [tilespmem:s7+$0x1A000]  }
0x1dd: {  	v6 =	vld [tilespmem:s7+$0x1A040]  }
0x1de: {  	v7 =	vld [tilespmem:s7+$0x1A050]  }
0x1df: {  	s6 =	sand.u32 $0x6000, s11;
	v1 =	vld [tilespmem:s7+$0x1A060]  }
0x1e0: {  	s6 =	sor.u32 s6, s7;
	v0 =	vld [tilespmem:s7+$0x1A070]  }
0x1e1: {  	s9 =	sor.u32 $0x10, s6;
	[tilespmem:s6+$0x0] =	vst.add.f32.msk $0xffff, v5  }
0x1e2: {  	s10 =	sor.u32 $0x20, s6;
	[tilespmem:s9+$0x0] =	vst.add.f32.msk $0xffff, v4  }
0x1e3: {  	s11 =	sor.u32 $0x30, s6;
	[tilespmem:s10+$0x0] =	vst.add.f32.msk $0xffff, v3  }
0x1e4: {  	s12 =	sor.u32 $0x40, s6;
	[tilespmem:s11+$0x0] =	vst.add.f32.msk $0xffff, v2  }
0x1e5: {  	s13 =	sor.u32 $0x50, s6;
	s8 =	sor.u32 $0x70, s6;
	s7 =	simm.s32 $0x80;
	[tilespmem:s12+$0x0] =	vst.add.f32.msk $0xffff, v6  }
0x1e6: {  	s9 =	simm.s32 $0x400;
	s10 =	sor.u32 $0x60, s6;
	s6 =	simm.s32 $0x10;
	[tilespmem:s13+$0x0] =	vst.add.f32.msk $0xffff, v7  }
.LBB2_20:
0x1e7: {  	s11 =	sand.u32 $0x1C00, s9  }
0x1e8: {  	s12 =	sand.u32 $0x380, s6;
	[tilespmem:s10+$0x0] =	vst.add.f32.msk $0xffff, v1;
	s10 =	smov.u32 s9;
	s13 =	sadd.s32 $0x400, s9  }
0x1e9: {  	p0 =	sne.s32 s9, $0x3FC00;
	s10 =	sor.u32 s12, s11;
	[tilespmem:s8+$0x0] =	vst.add.f32.msk $0xffff, v0  }
0x1ea: {  	v2 =	vld [tilespmem:s10+$0x1A030]  }
0x1eb: {  	v3 =	vld [tilespmem:s10+$0x1A020]  }
0x1ec: {  	v4 =	vld [tilespmem:s10+$0x1A010]  }
0x1ed: {  	v5 =	vld [tilespmem:s10+$0x1A000]  }
0x1ee: {  	v6 =	vld [tilespmem:s10+$0x1A040]  }
0x1ef: {  	s8 =	sand.u32 $0x6000, s7;
	v7 =	vld [tilespmem:s10+$0x1A050]  }
0x1f0: {  	s8 =	sor.u32 s8, s10;
	v1 =	vld [tilespmem:s10+$0x1A060]  }
0x1f1: {  	s9 =	sor.u32 $0x10, s8;
	v0 =	vld [tilespmem:s10+$0x1A070]  }
0x1f2: {  	s10 =	sor.u32 $0x20, s8;
	[tilespmem:s8+$0x0] =	vst.add.f32.msk $0xffff, v5  }
.Ltmp9:
0x1f3: {  	[tilespmem:s9+$0x0] =	vst.add.f32.msk $0xffff, v4;
	s9 =	sor.u32 $0x30, s8;
	(pc) =	sbr.rel @p0 .LBB2_20-.Ltmp9, $4  }
0x1f4: {  	[tilespmem:s10+$0x0] =	vst.add.f32.msk $0xffff, v3;
	s10 =	sor.u32 $0x40, s8  }
0x1f5: {  	[tilespmem:s9+$0x0] =	vst.add.f32.msk $0xffff, v2;
	s9 =	sor.u32 $0x50, s8  }
0x1f6: {  	s6 =	sadd.s32 $0x10, s6;
	[tilespmem:s10+$0x0] =	vst.add.f32.msk $0xffff, v6;
	s10 =	sor.u32 $0x60, s8  }
0x1f7: {  	s7 =	sadd.s32 $0x80, s7;
	s8 =	sor.u32 $0x70, s8;
	[tilespmem:s9+$0x0] =	vst.add.f32.msk $0xffff, v7;
	s9 =	smov.u32 s13  }
0x1f8: {  	[tilespmem:s10+$0x0] =	vst.add.f32.msk $0xffff, v1  }
0x1f9: {  	s6 =	simm.s32 $0x0;
	s7 =	rddreg [dreg:$0x1e];
	[tilespmem:s8+$0x0] =	vst.add.f32.msk $0xffff, v0  }
0x1fa: {  	[hbm4b:s7+s22] =	stream.strided.scatter [tilespmem:s6], [sflag:$0x4], $0x8000, s23, s22, $0x38;
	[tilespmem:$0x1C000] =	vst v63  }
0x1fb: {  	_ =	swait.ge [sflag:s4], $0x8000  }
0x1fc: {  	s9 =	sld [smem:$0x7F2]  }
0x1fd: {  	[sflag:s4] =	ssyncset.done $0x0  }
0x1fe: {  	[sflag:s4] =	ssyncadd.s32 $0xFFFF8000  }
0x1ff: {  	[tilespmem:s29], [sflag:$0x3] =	stream.strided.gather [hbm4b:s9+s22], $0x8000, s23, s22, $0x38;
	[tilespmem:$0x1C000] =	vst v63  }
0x200: {  	_ =	swait.ge [sflag:s25], $0x2000  }
0x201: {  	s10 =	sld [smem:$0x7F3]  }
0x202: {  	[sflag:s25] =	ssyncset.done $0x0  }
0x203: {  	[sflag:s25] =	ssyncadd.s32 $0xFFFFE000  }
0x204: {  	[tilespmem:s26], [sflag:$0x8] =	stream.linear.gather [hbm4b:s10+s6], $0x2000, $0x38;
	[tilespmem:$0x1C000] =	vst v63  }
0x205: {  	_ =	swait.ge [sflag:s31], $0x8000  }
0x206: {  	s11 =	sand.u32 $0x1C00, s6;
	s12 =	sand.u32 $0x380, s6;
	[sflag:s31] =	ssyncset.done $0x0  }
0x207: {  	s7 =	sor.u32 s12, s11;
	[sflag:s31] =	ssyncadd.s32 $0xFFFF8000  }
0x208: {  	v2 =	vld [tilespmem:s7+$0x18030]  }
0x209: {  	v3 =	vld [tilespmem:s7+$0x18020]  }
0x20a: {  	v4 =	vld [tilespmem:s7+$0x18010]  }
0x20b: {  	v5 =	vld [tilespmem:s7+$0x18000]  }
0x20c: {  	v6 =	vld [tilespmem:s7+$0x18040]  }
0x20d: {  	s6 =	sand.u32 $0x6000, s6;
	v7 =	vld [tilespmem:s7+$0x18050]  }
0x20e: {  	s6 =	sor.u32 s6, s7;
	v1 =	vld [tilespmem:s7+$0x18060]  }
0x20f: {  	s13 =	sor.u32 $0x8000, s6;
	v0 =	vld [tilespmem:s7+$0x18070]  }
0x210: {  	s9 =	sor.u32 $0x8010, s6;
	[tilespmem:s13+$0x0] =	vst.add.f32.msk $0xffff, v5  }
0x211: {  	s10 =	sor.u32 $0x8020, s6;
	[tilespmem:s9+$0x0] =	vst.add.f32.msk $0xffff, v4  }
0x212: {  	s11 =	sor.u32 $0x8030, s6;
	[tilespmem:s10+$0x0] =	vst.add.f32.msk $0xffff, v3  }
0x213: {  	s12 =	sor.u32 $0x8040, s6;
	[tilespmem:s11+$0x0] =	vst.add.f32.msk $0xffff, v2  }
0x214: {  	s8 =	sor.u32 $0x8070, s6;
	s7 =	simm.s32 $0x80;
	s13 =	sor.u32 $0x8050, s6;
	[tilespmem:s12+$0x0] =	vst.add.f32.msk $0xffff, v6  }
0x215: {  	s9 =	simm.s32 $0x400;
	s10 =	sor.u32 $0x8060, s6;
	s6 =	simm.s32 $0x10;
	[tilespmem:s13+$0x0] =	vst.add.f32.msk $0xffff, v7  }
.LBB2_22:
0x216: {  	s11 =	sand.u32 $0x1C00, s9  }
0x217: {  	s12 =	sand.u32 $0x380, s6;
	[tilespmem:s10+$0x0] =	vst.add.f32.msk $0xffff, v1;
	s10 =	smov.u32 s9;
	s13 =	sadd.s32 $0x400, s9  }
0x218: {  	p0 =	sne.s32 s9, $0x3FC00;
	s10 =	sor.u32 s12, s11;
	s11 =	sand.u32 $0x6000, s7;
	[tilespmem:s8+$0x0] =	vst.add.f32.msk $0xffff, v0  }
0x219: {  	v2 =	vld [tilespmem:s10+$0x18030];
	s8 =	sor.u32 s11, s10  }
0x21a: {  	v3 =	vld [tilespmem:s10+$0x18020]  }
0x21b: {  	v4 =	vld [tilespmem:s10+$0x18010]  }
0x21c: {  	v5 =	vld [tilespmem:s10+$0x18000]  }
0x21d: {  	v6 =	vld [tilespmem:s10+$0x18040]  }
0x21e: {  	v7 =	vld [tilespmem:s10+$0x18050]  }
0x21f: {  	s9 =	sor.u32 $0x8000, s8;
	v1 =	vld [tilespmem:s10+$0x18060]  }
0x220: {  	v0 =	vld [tilespmem:s10+$0x18070];
	s10 =	sor.u32 $0x8010, s8  }
0x221: {  	[tilespmem:s9+$0x0] =	vst.add.f32.msk $0xffff, v5;
	s9 =	sor.u32 $0x8020, s8  }
.Ltmp10:
0x222: {  	[tilespmem:s10+$0x0] =	vst.add.f32.msk $0xffff, v4;
	s10 =	sor.u32 $0x8030, s8;
	(pc) =	sbr.rel @p0 .LBB2_22-.Ltmp10, $4  }
0x223: {  	[tilespmem:s9+$0x0] =	vst.add.f32.msk $0xffff, v3;
	s9 =	sor.u32 $0x8040, s8  }
0x224: {  	s11 =	sor.u32 $0x8050, s8;
	[tilespmem:s10+$0x0] =	vst.add.f32.msk $0xffff, v2  }
0x225: {  	s6 =	sadd.s32 $0x10, s6;
	s10 =	sor.u32 $0x8060, s8;
	[tilespmem:s9+$0x0] =	vst.add.f32.msk $0xffff, v6  }
0x226: {  	s7 =	sadd.s32 $0x80, s7;
	s8 =	sor.u32 $0x8070, s8;
	s9 =	smov.u32 s13;
	[tilespmem:s11+$0x0] =	vst.add.f32.msk $0xffff, v7  }
0x227: {  	s6 =	sld [smem:$0x7F1]  }
0x228: {  	[tilespmem:s10+$0x0] =	vst.add.f32.msk $0xffff, v1  }
0x229: {  	[tilespmem:s8+$0x0] =	vst.add.f32.msk $0xffff, v0  }
0x22a: {  	[hbm4b:s6+s22] =	stream.strided.scatter [tilespmem:s24], [sflag:$0x5], $0x8000, s23, s22, $0x38;
	[tilespmem:$0x1C000] =	vst v63  }
0x22b: {  	_ =	swait.ge [sflag:s0], $0x8000  }
0x22c: {  	s7 =	sld [smem:$0x7F5]  }
0x22d: {  	[sflag:s0] =	ssyncset.done $0x0  }
0x22e: {  	s9 =	simm.s32 $0x0;
	[sflag:s0] =	ssyncadd.s32 $0xFFFF8000  }
0x22f: {  	[tilespmem:s9], [sflag:$0x1] =	stream.strided.gather [hbm4b:s7+s22], $0x8000, s23, s22, $0x38;
	[tilespmem:$0x1C000] =	vst v63  }
0x230: {  	_ =	swait.ge [sflag:s30], $0x2000  }
0x231: {  	s10 =	sld [smem:$0x7F6]  }
0x232: {  	[sflag:s30] =	ssyncset.done $0x0  }
0x233: {  	[sflag:s30] =	ssyncadd.s32 $0xFFFFE000  }
0x234: {  	[tilespmem:s21], [sflag:$0x7] =	stream.linear.gather [hbm4b:s10+s9], $0x2000, $0x38;
	[tilespmem:$0x1C000] =	vst v63  }
0x235: {  	_ =	swait.ge [sflag:s2], $0x8000  }
0x236: {  	s11 =	sand.u32 $0x1C00, s9;
	s12 =	sand.u32 $0x380, s9;
	[sflag:s2] =	ssyncset.done $0x0  }
0x237: {  	s7 =	sor.u32 s12, s11;
	[sflag:s2] =	ssyncadd.s32 $0xFFFF8000  }
0x238: {  	v2 =	vld [tilespmem:s7+$0x1A030]  }
0x239: {  	v3 =	vld [tilespmem:s7+$0x1A020]  }
0x23a: {  	v4 =	vld [tilespmem:s7+$0x1A010]  }
0x23b: {  	v5 =	vld [tilespmem:s7+$0x1A000]  }
0x23c: {  	v6 =	vld [tilespmem:s7+$0x1A040]  }
0x23d: {  	s6 =	sand.u32 $0x6000, s9;
	v7 =	vld [tilespmem:s7+$0x1A050]  }
0x23e: {  	s6 =	sor.u32 s6, s7;
	v1 =	vld [tilespmem:s7+$0x1A060]  }
0x23f: {  	s13 =	sor.u32 $0x10000, s6;
	v0 =	vld [tilespmem:s7+$0x1A070]  }
0x240: {  	s9 =	sor.u32 $0x10010, s6;
	[tilespmem:s13+$0x0] =	vst.add.f32.msk $0xffff, v5  }
0x241: {  	s10 =	sor.u32 $0x10020, s6;
	[tilespmem:s9+$0x0] =	vst.add.f32.msk $0xffff, v4  }
0x242: {  	s11 =	sor.u32 $0x10030, s6;
	[tilespmem:s10+$0x0] =	vst.add.f32.msk $0xffff, v3  }
0x243: {  	s12 =	sor.u32 $0x10040, s6;
	[tilespmem:s11+$0x0] =	vst.add.f32.msk $0xffff, v2  }
0x244: {  	s8 =	sor.u32 $0x10070, s6;
	s7 =	simm.s32 $0x80;
	s13 =	sor.u32 $0x10050, s6;
	[tilespmem:s12+$0x0] =	vst.add.f32.msk $0xffff, v6  }
0x245: {  	s9 =	simm.s32 $0x400;
	s10 =	sor.u32 $0x10060, s6;
	s6 =	simm.s32 $0x10;
	[tilespmem:s13+$0x0] =	vst.add.f32.msk $0xffff, v7  }
.LBB2_24:
0x246: {  	s11 =	sand.u32 $0x1C00, s9  }
0x247: {  	s12 =	sand.u32 $0x380, s6;
	[tilespmem:s10+$0x0] =	vst.add.f32.msk $0xffff, v1;
	s10 =	smov.u32 s9;
	s13 =	sadd.s32 $0x400, s9  }
0x248: {  	p0 =	sne.s32 s9, $0x3FC00;
	s10 =	sor.u32 s12, s11;
	s11 =	sand.u32 $0x6000, s7;
	[tilespmem:s8+$0x0] =	vst.add.f32.msk $0xffff, v0  }
0x249: {  	v2 =	vld [tilespmem:s10+$0x1A030];
	s8 =	sor.u32 s11, s10  }
0x24a: {  	v3 =	vld [tilespmem:s10+$0x1A020]  }
0x24b: {  	v4 =	vld [tilespmem:s10+$0x1A010]  }
0x24c: {  	v5 =	vld [tilespmem:s10+$0x1A000]  }
0x24d: {  	v6 =	vld [tilespmem:s10+$0x1A040]  }
0x24e: {  	v7 =	vld [tilespmem:s10+$0x1A050]  }
0x24f: {  	s9 =	sor.u32 $0x10000, s8;
	v1 =	vld [tilespmem:s10+$0x1A060]  }
0x250: {  	v0 =	vld [tilespmem:s10+$0x1A070];
	s10 =	sor.u32 $0x10010, s8  }
0x251: {  	[tilespmem:s9+$0x0] =	vst.add.f32.msk $0xffff, v5;
	s9 =	sor.u32 $0x10020, s8  }
.Ltmp11:
0x252: {  	[tilespmem:s10+$0x0] =	vst.add.f32.msk $0xffff, v4;
	s10 =	sor.u32 $0x10030, s8;
	(pc) =	sbr.rel @p0 .LBB2_24-.Ltmp11, $4  }
0x253: {  	[tilespmem:s9+$0x0] =	vst.add.f32.msk $0xffff, v3;
	s9 =	sor.u32 $0x10040, s8  }
0x254: {  	s11 =	sor.u32 $0x10050, s8;
	[tilespmem:s10+$0x0] =	vst.add.f32.msk $0xffff, v2  }
0x255: {  	s6 =	sadd.s32 $0x10, s6;
	s10 =	sor.u32 $0x10060, s8;
	[tilespmem:s9+$0x0] =	vst.add.f32.msk $0xffff, v6  }
0x256: {  	s7 =	sadd.s32 $0x80, s7;
	s8 =	sor.u32 $0x10070, s8;
	s9 =	smov.u32 s13;
	[tilespmem:s11+$0x0] =	vst.add.f32.msk $0xffff, v7  }
0x257: {  	s6 =	sld [smem:$0x7F4]  }
0x258: {  	[tilespmem:s10+$0x0] =	vst.add.f32.msk $0xffff, v1  }
0x259: {  	[tilespmem:s8+$0x0] =	vst.add.f32.msk $0xffff, v0  }
0x25a: {  	[hbm4b:s6+s22] =	stream.strided.scatter [tilespmem:s29], [sflag:$0x6], $0x8000, s23, s22, $0x38;
	[tilespmem:$0x1C000] =	vst v63  }
0x25b: {  	_ =	swait.ge [sflag:s3], $0x8000  }
0x25c: {  	s10 =	sld [smem:$0x7F8]  }
0x25d: {  	[sflag:s3] =	ssyncset.done $0x0  }
0x25e: {  	[sflag:s3] =	ssyncadd.s32 $0xFFFF8000  }
0x25f: {  	[tilespmem:s24], [sflag:$0x2] =	stream.strided.gather [hbm4b:s10+s22], $0x8000, s23, s22, $0x38;
	[tilespmem:$0x1C000] =	vst v63  }
0x260: {  	_ =	swait.ge [sflag:s25], $0x2000  }
0x261: {  	s7 =	sld [smem:$0x7F9]  }
0x262: {  	[sflag:s25] =	ssyncset.done $0x0  }
0x263: {  	s11 =	simm.s32 $0x0;
	[sflag:s25] =	ssyncadd.s32 $0xFFFFE000  }
0x264: {  	[tilespmem:s26], [sflag:$0x8] =	stream.linear.gather [hbm4b:s7+s11], $0x2000, $0x38;
	[tilespmem:$0x1C000] =	vst v63  }
0x265: {  	_ =	swait.ge [sflag:s28], $0x8000  }
0x266: {  	s12 =	sand.u32 $0x1C00, s11;
	s13 =	sand.u32 $0x380, s11;
	[sflag:s28] =	ssyncset.done $0x0  }
0x267: {  	s7 =	sor.u32 s13, s12;
	[sflag:s28] =	ssyncadd.s32 $0xFFFF8000  }
0x268: {  	v2 =	vld [tilespmem:s7+$0x18030]  }
0x269: {  	v3 =	vld [tilespmem:s7+$0x18020]  }
0x26a: {  	v4 =	vld [tilespmem:s7+$0x18010]  }
0x26b: {  	v5 =	vld [tilespmem:s7+$0x18000]  }
0x26c: {  	v6 =	vld [tilespmem:s7+$0x18040]  }
0x26d: {  	v7 =	vld [tilespmem:s7+$0x18050]  }
0x26e: {  	s6 =	sand.u32 $0x6000, s11;
	v1 =	vld [tilespmem:s7+$0x18060]  }
0x26f: {  	s6 =	sor.u32 s6, s7;
	v0 =	vld [tilespmem:s7+$0x18070]  }
0x270: {  	s9 =	sor.u32 $0x10, s6;
	[tilespmem:s6+$0x0] =	vst.add.f32.msk $0xffff, v5  }
0x271: {  	s10 =	sor.u32 $0x20, s6;
	[tilespmem:s9+$0x0] =	vst.add.f32.msk $0xffff, v4  }
0x272: {  	s11 =	sor.u32 $0x30, s6;
	[tilespmem:s10+$0x0] =	vst.add.f32.msk $0xffff, v3  }
0x273: {  	s12 =	sor.u32 $0x40, s6;
	[tilespmem:s11+$0x0] =	vst.add.f32.msk $0xffff, v2  }
0x274: {  	s13 =	sor.u32 $0x50, s6;
	s8 =	sor.u32 $0x70, s6;
	s7 =	simm.s32 $0x80;
	[tilespmem:s12+$0x0] =	vst.add.f32.msk $0xffff, v6  }
0x275: {  	s9 =	simm.s32 $0x400;
	s10 =	sor.u32 $0x60, s6;
	s6 =	simm.s32 $0x10;
	[tilespmem:s13+$0x0] =	vst.add.f32.msk $0xffff, v7  }
.LBB2_26:
0x276: {  	s11 =	sand.u32 $0x1C00, s9  }
0x277: {  	s12 =	sand.u32 $0x380, s6;
	[tilespmem:s10+$0x0] =	vst.add.f32.msk $0xffff, v1;
	s10 =	smov.u32 s9;
	s13 =	sadd.s32 $0x400, s9  }
0x278: {  	p0 =	sne.s32 s9, $0x3FC00;
	s10 =	sor.u32 s12, s11;
	[tilespmem:s8+$0x0] =	vst.add.f32.msk $0xffff, v0  }
0x279: {  	v2 =	vld [tilespmem:s10+$0x18030]  }
0x27a: {  	v3 =	vld [tilespmem:s10+$0x18020]  }
0x27b: {  	v4 =	vld [tilespmem:s10+$0x18010]  }
0x27c: {  	v5 =	vld [tilespmem:s10+$0x18000]  }
0x27d: {  	v6 =	vld [tilespmem:s10+$0x18040]  }
0x27e: {  	s8 =	sand.u32 $0x6000, s7;
	v7 =	vld [tilespmem:s10+$0x18050]  }
0x27f: {  	s8 =	sor.u32 s8, s10;
	v1 =	vld [tilespmem:s10+$0x18060]  }
0x280: {  	s9 =	sor.u32 $0x10, s8;
	v0 =	vld [tilespmem:s10+$0x18070]  }
0x281: {  	s10 =	sor.u32 $0x20, s8;
	[tilespmem:s8+$0x0] =	vst.add.f32.msk $0xffff, v5  }
.Ltmp12:
0x282: {  	[tilespmem:s9+$0x0] =	vst.add.f32.msk $0xffff, v4;
	s9 =	sor.u32 $0x30, s8;
	(pc) =	sbr.rel @p0 .LBB2_26-.Ltmp12, $4  }
0x283: {  	[tilespmem:s10+$0x0] =	vst.add.f32.msk $0xffff, v3;
	s10 =	sor.u32 $0x40, s8  }
0x284: {  	[tilespmem:s9+$0x0] =	vst.add.f32.msk $0xffff, v2;
	s9 =	sor.u32 $0x50, s8  }
0x285: {  	s6 =	sadd.s32 $0x10, s6;
	[tilespmem:s10+$0x0] =	vst.add.f32.msk $0xffff, v6;
	s10 =	sor.u32 $0x60, s8  }
0x286: {  	s7 =	sadd.s32 $0x80, s7;
	s8 =	sor.u32 $0x70, s8;
	[tilespmem:s9+$0x0] =	vst.add.f32.msk $0xffff, v7;
	s9 =	smov.u32 s13  }
0x287: {  	s7 =	sld [smem:$0x7F7]  }
0x288: {  	[tilespmem:s10+$0x0] =	vst.add.f32.msk $0xffff, v1  }
0x289: {  	s6 =	simm.s32 $0x0;
	[tilespmem:s8+$0x0] =	vst.add.f32.msk $0xffff, v0  }
0x28a: {  	[hbm4b:s7+s22] =	stream.strided.scatter [tilespmem:s6], [sflag:$0x4], $0x8000, s23, s22, $0x38;
	[tilespmem:$0x1C000] =	vst v63  }
0x28b: {  	_ =	swait.ge [sflag:s4], $0x8000  }
0x28c: {  	[sflag:s4] =	ssyncset.done $0x0  }
0x28d: {  	[sflag:s4] =	ssyncadd.s32 $0xFFFF8000  }
0x28e: {  	[tilespmem:s29], [sflag:$0x3] =	stream.strided.gather [hbm4b:s14+s22], $0x8000, s23, s22, $0x38;
	[tilespmem:$0x1C000] =	vst v63  }
0x28f: {  	_ =	swait.ge [sflag:s30], $0x2000  }
0x290: {  	[sflag:s30] =	ssyncset.done $0x0  }
0x291: {  	[sflag:s30] =	ssyncadd.s32 $0xFFFFE000  }
0x292: {  	[tilespmem:s21], [sflag:$0x7] =	stream.linear.gather [hbm4b:s16+s6], $0x2000, $0x38;
	[tilespmem:$0x1C000] =	vst v63  }
0x293: {  	_ =	swait.ge [sflag:s31], $0x8000  }
0x294: {  	s11 =	sand.u32 $0x1C00, s6;
	s12 =	sand.u32 $0x380, s6;
	[sflag:s31] =	ssyncset.done $0x0  }
0x295: {  	s7 =	sor.u32 s12, s11;
	[sflag:s31] =	ssyncadd.s32 $0xFFFF8000  }
0x296: {  	v2 =	vld [tilespmem:s7+$0x1A030]  }
0x297: {  	v3 =	vld [tilespmem:s7+$0x1A020]  }
0x298: {  	v4 =	vld [tilespmem:s7+$0x1A010]  }
0x299: {  	v5 =	vld [tilespmem:s7+$0x1A000]  }
0x29a: {  	v6 =	vld [tilespmem:s7+$0x1A040]  }
0x29b: {  	s6 =	sand.u32 $0x6000, s6;
	v7 =	vld [tilespmem:s7+$0x1A050]  }
0x29c: {  	s6 =	sor.u32 s6, s7;
	v1 =	vld [tilespmem:s7+$0x1A060]  }
0x29d: {  	s13 =	sor.u32 $0x8000, s6;
	v0 =	vld [tilespmem:s7+$0x1A070]  }
0x29e: {  	s9 =	sor.u32 $0x8010, s6;
	[tilespmem:s13+$0x0] =	vst.add.f32.msk $0xffff, v5  }
0x29f: {  	s10 =	sor.u32 $0x8020, s6;
	[tilespmem:s9+$0x0] =	vst.add.f32.msk $0xffff, v4  }
0x2a0: {  	s11 =	sor.u32 $0x8030, s6;
	[tilespmem:s10+$0x0] =	vst.add.f32.msk $0xffff, v3  }
0x2a1: {  	s12 =	sor.u32 $0x8040, s6;
	[tilespmem:s11+$0x0] =	vst.add.f32.msk $0xffff, v2  }
0x2a2: {  	s8 =	sor.u32 $0x8070, s6;
	s7 =	simm.s32 $0x80;
	s13 =	sor.u32 $0x8050, s6;
	[tilespmem:s12+$0x0] =	vst.add.f32.msk $0xffff, v6  }
0x2a3: {  	s9 =	simm.s32 $0x400;
	s10 =	sor.u32 $0x8060, s6;
	s6 =	simm.s32 $0x10;
	[tilespmem:s13+$0x0] =	vst.add.f32.msk $0xffff, v7  }
.LBB2_28:
0x2a4: {  	s11 =	sand.u32 $0x1C00, s9  }
0x2a5: {  	s12 =	sand.u32 $0x380, s6;
	[tilespmem:s10+$0x0] =	vst.add.f32.msk $0xffff, v1;
	s10 =	smov.u32 s9;
	s13 =	sadd.s32 $0x400, s9  }
0x2a6: {  	p0 =	sne.s32 s9, $0x3FC00;
	s10 =	sor.u32 s12, s11;
	s11 =	sand.u32 $0x6000, s7;
	[tilespmem:s8+$0x0] =	vst.add.f32.msk $0xffff, v0  }
0x2a7: {  	v2 =	vld [tilespmem:s10+$0x1A030];
	s8 =	sor.u32 s11, s10  }
0x2a8: {  	v3 =	vld [tilespmem:s10+$0x1A020]  }
0x2a9: {  	v4 =	vld [tilespmem:s10+$0x1A010]  }
0x2aa: {  	v5 =	vld [tilespmem:s10+$0x1A000]  }
0x2ab: {  	v6 =	vld [tilespmem:s10+$0x1A040]  }
0x2ac: {  	v7 =	vld [tilespmem:s10+$0x1A050]  }
0x2ad: {  	s9 =	sor.u32 $0x8000, s8;
	v1 =	vld [tilespmem:s10+$0x1A060]  }
0x2ae: {  	v0 =	vld [tilespmem:s10+$0x1A070];
	s10 =	sor.u32 $0x8010, s8  }
0x2af: {  	[tilespmem:s9+$0x0] =	vst.add.f32.msk $0xffff, v5;
	s9 =	sor.u32 $0x8020, s8  }
.Ltmp13:
0x2b0: {  	[tilespmem:s10+$0x0] =	vst.add.f32.msk $0xffff, v4;
	s10 =	sor.u32 $0x8030, s8;
	(pc) =	sbr.rel @p0 .LBB2_28-.Ltmp13, $4  }
0x2b1: {  	[tilespmem:s9+$0x0] =	vst.add.f32.msk $0xffff, v3;
	s9 =	sor.u32 $0x8040, s8  }
0x2b2: {  	s11 =	sor.u32 $0x8050, s8;
	[tilespmem:s10+$0x0] =	vst.add.f32.msk $0xffff, v2  }
0x2b3: {  	s6 =	sadd.s32 $0x10, s6;
	s10 =	sor.u32 $0x8060, s8;
	[tilespmem:s9+$0x0] =	vst.add.f32.msk $0xffff, v6  }
0x2b4: {  	s7 =	sadd.s32 $0x80, s7;
	s8 =	sor.u32 $0x8070, s8;
	s9 =	smov.u32 s13;
	[tilespmem:s11+$0x0] =	vst.add.f32.msk $0xffff, v7  }
0x2b5: {  	s6 =	sld [smem:$0x7FA]  }
0x2b6: {  	[tilespmem:s10+$0x0] =	vst.add.f32.msk $0xffff, v1  }
0x2b7: {  	[tilespmem:s8+$0x0] =	vst.add.f32.msk $0xffff, v0  }
0x2b8: {  	[hbm4b:s6+s22] =	stream.strided.scatter [tilespmem:s24], [sflag:$0x5], $0x8000, s23, s22, $0x38;
	[tilespmem:$0x1C000] =	vst v63  }
0x2b9: {  	_ =	swait.ge [sflag:s0], $0x8000  }
0x2ba: {  	[sflag:s0] =	ssyncset.done $0x0  }
0x2bb: {  	s11 =	simm.s32 $0x0;
	[sflag:s0] =	ssyncadd.s32 $0xFFFF8000  }
0x2bc: {  	[tilespmem:s11], [sflag:$0x1] =	stream.strided.gather [hbm4b:s15+s22], $0x8000, s23, s22, $0x38;
	[tilespmem:$0x1C000] =	vst v63  }
0x2bd: {  	_ =	swait.ge [sflag:s25], $0x2000  }
0x2be: {  	[sflag:s25] =	ssyncset.done $0x0  }
0x2bf: {  	[sflag:s25] =	ssyncadd.s32 $0xFFFFE000  }
0x2c0: {  	[tilespmem:s26], [sflag:$0x8] =	stream.linear.gather [hbm4b:s17+s11], $0x2000, $0x38;
	[tilespmem:$0x1C000] =	vst v63  }
0x2c1: {  	_ =	swait.ge [sflag:s2], $0x8000  }
0x2c2: {  	s7 =	sand.u32 $0x1C00, s11;
	s12 =	sand.u32 $0x380, s11;
	[sflag:s2] =	ssyncset.done $0x0  }
0x2c3: {  	s7 =	sor.u32 s12, s7;
	[sflag:s2] =	ssyncadd.s32 $0xFFFF8000  }
0x2c4: {  	v2 =	vld [tilespmem:s7+$0x18030]  }
0x2c5: {  	v3 =	vld [tilespmem:s7+$0x18020]  }
0x2c6: {  	v4 =	vld [tilespmem:s7+$0x18010]  }
0x2c7: {  	v5 =	vld [tilespmem:s7+$0x18000]  }
0x2c8: {  	v6 =	vld [tilespmem:s7+$0x18040]  }
0x2c9: {  	s6 =	sand.u32 $0x6000, s11;
	v7 =	vld [tilespmem:s7+$0x18050]  }
0x2ca: {  	s6 =	sor.u32 s6, s7;
	v1 =	vld [tilespmem:s7+$0x18060]  }
0x2cb: {  	s13 =	sor.u32 $0x10000, s6;
	v0 =	vld [tilespmem:s7+$0x18070]  }
0x2cc: {  	s9 =	sor.u32 $0x10010, s6;
	[tilespmem:s13+$0x0] =	vst.add.f32.msk $0xffff, v5  }
0x2cd: {  	s10 =	sor.u32 $0x10020, s6;
	[tilespmem:s9+$0x0] =	vst.add.f32.msk $0xffff, v4  }
0x2ce: {  	s11 =	sor.u32 $0x10030, s6;
	[tilespmem:s10+$0x0] =	vst.add.f32.msk $0xffff, v3  }
0x2cf: {  	s12 =	sor.u32 $0x10040, s6;
	[tilespmem:s11+$0x0] =	vst.add.f32.msk $0xffff, v2  }
0x2d0: {  	s8 =	sor.u32 $0x10070, s6;
	s7 =	simm.s32 $0x80;
	s13 =	sor.u32 $0x10050, s6;
	[tilespmem:s12+$0x0] =	vst.add.f32.msk $0xffff, v6  }
0x2d1: {  	s9 =	simm.s32 $0x400;
	s10 =	sor.u32 $0x10060, s6;
	s6 =	simm.s32 $0x10;
	[tilespmem:s13+$0x0] =	vst.add.f32.msk $0xffff, v7  }
.LBB2_30:
0x2d2: {  	s11 =	sand.u32 $0x1C00, s9  }
0x2d3: {  	s12 =	sand.u32 $0x380, s6;
	[tilespmem:s10+$0x0] =	vst.add.f32.msk $0xffff, v1;
	s10 =	smov.u32 s9;
	s13 =	sadd.s32 $0x400, s9  }
0x2d4: {  	p0 =	sne.s32 s9, $0x3FC00;
	s10 =	sor.u32 s12, s11;
	s11 =	sand.u32 $0x6000, s7;
	[tilespmem:s8+$0x0] =	vst.add.f32.msk $0xffff, v0  }
0x2d5: {  	v2 =	vld [tilespmem:s10+$0x18030];
	s8 =	sor.u32 s11, s10  }
0x2d6: {  	v3 =	vld [tilespmem:s10+$0x18020]  }
0x2d7: {  	v4 =	vld [tilespmem:s10+$0x18010]  }
0x2d8: {  	v5 =	vld [tilespmem:s10+$0x18000]  }
0x2d9: {  	v6 =	vld [tilespmem:s10+$0x18040]  }
0x2da: {  	v7 =	vld [tilespmem:s10+$0x18050]  }
0x2db: {  	s9 =	sor.u32 $0x10000, s8;
	v1 =	vld [tilespmem:s10+$0x18060]  }
0x2dc: {  	v0 =	vld [tilespmem:s10+$0x18070];
	s10 =	sor.u32 $0x10010, s8  }
0x2dd: {  	[tilespmem:s9+$0x0] =	vst.add.f32.msk $0xffff, v5;
	s9 =	sor.u32 $0x10020, s8  }
.Ltmp14:
0x2de: {  	[tilespmem:s10+$0x0] =	vst.add.f32.msk $0xffff, v4;
	s10 =	sor.u32 $0x10030, s8;
	(pc) =	sbr.rel @p0 .LBB2_30-.Ltmp14, $4  }
0x2df: {  	[tilespmem:s9+$0x0] =	vst.add.f32.msk $0xffff, v3;
	s9 =	sor.u32 $0x10040, s8  }
0x2e0: {  	s11 =	sor.u32 $0x10050, s8;
	[tilespmem:s10+$0x0] =	vst.add.f32.msk $0xffff, v2  }
0x2e1: {  	s6 =	sadd.s32 $0x10, s6;
	s10 =	sor.u32 $0x10060, s8;
	[tilespmem:s9+$0x0] =	vst.add.f32.msk $0xffff, v6  }
0x2e2: {  	s7 =	sadd.s32 $0x80, s7;
	s8 =	sor.u32 $0x10070, s8;
	s9 =	smov.u32 s13;
	[tilespmem:s11+$0x0] =	vst.add.f32.msk $0xffff, v7  }
0x2e3: {  	[tilespmem:s10+$0x0] =	vst.add.f32.msk $0xffff, v1  }
0x2e4: {  	[tilespmem:s8+$0x0] =	vst.add.f32.msk $0xffff, v0  }
0x2e5: {  	[hbm4b:s18+s22] =	stream.strided.scatter [tilespmem:s29], [sflag:$0x6], $0x8000, s23, s22, $0x38;
	[tilespmem:$0x1C000] =	vst v63  }
0x2e6: {  	_ =	swait.ge [sflag:s30], $0x2000  }
0x2e7: {  	[sflag:s30] =	ssyncset.done $0x0  }
0x2e8: {  	[sflag:s30] =	ssyncadd.s32 $0xFFFFE000  }
0x2e9: {  	s6 =	simm.s32 $0x0;
	_ =	swait.ge [sflag:s28], $0x8000  }
0x2ea: {  	s7 =	sand.u32 $0x1C00, s6;
	s13 =	sand.u32 $0x380, s6;
	[sflag:s28] =	ssyncset.done $0x0  }
0x2eb: {  	s7 =	sor.u32 s13, s7;
	[sflag:s28] =	ssyncadd.s32 $0xFFFF8000  }
0x2ec: {  	v2 =	vld [tilespmem:s7+$0x1A030]  }
0x2ed: {  	v3 =	vld [tilespmem:s7+$0x1A020]  }
0x2ee: {  	v4 =	vld [tilespmem:s7+$0x1A010]  }
0x2ef: {  	v5 =	vld [tilespmem:s7+$0x1A000]  }
0x2f0: {  	v6 =	vld [tilespmem:s7+$0x1A040]  }
0x2f1: {  	v7 =	vld [tilespmem:s7+$0x1A050]  }
0x2f2: {  	s6 =	sand.u32 $0x6000, s6;
	v1 =	vld [tilespmem:s7+$0x1A060]  }
0x2f3: {  	s6 =	sor.u32 s6, s7;
	v0 =	vld [tilespmem:s7+$0x1A070]  }
0x2f4: {  	s9 =	sor.u32 $0x10, s6;
	[tilespmem:s6+$0x0] =	vst.add.f32.msk $0xffff, v5  }
0x2f5: {  	s10 =	sor.u32 $0x20, s6;
	[tilespmem:s9+$0x0] =	vst.add.f32.msk $0xffff, v4  }
0x2f6: {  	s11 =	sor.u32 $0x30, s6;
	[tilespmem:s10+$0x0] =	vst.add.f32.msk $0xffff, v3  }
0x2f7: {  	s12 =	sor.u32 $0x40, s6;
	[tilespmem:s11+$0x0] =	vst.add.f32.msk $0xffff, v2  }
0x2f8: {  	s13 =	sor.u32 $0x50, s6;
	s8 =	sor.u32 $0x70, s6;
	s7 =	simm.s32 $0x80;
	[tilespmem:s12+$0x0] =	vst.add.f32.msk $0xffff, v6  }
0x2f9: {  	s9 =	simm.s32 $0x400;
	s10 =	sor.u32 $0x60, s6;
	s6 =	simm.s32 $0x10;
	[tilespmem:s13+$0x0] =	vst.add.f32.msk $0xffff, v7  }
.LBB2_32:
0x2fa: {  	s11 =	sand.u32 $0x1C00, s9  }
0x2fb: {  	s12 =	sand.u32 $0x380, s6;
	[tilespmem:s10+$0x0] =	vst.add.f32.msk $0xffff, v1;
	s10 =	smov.u32 s9;
	s13 =	sadd.s32 $0x400, s9  }
0x2fc: {  	p0 =	sne.s32 s9, $0x3FC00;
	s10 =	sor.u32 s12, s11;
	[tilespmem:s8+$0x0] =	vst.add.f32.msk $0xffff, v0  }
0x2fd: {  	v2 =	vld [tilespmem:s10+$0x1A030]  }
0x2fe: {  	v3 =	vld [tilespmem:s10+$0x1A020]  }
0x2ff: {  	v4 =	vld [tilespmem:s10+$0x1A010]  }
0x300: {  	v5 =	vld [tilespmem:s10+$0x1A000]  }
0x301: {  	v6 =	vld [tilespmem:s10+$0x1A040]  }
0x302: {  	s8 =	sand.u32 $0x6000, s7;
	v7 =	vld [tilespmem:s10+$0x1A050]  }
0x303: {  	s8 =	sor.u32 s8, s10;
	v1 =	vld [tilespmem:s10+$0x1A060]  }
0x304: {  	s9 =	sor.u32 $0x10, s8;
	v0 =	vld [tilespmem:s10+$0x1A070]  }
0x305: {  	s10 =	sor.u32 $0x20, s8;
	[tilespmem:s8+$0x0] =	vst.add.f32.msk $0xffff, v5  }
.Ltmp15:
0x306: {  	[tilespmem:s9+$0x0] =	vst.add.f32.msk $0xffff, v4;
	s9 =	sor.u32 $0x30, s8;
	(pc) =	sbr.rel @p0 .LBB2_32-.Ltmp15, $4  }
0x307: {  	[tilespmem:s10+$0x0] =	vst.add.f32.msk $0xffff, v3;
	s10 =	sor.u32 $0x40, s8  }
0x308: {  	[tilespmem:s9+$0x0] =	vst.add.f32.msk $0xffff, v2;
	s9 =	sor.u32 $0x50, s8  }
0x309: {  	s6 =	sadd.s32 $0x10, s6;
	[tilespmem:s10+$0x0] =	vst.add.f32.msk $0xffff, v6;
	s10 =	sor.u32 $0x60, s8  }
0x30a: {  	s7 =	sadd.s32 $0x80, s7;
	s8 =	sor.u32 $0x70, s8;
	[tilespmem:s9+$0x0] =	vst.add.f32.msk $0xffff, v7;
	s9 =	smov.u32 s13  }
0x30b: {  	[tilespmem:s10+$0x0] =	vst.add.f32.msk $0xffff, v1  }
0x30c: {  	[tilespmem:s8+$0x0] =	vst.add.f32.msk $0xffff, v0  }
0x30d: {  	[hbm4b:s19+s22] =	stream.strided.scatter [tilespmem:s1], [sflag:$0x4], $0x8000, s23, s22, $0x38;
	[tilespmem:$0x1C000] =	vst v63  }
0x30e: {  	_ =	swait.ge [sflag:s0], $0x8000  }
0x30f: {  	[sflag:s0] =	ssyncset.done $0x0  }
0x310: {  	s5 =	sadd.s32 $0x1, s5;
	[sflag:s0] =	ssyncadd.s32 $0xFFFF8000  }
0x311: {  	p0 =	sne.s32 s5, s20;
	_ =	swait.ge [sflag:s3], $0x8000  }
.Ltmp16:
0x312: {  	[sflag:s3] =	ssyncset.done $0x0;
	(pc) =	sbr.rel @p0 .LBB2_1-.Ltmp16, $4  }
0x313: {  	[sflag:s3] =	ssyncadd.s32 $0xFFFF8000  }
0x314: {  	_ =	swait.ge [sflag:s4], $0x8000  }
0x315: {  	[sflag:s4] =	ssyncset.done $0x0  }
0x316: {  	[sflag:s4] =	ssyncadd.s32 $0xFFFF8000  }
0x317: {  	_ =	sfence.sel $0x180000  }
0x318: {  	[bflag:$0x0] =	sbarrier.arrive $0xFFFF  }
0x319: {  	_ =	strace $0x90000047  }
0x31a: {  	s0 =	stileid.u32;
	[bflag:$0x2] =	sbarrier.arrive $0xFFFF  }
0x31b: {  	p0 =	sne.s32 s0, $0x0;
	s0 =	rddreg [dreg:$0x3]  }
0x31c: {  	s0 =	sadd.s32 @!p0 $0x100000, s0  }
0x31d: {  	[sflag:s0] =	ssyncadd.tile.s32 @!p0 $0x1;
	_ =	shalt  }
.Lfunc_end2:
_tile_overlayer_lowered:
.L_overlay_start_2:
0x31e: {  	(tag) =	ssettag $0x2  }
0x31f: {  	s0 =	rddreg [dreg:$0x0];
	s2 =	stileid.u32  }
0x320: {  	s1 =	rddreg [dreg:$0x1];
	p0 =	sne.s32 s2, $0x0  }
0x321: {  	s3 =	rddreg [dreg:$0x2];
	[bflag:$0x3] =	sbarrier.arrive $0xFFFF;
	s2 =	simm.s32 @!p0 $0x1C09  }
0x322: {  	[timem:s3], [sflag:s2] =	dma.local @!p0 [hbm:s0], s1  }
0x323: {  	s0 =	simm.s32 @!p0 $0x9  }
0x324: {  	_ =	swait.ge @!p0 [sflag:s0], s1  }
0x325: {  	s1 =	ssub.s32 @!p0 $0x0, s1;
	[sflag:s0] =	ssyncset.done @!p0 $0x0  }
0x326: {  	[sflag:s0] =	ssyncadd.s32 @!p0 s1  }
0x327: {  	[bflag:$0x3] =	sbarrier.arrive $0xFFFF  }
0x328: {  	_ =	shalt  }

</sc_bundles>
